<compile_context>
chip_gen: v7x
topology: tpu7x:2x2x1
jax: 0.10.2.dev20260603
libtpu: 0.0.44.dev20260713+nightly
codegen_flags: <defaults>
</compile_context>

<pallas_src>
import functools

import jax
import jax.numpy as jnp
from jax import lax
from jax.experimental import pallas as pl
from jax.experimental.pallas import tpu as pltpu
from jax.experimental.pallas import tpu_sc as plsc

N = 2000
T = 32
D_IN = 5
H = 64
R = 59
S = 20
C = 2
NP = 2048


def _lstm_prep_body(xs_ref, wk_ref, uk_ref, b_ref, wnb_ref, wcur_ref,
                    cst_ref, nf_ref, p_ref, base_ref, h_scr, c_scr):
    wk = wk_ref[...]
    uk = uk_ref[...]
    b = b_ref[...]
    h_scr[...] = jnp.zeros((H, NP), jnp.float32)
    c_scr[...] = jnp.zeros((H, NP), jnp.float32)

    def step(t, carry):
        x = xs_ref[t]
        h = h_scr[...]
        c = c_scr[...]
        z = (lax.dot_general(wk, x, (((0,), (0,)), ((), ())),
                             preferred_element_type=jnp.float32)
             + lax.dot_general(uk, h, (((0,), (0,)), ((), ())),
                               preferred_element_type=jnp.float32)
             + b)
        i = jax.nn.sigmoid(z[0:H])
        f = jax.nn.sigmoid(z[H:2 * H])
        g = jnp.tanh(z[2 * H:3 * H])
        o = jax.nn.sigmoid(z[3 * H:4 * H])
        c_new = f * c + i * g
        h_scr[...] = o * jnp.tanh(c_new)
        c_scr[...] = c_new
        return carry

    lax.fori_loop(0, T, step, 0)
    col = lax.broadcasted_iota(jnp.int32, (H, NP), 1)
    cur = jnp.where(col < N, h_scr[...], 0.0)
    nf_ref[...] = cur
    p_ref[...] = jnp.dot(wnb_ref[...], cur, preferred_element_type=jnp.float32)
    base_ref[...] = (jnp.dot(wcur_ref[...], cur,
                             preferred_element_type=jnp.float32) + cst_ref[...])


def _lstm_prep(windows, lstm_kernel, lstm_rec_kernel, lstm_bias,
               W_state, b_state):
    xsT = jnp.transpose(windows, (1, 2, 0))
    xsT = jnp.pad(xsT, ((0, 0), (0, 8 - D_IN), (0, NP - N)))
    wk = jnp.pad(lstm_kernel, ((0, 8 - D_IN), (0, 0)))
    b = lstm_bias.reshape(4 * H, 1)
    wnb = jnp.pad(W_state[:, H:2 * H, 0], ((0, H - R), (0, 0)))
    wcur = jnp.pad(W_state[:, :H, 0], ((0, H - R), (0, 0)))
    cst = (jnp.diagonal(W_state[:, 2 * H:, 0]) + b_state[:, 0])
    cst = jnp.pad(cst, (0, H - R)).reshape(H, 1)

    return pl.pallas_call(
        _lstm_prep_body,
        out_shape=(jax.ShapeDtypeStruct((H, NP), jnp.float32),
                   jax.ShapeDtypeStruct((H, NP), jnp.float32),
                   jax.ShapeDtypeStruct((H, NP), jnp.float32)),
        scratch_shapes=[pltpu.VMEM((H, NP), jnp.float32),
                        pltpu.VMEM((H, NP), jnp.float32)],
    )(xsT, wk, lstm_rec_kernel, b, wnb, wcur, cst)


NG = 32
GP = NP // NG
NTASK = R * GP
TPT = NTASK // 16


def _sc_body(nf_hbm, p_hbm, base_hbm, nb_hbm, reps_hbm,
             tbl, pcol, idxbuf, idx2, wbuf, basebuf, outbuf,
             isem, bsem, osem):
    half = lax.axis_index("c")
    sid = lax.axis_index("s")
    pltpu.sync_copy(nf_hbm.at[pl.ds(half * 32, 32), :], tbl)
    t0 = sid * TPT
    tend = t0 + TPT

    def fire_inputs(t, b):
        r = t // GP
        g = t - r * GP
        n0 = g * NG
        pltpu.async_copy(nb_hbm.at[r, :, pl.ds(n0, NG)], idxbuf.at[b],
                         isem.at[b])
        pltpu.async_copy(base_hbm.at[r, pl.ds(n0, NG)], basebuf.at[b],
                         bsem.at[b])

    fire_inputs(t0, 0)

    def subtask(t, b, prev_r):
        r = t // GP
        g = t - r * GP
        n0 = g * NG

        @pl.when(t + 1 < tend)
        def _():
            fire_inputs(t + 1, 1 - b)

        @pl.when(r != prev_r)
        def _():
            pltpu.sync_copy(p_hbm.at[r], pcol)

        pltpu.make_async_copy(nb_hbm.at[0, :, pl.ds(0, NG)], idxbuf.at[b],
                              isem.at[b]).wait()
        pltpu.make_async_copy(base_hbm.at[0, pl.ds(0, NG)], basebuf.at[b],
                              bsem.at[b]).wait()
        basev = (basebuf[b, pl.ds(0, 16)], basebuf[b, pl.ds(16, 16)])

        def ascore(s, tot):
            out = []
            for u in range(2):
                iv = idxbuf[b, s, pl.ds(u * 16, 16)]
                ivm = jnp.maximum(iv - 1, 0)
                idx2[s, pl.ds(u * 16, 16)] = ivm
                mval = jnp.minimum(iv, 1).astype(jnp.float32)
                pg = plsc.load_gather(pcol, [ivm])
                sc = jnp.maximum(pg * mval + basev[u], 0.0)
                e = jnp.exp(sc)
                wbuf[s, pl.ds(u * 16, 16)] = e * mval
                out.append(tot[u] + e)
            return tuple(out)

        tot = plsc.parallel_loop(
            0, S, unroll=2,
            carry=(jnp.zeros((16,), jnp.float32),) * 2)(ascore)
        inv = (1.0 / tot[0], 1.0 / tot[1])

        @pl.when(t - 2 >= t0)
        def _():
            pltpu.make_async_copy(outbuf.at[b],
                                  reps_hbm.at[0, 0, :, pl.ds(0, NG)],
                                  osem.at[b]).wait()

        for chunk in range(2):
            for u in range(2):
                def bacc(s, accs, _c=chunk, _u=u):
                    ivm = idx2[s, pl.ds(_u * 16, 16)]
                    w = wbuf[s, pl.ds(_u * 16, 16)]
                    new = []
                    for hh in range(16):
                        row = jnp.full((16,), _c * 16 + hh, jnp.int32)
                        gv = plsc.load_gather(tbl, [row, ivm])
                        new.append(accs[hh] + w * gv)
                    return tuple(new)

                accs = plsc.parallel_loop(
                    0, S, unroll=2,
                    carry=tuple(jnp.zeros((16,), jnp.float32)
                                for _ in range(16)))(bacc)
                for hh in range(16):
                    outbuf[b, chunk * 16 + hh, pl.ds(u * 16, 16)] = (
                        accs[hh] * inv[u])
        pltpu.async_copy(outbuf.at[b], reps_hbm.at[r, half, :, pl.ds(n0, NG)],
                         osem.at[b])
        return r

    def body(k, prev_r):
        t = t0 + 2 * k
        prev_r = subtask(t, 0, prev_r)
        prev_r = subtask(t + 1, 1, prev_r)
        return prev_r

    lax.fori_loop(0, TPT // 2, body, jnp.int32(-1))
    for b in range(2):
        pltpu.make_async_copy(outbuf.at[b],
                              reps_hbm.at[0, 0, :, pl.ds(0, NG)],
                              osem.at[b]).wait()


def _sc_relation_reps(nf_t, p_t, base_t, nb_t):
    mesh = plsc.VectorSubcoreMesh(core_axis_name="c", subcore_axis_name="s")
    f = pl.kernel(
        _sc_body,
        out_type=jax.ShapeDtypeStruct((R, 2, 32, NP), jnp.float32),
        mesh=mesh,
        compiler_params=pltpu.CompilerParams(use_tc_tiling_on_sc=False,
                                             needs_layout_passes=False),
        scratch_types=[
            pltpu.VMEM((32, NP), jnp.float32),
            pltpu.VMEM((NP,), jnp.float32),
            pltpu.VMEM((2, S, NG), jnp.int32),
            pltpu.VMEM((S, NG), jnp.int32),
            pltpu.VMEM((S, NG), jnp.float32),
            pltpu.VMEM((2, NG), jnp.float32),
            pltpu.VMEM((2, 32, NG), jnp.float32),
            pltpu.SemaphoreType.DMA((2,)),
            pltpu.SemaphoreType.DMA((2,)),
            pltpu.SemaphoreType.DMA((2,)),
        ],
    )
    return f(nf_t, p_t, base_t, nb_t)


BN = 256


def _relattn_body(reps_ref, nf_ref, wnb_ref, wcur_ref, srel_ref, eye_ref,
                  wp_ref, bp_ref, logits_ref, preds_ref, updated_ref):
    reps = reps_ref[...]
    cur = nf_ref[...]
    score_rep = jnp.sum(reps * wnb_ref[...][None, :, :], axis=1)
    score_cur = jnp.sum(cur * wcur_ref[...], axis=0, keepdims=True)
    scores = jnp.maximum(score_cur + score_rep + srel_ref[...], 0.0)
    m = jnp.max(scores, axis=0, keepdims=True)
    e = jnp.exp(scores - m)
    w = e / jnp.sum(e, axis=0, keepdims=True)
    agg = jnp.sum(reps * w[:, None, :], axis=0)
    upd_t = cur + agg
    updated_ref[...] = lax.dot_general(
        upd_t, eye_ref[...], (((0,), (0,)), ((), ())),
        preferred_element_type=jnp.float32)
    logits = lax.dot_general(
        upd_t, wp_ref[...], (((0,), (0,)), ((), ())),
        preferred_element_type=jnp.float32) + bp_ref[...]
    logits_ref[...] = logits
    lm = jnp.max(logits, axis=-1, keepdims=True)
    le = jnp.exp(logits - lm)
    preds_ref[...] = le / jnp.sum(le, axis=-1, keepdims=True)


def _relation_attention(reps3, nf_t, W_rel, b_rel, W_pred, b_pred):
    wnb = W_rel[H:2 * H, 0].reshape(H, 1)
    wcur = W_rel[:H, 0].reshape(H, 1)
    srel = (W_rel[2 * H:, 0] + b_rel[0]).reshape(R, 1)
    eye = jnp.eye(H, dtype=jnp.float32)
    nblk = NP // BN
    return pl.pallas_call(
        _relattn_body,
        grid=(nblk,),
        in_specs=[
            pl.BlockSpec((R, H, BN), lambda j: (0, 0, j)),
            pl.BlockSpec((H, BN), lambda j: (0, j)),
            pl.BlockSpec((H, 1), lambda j: (0, 0)),
            pl.BlockSpec((H, 1), lambda j: (0, 0)),
            pl.BlockSpec((R, 1), lambda j: (0, 0)),
            pl.BlockSpec((H, H), lambda j: (0, 0)),
            pl.BlockSpec((H, C), lambda j: (0, 0)),
            pl.BlockSpec((1, C), lambda j: (0, 0)),
        ],
        out_specs=[
            pl.BlockSpec((BN, C), lambda j: (j, 0)),
            pl.BlockSpec((BN, C), lambda j: (j, 0)),
            pl.BlockSpec((BN, H), lambda j: (j, 0)),
        ],
        out_shape=(jax.ShapeDtypeStruct((N, C), jnp.float32),
                   jax.ShapeDtypeStruct((N, C), jnp.float32),
                   jax.ShapeDtypeStruct((N, H), jnp.float32)),
    )(reps3, nf_t, wnb, wcur, srel, eye, W_pred, b_pred.reshape(1, C))


def kernel(windows, neighbors, lstm_kernel, lstm_rec_kernel, lstm_bias,
           W_state, b_state, W_rel, b_rel, W_pred, b_pred):
    nf_t, p_t, base_t = _lstm_prep(windows, lstm_kernel, lstm_rec_kernel,
                                   lstm_bias, W_state, b_state)
    nb_t = jnp.pad(jnp.transpose(neighbors, (0, 2, 1)),
                   ((0, 0), (0, 0), (0, NP - N)))
    reps = _sc_relation_reps(nf_t, p_t, base_t, nb_t)
    logits, predictions, updated = _relation_attention(
        reps.reshape(R, H, NP), nf_t, W_rel, b_rel, W_pred, b_pred)
    return logits, predictions, updated

# --- scband reference (transcript-rebuilt; emitter-appended) ---
"""Pipeline reference for scband-gnnmodel-38431367365106 (READ-ONLY COPY).

The authoritative reference and input builder live on the scoring server;
editing this copy changes nothing except your own understanding.
"""

import jax, jax.numpy as jnp
import numpy as np

N = 2000
T = 32
D_IN = 5
H = 64
R = 59
S = 20
C = 2


def setup_inputs(seed: int = 0):
    key = jax.random.key(seed)
    ks = jax.random.split(key, 10)
    inp = {}
    inp["windows"] = jax.random.normal(ks[0], (N, T, D_IN), dtype=jnp.float32)
    inp["neighbors"] = jax.random.randint(ks[1], (R, N, S), 0, N + 1, dtype=jnp.int32)
    inp["lstm_kernel"] = jax.random.normal(ks[2], (D_IN, 4 * H), dtype=jnp.float32) * 0.1
    inp["lstm_rec_kernel"] = jax.random.normal(ks[3], (H, 4 * H), dtype=jnp.float32) * 0.1
    inp["lstm_bias"] = jnp.zeros((4 * H,), dtype=jnp.float32)
    inp["W_state"] = jax.random.normal(ks[4], (R, 2 * H + R, 1), dtype=jnp.float32) * 0.1
    inp["b_state"] = jnp.zeros((R, 1), dtype=jnp.float32)
    inp["W_rel"] = jax.random.normal(ks[5], (2 * H + R, 1), dtype=jnp.float32) * 0.1
    inp["b_rel"] = jnp.zeros((1,), dtype=jnp.float32)
    inp["W_pred"] = jax.random.normal(ks[6], (H, C), dtype=jnp.float32) * 0.1
    inp["b_pred"] = jnp.zeros((C,), dtype=jnp.float32)
    return inp


def _lstm(windows, Wk, Uk, b):
    # Keras LSTM, return_sequences=False; gate order i, f, c(g), o
    def step(carry, x_t):
        h, c = carry
        z = x_t @ Wk + h @ Uk + b
        i = jax.nn.sigmoid(z[:, :H])
        f = jax.nn.sigmoid(z[:, H:2 * H])
        g = jnp.tanh(z[:, 2 * H:3 * H])
        o = jax.nn.sigmoid(z[:, 3 * H:])
        c_new = f * c + i * g
        h_new = o * jnp.tanh(c_new)
        return (h_new, c_new), None
    n = windows.shape[0]
    h0 = jnp.zeros((n, H), dtype=windows.dtype)
    c0 = jnp.zeros((n, H), dtype=windows.dtype)
    xs = jnp.transpose(windows, (1, 0, 2))
    (h, _), _ = jax.lax.scan(step, (h0, c0), xs)
    return h


def _forward(windows, neighbors, lstm_kernel, lstm_rec_kernel, lstm_bias,
             W_state, b_state, W_rel, b_rel, W_pred, b_pred):
    lstm_out = _lstm(windows, lstm_kernel, lstm_rec_kernel, lstm_bias)
    # zero-pad row 0 (index 0 = null neighbor)
    node_features = jnp.concatenate(
        [jnp.zeros((1, H), dtype=jnp.float32), lstm_out], axis=0)
    current = node_features[1:]
    rel_eye = jnp.eye(R, dtype=jnp.float32)
    relation_reps = []
    for r in range(R):
        nb = jnp.take(node_features, neighbors[r], axis=0)  # [N, S, H] gather
        # state attention: dense([cur, nb, rel_onehot]) with weight split
        # (mathematically identical to concat then matmul)
        score_cur = current @ W_state[r, :H, 0]            # [N]
        score_nb = nb @ W_state[r, H:2 * H, 0]             # [N, S]
        score_rel = rel_eye[r] @ W_state[r, 2 * H:, 0]     # scalar
        scores = jax.nn.relu(score_cur[:, None] + score_nb + score_rel + b_state[r, 0])
        weights = jax.nn.softmax(scores, axis=1)           # softmax over neighbors
        relation_reps.append(jnp.sum(nb * weights[:, :, None], axis=1))
    relation_reps = jnp.stack(relation_reps, axis=0)       # [R, N, H]
    # relation-level attention
    score_cur = current @ W_rel[:H, 0]                     # [N]
    score_rep = relation_reps @ W_rel[H:2 * H, 0]          # [R, N]
    score_rel = rel_eye @ W_rel[2 * H:, 0]                 # [R]
    scores = jax.nn.relu(score_cur[None, :] + score_rep + score_rel[:, None] + b_rel[0])
    weights = jax.nn.softmax(scores, axis=0)               # softmax over relations
    relation_agg = jnp.sum(relation_reps * weights[:, :, None], axis=0)
    updated = current + relation_agg
    logits = updated @ W_pred + b_pred
    predictions = jax.nn.softmax(logits, axis=-1)
    return logits, predictions, updated


def reference(windows, neighbors, lstm_kernel, lstm_rec_kernel, lstm_bias,
              W_state, b_state, W_rel, b_rel, W_pred, b_pred):
    return _forward(windows, neighbors, lstm_kernel, lstm_rec_kernel, lstm_bias,
                    W_state, b_state, W_rel, b_rel, W_pred, b_pred)

if __name__ == "__main__":
    import jax
    _d = setup_inputs()
    print(jax.jit(kernel)(*tuple(_d.values())))

</pallas_src>

<mosaic_0001>
#map = affine_map<(d0, d1) -> (0, 0)>
#map1 = affine_map<(d0, d1) -> (0, 0, 0)>
#map2 = affine_map<(d0, d1) -> (0, 0, 0, 0)>
module attributes {stable_mosaic.version = 14 : i64} {
  func.func @_sc_body(%arg0: i32, %arg1: i32, %arg2: memref<64x2048xf32, #tpu.memory_space<hbm>>, %arg3: memref<64x2048xf32, #tpu.memory_space<hbm>>, %arg4: memref<64x2048xf32, #tpu.memory_space<hbm>>, %arg5: memref<59x20x2048xi32, #tpu.memory_space<hbm>>, %arg6: memref<59x2x32x2048xf32, #tpu.memory_space<hbm>>, %arg7: memref<32x2048xf32, #tpu.memory_space<vmem>>, %arg8: memref<2048xf32, #tpu.memory_space<vmem>>, %arg9: memref<2x20x32xi32, #tpu.memory_space<vmem>>, %arg10: memref<20x32xi32, #tpu.memory_space<vmem>>, %arg11: memref<20x32xf32, #tpu.memory_space<vmem>>, %arg12: memref<2x32xf32, #tpu.memory_space<vmem>>, %arg13: memref<2x32x32xf32, #tpu.memory_space<vmem>>, %arg14: memref<2x!tpu.dma_semaphore, #tpu.memory_space<semaphore_mem>>, %arg15: memref<2x!tpu.dma_semaphore, #tpu.memory_space<semaphore_mem>>, %arg16: memref<2x!tpu.dma_semaphore, #tpu.memory_space<semaphore_mem>>) attributes {dimension_semantics = [#tpu.dimension_semantics<core_parallel>, #tpu.dimension_semantics<subcore_parallel>], iteration_bounds = array<i64: 2, 16>, scalar_prefetch = 0 : i64, scratch_operands = 10 : i64, tpu.core_type = #tpu.core_type<sc_vector_subcore>, window_params = [{transform_indices = #map}, {transform_indices = #map}, {transform_indices = #map}, {transform_indices = #map1}, {transform_indices = #map2}]} {
    %mul3A = arith.constant 32 : i32
    %mul3A_0 = arith.muli %arg0, %mul3A : i32
    "tpu.region"() ({
      %run_scoped3A = tpu.sem_alloc : memref<!tpu.dma_semaphore, #tpu.memory_space<semaphore_mem>>
      %dma_start3A_105 = arith.constant 0 : i32
      %dma_start3A_106 = tpu.memref_slice %arg2[%mul3A_0, %dma_start3A_105] : memref<64x2048xf32, #tpu.memory_space<hbm>> -> memref<32x2048xf32, #tpu.memory_space<hbm>>
      %dma_start3A_107 = arith.constant 0 : i32
      %dma_start3A_108 = tpu.memref_slice %arg2[%mul3A_0, %dma_start3A_107] : memref<64x2048xf32, #tpu.memory_space<hbm>> -> memref<32x2048xf32, #tpu.memory_space<hbm>>
      tpu.enqueue_dma source(%dma_start3A_108 : memref<32x2048xf32, #tpu.memory_space<hbm>>) target(%arg7 : memref<32x2048xf32, #tpu.memory_space<vmem>>) target_semaphore(%run_scoped3A : memref<!tpu.dma_semaphore, #tpu.memory_space<semaphore_mem>>)
      %dma_wait3A_109 = arith.constant 0 : i32
      %dma_wait3A_110 = tpu.memref_slice %arg2[%mul3A_0, %dma_wait3A_109] : memref<64x2048xf32, #tpu.memory_space<hbm>> -> memref<32x2048xf32, #tpu.memory_space<hbm>>
      %dma_wait3A_111 = arith.constant 0 : i32
      %dma_wait3A_112 = tpu.memref_slice %arg2[%mul3A_0, %dma_wait3A_111] : memref<64x2048xf32, #tpu.memory_space<hbm>> -> memref<32x2048xf32, #tpu.memory_space<hbm>>
      tpu.wait_dma2 semaphore(%run_scoped3A : memref<!tpu.dma_semaphore, #tpu.memory_space<semaphore_mem>>) src(%dma_wait3A_112 : memref<32x2048xf32, #tpu.memory_space<hbm>>) dst(%arg7 : memref<32x2048xf32, #tpu.memory_space<vmem>>)
      tpu.yield
    }) : () -> ()
    %mul3A_1 = arith.constant 236 : i32
    %mul3A_2 = arith.muli %arg1, %mul3A_1 : i32
    %add3A = arith.constant 236 : i32
    %add3A_3 = arith.addi %mul3A_2, %add3A : i32
    %jit3A = arith.constant 64 : i32
    %div3A = arith.divsi %mul3A_2, %jit3A : i32
    %sign3A = arith.constant 0 : i32
    %sign3A_4 = arith.cmpi sgt, %mul3A_2, %sign3A : i32
    %sign3A_5 = arith.extui %sign3A_4 : i1 to i32
    %sign3A_6 = arith.constant 0 : i32
    %sign3A_7 = arith.cmpi slt, %mul3A_2, %sign3A_6 : i32
    %sign3A_8 = arith.extui %sign3A_7 : i1 to i32
    %sign3A_9 = arith.subi %sign3A_5, %sign3A_8 : i32
    %sign3A_10 = arith.constant 0 : i32
    %sign3A_11 = arith.cmpi sgt, %jit3A, %sign3A_10 : i32
    %sign3A_12 = arith.extui %sign3A_11 : i1 to i32
    %sign3A_13 = arith.constant 0 : i32
    %sign3A_14 = arith.cmpi slt, %jit3A, %sign3A_13 : i32
    %sign3A_15 = arith.extui %sign3A_14 : i1 to i32
    %sign3A_16 = arith.subi %sign3A_12, %sign3A_15 : i32
    %ne3A = arith.cmpi ne, %sign3A_9, %sign3A_16 : i32
    %rem3A = arith.remsi %mul3A_2, %jit3A : i32
    %ne3A_17 = arith.constant 0 : i32
    %ne3A_18 = arith.cmpi ne, %rem3A, %ne3A_17 : i32
    %and3A = arith.andi %ne3A, %ne3A_18 : i1
    %sub3A = arith.constant 1 : i32
    %sub3A_19 = arith.subi %div3A, %sub3A : i32
    %select_n3A = arith.select %and3A, %sub3A_19, %div3A : i32
    %mul3A_20 = arith.constant 64 : i32
    %mul3A_21 = arith.muli %select_n3A, %mul3A_20 : i32
    %sub3A_22 = arith.subi %mul3A_2, %mul3A_21 : i32
    %mul3A_23 = arith.constant 32 : i32
    %mul3A_24 = arith.muli %sub3A_22, %mul3A_23 : i32
    %dma_start3A = arith.constant 0 : i32
    %dma_start3A_25 = arith.constant 0 : i32
    %dma_start3A_26 = arith.constant 0 : i32
    %dma_start3A_27 = arith.constant 0 : i32
    %dma_start3A_28 = tpu.memref_slice %arg9[%dma_start3A, %dma_start3A_26, %dma_start3A_27] : memref<2x20x32xi32, #tpu.memory_space<vmem>> -> memref<1x20x32xi32, #tpu.memory_space<vmem>>
    %dma_start3A_29 = tpu.memref_squeeze %dma_start3A_28 : memref<1x20x32xi32, #tpu.memory_space<vmem>> -> memref<20x32xi32, #tpu.memory_space<vmem>>
    %dma_start3A_30 = arith.constant 0 : i32
    %dma_start3A_31 = tpu.memref_slice %arg5[%select_n3A, %dma_start3A_30, %mul3A_24] : memref<59x20x2048xi32, #tpu.memory_space<hbm>> -> memref<1x20x32xi32, #tpu.memory_space<hbm>>
    %dma_start3A_32 = tpu.memref_squeeze %dma_start3A_31 : memref<1x20x32xi32, #tpu.memory_space<hbm>> -> memref<20x32xi32, #tpu.memory_space<hbm>>
    %dma_start3A_33 = tpu.memref_slice %arg14[%dma_start3A_25] : memref<2x!tpu.dma_semaphore, #tpu.memory_space<semaphore_mem>> -> memref<1x!tpu.dma_semaphore, #tpu.memory_space<semaphore_mem>>
    %dma_start3A_34 = tpu.memref_squeeze %dma_start3A_33 : memref<1x!tpu.dma_semaphore, #tpu.memory_space<semaphore_mem>> -> memref<!tpu.dma_semaphore, #tpu.memory_space<semaphore_mem>>
    %dma_start3A_35 = arith.constant 0 : i32
    %dma_start3A_36 = arith.constant 0 : i32
    %dma_start3A_37 = tpu.memref_slice %arg9[%dma_start3A, %dma_start3A_35, %dma_start3A_36] : memref<2x20x32xi32, #tpu.memory_space<vmem>> -> memref<1x20x32xi32, #tpu.memory_space<vmem>>
    %dma_start3A_38 = tpu.memref_squeeze %dma_start3A_37 : memref<1x20x32xi32, #tpu.memory_space<vmem>> -> memref<20x32xi32, #tpu.memory_space<vmem>>
    %dma_start3A_39 = arith.constant 0 : i32
    %dma_start3A_40 = tpu.memref_slice %arg5[%select_n3A, %dma_start3A_39, %mul3A_24] : memref<59x20x2048xi32, #tpu.memory_space<hbm>> -> memref<1x20x32xi32, #tpu.memory_space<hbm>>
    %dma_start3A_41 = tpu.memref_squeeze %dma_start3A_40 : memref<1x20x32xi32, #tpu.memory_space<hbm>> -> memref<20x32xi32, #tpu.memory_space<hbm>>
    tpu.enqueue_dma source(%dma_start3A_41 : memref<20x32xi32, #tpu.memory_space<hbm>>) target(%dma_start3A_38 : memref<20x32xi32, #tpu.memory_space<vmem>>) target_semaphore(%dma_start3A_34 : memref<!tpu.dma_semaphore, #tpu.memory_space<semaphore_mem>>)
    %dma_start3A_42 = arith.constant 0 : i32
    %dma_start3A_43 = arith.constant 0 : i32
    %dma_start3A_44 = arith.constant 0 : i32
    %dma_start3A_45 = tpu.memref_slice %arg12[%dma_start3A_42, %dma_start3A_44] : memref<2x32xf32, #tpu.memory_space<vmem>> -> memref<1x32xf32, #tpu.memory_space<vmem>>
    %dma_start3A_46 = tpu.memref_squeeze %dma_start3A_45 : memref<1x32xf32, #tpu.memory_space<vmem>> -> memref<32xf32, #tpu.memory_space<vmem>>
    %dma_start3A_47 = tpu.memref_slice %arg4[%select_n3A, %mul3A_24] : memref<64x2048xf32, #tpu.memory_space<hbm>> -> memref<1x32xf32, #tpu.memory_space<hbm>>
    %dma_start3A_48 = tpu.memref_squeeze %dma_start3A_47 : memref<1x32xf32, #tpu.memory_space<hbm>> -> memref<32xf32, #tpu.memory_space<hbm>>
    %dma_start3A_49 = tpu.memref_slice %arg15[%dma_start3A_43] : memref<2x!tpu.dma_semaphore, #tpu.memory_space<semaphore_mem>> -> memref<1x!tpu.dma_semaphore, #tpu.memory_space<semaphore_mem>>
    %dma_start3A_50 = tpu.memref_squeeze %dma_start3A_49 : memref<1x!tpu.dma_semaphore, #tpu.memory_space<semaphore_mem>> -> memref<!tpu.dma_semaphore, #tpu.memory_space<semaphore_mem>>
    %dma_start3A_51 = arith.constant 0 : i32
    %dma_start3A_52 = tpu.memref_slice %arg12[%dma_start3A_42, %dma_start3A_51] : memref<2x32xf32, #tpu.memory_space<vmem>> -> memref<1x32xf32, #tpu.memory_space<vmem>>
    %dma_start3A_53 = tpu.memref_squeeze %dma_start3A_52 : memref<1x32xf32, #tpu.memory_space<vmem>> -> memref<32xf32, #tpu.memory_space<vmem>>
    %dma_start3A_54 = tpu.memref_slice %arg4[%select_n3A, %mul3A_24] : memref<64x2048xf32, #tpu.memory_space<hbm>> -> memref<1x32xf32, #tpu.memory_space<hbm>>
    %dma_start3A_55 = tpu.memref_squeeze %dma_start3A_54 : memref<1x32xf32, #tpu.memory_space<hbm>> -> memref<32xf32, #tpu.memory_space<hbm>>
    tpu.enqueue_dma source(%dma_start3A_55 : memref<32xf32, #tpu.memory_space<hbm>>) target(%dma_start3A_53 : memref<32xf32, #tpu.memory_space<vmem>>) target_semaphore(%dma_start3A_50 : memref<!tpu.dma_semaphore, #tpu.memory_space<semaphore_mem>>)
    %scan3A = arith.constant -1 : i32
    %scan3A_56 = arith.constant 0 : i32
    %scan3A_57 = arith.constant 118 : i32
    %scan3A_58 = arith.addi %scan3A_56, %scan3A_57 : i32
    %scan3A_59 = arith.constant 1 : i32
    %scan3A_60 = scf.for %scan3A_105 = %scan3A_56 to %scan3A_58 step %scan3A_59 iter_args(%scan3A_106 = %scan3A) -> (i32)  : i32 {
      %mul3A_107 = arith.constant 2 : i32
      %mul3A_108 = arith.muli %mul3A_107, %scan3A_105 : i32
      %add3A_109 = arith.addi %mul3A_2, %mul3A_108 : i32
      %jit3A_110 = arith.constant 64 : i32
      %div3A_111 = arith.divsi %add3A_109, %jit3A_110 : i32
      %sign3A_112 = arith.constant 0 : i32
      %sign3A_113 = arith.cmpi sgt, %add3A_109, %sign3A_112 : i32
      %sign3A_114 = arith.extui %sign3A_113 : i1 to i32
      %sign3A_115 = arith.constant 0 : i32
      %sign3A_116 = arith.cmpi slt, %add3A_109, %sign3A_115 : i32
      %sign3A_117 = arith.extui %sign3A_116 : i1 to i32
      %sign3A_118 = arith.subi %sign3A_114, %sign3A_117 : i32
      %sign3A_119 = arith.constant 0 : i32
      %sign3A_120 = arith.cmpi sgt, %jit3A_110, %sign3A_119 : i32
      %sign3A_121 = arith.extui %sign3A_120 : i1 to i32
      %sign3A_122 = arith.constant 0 : i32
      %sign3A_123 = arith.cmpi slt, %jit3A_110, %sign3A_122 : i32
      %sign3A_124 = arith.extui %sign3A_123 : i1 to i32
      %sign3A_125 = arith.subi %sign3A_121, %sign3A_124 : i32
      %ne3A_126 = arith.cmpi ne, %sign3A_118, %sign3A_125 : i32
      %rem3A_127 = arith.remsi %add3A_109, %jit3A_110 : i32
      %ne3A_128 = arith.constant 0 : i32
      %ne3A_129 = arith.cmpi ne, %rem3A_127, %ne3A_128 : i32
      %and3A_130 = arith.andi %ne3A_126, %ne3A_129 : i1
      %sub3A_131 = arith.constant 1 : i32
      %sub3A_132 = arith.subi %div3A_111, %sub3A_131 : i32
      %select_n3A_133 = arith.select %and3A_130, %sub3A_132, %div3A_111 : i32
      %mul3A_134 = arith.constant 64 : i32
      %mul3A_135 = arith.muli %select_n3A_133, %mul3A_134 : i32
      %sub3A_136 = arith.subi %add3A_109, %mul3A_135 : i32
      %mul3A_137 = arith.constant 32 : i32
      %mul3A_138 = arith.muli %sub3A_136, %mul3A_137 : i32
      %add3A_139 = arith.constant 1 : i32
      %add3A_140 = arith.addi %add3A_109, %add3A_139 : i32
      %lt3A = arith.cmpi slt, %add3A_140, %add3A_3 : i32
      %convert_element_type3A = arith.extui %lt3A : i1 to i32
      %cond3A = arith.constant 0 : i32
      %cond3A_141 = arith.cmpi ne, %convert_element_type3A, %cond3A : i32
      scf.if %cond3A_141 {
        %add3A_1530 = arith.constant 1 : i32
        %add3A_1531 = arith.addi %add3A_109, %add3A_1530 : i32
        %jit3A_1532 = arith.constant 64 : i32
        %div3A_1533 = arith.divsi %add3A_1531, %jit3A_1532 : i32
        %sign3A_1534 = arith.constant 0 : i32
        %sign3A_1535 = arith.cmpi sgt, %add3A_1531, %sign3A_1534 : i32
        %sign3A_1536 = arith.extui %sign3A_1535 : i1 to i32
        %sign3A_1537 = arith.constant 0 : i32
        %sign3A_1538 = arith.cmpi slt, %add3A_1531, %sign3A_1537 : i32
        %sign3A_1539 = arith.extui %sign3A_1538 : i1 to i32
        %sign3A_1540 = arith.subi %sign3A_1536, %sign3A_1539 : i32
        %sign3A_1541 = arith.constant 0 : i32
        %sign3A_1542 = arith.cmpi sgt, %jit3A_1532, %sign3A_1541 : i32
        %sign3A_1543 = arith.extui %sign3A_1542 : i1 to i32
        %sign3A_1544 = arith.constant 0 : i32
        %sign3A_1545 = arith.cmpi slt, %jit3A_1532, %sign3A_1544 : i32
        %sign3A_1546 = arith.extui %sign3A_1545 : i1 to i32
        %sign3A_1547 = arith.subi %sign3A_1543, %sign3A_1546 : i32
        %ne3A_1548 = arith.cmpi ne, %sign3A_1540, %sign3A_1547 : i32
        %rem3A_1549 = arith.remsi %add3A_1531, %jit3A_1532 : i32
        %ne3A_1550 = arith.constant 0 : i32
        %ne3A_1551 = arith.cmpi ne, %rem3A_1549, %ne3A_1550 : i32
        %and3A_1552 = arith.andi %ne3A_1548, %ne3A_1551 : i1
        %sub3A_1553 = arith.constant 1 : i32
        %sub3A_1554 = arith.subi %div3A_1533, %sub3A_1553 : i32
        %select_n3A_1555 = arith.select %and3A_1552, %sub3A_1554, %div3A_1533 : i32
        %mul3A_1556 = arith.constant 64 : i32
        %mul3A_1557 = arith.muli %select_n3A_1555, %mul3A_1556 : i32
        %sub3A_1558 = arith.subi %add3A_1531, %mul3A_1557 : i32
        %mul3A_1559 = arith.constant 32 : i32
        %mul3A_1560 = arith.muli %sub3A_1558, %mul3A_1559 : i32
        %dma_start3A_1561 = arith.constant 1 : i32
        %dma_start3A_1562 = arith.constant 1 : i32
        %dma_start3A_1563 = arith.constant 0 : i32
        %dma_start3A_1564 = arith.constant 0 : i32
        %dma_start3A_1565 = tpu.memref_slice %arg9[%dma_start3A_1561, %dma_start3A_1563, %dma_start3A_1564] : memref<2x20x32xi32, #tpu.memory_space<vmem>> -> memref<1x20x32xi32, #tpu.memory_space<vmem>>
        %dma_start3A_1566 = tpu.memref_squeeze %dma_start3A_1565 : memref<1x20x32xi32, #tpu.memory_space<vmem>> -> memref<20x32xi32, #tpu.memory_space<vmem>>
        %dma_start3A_1567 = arith.constant 0 : i32
        %dma_start3A_1568 = tpu.memref_slice %arg5[%select_n3A_1555, %dma_start3A_1567, %mul3A_1560] : memref<59x20x2048xi32, #tpu.memory_space<hbm>> -> memref<1x20x32xi32, #tpu.memory_space<hbm>>
        %dma_start3A_1569 = tpu.memref_squeeze %dma_start3A_1568 : memref<1x20x32xi32, #tpu.memory_space<hbm>> -> memref<20x32xi32, #tpu.memory_space<hbm>>
        %dma_start3A_1570 = tpu.memref_slice %arg14[%dma_start3A_1562] : memref<2x!tpu.dma_semaphore, #tpu.memory_space<semaphore_mem>> -> memref<1x!tpu.dma_semaphore, #tpu.memory_space<semaphore_mem>>
        %dma_start3A_1571 = tpu.memref_squeeze %dma_start3A_1570 : memref<1x!tpu.dma_semaphore, #tpu.memory_space<semaphore_mem>> -> memref<!tpu.dma_semaphore, #tpu.memory_space<semaphore_mem>>
        %dma_start3A_1572 = arith.constant 0 : i32
        %dma_start3A_1573 = arith.constant 0 : i32
        %dma_start3A_1574 = tpu.memref_slice %arg9[%dma_start3A_1561, %dma_start3A_1572, %dma_start3A_1573] : memref<2x20x32xi32, #tpu.memory_space<vmem>> -> memref<1x20x32xi32, #tpu.memory_space<vmem>>
        %dma_start3A_1575 = tpu.memref_squeeze %dma_start3A_1574 : memref<1x20x32xi32, #tpu.memory_space<vmem>> -> memref<20x32xi32, #tpu.memory_space<vmem>>
        %dma_start3A_1576 = arith.constant 0 : i32
        %dma_start3A_1577 = tpu.memref_slice %arg5[%select_n3A_1555, %dma_start3A_1576, %mul3A_1560] : memref<59x20x2048xi32, #tpu.memory_space<hbm>> -> memref<1x20x32xi32, #tpu.memory_space<hbm>>
        %dma_start3A_1578 = tpu.memref_squeeze %dma_start3A_1577 : memref<1x20x32xi32, #tpu.memory_space<hbm>> -> memref<20x32xi32, #tpu.memory_space<hbm>>
        tpu.enqueue_dma source(%dma_start3A_1578 : memref<20x32xi32, #tpu.memory_space<hbm>>) target(%dma_start3A_1575 : memref<20x32xi32, #tpu.memory_space<vmem>>) target_semaphore(%dma_start3A_1571 : memref<!tpu.dma_semaphore, #tpu.memory_space<semaphore_mem>>)
        %dma_start3A_1579 = arith.constant 1 : i32
        %dma_start3A_1580 = arith.constant 1 : i32
        %dma_start3A_1581 = arith.constant 0 : i32
        %dma_start3A_1582 = tpu.memref_slice %arg12[%dma_start3A_1579, %dma_start3A_1581] : memref<2x32xf32, #tpu.memory_space<vmem>> -> memref<1x32xf32, #tpu.memory_space<vmem>>
        %dma_start3A_1583 = tpu.memref_squeeze %dma_start3A_1582 : memref<1x32xf32, #tpu.memory_space<vmem>> -> memref<32xf32, #tpu.memory_space<vmem>>
        %dma_start3A_1584 = tpu.memref_slice %arg4[%select_n3A_1555, %mul3A_1560] : memref<64x2048xf32, #tpu.memory_space<hbm>> -> memref<1x32xf32, #tpu.memory_space<hbm>>
        %dma_start3A_1585 = tpu.memref_squeeze %dma_start3A_1584 : memref<1x32xf32, #tpu.memory_space<hbm>> -> memref<32xf32, #tpu.memory_space<hbm>>
        %dma_start3A_1586 = tpu.memref_slice %arg15[%dma_start3A_1580] : memref<2x!tpu.dma_semaphore, #tpu.memory_space<semaphore_mem>> -> memref<1x!tpu.dma_semaphore, #tpu.memory_space<semaphore_mem>>
        %dma_start3A_1587 = tpu.memref_squeeze %dma_start3A_1586 : memref<1x!tpu.dma_semaphore, #tpu.memory_space<semaphore_mem>> -> memref<!tpu.dma_semaphore, #tpu.memory_space<semaphore_mem>>
        %dma_start3A_1588 = arith.constant 0 : i32
        %dma_start3A_1589 = tpu.memref_slice %arg12[%dma_start3A_1579, %dma_start3A_1588] : memref<2x32xf32, #tpu.memory_space<vmem>> -> memref<1x32xf32, #tpu.memory_space<vmem>>
        %dma_start3A_1590 = tpu.memref_squeeze %dma_start3A_1589 : memref<1x32xf32, #tpu.memory_space<vmem>> -> memref<32xf32, #tpu.memory_space<vmem>>
        %dma_start3A_1591 = tpu.memref_slice %arg4[%select_n3A_1555, %mul3A_1560] : memref<64x2048xf32, #tpu.memory_space<hbm>> -> memref<1x32xf32, #tpu.memory_space<hbm>>
        %dma_start3A_1592 = tpu.memref_squeeze %dma_start3A_1591 : memref<1x32xf32, #tpu.memory_space<hbm>> -> memref<32xf32, #tpu.memory_space<hbm>>
        tpu.enqueue_dma source(%dma_start3A_1592 : memref<32xf32, #tpu.memory_space<hbm>>) target(%dma_start3A_1590 : memref<32xf32, #tpu.memory_space<vmem>>) target_semaphore(%dma_start3A_1587 : memref<!tpu.dma_semaphore, #tpu.memory_space<semaphore_mem>>)
      } else {
      }
      %ne3A_142 = arith.cmpi ne, %select_n3A_133, %scan3A_106 : i32
      %convert_element_type3A_143 = arith.extui %ne3A_142 : i1 to i32
      %cond3A_144 = arith.constant 0 : i32
      %cond3A_145 = arith.cmpi ne, %convert_element_type3A_143, %cond3A_144 : i32
      scf.if %cond3A_145 {
        "tpu.region"() ({
          %run_scoped3A = tpu.sem_alloc : memref<!tpu.dma_semaphore, #tpu.memory_space<semaphore_mem>>
          %dma_start3A_1530 = arith.constant 0 : i32
          %dma_start3A_1531 = tpu.memref_slice %arg3[%select_n3A_133, %dma_start3A_1530] : memref<64x2048xf32, #tpu.memory_space<hbm>> -> memref<1x2048xf32, #tpu.memory_space<hbm>>
          %dma_start3A_1532 = tpu.memref_squeeze %dma_start3A_1531 : memref<1x2048xf32, #tpu.memory_space<hbm>> -> memref<2048xf32, #tpu.memory_space<hbm>>
          %dma_start3A_1533 = arith.constant 0 : i32
          %dma_start3A_1534 = tpu.memref_slice %arg3[%select_n3A_133, %dma_start3A_1533] : memref<64x2048xf32, #tpu.memory_space<hbm>> -> memref<1x2048xf32, #tpu.memory_space<hbm>>
          %dma_start3A_1535 = tpu.memref_squeeze %dma_start3A_1534 : memref<1x2048xf32, #tpu.memory_space<hbm>> -> memref<2048xf32, #tpu.memory_space<hbm>>
          tpu.enqueue_dma source(%dma_start3A_1535 : memref<2048xf32, #tpu.memory_space<hbm>>) target(%arg8 : memref<2048xf32, #tpu.memory_space<vmem>>) target_semaphore(%run_scoped3A : memref<!tpu.dma_semaphore, #tpu.memory_space<semaphore_mem>>)
          %dma_wait3A_1536 = arith.constant 0 : i32
          %dma_wait3A_1537 = tpu.memref_slice %arg3[%select_n3A_133, %dma_wait3A_1536] : memref<64x2048xf32, #tpu.memory_space<hbm>> -> memref<1x2048xf32, #tpu.memory_space<hbm>>
          %dma_wait3A_1538 = tpu.memref_squeeze %dma_wait3A_1537 : memref<1x2048xf32, #tpu.memory_space<hbm>> -> memref<2048xf32, #tpu.memory_space<hbm>>
          %dma_wait3A_1539 = arith.constant 0 : i32
          %dma_wait3A_1540 = tpu.memref_slice %arg3[%select_n3A_133, %dma_wait3A_1539] : memref<64x2048xf32, #tpu.memory_space<hbm>> -> memref<1x2048xf32, #tpu.memory_space<hbm>>
          %dma_wait3A_1541 = tpu.memref_squeeze %dma_wait3A_1540 : memref<1x2048xf32, #tpu.memory_space<hbm>> -> memref<2048xf32, #tpu.memory_space<hbm>>
          tpu.wait_dma2 semaphore(%run_scoped3A : memref<!tpu.dma_semaphore, #tpu.memory_space<semaphore_mem>>) src(%dma_wait3A_1541 : memref<2048xf32, #tpu.memory_space<hbm>>) dst(%arg8 : memref<2048xf32, #tpu.memory_space<vmem>>)
          tpu.yield
        }) : () -> ()
      } else {
      }
      %dma_wait3A_146 = arith.constant 0 : i32
      %dma_wait3A_147 = arith.constant 0 : i32
      %dma_wait3A_148 = arith.constant 0 : i32
      %dma_wait3A_149 = arith.constant 0 : i32
      %dma_wait3A_150 = arith.constant 0 : i32
      %dma_wait3A_151 = tpu.memref_slice %arg9[%dma_wait3A_147, %dma_wait3A_149, %dma_wait3A_150] : memref<2x20x32xi32, #tpu.memory_space<vmem>> -> memref<1x20x32xi32, #tpu.memory_space<vmem>>
      %dma_wait3A_152 = tpu.memref_squeeze %dma_wait3A_151 : memref<1x20x32xi32, #tpu.memory_space<vmem>> -> memref<20x32xi32, #tpu.memory_space<vmem>>
      %dma_wait3A_153 = arith.constant 0 : i32
      %dma_wait3A_154 = arith.constant 0 : i32
      %dma_wait3A_155 = tpu.memref_slice %arg5[%dma_wait3A_146, %dma_wait3A_153, %dma_wait3A_154] : memref<59x20x2048xi32, #tpu.memory_space<hbm>> -> memref<1x20x32xi32, #tpu.memory_space<hbm>>
      %dma_wait3A_156 = tpu.memref_squeeze %dma_wait3A_155 : memref<1x20x32xi32, #tpu.memory_space<hbm>> -> memref<20x32xi32, #tpu.memory_space<hbm>>
      %dma_wait3A_157 = tpu.memref_slice %arg14[%dma_wait3A_148] : memref<2x!tpu.dma_semaphore, #tpu.memory_space<semaphore_mem>> -> memref<1x!tpu.dma_semaphore, #tpu.memory_space<semaphore_mem>>
      %dma_wait3A_158 = tpu.memref_squeeze %dma_wait3A_157 : memref<1x!tpu.dma_semaphore, #tpu.memory_space<semaphore_mem>> -> memref<!tpu.dma_semaphore, #tpu.memory_space<semaphore_mem>>
      %dma_wait3A_159 = arith.constant 0 : i32
      %dma_wait3A_160 = arith.constant 0 : i32
      %dma_wait3A_161 = tpu.memref_slice %arg9[%dma_wait3A_147, %dma_wait3A_159, %dma_wait3A_160] : memref<2x20x32xi32, #tpu.memory_space<vmem>> -> memref<1x20x32xi32, #tpu.memory_space<vmem>>
      %dma_wait3A_162 = tpu.memref_squeeze %dma_wait3A_161 : memref<1x20x32xi32, #tpu.memory_space<vmem>> -> memref<20x32xi32, #tpu.memory_space<vmem>>
      %dma_wait3A_163 = arith.constant 0 : i32
      %dma_wait3A_164 = arith.constant 0 : i32
      %dma_wait3A_165 = tpu.memref_slice %arg5[%dma_wait3A_146, %dma_wait3A_163, %dma_wait3A_164] : memref<59x20x2048xi32, #tpu.memory_space<hbm>> -> memref<1x20x32xi32, #tpu.memory_space<hbm>>
      %dma_wait3A_166 = tpu.memref_squeeze %dma_wait3A_165 : memref<1x20x32xi32, #tpu.memory_space<hbm>> -> memref<20x32xi32, #tpu.memory_space<hbm>>
      tpu.wait_dma2 semaphore(%dma_wait3A_158 : memref<!tpu.dma_semaphore, #tpu.memory_space<semaphore_mem>>) src(%dma_wait3A_166 : memref<20x32xi32, #tpu.memory_space<hbm>>) dst(%dma_wait3A_162 : memref<20x32xi32, #tpu.memory_space<vmem>>)
      %dma_wait3A_167 = arith.constant 0 : i32
      %dma_wait3A_168 = arith.constant 0 : i32
      %dma_wait3A_169 = arith.constant 0 : i32
      %dma_wait3A_170 = arith.constant 0 : i32
      %dma_wait3A_171 = tpu.memref_slice %arg12[%dma_wait3A_168, %dma_wait3A_170] : memref<2x32xf32, #tpu.memory_space<vmem>> -> memref<1x32xf32, #tpu.memory_space<vmem>>
      %dma_wait3A_172 = tpu.memref_squeeze %dma_wait3A_171 : memref<1x32xf32, #tpu.memory_space<vmem>> -> memref<32xf32, #tpu.memory_space<vmem>>
      %dma_wait3A_173 = arith.constant 0 : i32
      %dma_wait3A_174 = tpu.memref_slice %arg4[%dma_wait3A_167, %dma_wait3A_173] : memref<64x2048xf32, #tpu.memory_space<hbm>> -> memref<1x32xf32, #tpu.memory_space<hbm>>
      %dma_wait3A_175 = tpu.memref_squeeze %dma_wait3A_174 : memref<1x32xf32, #tpu.memory_space<hbm>> -> memref<32xf32, #tpu.memory_space<hbm>>
      %dma_wait3A_176 = tpu.memref_slice %arg15[%dma_wait3A_169] : memref<2x!tpu.dma_semaphore, #tpu.memory_space<semaphore_mem>> -> memref<1x!tpu.dma_semaphore, #tpu.memory_space<semaphore_mem>>
      %dma_wait3A_177 = tpu.memref_squeeze %dma_wait3A_176 : memref<1x!tpu.dma_semaphore, #tpu.memory_space<semaphore_mem>> -> memref<!tpu.dma_semaphore, #tpu.memory_space<semaphore_mem>>
      %dma_wait3A_178 = arith.constant 0 : i32
      %dma_wait3A_179 = tpu.memref_slice %arg12[%dma_wait3A_168, %dma_wait3A_178] : memref<2x32xf32, #tpu.memory_space<vmem>> -> memref<1x32xf32, #tpu.memory_space<vmem>>
      %dma_wait3A_180 = tpu.memref_squeeze %dma_wait3A_179 : memref<1x32xf32, #tpu.memory_space<vmem>> -> memref<32xf32, #tpu.memory_space<vmem>>
      %dma_wait3A_181 = arith.constant 0 : i32
      %dma_wait3A_182 = tpu.memref_slice %arg4[%dma_wait3A_167, %dma_wait3A_181] : memref<64x2048xf32, #tpu.memory_space<hbm>> -> memref<1x32xf32, #tpu.memory_space<hbm>>
      %dma_wait3A_183 = tpu.memref_squeeze %dma_wait3A_182 : memref<1x32xf32, #tpu.memory_space<hbm>> -> memref<32xf32, #tpu.memory_space<hbm>>
      tpu.wait_dma2 semaphore(%dma_wait3A_177 : memref<!tpu.dma_semaphore, #tpu.memory_space<semaphore_mem>>) src(%dma_wait3A_183 : memref<32xf32, #tpu.memory_space<hbm>>) dst(%dma_wait3A_180 : memref<32xf32, #tpu.memory_space<vmem>>)
      %get3A = arith.constant 0 : i32
      %get3A_184 = arith.index_cast %get3A : i32 to index
      %get3A_185 = arith.constant 0 : index
      %get3A_186 = tpu.vector_load %arg12[%get3A_184, %get3A_185] {strides = array<i32>} : memref<2x32xf32, #tpu.memory_space<vmem>>, vector<16xf32>,
      %get3A_187 = arith.constant 0 : i32
      %get3A_188 = arith.index_cast %get3A_187 : i32 to index
      %get3A_189 = arith.constant 16 : index
      %get3A_190 = tpu.vector_load %arg12[%get3A_188, %get3A_189] {strides = array<i32>} : memref<2x32xf32, #tpu.memory_space<vmem>>, vector<16xf32>,
      %broadcast_in_dim3A = arith.constant 0.000000e+00 : f32
      %broadcast_in_dim3A_191 = vector.broadcast %broadcast_in_dim3A : f32 to vector<16xf32>
      %parallel_loop3A = arith.constant 0 : i32
      %parallel_loop3A_192 = arith.constant 20 : i32
      %parallel_loop3A_193 = arith.constant 1 : i32
      %parallel_loop3A_194:2 = scf.for %parallel_loop3A_1530 = %parallel_loop3A to %parallel_loop3A_192 step %parallel_loop3A_193 iter_args(%parallel_loop3A_1531 = %broadcast_in_dim3A_191, %parallel_loop3A_1532 = %broadcast_in_dim3A_191) -> (vector<16xf32>, vector<16xf32>)  : i32 {
        %parallel_loop3A_1533 = arith.constant 0 : i32
        %parallel_loop3A_1534 = arith.index_cast %parallel_loop3A_1533 : i32 to index
        %parallel_loop3A_1535 = arith.index_cast %parallel_loop3A_1530 : i32 to index
        %parallel_loop3A_1536 = arith.constant 0 : index
        %parallel_loop3A_1537 = tpu.vector_load %arg9[%parallel_loop3A_1534, %parallel_loop3A_1535, %parallel_loop3A_1536] {strides = array<i32>} : memref<2x20x32xi32, #tpu.memory_space<vmem>>, vector<16xi32>,
        %parallel_loop3A_1538 = arith.constant 1 : i32
        %parallel_loop3A_1539 = vector.broadcast %parallel_loop3A_1538 : i32 to vector<16xi32>
        %parallel_loop3A_1540 = arith.subi %parallel_loop3A_1537, %parallel_loop3A_1539 : vector<16xi32>
        %parallel_loop3A_1541 = arith.constant 0 : i32
        %parallel_loop3A_1542 = vector.broadcast %parallel_loop3A_1541 : i32 to vector<16xi32>
        %parallel_loop3A_1543 = arith.maxsi %parallel_loop3A_1540, %parallel_loop3A_1542 : vector<16xi32>
        %parallel_loop3A_1544 = arith.index_cast %parallel_loop3A_1530 : i32 to index
        %parallel_loop3A_1545 = arith.constant 0 : index
        %parallel_loop3A_1546 = tpu.vector_load %arg10[%parallel_loop3A_1544, %parallel_loop3A_1545] {strides = array<i32>} : memref<20x32xi32, #tpu.memory_space<vmem>>, vector<16xi32>,
        tpu.vector_store %arg10[%parallel_loop3A_1544, %parallel_loop3A_1545], %parallel_loop3A_1543 {strides = array<i32>} : memref<20x32xi32, #tpu.memory_space<vmem>>, vector<16xi32>,
        %parallel_loop3A_1547 = arith.constant 1 : i32
        %parallel_loop3A_1548 = vector.broadcast %parallel_loop3A_1547 : i32 to vector<16xi32>
        %parallel_loop3A_1549 = arith.minsi %parallel_loop3A_1537, %parallel_loop3A_1548 : vector<16xi32>
        %parallel_loop3A_1550 = arith.sitofp %parallel_loop3A_1549 : vector<16xi32> to vector<16xf32>
        %parallel_loop3A_1551 = tpu.vector_load_idx %arg8[%parallel_loop3A_1543] : memref<2048xf32, #tpu.memory_space<vmem>>[vector<16xi32>], vector<16xf32>,
        %parallel_loop3A_1552 = arith.mulf %parallel_loop3A_1551, %parallel_loop3A_1550 : vector<16xf32>
        %parallel_loop3A_1553 = arith.addf %parallel_loop3A_1552, %get3A_186 : vector<16xf32>
        %parallel_loop3A_1554 = arith.constant 0.000000e+00 : f32
        %parallel_loop3A_1555 = vector.broadcast %parallel_loop3A_1554 : f32 to vector<16xf32>
        %parallel_loop3A_1556 = arith.maximumf %parallel_loop3A_1553, %parallel_loop3A_1555 : vector<16xf32>
        %parallel_loop3A_1557 = math.exp %parallel_loop3A_1556 : vector<16xf32>
        %parallel_loop3A_1558 = arith.mulf %parallel_loop3A_1557, %parallel_loop3A_1550 : vector<16xf32>
        %parallel_loop3A_1559 = arith.index_cast %parallel_loop3A_1530 : i32 to index
        %parallel_loop3A_1560 = arith.constant 0 : index
        %parallel_loop3A_1561 = tpu.vector_load %arg11[%parallel_loop3A_1559, %parallel_loop3A_1560] {strides = array<i32>} : memref<20x32xf32, #tpu.memory_space<vmem>>, vector<16xf32>,
        tpu.vector_store %arg11[%parallel_loop3A_1559, %parallel_loop3A_1560], %parallel_loop3A_1558 {strides = array<i32>} : memref<20x32xf32, #tpu.memory_space<vmem>>, vector<16xf32>,
        %parallel_loop3A_1562 = arith.addf %parallel_loop3A_1531, %parallel_loop3A_1557 : vector<16xf32>
        %parallel_loop3A_1563 = arith.constant 0 : i32
        %parallel_loop3A_1564 = arith.index_cast %parallel_loop3A_1563 : i32 to index
        %parallel_loop3A_1565 = arith.index_cast %parallel_loop3A_1530 : i32 to index
        %parallel_loop3A_1566 = arith.constant 16 : index
        %parallel_loop3A_1567 = tpu.vector_load %arg9[%parallel_loop3A_1564, %parallel_loop3A_1565, %parallel_loop3A_1566] {strides = array<i32>} : memref<2x20x32xi32, #tpu.memory_space<vmem>>, vector<16xi32>,
        %parallel_loop3A_1568 = arith.constant 1 : i32
        %parallel_loop3A_1569 = vector.broadcast %parallel_loop3A_1568 : i32 to vector<16xi32>
        %parallel_loop3A_1570 = arith.subi %parallel_loop3A_1567, %parallel_loop3A_1569 : vector<16xi32>
        %parallel_loop3A_1571 = arith.constant 0 : i32
        %parallel_loop3A_1572 = vector.broadcast %parallel_loop3A_1571 : i32 to vector<16xi32>
        %parallel_loop3A_1573 = arith.maxsi %parallel_loop3A_1570, %parallel_loop3A_1572 : vector<16xi32>
        %parallel_loop3A_1574 = arith.index_cast %parallel_loop3A_1530 : i32 to index
        %parallel_loop3A_1575 = arith.constant 16 : index
        %parallel_loop3A_1576 = tpu.vector_load %arg10[%parallel_loop3A_1574, %parallel_loop3A_1575] {strides = array<i32>} : memref<20x32xi32, #tpu.memory_space<vmem>>, vector<16xi32>,
        tpu.vector_store %arg10[%parallel_loop3A_1574, %parallel_loop3A_1575], %parallel_loop3A_1573 {strides = array<i32>} : memref<20x32xi32, #tpu.memory_space<vmem>>, vector<16xi32>,
        %parallel_loop3A_1577 = arith.constant 1 : i32
        %parallel_loop3A_1578 = vector.broadcast %parallel_loop3A_1577 : i32 to vector<16xi32>
        %parallel_loop3A_1579 = arith.minsi %parallel_loop3A_1567, %parallel_loop3A_1578 : vector<16xi32>
        %parallel_loop3A_1580 = arith.sitofp %parallel_loop3A_1579 : vector<16xi32> to vector<16xf32>
        %parallel_loop3A_1581 = tpu.vector_load_idx %arg8[%parallel_loop3A_1573] : memref<2048xf32, #tpu.memory_space<vmem>>[vector<16xi32>], vector<16xf32>,
        %parallel_loop3A_1582 = arith.mulf %parallel_loop3A_1581, %parallel_loop3A_1580 : vector<16xf32>
        %parallel_loop3A_1583 = arith.addf %parallel_loop3A_1582, %get3A_190 : vector<16xf32>
        %parallel_loop3A_1584 = arith.constant 0.000000e+00 : f32
        %parallel_loop3A_1585 = vector.broadcast %parallel_loop3A_1584 : f32 to vector<16xf32>
        %parallel_loop3A_1586 = arith.maximumf %parallel_loop3A_1583, %parallel_loop3A_1585 : vector<16xf32>
        %parallel_loop3A_1587 = math.exp %parallel_loop3A_1586 : vector<16xf32>
        %parallel_loop3A_1588 = arith.mulf %parallel_loop3A_1587, %parallel_loop3A_1580 : vector<16xf32>
        %parallel_loop3A_1589 = arith.index_cast %parallel_loop3A_1530 : i32 to index
        %parallel_loop3A_1590 = arith.constant 16 : index
        %parallel_loop3A_1591 = tpu.vector_load %arg11[%parallel_loop3A_1589, %parallel_loop3A_1590] {strides = array<i32>} : memref<20x32xf32, #tpu.memory_space<vmem>>, vector<16xf32>,
        tpu.vector_store %arg11[%parallel_loop3A_1589, %parallel_loop3A_1590], %parallel_loop3A_1588 {strides = array<i32>} : memref<20x32xf32, #tpu.memory_space<vmem>>, vector<16xf32>,
        %parallel_loop3A_1592 = arith.addf %parallel_loop3A_1532, %parallel_loop3A_1587 : vector<16xf32>
        scf.yield %parallel_loop3A_1562, %parallel_loop3A_1592 : vector<16xf32>, vector<16xf32>
      } {sc.loop_unroll_factor = 2 : i64, sc.parallel_access}
      %div3A_195 = arith.constant 1.000000e+00 : f32
      %div3A_196 = vector.broadcast %div3A_195 : f32 to vector<16xf32>
      %div3A_197 = arith.divf %div3A_196, %parallel_loop3A_194#0 : vector<16xf32>
      %div3A_198 = arith.constant 1.000000e+00 : f32
      %div3A_199 = vector.broadcast %div3A_198 : f32 to vector<16xf32>
      %div3A_200 = arith.divf %div3A_199, %parallel_loop3A_194#1 : vector<16xf32>
      %sub3A_201 = arith.constant 2 : i32
      %sub3A_202 = arith.subi %add3A_109, %sub3A_201 : i32
      %ge3A = arith.cmpi sge, %sub3A_202, %mul3A_2 : i32
      %convert_element_type3A_203 = arith.extui %ge3A : i1 to i32
      %cond3A_204 = arith.constant 0 : i32
      %cond3A_205 = arith.cmpi ne, %convert_element_type3A_203, %cond3A_204 : i32
      scf.if %cond3A_205 {
        %dma_wait3A_1530 = arith.constant 0 : i32
        %dma_wait3A_1531 = arith.constant 0 : i32
        %dma_wait3A_1532 = arith.constant 0 : i32
        %dma_wait3A_1533 = arith.constant 0 : i32
        %dma_wait3A_1534 = arith.constant 0 : i32
        %dma_wait3A_1535 = arith.constant 0 : i32
        %dma_wait3A_1536 = tpu.memref_slice %arg13[%dma_wait3A_1530, %dma_wait3A_1534, %dma_wait3A_1535] : memref<2x32x32xf32, #tpu.memory_space<vmem>> -> memref<1x32x32xf32, #tpu.memory_space<vmem>>
        %dma_wait3A_1537 = tpu.memref_squeeze %dma_wait3A_1536 : memref<1x32x32xf32, #tpu.memory_space<vmem>> -> memref<32x32xf32, #tpu.memory_space<vmem>>
        %dma_wait3A_1538 = arith.constant 0 : i32
        %dma_wait3A_1539 = arith.constant 0 : i32
        %dma_wait3A_1540 = tpu.memref_slice %arg6[%dma_wait3A_1531, %dma_wait3A_1532, %dma_wait3A_1538, %dma_wait3A_1539] : memref<59x2x32x2048xf32, #tpu.memory_space<hbm>> -> memref<1x1x32x32xf32, #tpu.memory_space<hbm>>
        %dma_wait3A_1541 = tpu.memref_squeeze %dma_wait3A_1540 : memref<1x1x32x32xf32, #tpu.memory_space<hbm>> -> memref<32x32xf32, #tpu.memory_space<hbm>>
        %dma_wait3A_1542 = tpu.memref_slice %arg16[%dma_wait3A_1533] : memref<2x!tpu.dma_semaphore, #tpu.memory_space<semaphore_mem>> -> memref<1x!tpu.dma_semaphore, #tpu.memory_space<semaphore_mem>>
        %dma_wait3A_1543 = tpu.memref_squeeze %dma_wait3A_1542 : memref<1x!tpu.dma_semaphore, #tpu.memory_space<semaphore_mem>> -> memref<!tpu.dma_semaphore, #tpu.memory_space<semaphore_mem>>
        %dma_wait3A_1544 = arith.constant 0 : i32
        %dma_wait3A_1545 = arith.constant 0 : i32
        %dma_wait3A_1546 = tpu.memref_slice %arg6[%dma_wait3A_1531, %dma_wait3A_1532, %dma_wait3A_1544, %dma_wait3A_1545] : memref<59x2x32x2048xf32, #tpu.memory_space<hbm>> -> memref<1x1x32x32xf32, #tpu.memory_space<hbm>>
        %dma_wait3A_1547 = tpu.memref_squeeze %dma_wait3A_1546 : memref<1x1x32x32xf32, #tpu.memory_space<hbm>> -> memref<32x32xf32, #tpu.memory_space<hbm>>
        %dma_wait3A_1548 = arith.constant 0 : i32
        %dma_wait3A_1549 = arith.constant 0 : i32
        %dma_wait3A_1550 = tpu.memref_slice %arg13[%dma_wait3A_1530, %dma_wait3A_1548, %dma_wait3A_1549] : memref<2x32x32xf32, #tpu.memory_space<vmem>> -> memref<1x32x32xf32, #tpu.memory_space<vmem>>
        %dma_wait3A_1551 = tpu.memref_squeeze %dma_wait3A_1550 : memref<1x32x32xf32, #tpu.memory_space<vmem>> -> memref<32x32xf32, #tpu.memory_space<vmem>>
        tpu.wait_dma2 semaphore(%dma_wait3A_1543 : memref<!tpu.dma_semaphore, #tpu.memory_space<semaphore_mem>>) src(%dma_wait3A_1551 : memref<32x32xf32, #tpu.memory_space<vmem>>) dst(%dma_wait3A_1547 : memref<32x32xf32, #tpu.memory_space<hbm>>)
      } else {
      }
      %broadcast_in_dim3A_206 = arith.constant 0.000000e+00 : f32
      %broadcast_in_dim3A_207 = vector.broadcast %broadcast_in_dim3A_206 : f32 to vector<16xf32>
      %broadcast_in_dim3A_208 = arith.constant 0.000000e+00 : f32
      %broadcast_in_dim3A_209 = vector.broadcast %broadcast_in_dim3A_208 : f32 to vector<16xf32>
      %broadcast_in_dim3A_210 = arith.constant 0.000000e+00 : f32
      %broadcast_in_dim3A_211 = vector.broadcast %broadcast_in_dim3A_210 : f32 to vector<16xf32>
      %broadcast_in_dim3A_212 = arith.constant 0.000000e+00 : f32
      %broadcast_in_dim3A_213 = vector.broadcast %broadcast_in_dim3A_212 : f32 to vector<16xf32>
      %broadcast_in_dim3A_214 = arith.constant 0.000000e+00 : f32
      %broadcast_in_dim3A_215 = vector.broadcast %broadcast_in_dim3A_214 : f32 to vector<16xf32>
      %broadcast_in_dim3A_216 = arith.constant 0.000000e+00 : f32
      %broadcast_in_dim3A_217 = vector.broadcast %broadcast_in_dim3A_216 : f32 to vector<16xf32>
      %broadcast_in_dim3A_218 = arith.constant 0.000000e+00 : f32
      %broadcast_in_dim3A_219 = vector.broadcast %broadcast_in_dim3A_218 : f32 to vector<16xf32>
      %broadcast_in_dim3A_220 = arith.constant 0.000000e+00 : f32
      %broadcast_in_dim3A_221 = vector.broadcast %broadcast_in_dim3A_220 : f32 to vector<16xf32>
      %broadcast_in_dim3A_222 = arith.constant 0.000000e+00 : f32
      %broadcast_in_dim3A_223 = vector.broadcast %broadcast_in_dim3A_222 : f32 to vector<16xf32>
      %broadcast_in_dim3A_224 = arith.constant 0.000000e+00 : f32
      %broadcast_in_dim3A_225 = vector.broadcast %broadcast_in_dim3A_224 : f32 to vector<16xf32>
      %broadcast_in_dim3A_226 = arith.constant 0.000000e+00 : f32
      %broadcast_in_dim3A_227 = vector.broadcast %broadcast_in_dim3A_226 : f32 to vector<16xf32>
      %broadcast_in_dim3A_228 = arith.constant 0.000000e+00 : f32
      %broadcast_in_dim3A_229 = vector.broadcast %broadcast_in_dim3A_228 : f32 to vector<16xf32>
      %broadcast_in_dim3A_230 = arith.constant 0.000000e+00 : f32
      %broadcast_in_dim3A_231 = vector.broadcast %broadcast_in_dim3A_230 : f32 to vector<16xf32>
      %broadcast_in_dim3A_232 = arith.constant 0.000000e+00 : f32
      %broadcast_in_dim3A_233 = vector.broadcast %broadcast_in_dim3A_232 : f32 to vector<16xf32>
      %broadcast_in_dim3A_234 = arith.constant 0.000000e+00 : f32
      %broadcast_in_dim3A_235 = vector.broadcast %broadcast_in_dim3A_234 : f32 to vector<16xf32>
      %broadcast_in_dim3A_236 = arith.constant 0.000000e+00 : f32
      %broadcast_in_dim3A_237 = vector.broadcast %broadcast_in_dim3A_236 : f32 to vector<16xf32>
      %parallel_loop3A_238 = arith.constant 0 : i32
      %parallel_loop3A_239 = arith.constant 20 : i32
      %parallel_loop3A_240 = arith.constant 1 : i32
      %parallel_loop3A_241:16 = scf.for %parallel_loop3A_1530 = %parallel_loop3A_238 to %parallel_loop3A_239 step %parallel_loop3A_240 iter_args(%parallel_loop3A_1531 = %broadcast_in_dim3A_207, %parallel_loop3A_1532 = %broadcast_in_dim3A_209, %parallel_loop3A_1533 = %broadcast_in_dim3A_211, %parallel_loop3A_1534 = %broadcast_in_dim3A_213, %parallel_loop3A_1535 = %broadcast_in_dim3A_215, %parallel_loop3A_1536 = %broadcast_in_dim3A_217, %parallel_loop3A_1537 = %broadcast_in_dim3A_219, %parallel_loop3A_1538 = %broadcast_in_dim3A_221, %parallel_loop3A_1539 = %broadcast_in_dim3A_223, %parallel_loop3A_1540 = %broadcast_in_dim3A_225, %parallel_loop3A_1541 = %broadcast_in_dim3A_227, %parallel_loop3A_1542 = %broadcast_in_dim3A_229, %parallel_loop3A_1543 = %broadcast_in_dim3A_231, %parallel_loop3A_1544 = %broadcast_in_dim3A_233, %parallel_loop3A_1545 = %broadcast_in_dim3A_235, %parallel_loop3A_1546 = %broadcast_in_dim3A_237) -> (vector<16xf32>, vector<16xf32>, vector<16xf32>, vector<16xf32>, vector<16xf32>, vector<16xf32>, vector<16xf32>, vector<16xf32>, vector<16xf32>, vector<16xf32>, vector<16xf32>, vector<16xf32>, vector<16xf32>, vector<16xf32>, vector<16xf32>, vector<16xf32>)  : i32 {
        %parallel_loop3A_1547 = arith.index_cast %parallel_loop3A_1530 : i32 to index
        %parallel_loop3A_1548 = arith.constant 0 : index
        %parallel_loop3A_1549 = tpu.vector_load %arg10[%parallel_loop3A_1547, %parallel_loop3A_1548] {strides = array<i32>} : memref<20x32xi32, #tpu.memory_space<vmem>>, vector<16xi32>,
        %parallel_loop3A_1550 = arith.index_cast %parallel_loop3A_1530 : i32 to index
        %parallel_loop3A_1551 = arith.constant 0 : index
        %parallel_loop3A_1552 = tpu.vector_load %arg11[%parallel_loop3A_1550, %parallel_loop3A_1551] {strides = array<i32>} : memref<20x32xf32, #tpu.memory_space<vmem>>, vector<16xf32>,
        %parallel_loop3A_1553 = arith.constant 0 : i32
        %parallel_loop3A_1554 = vector.broadcast %parallel_loop3A_1553 : i32 to vector<16xi32>
        %parallel_loop3A_1555 = tpu.vector_load_idx %arg7[%parallel_loop3A_1554, %parallel_loop3A_1549] : memref<32x2048xf32, #tpu.memory_space<vmem>>[vector<16xi32>, vector<16xi32>], vector<16xf32>,
        %parallel_loop3A_1556 = arith.mulf %parallel_loop3A_1552, %parallel_loop3A_1555 : vector<16xf32>
        %parallel_loop3A_1557 = arith.addf %parallel_loop3A_1531, %parallel_loop3A_1556 : vector<16xf32>
        %parallel_loop3A_1558 = arith.constant 1 : i32
        %parallel_loop3A_1559 = vector.broadcast %parallel_loop3A_1558 : i32 to vector<16xi32>
        %parallel_loop3A_1560 = tpu.vector_load_idx %arg7[%parallel_loop3A_1559, %parallel_loop3A_1549] : memref<32x2048xf32, #tpu.memory_space<vmem>>[vector<16xi32>, vector<16xi32>], vector<16xf32>,
        %parallel_loop3A_1561 = arith.mulf %parallel_loop3A_1552, %parallel_loop3A_1560 : vector<16xf32>
        %parallel_loop3A_1562 = arith.addf %parallel_loop3A_1532, %parallel_loop3A_1561 : vector<16xf32>
        %parallel_loop3A_1563 = arith.constant 2 : i32
        %parallel_loop3A_1564 = vector.broadcast %parallel_loop3A_1563 : i32 to vector<16xi32>
        %parallel_loop3A_1565 = tpu.vector_load_idx %arg7[%parallel_loop3A_1564, %parallel_loop3A_1549] : memref<32x2048xf32, #tpu.memory_space<vmem>>[vector<16xi32>, vector<16xi32>], vector<16xf32>,
        %parallel_loop3A_1566 = arith.mulf %parallel_loop3A_1552, %parallel_loop3A_1565 : vector<16xf32>
        %parallel_loop3A_1567 = arith.addf %parallel_loop3A_1533, %parallel_loop3A_1566 : vector<16xf32>
        %parallel_loop3A_1568 = arith.constant 3 : i32
        %parallel_loop3A_1569 = vector.broadcast %parallel_loop3A_1568 : i32 to vector<16xi32>
        %parallel_loop3A_1570 = tpu.vector_load_idx %arg7[%parallel_loop3A_1569, %parallel_loop3A_1549] : memref<32x2048xf32, #tpu.memory_space<vmem>>[vector<16xi32>, vector<16xi32>], vector<16xf32>,
        %parallel_loop3A_1571 = arith.mulf %parallel_loop3A_1552, %parallel_loop3A_1570 : vector<16xf32>
        %parallel_loop3A_1572 = arith.addf %parallel_loop3A_1534, %parallel_loop3A_1571 : vector<16xf32>
        %parallel_loop3A_1573 = arith.constant 4 : i32
        %parallel_loop3A_1574 = vector.broadcast %parallel_loop3A_1573 : i32 to vector<16xi32>
        %parallel_loop3A_1575 = tpu.vector_load_idx %arg7[%parallel_loop3A_1574, %parallel_loop3A_1549] : memref<32x2048xf32, #tpu.memory_space<vmem>>[vector<16xi32>, vector<16xi32>], vector<16xf32>,
        %parallel_loop3A_1576 = arith.mulf %parallel_loop3A_1552, %parallel_loop3A_1575 : vector<16xf32>
        %parallel_loop3A_1577 = arith.addf %parallel_loop3A_1535, %parallel_loop3A_1576 : vector<16xf32>
        %parallel_loop3A_1578 = arith.constant 5 : i32
        %parallel_loop3A_1579 = vector.broadcast %parallel_loop3A_1578 : i32 to vector<16xi32>
        %parallel_loop3A_1580 = tpu.vector_load_idx %arg7[%parallel_loop3A_1579, %parallel_loop3A_1549] : memref<32x2048xf32, #tpu.memory_space<vmem>>[vector<16xi32>, vector<16xi32>], vector<16xf32>,
        %parallel_loop3A_1581 = arith.mulf %parallel_loop3A_1552, %parallel_loop3A_1580 : vector<16xf32>
        %parallel_loop3A_1582 = arith.addf %parallel_loop3A_1536, %parallel_loop3A_1581 : vector<16xf32>
        %parallel_loop3A_1583 = arith.constant 6 : i32
        %parallel_loop3A_1584 = vector.broadcast %parallel_loop3A_1583 : i32 to vector<16xi32>
        %parallel_loop3A_1585 = tpu.vector_load_idx %arg7[%parallel_loop3A_1584, %parallel_loop3A_1549] : memref<32x2048xf32, #tpu.memory_space<vmem>>[vector<16xi32>, vector<16xi32>], vector<16xf32>,
        %parallel_loop3A_1586 = arith.mulf %parallel_loop3A_1552, %parallel_loop3A_1585 : vector<16xf32>
        %parallel_loop3A_1587 = arith.addf %parallel_loop3A_1537, %parallel_loop3A_1586 : vector<16xf32>
        %parallel_loop3A_1588 = arith.constant 7 : i32
        %parallel_loop3A_1589 = vector.broadcast %parallel_loop3A_1588 : i32 to vector<16xi32>
        %parallel_loop3A_1590 = tpu.vector_load_idx %arg7[%parallel_loop3A_1589, %parallel_loop3A_1549] : memref<32x2048xf32, #tpu.memory_space<vmem>>[vector<16xi32>, vector<16xi32>], vector<16xf32>,
        %parallel_loop3A_1591 = arith.mulf %parallel_loop3A_1552, %parallel_loop3A_1590 : vector<16xf32>
        %parallel_loop3A_1592 = arith.addf %parallel_loop3A_1538, %parallel_loop3A_1591 : vector<16xf32>
        %parallel_loop3A_1593 = arith.constant 8 : i32
        %parallel_loop3A_1594 = vector.broadcast %parallel_loop3A_1593 : i32 to vector<16xi32>
        %parallel_loop3A_1595 = tpu.vector_load_idx %arg7[%parallel_loop3A_1594, %parallel_loop3A_1549] : memref<32x2048xf32, #tpu.memory_space<vmem>>[vector<16xi32>, vector<16xi32>], vector<16xf32>,
        %parallel_loop3A_1596 = arith.mulf %parallel_loop3A_1552, %parallel_loop3A_1595 : vector<16xf32>
        %parallel_loop3A_1597 = arith.addf %parallel_loop3A_1539, %parallel_loop3A_1596 : vector<16xf32>
        %parallel_loop3A_1598 = arith.constant 9 : i32
        %parallel_loop3A_1599 = vector.broadcast %parallel_loop3A_1598 : i32 to vector<16xi32>
        %parallel_loop3A_1600 = tpu.vector_load_idx %arg7[%parallel_loop3A_1599, %parallel_loop3A_1549] : memref<32x2048xf32, #tpu.memory_space<vmem>>[vector<16xi32>, vector<16xi32>], vector<16xf32>,
        %parallel_loop3A_1601 = arith.mulf %parallel_loop3A_1552, %parallel_loop3A_1600 : vector<16xf32>
        %parallel_loop3A_1602 = arith.addf %parallel_loop3A_1540, %parallel_loop3A_1601 : vector<16xf32>
        %parallel_loop3A_1603 = arith.constant 10 : i32
        %parallel_loop3A_1604 = vector.broadcast %parallel_loop3A_1603 : i32 to vector<16xi32>
        %parallel_loop3A_1605 = tpu.vector_load_idx %arg7[%parallel_loop3A_1604, %parallel_loop3A_1549] : memref<32x2048xf32, #tpu.memory_space<vmem>>[vector<16xi32>, vector<16xi32>], vector<16xf32>,
        %parallel_loop3A_1606 = arith.mulf %parallel_loop3A_1552, %parallel_loop3A_1605 : vector<16xf32>
        %parallel_loop3A_1607 = arith.addf %parallel_loop3A_1541, %parallel_loop3A_1606 : vector<16xf32>
        %parallel_loop3A_1608 = arith.constant 11 : i32
        %parallel_loop3A_1609 = vector.broadcast %parallel_loop3A_1608 : i32 to vector<16xi32>
        %parallel_loop3A_1610 = tpu.vector_load_idx %arg7[%parallel_loop3A_1609, %parallel_loop3A_1549] : memref<32x2048xf32, #tpu.memory_space<vmem>>[vector<16xi32>, vector<16xi32>], vector<16xf32>,
        %parallel_loop3A_1611 = arith.mulf %parallel_loop3A_1552, %parallel_loop3A_1610 : vector<16xf32>
        %parallel_loop3A_1612 = arith.addf %parallel_loop3A_1542, %parallel_loop3A_1611 : vector<16xf32>
        %parallel_loop3A_1613 = arith.constant 12 : i32
        %parallel_loop3A_1614 = vector.broadcast %parallel_loop3A_1613 : i32 to vector<16xi32>
        %parallel_loop3A_1615 = tpu.vector_load_idx %arg7[%parallel_loop3A_1614, %parallel_loop3A_1549] : memref<32x2048xf32, #tpu.memory_space<vmem>>[vector<16xi32>, vector<16xi32>], vector<16xf32>,
        %parallel_loop3A_1616 = arith.mulf %parallel_loop3A_1552, %parallel_loop3A_1615 : vector<16xf32>
        %parallel_loop3A_1617 = arith.addf %parallel_loop3A_1543, %parallel_loop3A_1616 : vector<16xf32>
        %parallel_loop3A_1618 = arith.constant 13 : i32
        %parallel_loop3A_1619 = vector.broadcast %parallel_loop3A_1618 : i32 to vector<16xi32>
        %parallel_loop3A_1620 = tpu.vector_load_idx %arg7[%parallel_loop3A_1619, %parallel_loop3A_1549] : memref<32x2048xf32, #tpu.memory_space<vmem>>[vector<16xi32>, vector<16xi32>], vector<16xf32>,
        %parallel_loop3A_1621 = arith.mulf %parallel_loop3A_1552, %parallel_loop3A_1620 : vector<16xf32>
        %parallel_loop3A_1622 = arith.addf %parallel_loop3A_1544, %parallel_loop3A_1621 : vector<16xf32>
        %parallel_loop3A_1623 = arith.constant 14 : i32
        %parallel_loop3A_1624 = vector.broadcast %parallel_loop3A_1623 : i32 to vector<16xi32>
        %parallel_loop3A_1625 = tpu.vector_load_idx %arg7[%parallel_loop3A_1624, %parallel_loop3A_1549] : memref<32x2048xf32, #tpu.memory_space<vmem>>[vector<16xi32>, vector<16xi32>], vector<16xf32>,
        %parallel_loop3A_1626 = arith.mulf %parallel_loop3A_1552, %parallel_loop3A_1625 : vector<16xf32>
        %parallel_loop3A_1627 = arith.addf %parallel_loop3A_1545, %parallel_loop3A_1626 : vector<16xf32>
        %parallel_loop3A_1628 = arith.constant 15 : i32
        %parallel_loop3A_1629 = vector.broadcast %parallel_loop3A_1628 : i32 to vector<16xi32>
        %parallel_loop3A_1630 = tpu.vector_load_idx %arg7[%parallel_loop3A_1629, %parallel_loop3A_1549] : memref<32x2048xf32, #tpu.memory_space<vmem>>[vector<16xi32>, vector<16xi32>], vector<16xf32>,
        %parallel_loop3A_1631 = arith.mulf %parallel_loop3A_1552, %parallel_loop3A_1630 : vector<16xf32>
        %parallel_loop3A_1632 = arith.addf %parallel_loop3A_1546, %parallel_loop3A_1631 : vector<16xf32>
        scf.yield %parallel_loop3A_1557, %parallel_loop3A_1562, %parallel_loop3A_1567, %parallel_loop3A_1572, %parallel_loop3A_1577, %parallel_loop3A_1582, %parallel_loop3A_1587, %parallel_loop3A_1592, %parallel_loop3A_1597, %parallel_loop3A_1602, %parallel_loop3A_1607, %parallel_loop3A_1612, %parallel_loop3A_1617, %parallel_loop3A_1622, %parallel_loop3A_1627, %parallel_loop3A_1632 : vector<16xf32>, vector<16xf32>, vector<16xf32>, vector<16xf32>, vector<16xf32>, vector<16xf32>, vector<16xf32>, vector<16xf32>, vector<16xf32>, vector<16xf32>, vector<16xf32>, vector<16xf32>, vector<16xf32>, vector<16xf32>, vector<16xf32>, vector<16xf32>
      } {sc.loop_unroll_factor = 2 : i64, sc.parallel_access}
      %mul3A_242 = arith.mulf %parallel_loop3A_241#0, %div3A_197 : vector<16xf32>
      %swap3A = arith.constant 0 : i32
      %swap3A_243 = arith.constant 0 : i32
      %swap3A_244 = arith.index_cast %swap3A : i32 to index
      %swap3A_245 = arith.index_cast %swap3A_243 : i32 to index
      %swap3A_246 = arith.constant 0 : index
      %swap3A_247 = tpu.vector_load %arg13[%swap3A_244, %swap3A_245, %swap3A_246] {strides = array<i32>} : memref<2x32x32xf32, #tpu.memory_space<vmem>>, vector<16xf32>,
      tpu.vector_store %arg13[%swap3A_244, %swap3A_245, %swap3A_246], %mul3A_242 {strides = array<i32>} : memref<2x32x32xf32, #tpu.memory_space<vmem>>, vector<16xf32>,
      %mul3A_248 = arith.mulf %parallel_loop3A_241#1, %div3A_197 : vector<16xf32>
      %swap3A_249 = arith.constant 0 : i32
      %swap3A_250 = arith.constant 1 : i32
      %swap3A_251 = arith.index_cast %swap3A_249 : i32 to index
      %swap3A_252 = arith.index_cast %swap3A_250 : i32 to index
      %swap3A_253 = arith.constant 0 : index
      %swap3A_254 = tpu.vector_load %arg13[%swap3A_251, %swap3A_252, %swap3A_253] {strides = array<i32>} : memref<2x32x32xf32, #tpu.memory_space<vmem>>, vector<16xf32>,
      tpu.vector_store %arg13[%swap3A_251, %swap3A_252, %swap3A_253], %mul3A_248 {strides = array<i32>} : memref<2x32x32xf32, #tpu.memory_space<vmem>>, vector<16xf32>,
      %mul3A_255 = arith.mulf %parallel_loop3A_241#2, %div3A_197 : vector<16xf32>
      %swap3A_256 = arith.constant 0 : i32
      %swap3A_257 = arith.constant 2 : i32
      %swap3A_258 = arith.index_cast %swap3A_256 : i32 to index
      %swap3A_259 = arith.index_cast %swap3A_257 : i32 to index
      %swap3A_260 = arith.constant 0 : index
      %swap3A_261 = tpu.vector_load %arg13[%swap3A_258, %swap3A_259, %swap3A_260] {strides = array<i32>} : memref<2x32x32xf32, #tpu.memory_space<vmem>>, vector<16xf32>,
      tpu.vector_store %arg13[%swap3A_258, %swap3A_259, %swap3A_260], %mul3A_255 {strides = array<i32>} : memref<2x32x32xf32, #tpu.memory_space<vmem>>, vector<16xf32>,
      %mul3A_262 = arith.mulf %parallel_loop3A_241#3, %div3A_197 : vector<16xf32>
      %swap3A_263 = arith.constant 0 : i32
      %swap3A_264 = arith.constant 3 : i32
      %swap3A_265 = arith.index_cast %swap3A_263 : i32 to index
      %swap3A_266 = arith.index_cast %swap3A_264 : i32 to index
      %swap3A_267 = arith.constant 0 : index
      %swap3A_268 = tpu.vector_load %arg13[%swap3A_265, %swap3A_266, %swap3A_267] {strides = array<i32>} : memref<2x32x32xf32, #tpu.memory_space<vmem>>, vector<16xf32>,
      tpu.vector_store %arg13[%swap3A_265, %swap3A_266, %swap3A_267], %mul3A_262 {strides = array<i32>} : memref<2x32x32xf32, #tpu.memory_space<vmem>>, vector<16xf32>,
      %mul3A_269 = arith.mulf %parallel_loop3A_241#4, %div3A_197 : vector<16xf32>
      %swap3A_270 = arith.constant 0 : i32
      %swap3A_271 = arith.constant 4 : i32
      %swap3A_272 = arith.index_cast %swap3A_270 : i32 to index
      %swap3A_273 = arith.index_cast %swap3A_271 : i32 to index
      %swap3A_274 = arith.constant 0 : index
      %swap3A_275 = tpu.vector_load %arg13[%swap3A_272, %swap3A_273, %swap3A_274] {strides = array<i32>} : memref<2x32x32xf32, #tpu.memory_space<vmem>>, vector<16xf32>,
      tpu.vector_store %arg13[%swap3A_272, %swap3A_273, %swap3A_274], %mul3A_269 {strides = array<i32>} : memref<2x32x32xf32, #tpu.memory_space<vmem>>, vector<16xf32>,
      %mul3A_276 = arith.mulf %parallel_loop3A_241#5, %div3A_197 : vector<16xf32>
      %swap3A_277 = arith.constant 0 : i32
      %swap3A_278 = arith.constant 5 : i32
      %swap3A_279 = arith.index_cast %swap3A_277 : i32 to index
      %swap3A_280 = arith.index_cast %swap3A_278 : i32 to index
      %swap3A_281 = arith.constant 0 : index
      %swap3A_282 = tpu.vector_load %arg13[%swap3A_279, %swap3A_280, %swap3A_281] {strides = array<i32>} : memref<2x32x32xf32, #tpu.memory_space<vmem>>, vector<16xf32>,
      tpu.vector_store %arg13[%swap3A_279, %swap3A_280, %swap3A_281], %mul3A_276 {strides = array<i32>} : memref<2x32x32xf32, #tpu.memory_space<vmem>>, vector<16xf32>,
      %mul3A_283 = arith.mulf %parallel_loop3A_241#6, %div3A_197 : vector<16xf32>
      %swap3A_284 = arith.constant 0 : i32
      %swap3A_285 = arith.constant 6 : i32
      %swap3A_286 = arith.index_cast %swap3A_284 : i32 to index
      %swap3A_287 = arith.index_cast %swap3A_285 : i32 to index
      %swap3A_288 = arith.constant 0 : index
      %swap3A_289 = tpu.vector_load %arg13[%swap3A_286, %swap3A_287, %swap3A_288] {strides = array<i32>} : memref<2x32x32xf32, #tpu.memory_space<vmem>>, vector<16xf32>,
      tpu.vector_store %arg13[%swap3A_286, %swap3A_287, %swap3A_288], %mul3A_283 {strides = array<i32>} : memref<2x32x32xf32, #tpu.memory_space<vmem>>, vector<16xf32>,
      %mul3A_290 = arith.mulf %parallel_loop3A_241#7, %div3A_197 : vector<16xf32>
      %swap3A_291 = arith.constant 0 : i32
      %swap3A_292 = arith.constant 7 : i32
      %swap3A_293 = arith.index_cast %swap3A_291 : i32 to index
      %swap3A_294 = arith.index_cast %swap3A_292 : i32 to index
      %swap3A_295 = arith.constant 0 : index
      %swap3A_296 = tpu.vector_load %arg13[%swap3A_293, %swap3A_294, %swap3A_295] {strides = array<i32>} : memref<2x32x32xf32, #tpu.memory_space<vmem>>, vector<16xf32>,
      tpu.vector_store %arg13[%swap3A_293, %swap3A_294, %swap3A_295], %mul3A_290 {strides = array<i32>} : memref<2x32x32xf32, #tpu.memory_space<vmem>>, vector<16xf32>,
      %mul3A_297 = arith.mulf %parallel_loop3A_241#8, %div3A_197 : vector<16xf32>
      %swap3A_298 = arith.constant 0 : i32
      %swap3A_299 = arith.constant 8 : i32
      %swap3A_300 = arith.index_cast %swap3A_298 : i32 to index
      %swap3A_301 = arith.index_cast %swap3A_299 : i32 to index
      %swap3A_302 = arith.constant 0 : index
      %swap3A_303 = tpu.vector_load %arg13[%swap3A_300, %swap3A_301, %swap3A_302] {strides = array<i32>} : memref<2x32x32xf32, #tpu.memory_space<vmem>>, vector<16xf32>,
      tpu.vector_store %arg13[%swap3A_300, %swap3A_301, %swap3A_302], %mul3A_297 {strides = array<i32>} : memref<2x32x32xf32, #tpu.memory_space<vmem>>, vector<16xf32>,
      %mul3A_304 = arith.mulf %parallel_loop3A_241#9, %div3A_197 : vector<16xf32>
      %swap3A_305 = arith.constant 0 : i32
      %swap3A_306 = arith.constant 9 : i32
      %swap3A_307 = arith.index_cast %swap3A_305 : i32 to index
      %swap3A_308 = arith.index_cast %swap3A_306 : i32 to index
      %swap3A_309 = arith.constant 0 : index
      %swap3A_310 = tpu.vector_load %arg13[%swap3A_307, %swap3A_308, %swap3A_309] {strides = array<i32>} : memref<2x32x32xf32, #tpu.memory_space<vmem>>, vector<16xf32>,
      tpu.vector_store %arg13[%swap3A_307, %swap3A_308, %swap3A_309], %mul3A_304 {strides = array<i32>} : memref<2x32x32xf32, #tpu.memory_space<vmem>>, vector<16xf32>,
      %mul3A_311 = arith.mulf %parallel_loop3A_241#10, %div3A_197 : vector<16xf32>
      %swap3A_312 = arith.constant 0 : i32
      %swap3A_313 = arith.constant 10 : i32
      %swap3A_314 = arith.index_cast %swap3A_312 : i32 to index
      %swap3A_315 = arith.index_cast %swap3A_313 : i32 to index
      %swap3A_316 = arith.constant 0 : index
      %swap3A_317 = tpu.vector_load %arg13[%swap3A_314, %swap3A_315, %swap3A_316] {strides = array<i32>} : memref<2x32x32xf32, #tpu.memory_space<vmem>>, vector<16xf32>,
      tpu.vector_store %arg13[%swap3A_314, %swap3A_315, %swap3A_316], %mul3A_311 {strides = array<i32>} : memref<2x32x32xf32, #tpu.memory_space<vmem>>, vector<16xf32>,
      %mul3A_318 = arith.mulf %parallel_loop3A_241#11, %div3A_197 : vector<16xf32>
      %swap3A_319 = arith.constant 0 : i32
      %swap3A_320 = arith.constant 11 : i32
      %swap3A_321 = arith.index_cast %swap3A_319 : i32 to index
      %swap3A_322 = arith.index_cast %swap3A_320 : i32 to index
      %swap3A_323 = arith.constant 0 : index
      %swap3A_324 = tpu.vector_load %arg13[%swap3A_321, %swap3A_322, %swap3A_323] {strides = array<i32>} : memref<2x32x32xf32, #tpu.memory_space<vmem>>, vector<16xf32>,
      tpu.vector_store %arg13[%swap3A_321, %swap3A_322, %swap3A_323], %mul3A_318 {strides = array<i32>} : memref<2x32x32xf32, #tpu.memory_space<vmem>>, vector<16xf32>,
      %mul3A_325 = arith.mulf %parallel_loop3A_241#12, %div3A_197 : vector<16xf32>
      %swap3A_326 = arith.constant 0 : i32
      %swap3A_327 = arith.constant 12 : i32
      %swap3A_328 = arith.index_cast %swap3A_326 : i32 to index
      %swap3A_329 = arith.index_cast %swap3A_327 : i32 to index
      %swap3A_330 = arith.constant 0 : index
      %swap3A_331 = tpu.vector_load %arg13[%swap3A_328, %swap3A_329, %swap3A_330] {strides = array<i32>} : memref<2x32x32xf32, #tpu.memory_space<vmem>>, vector<16xf32>,
      tpu.vector_store %arg13[%swap3A_328, %swap3A_329, %swap3A_330], %mul3A_325 {strides = array<i32>} : memref<2x32x32xf32, #tpu.memory_space<vmem>>, vector<16xf32>,
      %mul3A_332 = arith.mulf %parallel_loop3A_241#13, %div3A_197 : vector<16xf32>
      %swap3A_333 = arith.constant 0 : i32
      %swap3A_334 = arith.constant 13 : i32
      %swap3A_335 = arith.index_cast %swap3A_333 : i32 to index
      %swap3A_336 = arith.index_cast %swap3A_334 : i32 to index
      %swap3A_337 = arith.constant 0 : index
      %swap3A_338 = tpu.vector_load %arg13[%swap3A_335, %swap3A_336, %swap3A_337] {strides = array<i32>} : memref<2x32x32xf32, #tpu.memory_space<vmem>>, vector<16xf32>,
      tpu.vector_store %arg13[%swap3A_335, %swap3A_336, %swap3A_337], %mul3A_332 {strides = array<i32>} : memref<2x32x32xf32, #tpu.memory_space<vmem>>, vector<16xf32>,
      %mul3A_339 = arith.mulf %parallel_loop3A_241#14, %div3A_197 : vector<16xf32>
      %swap3A_340 = arith.constant 0 : i32
      %swap3A_341 = arith.constant 14 : i32
      %swap3A_342 = arith.index_cast %swap3A_340 : i32 to index
      %swap3A_343 = arith.index_cast %swap3A_341 : i32 to index
      %swap3A_344 = arith.constant 0 : index
      %swap3A_345 = tpu.vector_load %arg13[%swap3A_342, %swap3A_343, %swap3A_344] {strides = array<i32>} : memref<2x32x32xf32, #tpu.memory_space<vmem>>, vector<16xf32>,
      tpu.vector_store %arg13[%swap3A_342, %swap3A_343, %swap3A_344], %mul3A_339 {strides = array<i32>} : memref<2x32x32xf32, #tpu.memory_space<vmem>>, vector<16xf32>,
      %mul3A_346 = arith.mulf %parallel_loop3A_241#15, %div3A_197 : vector<16xf32>
      %swap3A_347 = arith.constant 0 : i32
      %swap3A_348 = arith.constant 15 : i32
      %swap3A_349 = arith.index_cast %swap3A_347 : i32 to index
      %swap3A_350 = arith.index_cast %swap3A_348 : i32 to index
      %swap3A_351 = arith.constant 0 : index
      %swap3A_352 = tpu.vector_load %arg13[%swap3A_349, %swap3A_350, %swap3A_351] {strides = array<i32>} : memref<2x32x32xf32, #tpu.memory_space<vmem>>, vector<16xf32>,
      tpu.vector_store %arg13[%swap3A_349, %swap3A_350, %swap3A_351], %mul3A_346 {strides = array<i32>} : memref<2x32x32xf32, #tpu.memory_space<vmem>>, vector<16xf32>,
      %broadcast_in_dim3A_353 = arith.constant 0.000000e+00 : f32
      %broadcast_in_dim3A_354 = vector.broadcast %broadcast_in_dim3A_353 : f32 to vector<16xf32>
      %broadcast_in_dim3A_355 = arith.constant 0.000000e+00 : f32
      %broadcast_in_dim3A_356 = vector.broadcast %broadcast_in_dim3A_355 : f32 to vector<16xf32>
      %broadcast_in_dim3A_357 = arith.constant 0.000000e+00 : f32
      %broadcast_in_dim3A_358 = vector.broadcast %broadcast_in_dim3A_357 : f32 to vector<16xf32>
      %broadcast_in_dim3A_359 = arith.constant 0.000000e+00 : f32
      %broadcast_in_dim3A_360 = vector.broadcast %broadcast_in_dim3A_359 : f32 to vector<16xf32>
      %broadcast_in_dim3A_361 = arith.constant 0.000000e+00 : f32
      %broadcast_in_dim3A_362 = vector.broadcast %broadcast_in_dim3A_361 : f32 to vector<16xf32>
      %broadcast_in_dim3A_363 = arith.constant 0.000000e+00 : f32
      %broadcast_in_dim3A_364 = vector.broadcast %broadcast_in_dim3A_363 : f32 to vector<16xf32>
      %broadcast_in_dim3A_365 = arith.constant 0.000000e+00 : f32
      %broadcast_in_dim3A_366 = vector.broadcast %broadcast_in_dim3A_365 : f32 to vector<16xf32>
      %broadcast_in_dim3A_367 = arith.constant 0.000000e+00 : f32
      %broadcast_in_dim3A_368 = vector.broadcast %broadcast_in_dim3A_367 : f32 to vector<16xf32>
      %broadcast_in_dim3A_369 = arith.constant 0.000000e+00 : f32
      %broadcast_in_dim3A_370 = vector.broadcast %broadcast_in_dim3A_369 : f32 to vector<16xf32>
      %broadcast_in_dim3A_371 = arith.constant 0.000000e+00 : f32
      %broadcast_in_dim3A_372 = vector.broadcast %broadcast_in_dim3A_371 : f32 to vector<16xf32>
      %broadcast_in_dim3A_373 = arith.constant 0.000000e+00 : f32
      %broadcast_in_dim3A_374 = vector.broadcast %broadcast_in_dim3A_373 : f32 to vector<16xf32>
      %broadcast_in_dim3A_375 = arith.constant 0.000000e+00 : f32
      %broadcast_in_dim3A_376 = vector.broadcast %broadcast_in_dim3A_375 : f32 to vector<16xf32>
      %broadcast_in_dim3A_377 = arith.constant 0.000000e+00 : f32
      %broadcast_in_dim3A_378 = vector.broadcast %broadcast_in_dim3A_377 : f32 to vector<16xf32>
      %broadcast_in_dim3A_379 = arith.constant 0.000000e+00 : f32
      %broadcast_in_dim3A_380 = vector.broadcast %broadcast_in_dim3A_379 : f32 to vector<16xf32>
      %broadcast_in_dim3A_381 = arith.constant 0.000000e+00 : f32
      %broadcast_in_dim3A_382 = vector.broadcast %broadcast_in_dim3A_381 : f32 to vector<16xf32>
      %broadcast_in_dim3A_383 = arith.constant 0.000000e+00 : f32
      %broadcast_in_dim3A_384 = vector.broadcast %broadcast_in_dim3A_383 : f32 to vector<16xf32>
      %parallel_loop3A_385 = arith.constant 0 : i32
      %parallel_loop3A_386 = arith.constant 20 : i32
      %parallel_loop3A_387 = arith.constant 1 : i32
      %parallel_loop3A_388:16 = scf.for %parallel_loop3A_1530 = %parallel_loop3A_385 to %parallel_loop3A_386 step %parallel_loop3A_387 iter_args(%parallel_loop3A_1531 = %broadcast_in_dim3A_354, %parallel_loop3A_1532 = %broadcast_in_dim3A_356, %parallel_loop3A_1533 = %broadcast_in_dim3A_358, %parallel_loop3A_1534 = %broadcast_in_dim3A_360, %parallel_loop3A_1535 = %broadcast_in_dim3A_362, %parallel_loop3A_1536 = %broadcast_in_dim3A_364, %parallel_loop3A_1537 = %broadcast_in_dim3A_366, %parallel_loop3A_1538 = %broadcast_in_dim3A_368, %parallel_loop3A_1539 = %broadcast_in_dim3A_370, %parallel_loop3A_1540 = %broadcast_in_dim3A_372, %parallel_loop3A_1541 = %broadcast_in_dim3A_374, %parallel_loop3A_1542 = %broadcast_in_dim3A_376, %parallel_loop3A_1543 = %broadcast_in_dim3A_378, %parallel_loop3A_1544 = %broadcast_in_dim3A_380, %parallel_loop3A_1545 = %broadcast_in_dim3A_382, %parallel_loop3A_1546 = %broadcast_in_dim3A_384) -> (vector<16xf32>, vector<16xf32>, vector<16xf32>, vector<16xf32>, vector<16xf32>, vector<16xf32>, vector<16xf32>, vector<16xf32>, vector<16xf32>, vector<16xf32>, vector<16xf32>, vector<16xf32>, vector<16xf32>, vector<16xf32>, vector<16xf32>, vector<16xf32>)  : i32 {
        %parallel_loop3A_1547 = arith.index_cast %parallel_loop3A_1530 : i32 to index
        %parallel_loop3A_1548 = arith.constant 16 : index
        %parallel_loop3A_1549 = tpu.vector_load %arg10[%parallel_loop3A_1547, %parallel_loop3A_1548] {strides = array<i32>} : memref<20x32xi32, #tpu.memory_space<vmem>>, vector<16xi32>,
        %parallel_loop3A_1550 = arith.index_cast %parallel_loop3A_1530 : i32 to index
        %parallel_loop3A_1551 = arith.constant 16 : index
        %parallel_loop3A_1552 = tpu.vector_load %arg11[%parallel_loop3A_1550, %parallel_loop3A_1551] {strides = array<i32>} : memref<20x32xf32, #tpu.memory_space<vmem>>, vector<16xf32>,
        %parallel_loop3A_1553 = arith.constant 0 : i32
        %parallel_loop3A_1554 = vector.broadcast %parallel_loop3A_1553 : i32 to vector<16xi32>
        %parallel_loop3A_1555 = tpu.vector_load_idx %arg7[%parallel_loop3A_1554, %parallel_loop3A_1549] : memref<32x2048xf32, #tpu.memory_space<vmem>>[vector<16xi32>, vector<16xi32>], vector<16xf32>,
        %parallel_loop3A_1556 = arith.mulf %parallel_loop3A_1552, %parallel_loop3A_1555 : vector<16xf32>
        %parallel_loop3A_1557 = arith.addf %parallel_loop3A_1531, %parallel_loop3A_1556 : vector<16xf32>
        %parallel_loop3A_1558 = arith.constant 1 : i32
        %parallel_loop3A_1559 = vector.broadcast %parallel_loop3A_1558 : i32 to vector<16xi32>
        %parallel_loop3A_1560 = tpu.vector_load_idx %arg7[%parallel_loop3A_1559, %parallel_loop3A_1549] : memref<32x2048xf32, #tpu.memory_space<vmem>>[vector<16xi32>, vector<16xi32>], vector<16xf32>,
        %parallel_loop3A_1561 = arith.mulf %parallel_loop3A_1552, %parallel_loop3A_1560 : vector<16xf32>
        %parallel_loop3A_1562 = arith.addf %parallel_loop3A_1532, %parallel_loop3A_1561 : vector<16xf32>
        %parallel_loop3A_1563 = arith.constant 2 : i32
        %parallel_loop3A_1564 = vector.broadcast %parallel_loop3A_1563 : i32 to vector<16xi32>
        %parallel_loop3A_1565 = tpu.vector_load_idx %arg7[%parallel_loop3A_1564, %parallel_loop3A_1549] : memref<32x2048xf32, #tpu.memory_space<vmem>>[vector<16xi32>, vector<16xi32>], vector<16xf32>,
        %parallel_loop3A_1566 = arith.mulf %parallel_loop3A_1552, %parallel_loop3A_1565 : vector<16xf32>
        %parallel_loop3A_1567 = arith.addf %parallel_loop3A_1533, %parallel_loop3A_1566 : vector<16xf32>
        %parallel_loop3A_1568 = arith.constant 3 : i32
        %parallel_loop3A_1569 = vector.broadcast %parallel_loop3A_1568 : i32 to vector<16xi32>
        %parallel_loop3A_1570 = tpu.vector_load_idx %arg7[%parallel_loop3A_1569, %parallel_loop3A_1549] : memref<32x2048xf32, #tpu.memory_space<vmem>>[vector<16xi32>, vector<16xi32>], vector<16xf32>,
        %parallel_loop3A_1571 = arith.mulf %parallel_loop3A_1552, %parallel_loop3A_1570 : vector<16xf32>
        %parallel_loop3A_1572 = arith.addf %parallel_loop3A_1534, %parallel_loop3A_1571 : vector<16xf32>
        %parallel_loop3A_1573 = arith.constant 4 : i32
        %parallel_loop3A_1574 = vector.broadcast %parallel_loop3A_1573 : i32 to vector<16xi32>
        %parallel_loop3A_1575 = tpu.vector_load_idx %arg7[%parallel_loop3A_1574, %parallel_loop3A_1549] : memref<32x2048xf32, #tpu.memory_space<vmem>>[vector<16xi32>, vector<16xi32>], vector<16xf32>,
        %parallel_loop3A_1576 = arith.mulf %parallel_loop3A_1552, %parallel_loop3A_1575 : vector<16xf32>
        %parallel_loop3A_1577 = arith.addf %parallel_loop3A_1535, %parallel_loop3A_1576 : vector<16xf32>
        %parallel_loop3A_1578 = arith.constant 5 : i32
        %parallel_loop3A_1579 = vector.broadcast %parallel_loop3A_1578 : i32 to vector<16xi32>
        %parallel_loop3A_1580 = tpu.vector_load_idx %arg7[%parallel_loop3A_1579, %parallel_loop3A_1549] : memref<32x2048xf32, #tpu.memory_space<vmem>>[vector<16xi32>, vector<16xi32>], vector<16xf32>,
        %parallel_loop3A_1581 = arith.mulf %parallel_loop3A_1552, %parallel_loop3A_1580 : vector<16xf32>
        %parallel_loop3A_1582 = arith.addf %parallel_loop3A_1536, %parallel_loop3A_1581 : vector<16xf32>
        %parallel_loop3A_1583 = arith.constant 6 : i32
        %parallel_loop3A_1584 = vector.broadcast %parallel_loop3A_1583 : i32 to vector<16xi32>
        %parallel_loop3A_1585 = tpu.vector_load_idx %arg7[%parallel_loop3A_1584, %parallel_loop3A_1549] : memref<32x2048xf32, #tpu.memory_space<vmem>>[vector<16xi32>, vector<16xi32>], vector<16xf32>,
        %parallel_loop3A_1586 = arith.mulf %parallel_loop3A_1552, %parallel_loop3A_1585 : vector<16xf32>
        %parallel_loop3A_1587 = arith.addf %parallel_loop3A_1537, %parallel_loop3A_1586 : vector<16xf32>
        %parallel_loop3A_1588 = arith.constant 7 : i32
        %parallel_loop3A_1589 = vector.broadcast %parallel_loop3A_1588 : i32 to vector<16xi32>
        %parallel_loop3A_1590 = tpu.vector_load_idx %arg7[%parallel_loop3A_1589, %parallel_loop3A_1549] : memref<32x2048xf32, #tpu.memory_space<vmem>>[vector<16xi32>, vector<16xi32>], vector<16xf32>,
        %parallel_loop3A_1591 = arith.mulf %parallel_loop3A_1552, %parallel_loop3A_1590 : vector<16xf32>
        %parallel_loop3A_1592 = arith.addf %parallel_loop3A_1538, %parallel_loop3A_1591 : vector<16xf32>
        %parallel_loop3A_1593 = arith.constant 8 : i32
        %parallel_loop3A_1594 = vector.broadcast %parallel_loop3A_1593 : i32 to vector<16xi32>
        %parallel_loop3A_1595 = tpu.vector_load_idx %arg7[%parallel_loop3A_1594, %parallel_loop3A_1549] : memref<32x2048xf32, #tpu.memory_space<vmem>>[vector<16xi32>, vector<16xi32>], vector<16xf32>,
        %parallel_loop3A_1596 = arith.mulf %parallel_loop3A_1552, %parallel_loop3A_1595 : vector<16xf32>
        %parallel_loop3A_1597 = arith.addf %parallel_loop3A_1539, %parallel_loop3A_1596 : vector<16xf32>
        %parallel_loop3A_1598 = arith.constant 9 : i32
        %parallel_loop3A_1599 = vector.broadcast %parallel_loop3A_1598 : i32 to vector<16xi32>
        %parallel_loop3A_1600 = tpu.vector_load_idx %arg7[%parallel_loop3A_1599, %parallel_loop3A_1549] : memref<32x2048xf32, #tpu.memory_space<vmem>>[vector<16xi32>, vector<16xi32>], vector<16xf32>,
        %parallel_loop3A_1601 = arith.mulf %parallel_loop3A_1552, %parallel_loop3A_1600 : vector<16xf32>
        %parallel_loop3A_1602 = arith.addf %parallel_loop3A_1540, %parallel_loop3A_1601 : vector<16xf32>
        %parallel_loop3A_1603 = arith.constant 10 : i32
        %parallel_loop3A_1604 = vector.broadcast %parallel_loop3A_1603 : i32 to vector<16xi32>
        %parallel_loop3A_1605 = tpu.vector_load_idx %arg7[%parallel_loop3A_1604, %parallel_loop3A_1549] : memref<32x2048xf32, #tpu.memory_space<vmem>>[vector<16xi32>, vector<16xi32>], vector<16xf32>,
        %parallel_loop3A_1606 = arith.mulf %parallel_loop3A_1552, %parallel_loop3A_1605 : vector<16xf32>
        %parallel_loop3A_1607 = arith.addf %parallel_loop3A_1541, %parallel_loop3A_1606 : vector<16xf32>
        %parallel_loop3A_1608 = arith.constant 11 : i32
        %parallel_loop3A_1609 = vector.broadcast %parallel_loop3A_1608 : i32 to vector<16xi32>
        %parallel_loop3A_1610 = tpu.vector_load_idx %arg7[%parallel_loop3A_1609, %parallel_loop3A_1549] : memref<32x2048xf32, #tpu.memory_space<vmem>>[vector<16xi32>, vector<16xi32>], vector<16xf32>,
        %parallel_loop3A_1611 = arith.mulf %parallel_loop3A_1552, %parallel_loop3A_1610 : vector<16xf32>
        %parallel_loop3A_1612 = arith.addf %parallel_loop3A_1542, %parallel_loop3A_1611 : vector<16xf32>
        %parallel_loop3A_1613 = arith.constant 12 : i32
        %parallel_loop3A_1614 = vector.broadcast %parallel_loop3A_1613 : i32 to vector<16xi32>
        %parallel_loop3A_1615 = tpu.vector_load_idx %arg7[%parallel_loop3A_1614, %parallel_loop3A_1549] : memref<32x2048xf32, #tpu.memory_space<vmem>>[vector<16xi32>, vector<16xi32>], vector<16xf32>,
        %parallel_loop3A_1616 = arith.mulf %parallel_loop3A_1552, %parallel_loop3A_1615 : vector<16xf32>
        %parallel_loop3A_1617 = arith.addf %parallel_loop3A_1543, %parallel_loop3A_1616 : vector<16xf32>
        %parallel_loop3A_1618 = arith.constant 13 : i32
        %parallel_loop3A_1619 = vector.broadcast %parallel_loop3A_1618 : i32 to vector<16xi32>
        %parallel_loop3A_1620 = tpu.vector_load_idx %arg7[%parallel_loop3A_1619, %parallel_loop3A_1549] : memref<32x2048xf32, #tpu.memory_space<vmem>>[vector<16xi32>, vector<16xi32>], vector<16xf32>,
        %parallel_loop3A_1621 = arith.mulf %parallel_loop3A_1552, %parallel_loop3A_1620 : vector<16xf32>
        %parallel_loop3A_1622 = arith.addf %parallel_loop3A_1544, %parallel_loop3A_1621 : vector<16xf32>
        %parallel_loop3A_1623 = arith.constant 14 : i32
        %parallel_loop3A_1624 = vector.broadcast %parallel_loop3A_1623 : i32 to vector<16xi32>
        %parallel_loop3A_1625 = tpu.vector_load_idx %arg7[%parallel_loop3A_1624, %parallel_loop3A_1549] : memref<32x2048xf32, #tpu.memory_space<vmem>>[vector<16xi32>, vector<16xi32>], vector<16xf32>,
        %parallel_loop3A_1626 = arith.mulf %parallel_loop3A_1552, %parallel_loop3A_1625 : vector<16xf32>
        %parallel_loop3A_1627 = arith.addf %parallel_loop3A_1545, %parallel_loop3A_1626 : vector<16xf32>
        %parallel_loop3A_1628 = arith.constant 15 : i32
        %parallel_loop3A_1629 = vector.broadcast %parallel_loop3A_1628 : i32 to vector<16xi32>
        %parallel_loop3A_1630 = tpu.vector_load_idx %arg7[%parallel_loop3A_1629, %parallel_loop3A_1549] : memref<32x2048xf32, #tpu.memory_space<vmem>>[vector<16xi32>, vector<16xi32>], vector<16xf32>,
        %parallel_loop3A_1631 = arith.mulf %parallel_loop3A_1552, %parallel_loop3A_1630 : vector<16xf32>
        %parallel_loop3A_1632 = arith.addf %parallel_loop3A_1546, %parallel_loop3A_1631 : vector<16xf32>
        scf.yield %parallel_loop3A_1557, %parallel_loop3A_1562, %parallel_loop3A_1567, %parallel_loop3A_1572, %parallel_loop3A_1577, %parallel_loop3A_1582, %parallel_loop3A_1587, %parallel_loop3A_1592, %parallel_loop3A_1597, %parallel_loop3A_1602, %parallel_loop3A_1607, %parallel_loop3A_1612, %parallel_loop3A_1617, %parallel_loop3A_1622, %parallel_loop3A_1627, %parallel_loop3A_1632 : vector<16xf32>, vector<16xf32>, vector<16xf32>, vector<16xf32>, vector<16xf32>, vector<16xf32>, vector<16xf32>, vector<16xf32>, vector<16xf32>, vector<16xf32>, vector<16xf32>, vector<16xf32>, vector<16xf32>, vector<16xf32>, vector<16xf32>, vector<16xf32>
      } {sc.loop_unroll_factor = 2 : i64, sc.parallel_access}
      %mul3A_389 = arith.mulf %parallel_loop3A_388#0, %div3A_200 : vector<16xf32>
      %swap3A_390 = arith.constant 0 : i32
      %swap3A_391 = arith.constant 0 : i32
      %swap3A_392 = arith.index_cast %swap3A_390 : i32 to index
      %swap3A_393 = arith.index_cast %swap3A_391 : i32 to index
      %swap3A_394 = arith.constant 16 : index
      %swap3A_395 = tpu.vector_load %arg13[%swap3A_392, %swap3A_393, %swap3A_394] {strides = array<i32>} : memref<2x32x32xf32, #tpu.memory_space<vmem>>, vector<16xf32>,
      tpu.vector_store %arg13[%swap3A_392, %swap3A_393, %swap3A_394], %mul3A_389 {strides = array<i32>} : memref<2x32x32xf32, #tpu.memory_space<vmem>>, vector<16xf32>,
      %mul3A_396 = arith.mulf %parallel_loop3A_388#1, %div3A_200 : vector<16xf32>
      %swap3A_397 = arith.constant 0 : i32
      %swap3A_398 = arith.constant 1 : i32
      %swap3A_399 = arith.index_cast %swap3A_397 : i32 to index
      %swap3A_400 = arith.index_cast %swap3A_398 : i32 to index
      %swap3A_401 = arith.constant 16 : index
      %swap3A_402 = tpu.vector_load %arg13[%swap3A_399, %swap3A_400, %swap3A_401] {strides = array<i32>} : memref<2x32x32xf32, #tpu.memory_space<vmem>>, vector<16xf32>,
      tpu.vector_store %arg13[%swap3A_399, %swap3A_400, %swap3A_401], %mul3A_396 {strides = array<i32>} : memref<2x32x32xf32, #tpu.memory_space<vmem>>, vector<16xf32>,
      %mul3A_403 = arith.mulf %parallel_loop3A_388#2, %div3A_200 : vector<16xf32>
      %swap3A_404 = arith.constant 0 : i32
      %swap3A_405 = arith.constant 2 : i32
      %swap3A_406 = arith.index_cast %swap3A_404 : i32 to index
      %swap3A_407 = arith.index_cast %swap3A_405 : i32 to index
      %swap3A_408 = arith.constant 16 : index
      %swap3A_409 = tpu.vector_load %arg13[%swap3A_406, %swap3A_407, %swap3A_408] {strides = array<i32>} : memref<2x32x32xf32, #tpu.memory_space<vmem>>, vector<16xf32>,
      tpu.vector_store %arg13[%swap3A_406, %swap3A_407, %swap3A_408], %mul3A_403 {strides = array<i32>} : memref<2x32x32xf32, #tpu.memory_space<vmem>>, vector<16xf32>,
      %mul3A_410 = arith.mulf %parallel_loop3A_388#3, %div3A_200 : vector<16xf32>
      %swap3A_411 = arith.constant 0 : i32
      %swap3A_412 = arith.constant 3 : i32
      %swap3A_413 = arith.index_cast %swap3A_411 : i32 to index
      %swap3A_414 = arith.index_cast %swap3A_412 : i32 to index
      %swap3A_415 = arith.constant 16 : index
      %swap3A_416 = tpu.vector_load %arg13[%swap3A_413, %swap3A_414, %swap3A_415] {strides = array<i32>} : memref<2x32x32xf32, #tpu.memory_space<vmem>>, vector<16xf32>,
      tpu.vector_store %arg13[%swap3A_413, %swap3A_414, %swap3A_415], %mul3A_410 {strides = array<i32>} : memref<2x32x32xf32, #tpu.memory_space<vmem>>, vector<16xf32>,
      %mul3A_417 = arith.mulf %parallel_loop3A_388#4, %div3A_200 : vector<16xf32>
      %swap3A_418 = arith.constant 0 : i32
      %swap3A_419 = arith.constant 4 : i32
      %swap3A_420 = arith.index_cast %swap3A_418 : i32 to index
      %swap3A_421 = arith.index_cast %swap3A_419 : i32 to index
      %swap3A_422 = arith.constant 16 : index
      %swap3A_423 = tpu.vector_load %arg13[%swap3A_420, %swap3A_421, %swap3A_422] {strides = array<i32>} : memref<2x32x32xf32, #tpu.memory_space<vmem>>, vector<16xf32>,
      tpu.vector_store %arg13[%swap3A_420, %swap3A_421, %swap3A_422], %mul3A_417 {strides = array<i32>} : memref<2x32x32xf32, #tpu.memory_space<vmem>>, vector<16xf32>,
      %mul3A_424 = arith.mulf %parallel_loop3A_388#5, %div3A_200 : vector<16xf32>
      %swap3A_425 = arith.constant 0 : i32
      %swap3A_426 = arith.constant 5 : i32
      %swap3A_427 = arith.index_cast %swap3A_425 : i32 to index
      %swap3A_428 = arith.index_cast %swap3A_426 : i32 to index
      %swap3A_429 = arith.constant 16 : index
      %swap3A_430 = tpu.vector_load %arg13[%swap3A_427, %swap3A_428, %swap3A_429] {strides = array<i32>} : memref<2x32x32xf32, #tpu.memory_space<vmem>>, vector<16xf32>,
      tpu.vector_store %arg13[%swap3A_427, %swap3A_428, %swap3A_429], %mul3A_424 {strides = array<i32>} : memref<2x32x32xf32, #tpu.memory_space<vmem>>, vector<16xf32>,
      %mul3A_431 = arith.mulf %parallel_loop3A_388#6, %div3A_200 : vector<16xf32>
      %swap3A_432 = arith.constant 0 : i32
      %swap3A_433 = arith.constant 6 : i32
      %swap3A_434 = arith.index_cast %swap3A_432 : i32 to index
      %swap3A_435 = arith.index_cast %swap3A_433 : i32 to index
      %swap3A_436 = arith.constant 16 : index
      %swap3A_437 = tpu.vector_load %arg13[%swap3A_434, %swap3A_435, %swap3A_436] {strides = array<i32>} : memref<2x32x32xf32, #tpu.memory_space<vmem>>, vector<16xf32>,
      tpu.vector_store %arg13[%swap3A_434, %swap3A_435, %swap3A_436], %mul3A_431 {strides = array<i32>} : memref<2x32x32xf32, #tpu.memory_space<vmem>>, vector<16xf32>,
      %mul3A_438 = arith.mulf %parallel_loop3A_388#7, %div3A_200 : vector<16xf32>
      %swap3A_439 = arith.constant 0 : i32
      %swap3A_440 = arith.constant 7 : i32
      %swap3A_441 = arith.index_cast %swap3A_439 : i32 to index
      %swap3A_442 = arith.index_cast %swap3A_440 : i32 to index
      %swap3A_443 = arith.constant 16 : index
      %swap3A_444 = tpu.vector_load %arg13[%swap3A_441, %swap3A_442, %swap3A_443] {strides = array<i32>} : memref<2x32x32xf32, #tpu.memory_space<vmem>>, vector<16xf32>,
      tpu.vector_store %arg13[%swap3A_441, %swap3A_442, %swap3A_443], %mul3A_438 {strides = array<i32>} : memref<2x32x32xf32, #tpu.memory_space<vmem>>, vector<16xf32>,
      %mul3A_445 = arith.mulf %parallel_loop3A_388#8, %div3A_200 : vector<16xf32>
      %swap3A_446 = arith.constant 0 : i32
      %swap3A_447 = arith.constant 8 : i32
      %swap3A_448 = arith.index_cast %swap3A_446 : i32 to index
      %swap3A_449 = arith.index_cast %swap3A_447 : i32 to index
      %swap3A_450 = arith.constant 16 : index
      %swap3A_451 = tpu.vector_load %arg13[%swap3A_448, %swap3A_449, %swap3A_450] {strides = array<i32>} : memref<2x32x32xf32, #tpu.memory_space<vmem>>, vector<16xf32>,
      tpu.vector_store %arg13[%swap3A_448, %swap3A_449, %swap3A_450], %mul3A_445 {strides = array<i32>} : memref<2x32x32xf32, #tpu.memory_space<vmem>>, vector<16xf32>,
      %mul3A_452 = arith.mulf %parallel_loop3A_388#9, %div3A_200 : vector<16xf32>
      %swap3A_453 = arith.constant 0 : i32
      %swap3A_454 = arith.constant 9 : i32
      %swap3A_455 = arith.index_cast %swap3A_453 : i32 to index
      %swap3A_456 = arith.index_cast %swap3A_454 : i32 to index
      %swap3A_457 = arith.constant 16 : index
      %swap3A_458 = tpu.vector_load %arg13[%swap3A_455, %swap3A_456, %swap3A_457] {strides = array<i32>} : memref<2x32x32xf32, #tpu.memory_space<vmem>>, vector<16xf32>,
      tpu.vector_store %arg13[%swap3A_455, %swap3A_456, %swap3A_457], %mul3A_452 {strides = array<i32>} : memref<2x32x32xf32, #tpu.memory_space<vmem>>, vector<16xf32>,
      %mul3A_459 = arith.mulf %parallel_loop3A_388#10, %div3A_200 : vector<16xf32>
      %swap3A_460 = arith.constant 0 : i32
      %swap3A_461 = arith.constant 10 : i32
      %swap3A_462 = arith.index_cast %swap3A_460 : i32 to index
      %swap3A_463 = arith.index_cast %swap3A_461 : i32 to index
      %swap3A_464 = arith.constant 16 : index
      %swap3A_465 = tpu.vector_load %arg13[%swap3A_462, %swap3A_463, %swap3A_464] {strides = array<i32>} : memref<2x32x32xf32, #tpu.memory_space<vmem>>, vector<16xf32>,
      tpu.vector_store %arg13[%swap3A_462, %swap3A_463, %swap3A_464], %mul3A_459 {strides = array<i32>} : memref<2x32x32xf32, #tpu.memory_space<vmem>>, vector<16xf32>,
      %mul3A_466 = arith.mulf %parallel_loop3A_388#11, %div3A_200 : vector<16xf32>
      %swap3A_467 = arith.constant 0 : i32
      %swap3A_468 = arith.constant 11 : i32
      %swap3A_469 = arith.index_cast %swap3A_467 : i32 to index
      %swap3A_470 = arith.index_cast %swap3A_468 : i32 to index
      %swap3A_471 = arith.constant 16 : index
      %swap3A_472 = tpu.vector_load %arg13[%swap3A_469, %swap3A_470, %swap3A_471] {strides = array<i32>} : memref<2x32x32xf32, #tpu.memory_space<vmem>>, vector<16xf32>,
      tpu.vector_store %arg13[%swap3A_469, %swap3A_470, %swap3A_471], %mul3A_466 {strides = array<i32>} : memref<2x32x32xf32, #tpu.memory_space<vmem>>, vector<16xf32>,
      %mul3A_473 = arith.mulf %parallel_loop3A_388#12, %div3A_200 : vector<16xf32>
      %swap3A_474 = arith.constant 0 : i32
      %swap3A_475 = arith.constant 12 : i32
      %swap3A_476 = arith.index_cast %swap3A_474 : i32 to index
      %swap3A_477 = arith.index_cast %swap3A_475 : i32 to index
      %swap3A_478 = arith.constant 16 : index
      %swap3A_479 = tpu.vector_load %arg13[%swap3A_476, %swap3A_477, %swap3A_478] {strides = array<i32>} : memref<2x32x32xf32, #tpu.memory_space<vmem>>, vector<16xf32>,
      tpu.vector_store %arg13[%swap3A_476, %swap3A_477, %swap3A_478], %mul3A_473 {strides = array<i32>} : memref<2x32x32xf32, #tpu.memory_space<vmem>>, vector<16xf32>,
      %mul3A_480 = arith.mulf %parallel_loop3A_388#13, %div3A_200 : vector<16xf32>
      %swap3A_481 = arith.constant 0 : i32
      %swap3A_482 = arith.constant 13 : i32
      %swap3A_483 = arith.index_cast %swap3A_481 : i32 to index
      %swap3A_484 = arith.index_cast %swap3A_482 : i32 to index
      %swap3A_485 = arith.constant 16 : index
      %swap3A_486 = tpu.vector_load %arg13[%swap3A_483, %swap3A_484, %swap3A_485] {strides = array<i32>} : memref<2x32x32xf32, #tpu.memory_space<vmem>>, vector<16xf32>,
      tpu.vector_store %arg13[%swap3A_483, %swap3A_484, %swap3A_485], %mul3A_480 {strides = array<i32>} : memref<2x32x32xf32, #tpu.memory_space<vmem>>, vector<16xf32>,
      %mul3A_487 = arith.mulf %parallel_loop3A_388#14, %div3A_200 : vector<16xf32>
      %swap3A_488 = arith.constant 0 : i32
      %swap3A_489 = arith.constant 14 : i32
      %swap3A_490 = arith.index_cast %swap3A_488 : i32 to index
      %swap3A_491 = arith.index_cast %swap3A_489 : i32 to index
      %swap3A_492 = arith.constant 16 : index
      %swap3A_493 = tpu.vector_load %arg13[%swap3A_490, %swap3A_491, %swap3A_492] {strides = array<i32>} : memref<2x32x32xf32, #tpu.memory_space<vmem>>, vector<16xf32>,
      tpu.vector_store %arg13[%swap3A_490, %swap3A_491, %swap3A_492], %mul3A_487 {strides = array<i32>} : memref<2x32x32xf32, #tpu.memory_space<vmem>>, vector<16xf32>,
      %mul3A_494 = arith.mulf %parallel_loop3A_388#15, %div3A_200 : vector<16xf32>
      %swap3A_495 = arith.constant 0 : i32
      %swap3A_496 = arith.constant 15 : i32
      %swap3A_497 = arith.index_cast %swap3A_495 : i32 to index
      %swap3A_498 = arith.index_cast %swap3A_496 : i32 to index
      %swap3A_499 = arith.constant 16 : index
      %swap3A_500 = tpu.vector_load %arg13[%swap3A_497, %swap3A_498, %swap3A_499] {strides = array<i32>} : memref<2x32x32xf32, #tpu.memory_space<vmem>>, vector<16xf32>,
      tpu.vector_store %arg13[%swap3A_497, %swap3A_498, %swap3A_499], %mul3A_494 {strides = array<i32>} : memref<2x32x32xf32, #tpu.memory_space<vmem>>, vector<16xf32>,
      %broadcast_in_dim3A_501 = arith.constant 0.000000e+00 : f32
      %broadcast_in_dim3A_502 = vector.broadcast %broadcast_in_dim3A_501 : f32 to vector<16xf32>
      %broadcast_in_dim3A_503 = arith.constant 0.000000e+00 : f32
      %broadcast_in_dim3A_504 = vector.broadcast %broadcast_in_dim3A_503 : f32 to vector<16xf32>
      %broadcast_in_dim3A_505 = arith.constant 0.000000e+00 : f32
      %broadcast_in_dim3A_506 = vector.broadcast %broadcast_in_dim3A_505 : f32 to vector<16xf32>
      %broadcast_in_dim3A_507 = arith.constant 0.000000e+00 : f32
      %broadcast_in_dim3A_508 = vector.broadcast %broadcast_in_dim3A_507 : f32 to vector<16xf32>
      %broadcast_in_dim3A_509 = arith.constant 0.000000e+00 : f32
      %broadcast_in_dim3A_510 = vector.broadcast %broadcast_in_dim3A_509 : f32 to vector<16xf32>
      %broadcast_in_dim3A_511 = arith.constant 0.000000e+00 : f32
      %broadcast_in_dim3A_512 = vector.broadcast %broadcast_in_dim3A_511 : f32 to vector<16xf32>
      %broadcast_in_dim3A_513 = arith.constant 0.000000e+00 : f32
      %broadcast_in_dim3A_514 = vector.broadcast %broadcast_in_dim3A_513 : f32 to vector<16xf32>
      %broadcast_in_dim3A_515 = arith.constant 0.000000e+00 : f32
      %broadcast_in_dim3A_516 = vector.broadcast %broadcast_in_dim3A_515 : f32 to vector<16xf32>
      %broadcast_in_dim3A_517 = arith.constant 0.000000e+00 : f32
      %broadcast_in_dim3A_518 = vector.broadcast %broadcast_in_dim3A_517 : f32 to vector<16xf32>
      %broadcast_in_dim3A_519 = arith.constant 0.000000e+00 : f32
      %broadcast_in_dim3A_520 = vector.broadcast %broadcast_in_dim3A_519 : f32 to vector<16xf32>
      %broadcast_in_dim3A_521 = arith.constant 0.000000e+00 : f32
      %broadcast_in_dim3A_522 = vector.broadcast %broadcast_in_dim3A_521 : f32 to vector<16xf32>
      %broadcast_in_dim3A_523 = arith.constant 0.000000e+00 : f32
      %broadcast_in_dim3A_524 = vector.broadcast %broadcast_in_dim3A_523 : f32 to vector<16xf32>
      %broadcast_in_dim3A_525 = arith.constant 0.000000e+00 : f32
      %broadcast_in_dim3A_526 = vector.broadcast %broadcast_in_dim3A_525 : f32 to vector<16xf32>
      %broadcast_in_dim3A_527 = arith.constant 0.000000e+00 : f32
      %broadcast_in_dim3A_528 = vector.broadcast %broadcast_in_dim3A_527 : f32 to vector<16xf32>
      %broadcast_in_dim3A_529 = arith.constant 0.000000e+00 : f32
      %broadcast_in_dim3A_530 = vector.broadcast %broadcast_in_dim3A_529 : f32 to vector<16xf32>
      %broadcast_in_dim3A_531 = arith.constant 0.000000e+00 : f32
      %broadcast_in_dim3A_532 = vector.broadcast %broadcast_in_dim3A_531 : f32 to vector<16xf32>
      %parallel_loop3A_533 = arith.constant 0 : i32
      %parallel_loop3A_534 = arith.constant 20 : i32
      %parallel_loop3A_535 = arith.constant 1 : i32
      %parallel_loop3A_536:16 = scf.for %parallel_loop3A_1530 = %parallel_loop3A_533 to %parallel_loop3A_534 step %parallel_loop3A_535 iter_args(%parallel_loop3A_1531 = %broadcast_in_dim3A_502, %parallel_loop3A_1532 = %broadcast_in_dim3A_504, %parallel_loop3A_1533 = %broadcast_in_dim3A_506, %parallel_loop3A_1534 = %broadcast_in_dim3A_508, %parallel_loop3A_1535 = %broadcast_in_dim3A_510, %parallel_loop3A_1536 = %broadcast_in_dim3A_512, %parallel_loop3A_1537 = %broadcast_in_dim3A_514, %parallel_loop3A_1538 = %broadcast_in_dim3A_516, %parallel_loop3A_1539 = %broadcast_in_dim3A_518, %parallel_loop3A_1540 = %broadcast_in_dim3A_520, %parallel_loop3A_1541 = %broadcast_in_dim3A_522, %parallel_loop3A_1542 = %broadcast_in_dim3A_524, %parallel_loop3A_1543 = %broadcast_in_dim3A_526, %parallel_loop3A_1544 = %broadcast_in_dim3A_528, %parallel_loop3A_1545 = %broadcast_in_dim3A_530, %parallel_loop3A_1546 = %broadcast_in_dim3A_532) -> (vector<16xf32>, vector<16xf32>, vector<16xf32>, vector<16xf32>, vector<16xf32>, vector<16xf32>, vector<16xf32>, vector<16xf32>, vector<16xf32>, vector<16xf32>, vector<16xf32>, vector<16xf32>, vector<16xf32>, vector<16xf32>, vector<16xf32>, vector<16xf32>)  : i32 {
        %parallel_loop3A_1547 = arith.index_cast %parallel_loop3A_1530 : i32 to index
        %parallel_loop3A_1548 = arith.constant 0 : index
        %parallel_loop3A_1549 = tpu.vector_load %arg10[%parallel_loop3A_1547, %parallel_loop3A_1548] {strides = array<i32>} : memref<20x32xi32, #tpu.memory_space<vmem>>, vector<16xi32>,
        %parallel_loop3A_1550 = arith.index_cast %parallel_loop3A_1530 : i32 to index
        %parallel_loop3A_1551 = arith.constant 0 : index
        %parallel_loop3A_1552 = tpu.vector_load %arg11[%parallel_loop3A_1550, %parallel_loop3A_1551] {strides = array<i32>} : memref<20x32xf32, #tpu.memory_space<vmem>>, vector<16xf32>,
        %parallel_loop3A_1553 = arith.constant 16 : i32
        %parallel_loop3A_1554 = vector.broadcast %parallel_loop3A_1553 : i32 to vector<16xi32>
        %parallel_loop3A_1555 = tpu.vector_load_idx %arg7[%parallel_loop3A_1554, %parallel_loop3A_1549] : memref<32x2048xf32, #tpu.memory_space<vmem>>[vector<16xi32>, vector<16xi32>], vector<16xf32>,
        %parallel_loop3A_1556 = arith.mulf %parallel_loop3A_1552, %parallel_loop3A_1555 : vector<16xf32>
        %parallel_loop3A_1557 = arith.addf %parallel_loop3A_1531, %parallel_loop3A_1556 : vector<16xf32>
        %parallel_loop3A_1558 = arith.constant 17 : i32
        %parallel_loop3A_1559 = vector.broadcast %parallel_loop3A_1558 : i32 to vector<16xi32>
        %parallel_loop3A_1560 = tpu.vector_load_idx %arg7[%parallel_loop3A_1559, %parallel_loop3A_1549] : memref<32x2048xf32, #tpu.memory_space<vmem>>[vector<16xi32>, vector<16xi32>], vector<16xf32>,
        %parallel_loop3A_1561 = arith.mulf %parallel_loop3A_1552, %parallel_loop3A_1560 : vector<16xf32>
        %parallel_loop3A_1562 = arith.addf %parallel_loop3A_1532, %parallel_loop3A_1561 : vector<16xf32>
        %parallel_loop3A_1563 = arith.constant 18 : i32
        %parallel_loop3A_1564 = vector.broadcast %parallel_loop3A_1563 : i32 to vector<16xi32>
        %parallel_loop3A_1565 = tpu.vector_load_idx %arg7[%parallel_loop3A_1564, %parallel_loop3A_1549] : memref<32x2048xf32, #tpu.memory_space<vmem>>[vector<16xi32>, vector<16xi32>], vector<16xf32>,
        %parallel_loop3A_1566 = arith.mulf %parallel_loop3A_1552, %parallel_loop3A_1565 : vector<16xf32>
        %parallel_loop3A_1567 = arith.addf %parallel_loop3A_1533, %parallel_loop3A_1566 : vector<16xf32>
        %parallel_loop3A_1568 = arith.constant 19 : i32
        %parallel_loop3A_1569 = vector.broadcast %parallel_loop3A_1568 : i32 to vector<16xi32>
        %parallel_loop3A_1570 = tpu.vector_load_idx %arg7[%parallel_loop3A_1569, %parallel_loop3A_1549] : memref<32x2048xf32, #tpu.memory_space<vmem>>[vector<16xi32>, vector<16xi32>], vector<16xf32>,
        %parallel_loop3A_1571 = arith.mulf %parallel_loop3A_1552, %parallel_loop3A_1570 : vector<16xf32>
        %parallel_loop3A_1572 = arith.addf %parallel_loop3A_1534, %parallel_loop3A_1571 : vector<16xf32>
        %parallel_loop3A_1573 = arith.constant 20 : i32
        %parallel_loop3A_1574 = vector.broadcast %parallel_loop3A_1573 : i32 to vector<16xi32>
        %parallel_loop3A_1575 = tpu.vector_load_idx %arg7[%parallel_loop3A_1574, %parallel_loop3A_1549] : memref<32x2048xf32, #tpu.memory_space<vmem>>[vector<16xi32>, vector<16xi32>], vector<16xf32>,
        %parallel_loop3A_1576 = arith.mulf %parallel_loop3A_1552, %parallel_loop3A_1575 : vector<16xf32>
        %parallel_loop3A_1577 = arith.addf %parallel_loop3A_1535, %parallel_loop3A_1576 : vector<16xf32>
        %parallel_loop3A_1578 = arith.constant 21 : i32
        %parallel_loop3A_1579 = vector.broadcast %parallel_loop3A_1578 : i32 to vector<16xi32>
        %parallel_loop3A_1580 = tpu.vector_load_idx %arg7[%parallel_loop3A_1579, %parallel_loop3A_1549] : memref<32x2048xf32, #tpu.memory_space<vmem>>[vector<16xi32>, vector<16xi32>], vector<16xf32>,
        %parallel_loop3A_1581 = arith.mulf %parallel_loop3A_1552, %parallel_loop3A_1580 : vector<16xf32>
        %parallel_loop3A_1582 = arith.addf %parallel_loop3A_1536, %parallel_loop3A_1581 : vector<16xf32>
        %parallel_loop3A_1583 = arith.constant 22 : i32
        %parallel_loop3A_1584 = vector.broadcast %parallel_loop3A_1583 : i32 to vector<16xi32>
        %parallel_loop3A_1585 = tpu.vector_load_idx %arg7[%parallel_loop3A_1584, %parallel_loop3A_1549] : memref<32x2048xf32, #tpu.memory_space<vmem>>[vector<16xi32>, vector<16xi32>], vector<16xf32>,
        %parallel_loop3A_1586 = arith.mulf %parallel_loop3A_1552, %parallel_loop3A_1585 : vector<16xf32>
        %parallel_loop3A_1587 = arith.addf %parallel_loop3A_1537, %parallel_loop3A_1586 : vector<16xf32>
        %parallel_loop3A_1588 = arith.constant 23 : i32
        %parallel_loop3A_1589 = vector.broadcast %parallel_loop3A_1588 : i32 to vector<16xi32>
        %parallel_loop3A_1590 = tpu.vector_load_idx %arg7[%parallel_loop3A_1589, %parallel_loop3A_1549] : memref<32x2048xf32, #tpu.memory_space<vmem>>[vector<16xi32>, vector<16xi32>], vector<16xf32>,
        %parallel_loop3A_1591 = arith.mulf %parallel_loop3A_1552, %parallel_loop3A_1590 : vector<16xf32>
        %parallel_loop3A_1592 = arith.addf %parallel_loop3A_1538, %parallel_loop3A_1591 : vector<16xf32>
        %parallel_loop3A_1593 = arith.constant 24 : i32
        %parallel_loop3A_1594 = vector.broadcast %parallel_loop3A_1593 : i32 to vector<16xi32>
        %parallel_loop3A_1595 = tpu.vector_load_idx %arg7[%parallel_loop3A_1594, %parallel_loop3A_1549] : memref<32x2048xf32, #tpu.memory_space<vmem>>[vector<16xi32>, vector<16xi32>], vector<16xf32>,
        %parallel_loop3A_1596 = arith.mulf %parallel_loop3A_1552, %parallel_loop3A_1595 : vector<16xf32>
        %parallel_loop3A_1597 = arith.addf %parallel_loop3A_1539, %parallel_loop3A_1596 : vector<16xf32>
        %parallel_loop3A_1598 = arith.constant 25 : i32
        %parallel_loop3A_1599 = vector.broadcast %parallel_loop3A_1598 : i32 to vector<16xi32>
        %parallel_loop3A_1600 = tpu.vector_load_idx %arg7[%parallel_loop3A_1599, %parallel_loop3A_1549] : memref<32x2048xf32, #tpu.memory_space<vmem>>[vector<16xi32>, vector<16xi32>], vector<16xf32>,
        %parallel_loop3A_1601 = arith.mulf %parallel_loop3A_1552, %parallel_loop3A_1600 : vector<16xf32>
        %parallel_loop3A_1602 = arith.addf %parallel_loop3A_1540, %parallel_loop3A_1601 : vector<16xf32>
        %parallel_loop3A_1603 = arith.constant 26 : i32
        %parallel_loop3A_1604 = vector.broadcast %parallel_loop3A_1603 : i32 to vector<16xi32>
        %parallel_loop3A_1605 = tpu.vector_load_idx %arg7[%parallel_loop3A_1604, %parallel_loop3A_1549] : memref<32x2048xf32, #tpu.memory_space<vmem>>[vector<16xi32>, vector<16xi32>], vector<16xf32>,
        %parallel_loop3A_1606 = arith.mulf %parallel_loop3A_1552, %parallel_loop3A_1605 : vector<16xf32>
        %parallel_loop3A_1607 = arith.addf %parallel_loop3A_1541, %parallel_loop3A_1606 : vector<16xf32>
        %parallel_loop3A_1608 = arith.constant 27 : i32
        %parallel_loop3A_1609 = vector.broadcast %parallel_loop3A_1608 : i32 to vector<16xi32>
        %parallel_loop3A_1610 = tpu.vector_load_idx %arg7[%parallel_loop3A_1609, %parallel_loop3A_1549] : memref<32x2048xf32, #tpu.memory_space<vmem>>[vector<16xi32>, vector<16xi32>], vector<16xf32>,
        %parallel_loop3A_1611 = arith.mulf %parallel_loop3A_1552, %parallel_loop3A_1610 : vector<16xf32>
        %parallel_loop3A_1612 = arith.addf %parallel_loop3A_1542, %parallel_loop3A_1611 : vector<16xf32>
        %parallel_loop3A_1613 = arith.constant 28 : i32
        %parallel_loop3A_1614 = vector.broadcast %parallel_loop3A_1613 : i32 to vector<16xi32>
        %parallel_loop3A_1615 = tpu.vector_load_idx %arg7[%parallel_loop3A_1614, %parallel_loop3A_1549] : memref<32x2048xf32, #tpu.memory_space<vmem>>[vector<16xi32>, vector<16xi32>], vector<16xf32>,
        %parallel_loop3A_1616 = arith.mulf %parallel_loop3A_1552, %parallel_loop3A_1615 : vector<16xf32>
        %parallel_loop3A_1617 = arith.addf %parallel_loop3A_1543, %parallel_loop3A_1616 : vector<16xf32>
        %parallel_loop3A_1618 = arith.constant 29 : i32
        %parallel_loop3A_1619 = vector.broadcast %parallel_loop3A_1618 : i32 to vector<16xi32>
        %parallel_loop3A_1620 = tpu.vector_load_idx %arg7[%parallel_loop3A_1619, %parallel_loop3A_1549] : memref<32x2048xf32, #tpu.memory_space<vmem>>[vector<16xi32>, vector<16xi32>], vector<16xf32>,
        %parallel_loop3A_1621 = arith.mulf %parallel_loop3A_1552, %parallel_loop3A_1620 : vector<16xf32>
        %parallel_loop3A_1622 = arith.addf %parallel_loop3A_1544, %parallel_loop3A_1621 : vector<16xf32>
        %parallel_loop3A_1623 = arith.constant 30 : i32
        %parallel_loop3A_1624 = vector.broadcast %parallel_loop3A_1623 : i32 to vector<16xi32>
        %parallel_loop3A_1625 = tpu.vector_load_idx %arg7[%parallel_loop3A_1624, %parallel_loop3A_1549] : memref<32x2048xf32, #tpu.memory_space<vmem>>[vector<16xi32>, vector<16xi32>], vector<16xf32>,
        %parallel_loop3A_1626 = arith.mulf %parallel_loop3A_1552, %parallel_loop3A_1625 : vector<16xf32>
        %parallel_loop3A_1627 = arith.addf %parallel_loop3A_1545, %parallel_loop3A_1626 : vector<16xf32>
        %parallel_loop3A_1628 = arith.constant 31 : i32
        %parallel_loop3A_1629 = vector.broadcast %parallel_loop3A_1628 : i32 to vector<16xi32>
        %parallel_loop3A_1630 = tpu.vector_load_idx %arg7[%parallel_loop3A_1629, %parallel_loop3A_1549] : memref<32x2048xf32, #tpu.memory_space<vmem>>[vector<16xi32>, vector<16xi32>], vector<16xf32>,
        %parallel_loop3A_1631 = arith.mulf %parallel_loop3A_1552, %parallel_loop3A_1630 : vector<16xf32>
        %parallel_loop3A_1632 = arith.addf %parallel_loop3A_1546, %parallel_loop3A_1631 : vector<16xf32>
        scf.yield %parallel_loop3A_1557, %parallel_loop3A_1562, %parallel_loop3A_1567, %parallel_loop3A_1572, %parallel_loop3A_1577, %parallel_loop3A_1582, %parallel_loop3A_1587, %parallel_loop3A_1592, %parallel_loop3A_1597, %parallel_loop3A_1602, %parallel_loop3A_1607, %parallel_loop3A_1612, %parallel_loop3A_1617, %parallel_loop3A_1622, %parallel_loop3A_1627, %parallel_loop3A_1632 : vector<16xf32>, vector<16xf32>, vector<16xf32>, vector<16xf32>, vector<16xf32>, vector<16xf32>, vector<16xf32>, vector<16xf32>, vector<16xf32>, vector<16xf32>, vector<16xf32>, vector<16xf32>, vector<16xf32>, vector<16xf32>, vector<16xf32>, vector<16xf32>
      } {sc.loop_unroll_factor = 2 : i64, sc.parallel_access}
      %mul3A_537 = arith.mulf %parallel_loop3A_536#0, %div3A_197 : vector<16xf32>
      %swap3A_538 = arith.constant 0 : i32
      %swap3A_539 = arith.constant 16 : i32
      %swap3A_540 = arith.index_cast %swap3A_538 : i32 to index
      %swap3A_541 = arith.index_cast %swap3A_539 : i32 to index
      %swap3A_542 = arith.constant 0 : index
      %swap3A_543 = tpu.vector_load %arg13[%swap3A_540, %swap3A_541, %swap3A_542] {strides = array<i32>} : memref<2x32x32xf32, #tpu.memory_space<vmem>>, vector<16xf32>,
      tpu.vector_store %arg13[%swap3A_540, %swap3A_541, %swap3A_542], %mul3A_537 {strides = array<i32>} : memref<2x32x32xf32, #tpu.memory_space<vmem>>, vector<16xf32>,
      %mul3A_544 = arith.mulf %parallel_loop3A_536#1, %div3A_197 : vector<16xf32>
      %swap3A_545 = arith.constant 0 : i32
      %swap3A_546 = arith.constant 17 : i32
      %swap3A_547 = arith.index_cast %swap3A_545 : i32 to index
      %swap3A_548 = arith.index_cast %swap3A_546 : i32 to index
      %swap3A_549 = arith.constant 0 : index
      %swap3A_550 = tpu.vector_load %arg13[%swap3A_547, %swap3A_548, %swap3A_549] {strides = array<i32>} : memref<2x32x32xf32, #tpu.memory_space<vmem>>, vector<16xf32>,
      tpu.vector_store %arg13[%swap3A_547, %swap3A_548, %swap3A_549], %mul3A_544 {strides = array<i32>} : memref<2x32x32xf32, #tpu.memory_space<vmem>>, vector<16xf32>,
      %mul3A_551 = arith.mulf %parallel_loop3A_536#2, %div3A_197 : vector<16xf32>
      %swap3A_552 = arith.constant 0 : i32
      %swap3A_553 = arith.constant 18 : i32
      %swap3A_554 = arith.index_cast %swap3A_552 : i32 to index
      %swap3A_555 = arith.index_cast %swap3A_553 : i32 to index
      %swap3A_556 = arith.constant 0 : index
      %swap3A_557 = tpu.vector_load %arg13[%swap3A_554, %swap3A_555, %swap3A_556] {strides = array<i32>} : memref<2x32x32xf32, #tpu.memory_space<vmem>>, vector<16xf32>,
      tpu.vector_store %arg13[%swap3A_554, %swap3A_555, %swap3A_556], %mul3A_551 {strides = array<i32>} : memref<2x32x32xf32, #tpu.memory_space<vmem>>, vector<16xf32>,
      %mul3A_558 = arith.mulf %parallel_loop3A_536#3, %div3A_197 : vector<16xf32>
      %swap3A_559 = arith.constant 0 : i32
      %swap3A_560 = arith.constant 19 : i32
      %swap3A_561 = arith.index_cast %swap3A_559 : i32 to index
      %swap3A_562 = arith.index_cast %swap3A_560 : i32 to index
      %swap3A_563 = arith.constant 0 : index
      %swap3A_564 = tpu.vector_load %arg13[%swap3A_561, %swap3A_562, %swap3A_563] {strides = array<i32>} : memref<2x32x32xf32, #tpu.memory_space<vmem>>, vector<16xf32>,
      tpu.vector_store %arg13[%swap3A_561, %swap3A_562, %swap3A_563], %mul3A_558 {strides = array<i32>} : memref<2x32x32xf32, #tpu.memory_space<vmem>>, vector<16xf32>,
      %mul3A_565 = arith.mulf %parallel_loop3A_536#4, %div3A_197 : vector<16xf32>
      %swap3A_566 = arith.constant 0 : i32
      %swap3A_567 = arith.constant 20 : i32
      %swap3A_568 = arith.index_cast %swap3A_566 : i32 to index
      %swap3A_569 = arith.index_cast %swap3A_567 : i32 to index
      %swap3A_570 = arith.constant 0 : index
      %swap3A_571 = tpu.vector_load %arg13[%swap3A_568, %swap3A_569, %swap3A_570] {strides = array<i32>} : memref<2x32x32xf32, #tpu.memory_space<vmem>>, vector<16xf32>,
      tpu.vector_store %arg13[%swap3A_568, %swap3A_569, %swap3A_570], %mul3A_565 {strides = array<i32>} : memref<2x32x32xf32, #tpu.memory_space<vmem>>, vector<16xf32>,
      %mul3A_572 = arith.mulf %parallel_loop3A_536#5, %div3A_197 : vector<16xf32>
      %swap3A_573 = arith.constant 0 : i32
      %swap3A_574 = arith.constant 21 : i32
      %swap3A_575 = arith.index_cast %swap3A_573 : i32 to index
      %swap3A_576 = arith.index_cast %swap3A_574 : i32 to index
      %swap3A_577 = arith.constant 0 : index
      %swap3A_578 = tpu.vector_load %arg13[%swap3A_575, %swap3A_576, %swap3A_577] {strides = array<i32>} : memref<2x32x32xf32, #tpu.memory_space<vmem>>, vector<16xf32>,
      tpu.vector_store %arg13[%swap3A_575, %swap3A_576, %swap3A_577], %mul3A_572 {strides = array<i32>} : memref<2x32x32xf32, #tpu.memory_space<vmem>>, vector<16xf32>,
      %mul3A_579 = arith.mulf %parallel_loop3A_536#6, %div3A_197 : vector<16xf32>
      %swap3A_580 = arith.constant 0 : i32
      %swap3A_581 = arith.constant 22 : i32
      %swap3A_582 = arith.index_cast %swap3A_580 : i32 to index
      %swap3A_583 = arith.index_cast %swap3A_581 : i32 to index
      %swap3A_584 = arith.constant 0 : index
      %swap3A_585 = tpu.vector_load %arg13[%swap3A_582, %swap3A_583, %swap3A_584] {strides = array<i32>} : memref<2x32x32xf32, #tpu.memory_space<vmem>>, vector<16xf32>,
      tpu.vector_store %arg13[%swap3A_582, %swap3A_583, %swap3A_584], %mul3A_579 {strides = array<i32>} : memref<2x32x32xf32, #tpu.memory_space<vmem>>, vector<16xf32>,
      %mul3A_586 = arith.mulf %parallel_loop3A_536#7, %div3A_197 : vector<16xf32>
      %swap3A_587 = arith.constant 0 : i32
      %swap3A_588 = arith.constant 23 : i32
      %swap3A_589 = arith.index_cast %swap3A_587 : i32 to index
      %swap3A_590 = arith.index_cast %swap3A_588 : i32 to index
      %swap3A_591 = arith.constant 0 : index
      %swap3A_592 = tpu.vector_load %arg13[%swap3A_589, %swap3A_590, %swap3A_591] {strides = array<i32>} : memref<2x32x32xf32, #tpu.memory_space<vmem>>, vector<16xf32>,
      tpu.vector_store %arg13[%swap3A_589, %swap3A_590, %swap3A_591], %mul3A_586 {strides = array<i32>} : memref<2x32x32xf32, #tpu.memory_space<vmem>>, vector<16xf32>,
      %mul3A_593 = arith.mulf %parallel_loop3A_536#8, %div3A_197 : vector<16xf32>
      %swap3A_594 = arith.constant 0 : i32
      %swap3A_595 = arith.constant 24 : i32
      %swap3A_596 = arith.index_cast %swap3A_594 : i32 to index
      %swap3A_597 = arith.index_cast %swap3A_595 : i32 to index
      %swap3A_598 = arith.constant 0 : index
      %swap3A_599 = tpu.vector_load %arg13[%swap3A_596, %swap3A_597, %swap3A_598] {strides = array<i32>} : memref<2x32x32xf32, #tpu.memory_space<vmem>>, vector<16xf32>,
      tpu.vector_store %arg13[%swap3A_596, %swap3A_597, %swap3A_598], %mul3A_593 {strides = array<i32>} : memref<2x32x32xf32, #tpu.memory_space<vmem>>, vector<16xf32>,
      %mul3A_600 = arith.mulf %parallel_loop3A_536#9, %div3A_197 : vector<16xf32>
      %swap3A_601 = arith.constant 0 : i32
      %swap3A_602 = arith.constant 25 : i32
      %swap3A_603 = arith.index_cast %swap3A_601 : i32 to index
      %swap3A_604 = arith.index_cast %swap3A_602 : i32 to index
      %swap3A_605 = arith.constant 0 : index
      %swap3A_606 = tpu.vector_load %arg13[%swap3A_603, %swap3A_604, %swap3A_605] {strides = array<i32>} : memref<2x32x32xf32, #tpu.memory_space<vmem>>, vector<16xf32>,
      tpu.vector_store %arg13[%swap3A_603, %swap3A_604, %swap3A_605], %mul3A_600 {strides = array<i32>} : memref<2x32x32xf32, #tpu.memory_space<vmem>>, vector<16xf32>,
      %mul3A_607 = arith.mulf %parallel_loop3A_536#10, %div3A_197 : vector<16xf32>
      %swap3A_608 = arith.constant 0 : i32
      %swap3A_609 = arith.constant 26 : i32
      %swap3A_610 = arith.index_cast %swap3A_608 : i32 to index
      %swap3A_611 = arith.index_cast %swap3A_609 : i32 to index
      %swap3A_612 = arith.constant 0 : index
      %swap3A_613 = tpu.vector_load %arg13[%swap3A_610, %swap3A_611, %swap3A_612] {strides = array<i32>} : memref<2x32x32xf32, #tpu.memory_space<vmem>>, vector<16xf32>,
      tpu.vector_store %arg13[%swap3A_610, %swap3A_611, %swap3A_612], %mul3A_607 {strides = array<i32>} : memref<2x32x32xf32, #tpu.memory_space<vmem>>, vector<16xf32>,
      %mul3A_614 = arith.mulf %parallel_loop3A_536#11, %div3A_197 : vector<16xf32>
      %swap3A_615 = arith.constant 0 : i32
      %swap3A_616 = arith.constant 27 : i32
      %swap3A_617 = arith.index_cast %swap3A_615 : i32 to index
      %swap3A_618 = arith.index_cast %swap3A_616 : i32 to index
      %swap3A_619 = arith.constant 0 : index
      %swap3A_620 = tpu.vector_load %arg13[%swap3A_617, %swap3A_618, %swap3A_619] {strides = array<i32>} : memref<2x32x32xf32, #tpu.memory_space<vmem>>, vector<16xf32>,
      tpu.vector_store %arg13[%swap3A_617, %swap3A_618, %swap3A_619], %mul3A_614 {strides = array<i32>} : memref<2x32x32xf32, #tpu.memory_space<vmem>>, vector<16xf32>,
      %mul3A_621 = arith.mulf %parallel_loop3A_536#12, %div3A_197 : vector<16xf32>
      %swap3A_622 = arith.constant 0 : i32
      %swap3A_623 = arith.constant 28 : i32
      %swap3A_624 = arith.index_cast %swap3A_622 : i32 to index
      %swap3A_625 = arith.index_cast %swap3A_623 : i32 to index
      %swap3A_626 = arith.constant 0 : index
      %swap3A_627 = tpu.vector_load %arg13[%swap3A_624, %swap3A_625, %swap3A_626] {strides = array<i32>} : memref<2x32x32xf32, #tpu.memory_space<vmem>>, vector<16xf32>,
      tpu.vector_store %arg13[%swap3A_624, %swap3A_625, %swap3A_626], %mul3A_621 {strides = array<i32>} : memref<2x32x32xf32, #tpu.memory_space<vmem>>, vector<16xf32>,
      %mul3A_628 = arith.mulf %parallel_loop3A_536#13, %div3A_197 : vector<16xf32>
      %swap3A_629 = arith.constant 0 : i32
      %swap3A_630 = arith.constant 29 : i32
      %swap3A_631 = arith.index_cast %swap3A_629 : i32 to index
      %swap3A_632 = arith.index_cast %swap3A_630 : i32 to index
      %swap3A_633 = arith.constant 0 : index
      %swap3A_634 = tpu.vector_load %arg13[%swap3A_631, %swap3A_632, %swap3A_633] {strides = array<i32>} : memref<2x32x32xf32, #tpu.memory_space<vmem>>, vector<16xf32>,
      tpu.vector_store %arg13[%swap3A_631, %swap3A_632, %swap3A_633], %mul3A_628 {strides = array<i32>} : memref<2x32x32xf32, #tpu.memory_space<vmem>>, vector<16xf32>,
      %mul3A_635 = arith.mulf %parallel_loop3A_536#14, %div3A_197 : vector<16xf32>
      %swap3A_636 = arith.constant 0 : i32
      %swap3A_637 = arith.constant 30 : i32
      %swap3A_638 = arith.index_cast %swap3A_636 : i32 to index
      %swap3A_639 = arith.index_cast %swap3A_637 : i32 to index
      %swap3A_640 = arith.constant 0 : index
      %swap3A_641 = tpu.vector_load %arg13[%swap3A_638, %swap3A_639, %swap3A_640] {strides = array<i32>} : memref<2x32x32xf32, #tpu.memory_space<vmem>>, vector<16xf32>,
      tpu.vector_store %arg13[%swap3A_638, %swap3A_639, %swap3A_640], %mul3A_635 {strides = array<i32>} : memref<2x32x32xf32, #tpu.memory_space<vmem>>, vector<16xf32>,
      %mul3A_642 = arith.mulf %parallel_loop3A_536#15, %div3A_197 : vector<16xf32>
      %swap3A_643 = arith.constant 0 : i32
      %swap3A_644 = arith.constant 31 : i32
      %swap3A_645 = arith.index_cast %swap3A_643 : i32 to index
      %swap3A_646 = arith.index_cast %swap3A_644 : i32 to index
      %swap3A_647 = arith.constant 0 : index
      %swap3A_648 = tpu.vector_load %arg13[%swap3A_645, %swap3A_646, %swap3A_647] {strides = array<i32>} : memref<2x32x32xf32, #tpu.memory_space<vmem>>, vector<16xf32>,
      tpu.vector_store %arg13[%swap3A_645, %swap3A_646, %swap3A_647], %mul3A_642 {strides = array<i32>} : memref<2x32x32xf32, #tpu.memory_space<vmem>>, vector<16xf32>,
      %broadcast_in_dim3A_649 = arith.constant 0.000000e+00 : f32
      %broadcast_in_dim3A_650 = vector.broadcast %broadcast_in_dim3A_649 : f32 to vector<16xf32>
      %broadcast_in_dim3A_651 = arith.constant 0.000000e+00 : f32
      %broadcast_in_dim3A_652 = vector.broadcast %broadcast_in_dim3A_651 : f32 to vector<16xf32>
      %broadcast_in_dim3A_653 = arith.constant 0.000000e+00 : f32
      %broadcast_in_dim3A_654 = vector.broadcast %broadcast_in_dim3A_653 : f32 to vector<16xf32>
      %broadcast_in_dim3A_655 = arith.constant 0.000000e+00 : f32
      %broadcast_in_dim3A_656 = vector.broadcast %broadcast_in_dim3A_655 : f32 to vector<16xf32>
      %broadcast_in_dim3A_657 = arith.constant 0.000000e+00 : f32
      %broadcast_in_dim3A_658 = vector.broadcast %broadcast_in_dim3A_657 : f32 to vector<16xf32>
      %broadcast_in_dim3A_659 = arith.constant 0.000000e+00 : f32
      %broadcast_in_dim3A_660 = vector.broadcast %broadcast_in_dim3A_659 : f32 to vector<16xf32>
      %broadcast_in_dim3A_661 = arith.constant 0.000000e+00 : f32
      %broadcast_in_dim3A_662 = vector.broadcast %broadcast_in_dim3A_661 : f32 to vector<16xf32>
      %broadcast_in_dim3A_663 = arith.constant 0.000000e+00 : f32
      %broadcast_in_dim3A_664 = vector.broadcast %broadcast_in_dim3A_663 : f32 to vector<16xf32>
      %broadcast_in_dim3A_665 = arith.constant 0.000000e+00 : f32
      %broadcast_in_dim3A_666 = vector.broadcast %broadcast_in_dim3A_665 : f32 to vector<16xf32>
      %broadcast_in_dim3A_667 = arith.constant 0.000000e+00 : f32
      %broadcast_in_dim3A_668 = vector.broadcast %broadcast_in_dim3A_667 : f32 to vector<16xf32>
      %broadcast_in_dim3A_669 = arith.constant 0.000000e+00 : f32
      %broadcast_in_dim3A_670 = vector.broadcast %broadcast_in_dim3A_669 : f32 to vector<16xf32>
      %broadcast_in_dim3A_671 = arith.constant 0.000000e+00 : f32
      %broadcast_in_dim3A_672 = vector.broadcast %broadcast_in_dim3A_671 : f32 to vector<16xf32>
      %broadcast_in_dim3A_673 = arith.constant 0.000000e+00 : f32
      %broadcast_in_dim3A_674 = vector.broadcast %broadcast_in_dim3A_673 : f32 to vector<16xf32>
      %broadcast_in_dim3A_675 = arith.constant 0.000000e+00 : f32
      %broadcast_in_dim3A_676 = vector.broadcast %broadcast_in_dim3A_675 : f32 to vector<16xf32>
      %broadcast_in_dim3A_677 = arith.constant 0.000000e+00 : f32
      %broadcast_in_dim3A_678 = vector.broadcast %broadcast_in_dim3A_677 : f32 to vector<16xf32>
      %broadcast_in_dim3A_679 = arith.constant 0.000000e+00 : f32
      %broadcast_in_dim3A_680 = vector.broadcast %broadcast_in_dim3A_679 : f32 to vector<16xf32>
      %parallel_loop3A_681 = arith.constant 0 : i32
      %parallel_loop3A_682 = arith.constant 20 : i32
      %parallel_loop3A_683 = arith.constant 1 : i32
      %parallel_loop3A_684:16 = scf.for %parallel_loop3A_1530 = %parallel_loop3A_681 to %parallel_loop3A_682 step %parallel_loop3A_683 iter_args(%parallel_loop3A_1531 = %broadcast_in_dim3A_650, %parallel_loop3A_1532 = %broadcast_in_dim3A_652, %parallel_loop3A_1533 = %broadcast_in_dim3A_654, %parallel_loop3A_1534 = %broadcast_in_dim3A_656, %parallel_loop3A_1535 = %broadcast_in_dim3A_658, %parallel_loop3A_1536 = %broadcast_in_dim3A_660, %parallel_loop3A_1537 = %broadcast_in_dim3A_662, %parallel_loop3A_1538 = %broadcast_in_dim3A_664, %parallel_loop3A_1539 = %broadcast_in_dim3A_666, %parallel_loop3A_1540 = %broadcast_in_dim3A_668, %parallel_loop3A_1541 = %broadcast_in_dim3A_670, %parallel_loop3A_1542 = %broadcast_in_dim3A_672, %parallel_loop3A_1543 = %broadcast_in_dim3A_674, %parallel_loop3A_1544 = %broadcast_in_dim3A_676, %parallel_loop3A_1545 = %broadcast_in_dim3A_678, %parallel_loop3A_1546 = %broadcast_in_dim3A_680) -> (vector<16xf32>, vector<16xf32>, vector<16xf32>, vector<16xf32>, vector<16xf32>, vector<16xf32>, vector<16xf32>, vector<16xf32>, vector<16xf32>, vector<16xf32>, vector<16xf32>, vector<16xf32>, vector<16xf32>, vector<16xf32>, vector<16xf32>, vector<16xf32>)  : i32 {
        %parallel_loop3A_1547 = arith.index_cast %parallel_loop3A_1530 : i32 to index
        %parallel_loop3A_1548 = arith.constant 16 : index
        %parallel_loop3A_1549 = tpu.vector_load %arg10[%parallel_loop3A_1547, %parallel_loop3A_1548] {strides = array<i32>} : memref<20x32xi32, #tpu.memory_space<vmem>>, vector<16xi32>,
        %parallel_loop3A_1550 = arith.index_cast %parallel_loop3A_1530 : i32 to index
        %parallel_loop3A_1551 = arith.constant 16 : index
        %parallel_loop3A_1552 = tpu.vector_load %arg11[%parallel_loop3A_1550, %parallel_loop3A_1551] {strides = array<i32>} : memref<20x32xf32, #tpu.memory_space<vmem>>, vector<16xf32>,
        %parallel_loop3A_1553 = arith.constant 16 : i32
        %parallel_loop3A_1554 = vector.broadcast %parallel_loop3A_1553 : i32 to vector<16xi32>
        %parallel_loop3A_1555 = tpu.vector_load_idx %arg7[%parallel_loop3A_1554, %parallel_loop3A_1549] : memref<32x2048xf32, #tpu.memory_space<vmem>>[vector<16xi32>, vector<16xi32>], vector<16xf32>,
        %parallel_loop3A_1556 = arith.mulf %parallel_loop3A_1552, %parallel_loop3A_1555 : vector<16xf32>
        %parallel_loop3A_1557 = arith.addf %parallel_loop3A_1531, %parallel_loop3A_1556 : vector<16xf32>
        %parallel_loop3A_1558 = arith.constant 17 : i32
        %parallel_loop3A_1559 = vector.broadcast %parallel_loop3A_1558 : i32 to vector<16xi32>
        %parallel_loop3A_1560 = tpu.vector_load_idx %arg7[%parallel_loop3A_1559, %parallel_loop3A_1549] : memref<32x2048xf32, #tpu.memory_space<vmem>>[vector<16xi32>, vector<16xi32>], vector<16xf32>,
        %parallel_loop3A_1561 = arith.mulf %parallel_loop3A_1552, %parallel_loop3A_1560 : vector<16xf32>
        %parallel_loop3A_1562 = arith.addf %parallel_loop3A_1532, %parallel_loop3A_1561 : vector<16xf32>
        %parallel_loop3A_1563 = arith.constant 18 : i32
        %parallel_loop3A_1564 = vector.broadcast %parallel_loop3A_1563 : i32 to vector<16xi32>
        %parallel_loop3A_1565 = tpu.vector_load_idx %arg7[%parallel_loop3A_1564, %parallel_loop3A_1549] : memref<32x2048xf32, #tpu.memory_space<vmem>>[vector<16xi32>, vector<16xi32>], vector<16xf32>,
        %parallel_loop3A_1566 = arith.mulf %parallel_loop3A_1552, %parallel_loop3A_1565 : vector<16xf32>
        %parallel_loop3A_1567 = arith.addf %parallel_loop3A_1533, %parallel_loop3A_1566 : vector<16xf32>
        %parallel_loop3A_1568 = arith.constant 19 : i32
        %parallel_loop3A_1569 = vector.broadcast %parallel_loop3A_1568 : i32 to vector<16xi32>
        %parallel_loop3A_1570 = tpu.vector_load_idx %arg7[%parallel_loop3A_1569, %parallel_loop3A_1549] : memref<32x2048xf32, #tpu.memory_space<vmem>>[vector<16xi32>, vector<16xi32>], vector<16xf32>,
        %parallel_loop3A_1571 = arith.mulf %parallel_loop3A_1552, %parallel_loop3A_1570 : vector<16xf32>
        %parallel_loop3A_1572 = arith.addf %parallel_loop3A_1534, %parallel_loop3A_1571 : vector<16xf32>
        %parallel_loop3A_1573 = arith.constant 20 : i32
        %parallel_loop3A_1574 = vector.broadcast %parallel_loop3A_1573 : i32 to vector<16xi32>
        %parallel_loop3A_1575 = tpu.vector_load_idx %arg7[%parallel_loop3A_1574, %parallel_loop3A_1549] : memref<32x2048xf32, #tpu.memory_space<vmem>>[vector<16xi32>, vector<16xi32>], vector<16xf32>,
        %parallel_loop3A_1576 = arith.mulf %parallel_loop3A_1552, %parallel_loop3A_1575 : vector<16xf32>
        %parallel_loop3A_1577 = arith.addf %parallel_loop3A_1535, %parallel_loop3A_1576 : vector<16xf32>
        %parallel_loop3A_1578 = arith.constant 21 : i32
        %parallel_loop3A_1579 = vector.broadcast %parallel_loop3A_1578 : i32 to vector<16xi32>
        %parallel_loop3A_1580 = tpu.vector_load_idx %arg7[%parallel_loop3A_1579, %parallel_loop3A_1549] : memref<32x2048xf32, #tpu.memory_space<vmem>>[vector<16xi32>, vector<16xi32>], vector<16xf32>,
        %parallel_loop3A_1581 = arith.mulf %parallel_loop3A_1552, %parallel_loop3A_1580 : vector<16xf32>
        %parallel_loop3A_1582 = arith.addf %parallel_loop3A_1536, %parallel_loop3A_1581 : vector<16xf32>
        %parallel_loop3A_1583 = arith.constant 22 : i32
        %parallel_loop3A_1584 = vector.broadcast %parallel_loop3A_1583 : i32 to vector<16xi32>
        %parallel_loop3A_1585 = tpu.vector_load_idx %arg7[%parallel_loop3A_1584, %parallel_loop3A_1549] : memref<32x2048xf32, #tpu.memory_space<vmem>>[vector<16xi32>, vector<16xi32>], vector<16xf32>,
        %parallel_loop3A_1586 = arith.mulf %parallel_loop3A_1552, %parallel_loop3A_1585 : vector<16xf32>
        %parallel_loop3A_1587 = arith.addf %parallel_loop3A_1537, %parallel_loop3A_1586 : vector<16xf32>
        %parallel_loop3A_1588 = arith.constant 23 : i32
        %parallel_loop3A_1589 = vector.broadcast %parallel_loop3A_1588 : i32 to vector<16xi32>
        %parallel_loop3A_1590 = tpu.vector_load_idx %arg7[%parallel_loop3A_1589, %parallel_loop3A_1549] : memref<32x2048xf32, #tpu.memory_space<vmem>>[vector<16xi32>, vector<16xi32>], vector<16xf32>,
        %parallel_loop3A_1591 = arith.mulf %parallel_loop3A_1552, %parallel_loop3A_1590 : vector<16xf32>
        %parallel_loop3A_1592 = arith.addf %parallel_loop3A_1538, %parallel_loop3A_1591 : vector<16xf32>
        %parallel_loop3A_1593 = arith.constant 24 : i32
        %parallel_loop3A_1594 = vector.broadcast %parallel_loop3A_1593 : i32 to vector<16xi32>
        %parallel_loop3A_1595 = tpu.vector_load_idx %arg7[%parallel_loop3A_1594, %parallel_loop3A_1549] : memref<32x2048xf32, #tpu.memory_space<vmem>>[vector<16xi32>, vector<16xi32>], vector<16xf32>,
        %parallel_loop3A_1596 = arith.mulf %parallel_loop3A_1552, %parallel_loop3A_1595 : vector<16xf32>
        %parallel_loop3A_1597 = arith.addf %parallel_loop3A_1539, %parallel_loop3A_1596 : vector<16xf32>
        %parallel_loop3A_1598 = arith.constant 25 : i32
        %parallel_loop3A_1599 = vector.broadcast %parallel_loop3A_1598 : i32 to vector<16xi32>
        %parallel_loop3A_1600 = tpu.vector_load_idx %arg7[%parallel_loop3A_1599, %parallel_loop3A_1549] : memref<32x2048xf32, #tpu.memory_space<vmem>>[vector<16xi32>, vector<16xi32>], vector<16xf32>,
        %parallel_loop3A_1601 = arith.mulf %parallel_loop3A_1552, %parallel_loop3A_1600 : vector<16xf32>
        %parallel_loop3A_1602 = arith.addf %parallel_loop3A_1540, %parallel_loop3A_1601 : vector<16xf32>
        %parallel_loop3A_1603 = arith.constant 26 : i32
        %parallel_loop3A_1604 = vector.broadcast %parallel_loop3A_1603 : i32 to vector<16xi32>
        %parallel_loop3A_1605 = tpu.vector_load_idx %arg7[%parallel_loop3A_1604, %parallel_loop3A_1549] : memref<32x2048xf32, #tpu.memory_space<vmem>>[vector<16xi32>, vector<16xi32>], vector<16xf32>,
        %parallel_loop3A_1606 = arith.mulf %parallel_loop3A_1552, %parallel_loop3A_1605 : vector<16xf32>
        %parallel_loop3A_1607 = arith.addf %parallel_loop3A_1541, %parallel_loop3A_1606 : vector<16xf32>
        %parallel_loop3A_1608 = arith.constant 27 : i32
        %parallel_loop3A_1609 = vector.broadcast %parallel_loop3A_1608 : i32 to vector<16xi32>
        %parallel_loop3A_1610 = tpu.vector_load_idx %arg7[%parallel_loop3A_1609, %parallel_loop3A_1549] : memref<32x2048xf32, #tpu.memory_space<vmem>>[vector<16xi32>, vector<16xi32>], vector<16xf32>,
        %parallel_loop3A_1611 = arith.mulf %parallel_loop3A_1552, %parallel_loop3A_1610 : vector<16xf32>
        %parallel_loop3A_1612 = arith.addf %parallel_loop3A_1542, %parallel_loop3A_1611 : vector<16xf32>
        %parallel_loop3A_1613 = arith.constant 28 : i32
        %parallel_loop3A_1614 = vector.broadcast %parallel_loop3A_1613 : i32 to vector<16xi32>
        %parallel_loop3A_1615 = tpu.vector_load_idx %arg7[%parallel_loop3A_1614, %parallel_loop3A_1549] : memref<32x2048xf32, #tpu.memory_space<vmem>>[vector<16xi32>, vector<16xi32>], vector<16xf32>,
        %parallel_loop3A_1616 = arith.mulf %parallel_loop3A_1552, %parallel_loop3A_1615 : vector<16xf32>
        %parallel_loop3A_1617 = arith.addf %parallel_loop3A_1543, %parallel_loop3A_1616 : vector<16xf32>
        %parallel_loop3A_1618 = arith.constant 29 : i32
        %parallel_loop3A_1619 = vector.broadcast %parallel_loop3A_1618 : i32 to vector<16xi32>
        %parallel_loop3A_1620 = tpu.vector_load_idx %arg7[%parallel_loop3A_1619, %parallel_loop3A_1549] : memref<32x2048xf32, #tpu.memory_space<vmem>>[vector<16xi32>, vector<16xi32>], vector<16xf32>,
        %parallel_loop3A_1621 = arith.mulf %parallel_loop3A_1552, %parallel_loop3A_1620 : vector<16xf32>
        %parallel_loop3A_1622 = arith.addf %parallel_loop3A_1544, %parallel_loop3A_1621 : vector<16xf32>
        %parallel_loop3A_1623 = arith.constant 30 : i32
        %parallel_loop3A_1624 = vector.broadcast %parallel_loop3A_1623 : i32 to vector<16xi32>
        %parallel_loop3A_1625 = tpu.vector_load_idx %arg7[%parallel_loop3A_1624, %parallel_loop3A_1549] : memref<32x2048xf32, #tpu.memory_space<vmem>>[vector<16xi32>, vector<16xi32>], vector<16xf32>,
        %parallel_loop3A_1626 = arith.mulf %parallel_loop3A_1552, %parallel_loop3A_1625 : vector<16xf32>
        %parallel_loop3A_1627 = arith.addf %parallel_loop3A_1545, %parallel_loop3A_1626 : vector<16xf32>
        %parallel_loop3A_1628 = arith.constant 31 : i32
        %parallel_loop3A_1629 = vector.broadcast %parallel_loop3A_1628 : i32 to vector<16xi32>
        %parallel_loop3A_1630 = tpu.vector_load_idx %arg7[%parallel_loop3A_1629, %parallel_loop3A_1549] : memref<32x2048xf32, #tpu.memory_space<vmem>>[vector<16xi32>, vector<16xi32>], vector<16xf32>,
        %parallel_loop3A_1631 = arith.mulf %parallel_loop3A_1552, %parallel_loop3A_1630 : vector<16xf32>
        %parallel_loop3A_1632 = arith.addf %parallel_loop3A_1546, %parallel_loop3A_1631 : vector<16xf32>
        scf.yield %parallel_loop3A_1557, %parallel_loop3A_1562, %parallel_loop3A_1567, %parallel_loop3A_1572, %parallel_loop3A_1577, %parallel_loop3A_1582, %parallel_loop3A_1587, %parallel_loop3A_1592, %parallel_loop3A_1597, %parallel_loop3A_1602, %parallel_loop3A_1607, %parallel_loop3A_1612, %parallel_loop3A_1617, %parallel_loop3A_1622, %parallel_loop3A_1627, %parallel_loop3A_1632 : vector<16xf32>, vector<16xf32>, vector<16xf32>, vector<16xf32>, vector<16xf32>, vector<16xf32>, vector<16xf32>, vector<16xf32>, vector<16xf32>, vector<16xf32>, vector<16xf32>, vector<16xf32>, vector<16xf32>, vector<16xf32>, vector<16xf32>, vector<16xf32>
      } {sc.loop_unroll_factor = 2 : i64, sc.parallel_access}
      %mul3A_685 = arith.mulf %parallel_loop3A_684#0, %div3A_200 : vector<16xf32>
      %swap3A_686 = arith.constant 0 : i32
      %swap3A_687 = arith.constant 16 : i32
      %swap3A_688 = arith.index_cast %swap3A_686 : i32 to index
      %swap3A_689 = arith.index_cast %swap3A_687 : i32 to index
      %swap3A_690 = arith.constant 16 : index
      %swap3A_691 = tpu.vector_load %arg13[%swap3A_688, %swap3A_689, %swap3A_690] {strides = array<i32>} : memref<2x32x32xf32, #tpu.memory_space<vmem>>, vector<16xf32>,
      tpu.vector_store %arg13[%swap3A_688, %swap3A_689, %swap3A_690], %mul3A_685 {strides = array<i32>} : memref<2x32x32xf32, #tpu.memory_space<vmem>>, vector<16xf32>,
      %mul3A_692 = arith.mulf %parallel_loop3A_684#1, %div3A_200 : vector<16xf32>
      %swap3A_693 = arith.constant 0 : i32
      %swap3A_694 = arith.constant 17 : i32
      %swap3A_695 = arith.index_cast %swap3A_693 : i32 to index
      %swap3A_696 = arith.index_cast %swap3A_694 : i32 to index
      %swap3A_697 = arith.constant 16 : index
      %swap3A_698 = tpu.vector_load %arg13[%swap3A_695, %swap3A_696, %swap3A_697] {strides = array<i32>} : memref<2x32x32xf32, #tpu.memory_space<vmem>>, vector<16xf32>,
      tpu.vector_store %arg13[%swap3A_695, %swap3A_696, %swap3A_697], %mul3A_692 {strides = array<i32>} : memref<2x32x32xf32, #tpu.memory_space<vmem>>, vector<16xf32>,
      %mul3A_699 = arith.mulf %parallel_loop3A_684#2, %div3A_200 : vector<16xf32>
      %swap3A_700 = arith.constant 0 : i32
      %swap3A_701 = arith.constant 18 : i32
      %swap3A_702 = arith.index_cast %swap3A_700 : i32 to index
      %swap3A_703 = arith.index_cast %swap3A_701 : i32 to index
      %swap3A_704 = arith.constant 16 : index
      %swap3A_705 = tpu.vector_load %arg13[%swap3A_702, %swap3A_703, %swap3A_704] {strides = array<i32>} : memref<2x32x32xf32, #tpu.memory_space<vmem>>, vector<16xf32>,
      tpu.vector_store %arg13[%swap3A_702, %swap3A_703, %swap3A_704], %mul3A_699 {strides = array<i32>} : memref<2x32x32xf32, #tpu.memory_space<vmem>>, vector<16xf32>,
      %mul3A_706 = arith.mulf %parallel_loop3A_684#3, %div3A_200 : vector<16xf32>
      %swap3A_707 = arith.constant 0 : i32
      %swap3A_708 = arith.constant 19 : i32
      %swap3A_709 = arith.index_cast %swap3A_707 : i32 to index
      %swap3A_710 = arith.index_cast %swap3A_708 : i32 to index
      %swap3A_711 = arith.constant 16 : index
      %swap3A_712 = tpu.vector_load %arg13[%swap3A_709, %swap3A_710, %swap3A_711] {strides = array<i32>} : memref<2x32x32xf32, #tpu.memory_space<vmem>>, vector<16xf32>,
      tpu.vector_store %arg13[%swap3A_709, %swap3A_710, %swap3A_711], %mul3A_706 {strides = array<i32>} : memref<2x32x32xf32, #tpu.memory_space<vmem>>, vector<16xf32>,
      %mul3A_713 = arith.mulf %parallel_loop3A_684#4, %div3A_200 : vector<16xf32>
      %swap3A_714 = arith.constant 0 : i32
      %swap3A_715 = arith.constant 20 : i32
      %swap3A_716 = arith.index_cast %swap3A_714 : i32 to index
      %swap3A_717 = arith.index_cast %swap3A_715 : i32 to index
      %swap3A_718 = arith.constant 16 : index
      %swap3A_719 = tpu.vector_load %arg13[%swap3A_716, %swap3A_717, %swap3A_718] {strides = array<i32>} : memref<2x32x32xf32, #tpu.memory_space<vmem>>, vector<16xf32>,
      tpu.vector_store %arg13[%swap3A_716, %swap3A_717, %swap3A_718], %mul3A_713 {strides = array<i32>} : memref<2x32x32xf32, #tpu.memory_space<vmem>>, vector<16xf32>,
      %mul3A_720 = arith.mulf %parallel_loop3A_684#5, %div3A_200 : vector<16xf32>
      %swap3A_721 = arith.constant 0 : i32
      %swap3A_722 = arith.constant 21 : i32
      %swap3A_723 = arith.index_cast %swap3A_721 : i32 to index
      %swap3A_724 = arith.index_cast %swap3A_722 : i32 to index
      %swap3A_725 = arith.constant 16 : index
      %swap3A_726 = tpu.vector_load %arg13[%swap3A_723, %swap3A_724, %swap3A_725] {strides = array<i32>} : memref<2x32x32xf32, #tpu.memory_space<vmem>>, vector<16xf32>,
      tpu.vector_store %arg13[%swap3A_723, %swap3A_724, %swap3A_725], %mul3A_720 {strides = array<i32>} : memref<2x32x32xf32, #tpu.memory_space<vmem>>, vector<16xf32>,
      %mul3A_727 = arith.mulf %parallel_loop3A_684#6, %div3A_200 : vector<16xf32>
      %swap3A_728 = arith.constant 0 : i32
      %swap3A_729 = arith.constant 22 : i32
      %swap3A_730 = arith.index_cast %swap3A_728 : i32 to index
      %swap3A_731 = arith.index_cast %swap3A_729 : i32 to index
      %swap3A_732 = arith.constant 16 : index
      %swap3A_733 = tpu.vector_load %arg13[%swap3A_730, %swap3A_731, %swap3A_732] {strides = array<i32>} : memref<2x32x32xf32, #tpu.memory_space<vmem>>, vector<16xf32>,
      tpu.vector_store %arg13[%swap3A_730, %swap3A_731, %swap3A_732], %mul3A_727 {strides = array<i32>} : memref<2x32x32xf32, #tpu.memory_space<vmem>>, vector<16xf32>,
      %mul3A_734 = arith.mulf %parallel_loop3A_684#7, %div3A_200 : vector<16xf32>
      %swap3A_735 = arith.constant 0 : i32
      %swap3A_736 = arith.constant 23 : i32
      %swap3A_737 = arith.index_cast %swap3A_735 : i32 to index
      %swap3A_738 = arith.index_cast %swap3A_736 : i32 to index
      %swap3A_739 = arith.constant 16 : index
      %swap3A_740 = tpu.vector_load %arg13[%swap3A_737, %swap3A_738, %swap3A_739] {strides = array<i32>} : memref<2x32x32xf32, #tpu.memory_space<vmem>>, vector<16xf32>,
      tpu.vector_store %arg13[%swap3A_737, %swap3A_738, %swap3A_739], %mul3A_734 {strides = array<i32>} : memref<2x32x32xf32, #tpu.memory_space<vmem>>, vector<16xf32>,
      %mul3A_741 = arith.mulf %parallel_loop3A_684#8, %div3A_200 : vector<16xf32>
      %swap3A_742 = arith.constant 0 : i32
      %swap3A_743 = arith.constant 24 : i32
      %swap3A_744 = arith.index_cast %swap3A_742 : i32 to index
      %swap3A_745 = arith.index_cast %swap3A_743 : i32 to index
      %swap3A_746 = arith.constant 16 : index
      %swap3A_747 = tpu.vector_load %arg13[%swap3A_744, %swap3A_745, %swap3A_746] {strides = array<i32>} : memref<2x32x32xf32, #tpu.memory_space<vmem>>, vector<16xf32>,
      tpu.vector_store %arg13[%swap3A_744, %swap3A_745, %swap3A_746], %mul3A_741 {strides = array<i32>} : memref<2x32x32xf32, #tpu.memory_space<vmem>>, vector<16xf32>,
      %mul3A_748 = arith.mulf %parallel_loop3A_684#9, %div3A_200 : vector<16xf32>
      %swap3A_749 = arith.constant 0 : i32
      %swap3A_750 = arith.constant 25 : i32
      %swap3A_751 = arith.index_cast %swap3A_749 : i32 to index
      %swap3A_752 = arith.index_cast %swap3A_750 : i32 to index
      %swap3A_753 = arith.constant 16 : index
      %swap3A_754 = tpu.vector_load %arg13[%swap3A_751, %swap3A_752, %swap3A_753] {strides = array<i32>} : memref<2x32x32xf32, #tpu.memory_space<vmem>>, vector<16xf32>,
      tpu.vector_store %arg13[%swap3A_751, %swap3A_752, %swap3A_753], %mul3A_748 {strides = array<i32>} : memref<2x32x32xf32, #tpu.memory_space<vmem>>, vector<16xf32>,
      %mul3A_755 = arith.mulf %parallel_loop3A_684#10, %div3A_200 : vector<16xf32>
      %swap3A_756 = arith.constant 0 : i32
      %swap3A_757 = arith.constant 26 : i32
      %swap3A_758 = arith.index_cast %swap3A_756 : i32 to index
      %swap3A_759 = arith.index_cast %swap3A_757 : i32 to index
      %swap3A_760 = arith.constant 16 : index
      %swap3A_761 = tpu.vector_load %arg13[%swap3A_758, %swap3A_759, %swap3A_760] {strides = array<i32>} : memref<2x32x32xf32, #tpu.memory_space<vmem>>, vector<16xf32>,
      tpu.vector_store %arg13[%swap3A_758, %swap3A_759, %swap3A_760], %mul3A_755 {strides = array<i32>} : memref<2x32x32xf32, #tpu.memory_space<vmem>>, vector<16xf32>,
      %mul3A_762 = arith.mulf %parallel_loop3A_684#11, %div3A_200 : vector<16xf32>
      %swap3A_763 = arith.constant 0 : i32
      %swap3A_764 = arith.constant 27 : i32
      %swap3A_765 = arith.index_cast %swap3A_763 : i32 to index
      %swap3A_766 = arith.index_cast %swap3A_764 : i32 to index
      %swap3A_767 = arith.constant 16 : index
      %swap3A_768 = tpu.vector_load %arg13[%swap3A_765, %swap3A_766, %swap3A_767] {strides = array<i32>} : memref<2x32x32xf32, #tpu.memory_space<vmem>>, vector<16xf32>,
      tpu.vector_store %arg13[%swap3A_765, %swap3A_766, %swap3A_767], %mul3A_762 {strides = array<i32>} : memref<2x32x32xf32, #tpu.memory_space<vmem>>, vector<16xf32>,
      %mul3A_769 = arith.mulf %parallel_loop3A_684#12, %div3A_200 : vector<16xf32>
      %swap3A_770 = arith.constant 0 : i32
      %swap3A_771 = arith.constant 28 : i32
      %swap3A_772 = arith.index_cast %swap3A_770 : i32 to index
      %swap3A_773 = arith.index_cast %swap3A_771 : i32 to index
      %swap3A_774 = arith.constant 16 : index
      %swap3A_775 = tpu.vector_load %arg13[%swap3A_772, %swap3A_773, %swap3A_774] {strides = array<i32>} : memref<2x32x32xf32, #tpu.memory_space<vmem>>, vector<16xf32>,
      tpu.vector_store %arg13[%swap3A_772, %swap3A_773, %swap3A_774], %mul3A_769 {strides = array<i32>} : memref<2x32x32xf32, #tpu.memory_space<vmem>>, vector<16xf32>,
      %mul3A_776 = arith.mulf %parallel_loop3A_684#13, %div3A_200 : vector<16xf32>
      %swap3A_777 = arith.constant 0 : i32
      %swap3A_778 = arith.constant 29 : i32
      %swap3A_779 = arith.index_cast %swap3A_777 : i32 to index
      %swap3A_780 = arith.index_cast %swap3A_778 : i32 to index
      %swap3A_781 = arith.constant 16 : index
      %swap3A_782 = tpu.vector_load %arg13[%swap3A_779, %swap3A_780, %swap3A_781] {strides = array<i32>} : memref<2x32x32xf32, #tpu.memory_space<vmem>>, vector<16xf32>,
      tpu.vector_store %arg13[%swap3A_779, %swap3A_780, %swap3A_781], %mul3A_776 {strides = array<i32>} : memref<2x32x32xf32, #tpu.memory_space<vmem>>, vector<16xf32>,
      %mul3A_783 = arith.mulf %parallel_loop3A_684#14, %div3A_200 : vector<16xf32>
      %swap3A_784 = arith.constant 0 : i32
      %swap3A_785 = arith.constant 30 : i32
      %swap3A_786 = arith.index_cast %swap3A_784 : i32 to index
      %swap3A_787 = arith.index_cast %swap3A_785 : i32 to index
      %swap3A_788 = arith.constant 16 : index
      %swap3A_789 = tpu.vector_load %arg13[%swap3A_786, %swap3A_787, %swap3A_788] {strides = array<i32>} : memref<2x32x32xf32, #tpu.memory_space<vmem>>, vector<16xf32>,
      tpu.vector_store %arg13[%swap3A_786, %swap3A_787, %swap3A_788], %mul3A_783 {strides = array<i32>} : memref<2x32x32xf32, #tpu.memory_space<vmem>>, vector<16xf32>,
      %mul3A_790 = arith.mulf %parallel_loop3A_684#15, %div3A_200 : vector<16xf32>
      %swap3A_791 = arith.constant 0 : i32
      %swap3A_792 = arith.constant 31 : i32
      %swap3A_793 = arith.index_cast %swap3A_791 : i32 to index
      %swap3A_794 = arith.index_cast %swap3A_792 : i32 to index
      %swap3A_795 = arith.constant 16 : index
      %swap3A_796 = tpu.vector_load %arg13[%swap3A_793, %swap3A_794, %swap3A_795] {strides = array<i32>} : memref<2x32x32xf32, #tpu.memory_space<vmem>>, vector<16xf32>,
      tpu.vector_store %arg13[%swap3A_793, %swap3A_794, %swap3A_795], %mul3A_790 {strides = array<i32>} : memref<2x32x32xf32, #tpu.memory_space<vmem>>, vector<16xf32>,
      %dma_start3A_797 = arith.constant 0 : i32
      %dma_start3A_798 = arith.constant 0 : i32
      %dma_start3A_799 = arith.constant 0 : i32
      %dma_start3A_800 = arith.constant 0 : i32
      %dma_start3A_801 = tpu.memref_slice %arg13[%dma_start3A_797, %dma_start3A_799, %dma_start3A_800] : memref<2x32x32xf32, #tpu.memory_space<vmem>> -> memref<1x32x32xf32, #tpu.memory_space<vmem>>
      %dma_start3A_802 = tpu.memref_squeeze %dma_start3A_801 : memref<1x32x32xf32, #tpu.memory_space<vmem>> -> memref<32x32xf32, #tpu.memory_space<vmem>>
      %dma_start3A_803 = arith.constant 0 : i32
      %dma_start3A_804 = tpu.memref_slice %arg6[%select_n3A_133, %arg0, %dma_start3A_803, %mul3A_138] : memref<59x2x32x2048xf32, #tpu.memory_space<hbm>> -> memref<1x1x32x32xf32, #tpu.memory_space<hbm>>
      %dma_start3A_805 = tpu.memref_squeeze %dma_start3A_804 : memref<1x1x32x32xf32, #tpu.memory_space<hbm>> -> memref<32x32xf32, #tpu.memory_space<hbm>>
      %dma_start3A_806 = tpu.memref_slice %arg16[%dma_start3A_798] : memref<2x!tpu.dma_semaphore, #tpu.memory_space<semaphore_mem>> -> memref<1x!tpu.dma_semaphore, #tpu.memory_space<semaphore_mem>>
      %dma_start3A_807 = tpu.memref_squeeze %dma_start3A_806 : memref<1x!tpu.dma_semaphore, #tpu.memory_space<semaphore_mem>> -> memref<!tpu.dma_semaphore, #tpu.memory_space<semaphore_mem>>
      %dma_start3A_808 = arith.constant 0 : i32
      %dma_start3A_809 = tpu.memref_slice %arg6[%select_n3A_133, %arg0, %dma_start3A_808, %mul3A_138] : memref<59x2x32x2048xf32, #tpu.memory_space<hbm>> -> memref<1x1x32x32xf32, #tpu.memory_space<hbm>>
      %dma_start3A_810 = tpu.memref_squeeze %dma_start3A_809 : memref<1x1x32x32xf32, #tpu.memory_space<hbm>> -> memref<32x32xf32, #tpu.memory_space<hbm>>
      %dma_start3A_811 = arith.constant 0 : i32
      %dma_start3A_812 = arith.constant 0 : i32
      %dma_start3A_813 = tpu.memref_slice %arg13[%dma_start3A_797, %dma_start3A_811, %dma_start3A_812] : memref<2x32x32xf32, #tpu.memory_space<vmem>> -> memref<1x32x32xf32, #tpu.memory_space<vmem>>
      %dma_start3A_814 = tpu.memref_squeeze %dma_start3A_813 : memref<1x32x32xf32, #tpu.memory_space<vmem>> -> memref<32x32xf32, #tpu.memory_space<vmem>>
      tpu.enqueue_dma source(%dma_start3A_814 : memref<32x32xf32, #tpu.memory_space<vmem>>) target(%dma_start3A_810 : memref<32x32xf32, #tpu.memory_space<hbm>>) target_semaphore(%dma_start3A_807 : memref<!tpu.dma_semaphore, #tpu.memory_space<semaphore_mem>>)
      %add3A_815 = arith.constant 1 : i32
      %add3A_816 = arith.addi %add3A_109, %add3A_815 : i32
      %jit3A_817 = arith.constant 64 : i32
      %div3A_818 = arith.divsi %add3A_816, %jit3A_817 : i32
      %sign3A_819 = arith.constant 0 : i32
      %sign3A_820 = arith.cmpi sgt, %add3A_816, %sign3A_819 : i32
      %sign3A_821 = arith.extui %sign3A_820 : i1 to i32
      %sign3A_822 = arith.constant 0 : i32
      %sign3A_823 = arith.cmpi slt, %add3A_816, %sign3A_822 : i32
      %sign3A_824 = arith.extui %sign3A_823 : i1 to i32
      %sign3A_825 = arith.subi %sign3A_821, %sign3A_824 : i32
      %sign3A_826 = arith.constant 0 : i32
      %sign3A_827 = arith.cmpi sgt, %jit3A_817, %sign3A_826 : i32
      %sign3A_828 = arith.extui %sign3A_827 : i1 to i32
      %sign3A_829 = arith.constant 0 : i32
      %sign3A_830 = arith.cmpi slt, %jit3A_817, %sign3A_829 : i32
      %sign3A_831 = arith.extui %sign3A_830 : i1 to i32
      %sign3A_832 = arith.subi %sign3A_828, %sign3A_831 : i32
      %ne3A_833 = arith.cmpi ne, %sign3A_825, %sign3A_832 : i32
      %rem3A_834 = arith.remsi %add3A_816, %jit3A_817 : i32
      %ne3A_835 = arith.constant 0 : i32
      %ne3A_836 = arith.cmpi ne, %rem3A_834, %ne3A_835 : i32
      %and3A_837 = arith.andi %ne3A_833, %ne3A_836 : i1
      %sub3A_838 = arith.constant 1 : i32
      %sub3A_839 = arith.subi %div3A_818, %sub3A_838 : i32
      %select_n3A_840 = arith.select %and3A_837, %sub3A_839, %div3A_818 : i32
      %mul3A_841 = arith.constant 64 : i32
      %mul3A_842 = arith.muli %select_n3A_840, %mul3A_841 : i32
      %sub3A_843 = arith.subi %add3A_816, %mul3A_842 : i32
      %mul3A_844 = arith.constant 32 : i32
      %mul3A_845 = arith.muli %sub3A_843, %mul3A_844 : i32
      %add3A_846 = arith.constant 1 : i32
      %add3A_847 = arith.addi %add3A_816, %add3A_846 : i32
      %lt3A_848 = arith.cmpi slt, %add3A_847, %add3A_3 : i32
      %convert_element_type3A_849 = arith.extui %lt3A_848 : i1 to i32
      %cond3A_850 = arith.constant 0 : i32
      %cond3A_851 = arith.cmpi ne, %convert_element_type3A_849, %cond3A_850 : i32
      scf.if %cond3A_851 {
        %add3A_1530 = arith.constant 1 : i32
        %add3A_1531 = arith.addi %add3A_816, %add3A_1530 : i32
        %jit3A_1532 = arith.constant 64 : i32
        %div3A_1533 = arith.divsi %add3A_1531, %jit3A_1532 : i32
        %sign3A_1534 = arith.constant 0 : i32
        %sign3A_1535 = arith.cmpi sgt, %add3A_1531, %sign3A_1534 : i32
        %sign3A_1536 = arith.extui %sign3A_1535 : i1 to i32
        %sign3A_1537 = arith.constant 0 : i32
        %sign3A_1538 = arith.cmpi slt, %add3A_1531, %sign3A_1537 : i32
        %sign3A_1539 = arith.extui %sign3A_1538 : i1 to i32
        %sign3A_1540 = arith.subi %sign3A_1536, %sign3A_1539 : i32
        %sign3A_1541 = arith.constant 0 : i32
        %sign3A_1542 = arith.cmpi sgt, %jit3A_1532, %sign3A_1541 : i32
        %sign3A_1543 = arith.extui %sign3A_1542 : i1 to i32
        %sign3A_1544 = arith.constant 0 : i32
        %sign3A_1545 = arith.cmpi slt, %jit3A_1532, %sign3A_1544 : i32
        %sign3A_1546 = arith.extui %sign3A_1545 : i1 to i32
        %sign3A_1547 = arith.subi %sign3A_1543, %sign3A_1546 : i32
        %ne3A_1548 = arith.cmpi ne, %sign3A_1540, %sign3A_1547 : i32
        %rem3A_1549 = arith.remsi %add3A_1531, %jit3A_1532 : i32
        %ne3A_1550 = arith.constant 0 : i32
        %ne3A_1551 = arith.cmpi ne, %rem3A_1549, %ne3A_1550 : i32
        %and3A_1552 = arith.andi %ne3A_1548, %ne3A_1551 : i1
        %sub3A_1553 = arith.constant 1 : i32
        %sub3A_1554 = arith.subi %div3A_1533, %sub3A_1553 : i32
        %select_n3A_1555 = arith.select %and3A_1552, %sub3A_1554, %div3A_1533 : i32
        %mul3A_1556 = arith.constant 64 : i32
        %mul3A_1557 = arith.muli %select_n3A_1555, %mul3A_1556 : i32
        %sub3A_1558 = arith.subi %add3A_1531, %mul3A_1557 : i32
        %mul3A_1559 = arith.constant 32 : i32
        %mul3A_1560 = arith.muli %sub3A_1558, %mul3A_1559 : i32
        %dma_start3A_1561 = arith.constant 0 : i32
        %dma_start3A_1562 = arith.constant 0 : i32
        %dma_start3A_1563 = arith.constant 0 : i32
        %dma_start3A_1564 = arith.constant 0 : i32
        %dma_start3A_1565 = tpu.memref_slice %arg9[%dma_start3A_1561, %dma_start3A_1563, %dma_start3A_1564] : memref<2x20x32xi32, #tpu.memory_space<vmem>> -> memref<1x20x32xi32, #tpu.memory_space<vmem>>
        %dma_start3A_1566 = tpu.memref_squeeze %dma_start3A_1565 : memref<1x20x32xi32, #tpu.memory_space<vmem>> -> memref<20x32xi32, #tpu.memory_space<vmem>>
        %dma_start3A_1567 = arith.constant 0 : i32
        %dma_start3A_1568 = tpu.memref_slice %arg5[%select_n3A_1555, %dma_start3A_1567, %mul3A_1560] : memref<59x20x2048xi32, #tpu.memory_space<hbm>> -> memref<1x20x32xi32, #tpu.memory_space<hbm>>
        %dma_start3A_1569 = tpu.memref_squeeze %dma_start3A_1568 : memref<1x20x32xi32, #tpu.memory_space<hbm>> -> memref<20x32xi32, #tpu.memory_space<hbm>>
        %dma_start3A_1570 = tpu.memref_slice %arg14[%dma_start3A_1562] : memref<2x!tpu.dma_semaphore, #tpu.memory_space<semaphore_mem>> -> memref<1x!tpu.dma_semaphore, #tpu.memory_space<semaphore_mem>>
        %dma_start3A_1571 = tpu.memref_squeeze %dma_start3A_1570 : memref<1x!tpu.dma_semaphore, #tpu.memory_space<semaphore_mem>> -> memref<!tpu.dma_semaphore, #tpu.memory_space<semaphore_mem>>
        %dma_start3A_1572 = arith.constant 0 : i32
        %dma_start3A_1573 = arith.constant 0 : i32
        %dma_start3A_1574 = tpu.memref_slice %arg9[%dma_start3A_1561, %dma_start3A_1572, %dma_start3A_1573] : memref<2x20x32xi32, #tpu.memory_space<vmem>> -> memref<1x20x32xi32, #tpu.memory_space<vmem>>
        %dma_start3A_1575 = tpu.memref_squeeze %dma_start3A_1574 : memref<1x20x32xi32, #tpu.memory_space<vmem>> -> memref<20x32xi32, #tpu.memory_space<vmem>>
        %dma_start3A_1576 = arith.constant 0 : i32
        %dma_start3A_1577 = tpu.memref_slice %arg5[%select_n3A_1555, %dma_start3A_1576, %mul3A_1560] : memref<59x20x2048xi32, #tpu.memory_space<hbm>> -> memref<1x20x32xi32, #tpu.memory_space<hbm>>
        %dma_start3A_1578 = tpu.memref_squeeze %dma_start3A_1577 : memref<1x20x32xi32, #tpu.memory_space<hbm>> -> memref<20x32xi32, #tpu.memory_space<hbm>>
        tpu.enqueue_dma source(%dma_start3A_1578 : memref<20x32xi32, #tpu.memory_space<hbm>>) target(%dma_start3A_1575 : memref<20x32xi32, #tpu.memory_space<vmem>>) target_semaphore(%dma_start3A_1571 : memref<!tpu.dma_semaphore, #tpu.memory_space<semaphore_mem>>)
        %dma_start3A_1579 = arith.constant 0 : i32
        %dma_start3A_1580 = arith.constant 0 : i32
        %dma_start3A_1581 = arith.constant 0 : i32
        %dma_start3A_1582 = tpu.memref_slice %arg12[%dma_start3A_1579, %dma_start3A_1581] : memref<2x32xf32, #tpu.memory_space<vmem>> -> memref<1x32xf32, #tpu.memory_space<vmem>>
        %dma_start3A_1583 = tpu.memref_squeeze %dma_start3A_1582 : memref<1x32xf32, #tpu.memory_space<vmem>> -> memref<32xf32, #tpu.memory_space<vmem>>
        %dma_start3A_1584 = tpu.memref_slice %arg4[%select_n3A_1555, %mul3A_1560] : memref<64x2048xf32, #tpu.memory_space<hbm>> -> memref<1x32xf32, #tpu.memory_space<hbm>>
        %dma_start3A_1585 = tpu.memref_squeeze %dma_start3A_1584 : memref<1x32xf32, #tpu.memory_space<hbm>> -> memref<32xf32, #tpu.memory_space<hbm>>
        %dma_start3A_1586 = tpu.memref_slice %arg15[%dma_start3A_1580] : memref<2x!tpu.dma_semaphore, #tpu.memory_space<semaphore_mem>> -> memref<1x!tpu.dma_semaphore, #tpu.memory_space<semaphore_mem>>
        %dma_start3A_1587 = tpu.memref_squeeze %dma_start3A_1586 : memref<1x!tpu.dma_semaphore, #tpu.memory_space<semaphore_mem>> -> memref<!tpu.dma_semaphore, #tpu.memory_space<semaphore_mem>>
        %dma_start3A_1588 = arith.constant 0 : i32
        %dma_start3A_1589 = tpu.memref_slice %arg12[%dma_start3A_1579, %dma_start3A_1588] : memref<2x32xf32, #tpu.memory_space<vmem>> -> memref<1x32xf32, #tpu.memory_space<vmem>>
        %dma_start3A_1590 = tpu.memref_squeeze %dma_start3A_1589 : memref<1x32xf32, #tpu.memory_space<vmem>> -> memref<32xf32, #tpu.memory_space<vmem>>
        %dma_start3A_1591 = tpu.memref_slice %arg4[%select_n3A_1555, %mul3A_1560] : memref<64x2048xf32, #tpu.memory_space<hbm>> -> memref<1x32xf32, #tpu.memory_space<hbm>>
        %dma_start3A_1592 = tpu.memref_squeeze %dma_start3A_1591 : memref<1x32xf32, #tpu.memory_space<hbm>> -> memref<32xf32, #tpu.memory_space<hbm>>
        tpu.enqueue_dma source(%dma_start3A_1592 : memref<32xf32, #tpu.memory_space<hbm>>) target(%dma_start3A_1590 : memref<32xf32, #tpu.memory_space<vmem>>) target_semaphore(%dma_start3A_1587 : memref<!tpu.dma_semaphore, #tpu.memory_space<semaphore_mem>>)
      } else {
      }
      %ne3A_852 = arith.cmpi ne, %select_n3A_840, %select_n3A_133 : i32
      %convert_element_type3A_853 = arith.extui %ne3A_852 : i1 to i32
      %cond3A_854 = arith.constant 0 : i32
      %cond3A_855 = arith.cmpi ne, %convert_element_type3A_853, %cond3A_854 : i32
      scf.if %cond3A_855 {
        "tpu.region"() ({
          %run_scoped3A = tpu.sem_alloc : memref<!tpu.dma_semaphore, #tpu.memory_space<semaphore_mem>>
          %dma_start3A_1530 = arith.constant 0 : i32
          %dma_start3A_1531 = tpu.memref_slice %arg3[%select_n3A_840, %dma_start3A_1530] : memref<64x2048xf32, #tpu.memory_space<hbm>> -> memref<1x2048xf32, #tpu.memory_space<hbm>>
          %dma_start3A_1532 = tpu.memref_squeeze %dma_start3A_1531 : memref<1x2048xf32, #tpu.memory_space<hbm>> -> memref<2048xf32, #tpu.memory_space<hbm>>
          %dma_start3A_1533 = arith.constant 0 : i32
          %dma_start3A_1534 = tpu.memref_slice %arg3[%select_n3A_840, %dma_start3A_1533] : memref<64x2048xf32, #tpu.memory_space<hbm>> -> memref<1x2048xf32, #tpu.memory_space<hbm>>
          %dma_start3A_1535 = tpu.memref_squeeze %dma_start3A_1534 : memref<1x2048xf32, #tpu.memory_space<hbm>> -> memref<2048xf32, #tpu.memory_space<hbm>>
          tpu.enqueue_dma source(%dma_start3A_1535 : memref<2048xf32, #tpu.memory_space<hbm>>) target(%arg8 : memref<2048xf32, #tpu.memory_space<vmem>>) target_semaphore(%run_scoped3A : memref<!tpu.dma_semaphore, #tpu.memory_space<semaphore_mem>>)
          %dma_wait3A_1536 = arith.constant 0 : i32
          %dma_wait3A_1537 = tpu.memref_slice %arg3[%select_n3A_840, %dma_wait3A_1536] : memref<64x2048xf32, #tpu.memory_space<hbm>> -> memref<1x2048xf32, #tpu.memory_space<hbm>>
          %dma_wait3A_1538 = tpu.memref_squeeze %dma_wait3A_1537 : memref<1x2048xf32, #tpu.memory_space<hbm>> -> memref<2048xf32, #tpu.memory_space<hbm>>
          %dma_wait3A_1539 = arith.constant 0 : i32
          %dma_wait3A_1540 = tpu.memref_slice %arg3[%select_n3A_840, %dma_wait3A_1539] : memref<64x2048xf32, #tpu.memory_space<hbm>> -> memref<1x2048xf32, #tpu.memory_space<hbm>>
          %dma_wait3A_1541 = tpu.memref_squeeze %dma_wait3A_1540 : memref<1x2048xf32, #tpu.memory_space<hbm>> -> memref<2048xf32, #tpu.memory_space<hbm>>
          tpu.wait_dma2 semaphore(%run_scoped3A : memref<!tpu.dma_semaphore, #tpu.memory_space<semaphore_mem>>) src(%dma_wait3A_1541 : memref<2048xf32, #tpu.memory_space<hbm>>) dst(%arg8 : memref<2048xf32, #tpu.memory_space<vmem>>)
          tpu.yield
        }) : () -> ()
      } else {
      }
      %dma_wait3A_856 = arith.constant 0 : i32
      %dma_wait3A_857 = arith.constant 1 : i32
      %dma_wait3A_858 = arith.constant 1 : i32
      %dma_wait3A_859 = arith.constant 0 : i32
      %dma_wait3A_860 = arith.constant 0 : i32
      %dma_wait3A_861 = tpu.memref_slice %arg9[%dma_wait3A_857, %dma_wait3A_859, %dma_wait3A_860] : memref<2x20x32xi32, #tpu.memory_space<vmem>> -> memref<1x20x32xi32, #tpu.memory_space<vmem>>
      %dma_wait3A_862 = tpu.memref_squeeze %dma_wait3A_861 : memref<1x20x32xi32, #tpu.memory_space<vmem>> -> memref<20x32xi32, #tpu.memory_space<vmem>>
      %dma_wait3A_863 = arith.constant 0 : i32
      %dma_wait3A_864 = arith.constant 0 : i32
      %dma_wait3A_865 = tpu.memref_slice %arg5[%dma_wait3A_856, %dma_wait3A_863, %dma_wait3A_864] : memref<59x20x2048xi32, #tpu.memory_space<hbm>> -> memref<1x20x32xi32, #tpu.memory_space<hbm>>
      %dma_wait3A_866 = tpu.memref_squeeze %dma_wait3A_865 : memref<1x20x32xi32, #tpu.memory_space<hbm>> -> memref<20x32xi32, #tpu.memory_space<hbm>>
      %dma_wait3A_867 = tpu.memref_slice %arg14[%dma_wait3A_858] : memref<2x!tpu.dma_semaphore, #tpu.memory_space<semaphore_mem>> -> memref<1x!tpu.dma_semaphore, #tpu.memory_space<semaphore_mem>>
      %dma_wait3A_868 = tpu.memref_squeeze %dma_wait3A_867 : memref<1x!tpu.dma_semaphore, #tpu.memory_space<semaphore_mem>> -> memref<!tpu.dma_semaphore, #tpu.memory_space<semaphore_mem>>
      %dma_wait3A_869 = arith.constant 0 : i32
      %dma_wait3A_870 = arith.constant 0 : i32
      %dma_wait3A_871 = tpu.memref_slice %arg9[%dma_wait3A_857, %dma_wait3A_869, %dma_wait3A_870] : memref<2x20x32xi32, #tpu.memory_space<vmem>> -> memref<1x20x32xi32, #tpu.memory_space<vmem>>
      %dma_wait3A_872 = tpu.memref_squeeze %dma_wait3A_871 : memref<1x20x32xi32, #tpu.memory_space<vmem>> -> memref<20x32xi32, #tpu.memory_space<vmem>>
      %dma_wait3A_873 = arith.constant 0 : i32
      %dma_wait3A_874 = arith.constant 0 : i32
      %dma_wait3A_875 = tpu.memref_slice %arg5[%dma_wait3A_856, %dma_wait3A_873, %dma_wait3A_874] : memref<59x20x2048xi32, #tpu.memory_space<hbm>> -> memref<1x20x32xi32, #tpu.memory_space<hbm>>
      %dma_wait3A_876 = tpu.memref_squeeze %dma_wait3A_875 : memref<1x20x32xi32, #tpu.memory_space<hbm>> -> memref<20x32xi32, #tpu.memory_space<hbm>>
      tpu.wait_dma2 semaphore(%dma_wait3A_868 : memref<!tpu.dma_semaphore, #tpu.memory_space<semaphore_mem>>) src(%dma_wait3A_876 : memref<20x32xi32, #tpu.memory_space<hbm>>) dst(%dma_wait3A_872 : memref<20x32xi32, #tpu.memory_space<vmem>>)
      %dma_wait3A_877 = arith.constant 0 : i32
      %dma_wait3A_878 = arith.constant 1 : i32
      %dma_wait3A_879 = arith.constant 1 : i32
      %dma_wait3A_880 = arith.constant 0 : i32
      %dma_wait3A_881 = tpu.memref_slice %arg12[%dma_wait3A_878, %dma_wait3A_880] : memref<2x32xf32, #tpu.memory_space<vmem>> -> memref<1x32xf32, #tpu.memory_space<vmem>>
      %dma_wait3A_882 = tpu.memref_squeeze %dma_wait3A_881 : memref<1x32xf32, #tpu.memory_space<vmem>> -> memref<32xf32, #tpu.memory_space<vmem>>
      %dma_wait3A_883 = arith.constant 0 : i32
      %dma_wait3A_884 = tpu.memref_slice %arg4[%dma_wait3A_877, %dma_wait3A_883] : memref<64x2048xf32, #tpu.memory_space<hbm>> -> memref<1x32xf32, #tpu.memory_space<hbm>>
      %dma_wait3A_885 = tpu.memref_squeeze %dma_wait3A_884 : memref<1x32xf32, #tpu.memory_space<hbm>> -> memref<32xf32, #tpu.memory_space<hbm>>
      %dma_wait3A_886 = tpu.memref_slice %arg15[%dma_wait3A_879] : memref<2x!tpu.dma_semaphore, #tpu.memory_space<semaphore_mem>> -> memref<1x!tpu.dma_semaphore, #tpu.memory_space<semaphore_mem>>
      %dma_wait3A_887 = tpu.memref_squeeze %dma_wait3A_886 : memref<1x!tpu.dma_semaphore, #tpu.memory_space<semaphore_mem>> -> memref<!tpu.dma_semaphore, #tpu.memory_space<semaphore_mem>>
      %dma_wait3A_888 = arith.constant 0 : i32
      %dma_wait3A_889 = tpu.memref_slice %arg12[%dma_wait3A_878, %dma_wait3A_888] : memref<2x32xf32, #tpu.memory_space<vmem>> -> memref<1x32xf32, #tpu.memory_space<vmem>>
      %dma_wait3A_890 = tpu.memref_squeeze %dma_wait3A_889 : memref<1x32xf32, #tpu.memory_space<vmem>> -> memref<32xf32, #tpu.memory_space<vmem>>
      %dma_wait3A_891 = arith.constant 0 : i32
      %dma_wait3A_892 = tpu.memref_slice %arg4[%dma_wait3A_877, %dma_wait3A_891] : memref<64x2048xf32, #tpu.memory_space<hbm>> -> memref<1x32xf32, #tpu.memory_space<hbm>>
      %dma_wait3A_893 = tpu.memref_squeeze %dma_wait3A_892 : memref<1x32xf32, #tpu.memory_space<hbm>> -> memref<32xf32, #tpu.memory_space<hbm>>
      tpu.wait_dma2 semaphore(%dma_wait3A_887 : memref<!tpu.dma_semaphore, #tpu.memory_space<semaphore_mem>>) src(%dma_wait3A_893 : memref<32xf32, #tpu.memory_space<hbm>>) dst(%dma_wait3A_890 : memref<32xf32, #tpu.memory_space<vmem>>)
      %get3A_894 = arith.constant 1 : i32
      %get3A_895 = arith.index_cast %get3A_894 : i32 to index
      %get3A_896 = arith.constant 0 : index
      %get3A_897 = tpu.vector_load %arg12[%get3A_895, %get3A_896] {strides = array<i32>} : memref<2x32xf32, #tpu.memory_space<vmem>>, vector<16xf32>,
      %get3A_898 = arith.constant 1 : i32
      %get3A_899 = arith.index_cast %get3A_898 : i32 to index
      %get3A_900 = arith.constant 16 : index
      %get3A_901 = tpu.vector_load %arg12[%get3A_899, %get3A_900] {strides = array<i32>} : memref<2x32xf32, #tpu.memory_space<vmem>>, vector<16xf32>,
      %broadcast_in_dim3A_902 = arith.constant 0.000000e+00 : f32
      %broadcast_in_dim3A_903 = vector.broadcast %broadcast_in_dim3A_902 : f32 to vector<16xf32>
      %parallel_loop3A_904 = arith.constant 0 : i32
      %parallel_loop3A_905 = arith.constant 20 : i32
      %parallel_loop3A_906 = arith.constant 1 : i32
      %parallel_loop3A_907:2 = scf.for %parallel_loop3A_1530 = %parallel_loop3A_904 to %parallel_loop3A_905 step %parallel_loop3A_906 iter_args(%parallel_loop3A_1531 = %broadcast_in_dim3A_903, %parallel_loop3A_1532 = %broadcast_in_dim3A_903) -> (vector<16xf32>, vector<16xf32>)  : i32 {
        %parallel_loop3A_1533 = arith.constant 1 : i32
        %parallel_loop3A_1534 = arith.index_cast %parallel_loop3A_1533 : i32 to index
        %parallel_loop3A_1535 = arith.index_cast %parallel_loop3A_1530 : i32 to index
        %parallel_loop3A_1536 = arith.constant 0 : index
        %parallel_loop3A_1537 = tpu.vector_load %arg9[%parallel_loop3A_1534, %parallel_loop3A_1535, %parallel_loop3A_1536] {strides = array<i32>} : memref<2x20x32xi32, #tpu.memory_space<vmem>>, vector<16xi32>,
        %parallel_loop3A_1538 = arith.constant 1 : i32
        %parallel_loop3A_1539 = vector.broadcast %parallel_loop3A_1538 : i32 to vector<16xi32>
        %parallel_loop3A_1540 = arith.subi %parallel_loop3A_1537, %parallel_loop3A_1539 : vector<16xi32>
        %parallel_loop3A_1541 = arith.constant 0 : i32
        %parallel_loop3A_1542 = vector.broadcast %parallel_loop3A_1541 : i32 to vector<16xi32>
        %parallel_loop3A_1543 = arith.maxsi %parallel_loop3A_1540, %parallel_loop3A_1542 : vector<16xi32>
        %parallel_loop3A_1544 = arith.index_cast %parallel_loop3A_1530 : i32 to index
        %parallel_loop3A_1545 = arith.constant 0 : index
        %parallel_loop3A_1546 = tpu.vector_load %arg10[%parallel_loop3A_1544, %parallel_loop3A_1545] {strides = array<i32>} : memref<20x32xi32, #tpu.memory_space<vmem>>, vector<16xi32>,
        tpu.vector_store %arg10[%parallel_loop3A_1544, %parallel_loop3A_1545], %parallel_loop3A_1543 {strides = array<i32>} : memref<20x32xi32, #tpu.memory_space<vmem>>, vector<16xi32>,
        %parallel_loop3A_1547 = arith.constant 1 : i32
        %parallel_loop3A_1548 = vector.broadcast %parallel_loop3A_1547 : i32 to vector<16xi32>
        %parallel_loop3A_1549 = arith.minsi %parallel_loop3A_1537, %parallel_loop3A_1548 : vector<16xi32>
        %parallel_loop3A_1550 = arith.sitofp %parallel_loop3A_1549 : vector<16xi32> to vector<16xf32>
        %parallel_loop3A_1551 = tpu.vector_load_idx %arg8[%parallel_loop3A_1543] : memref<2048xf32, #tpu.memory_space<vmem>>[vector<16xi32>], vector<16xf32>,
        %parallel_loop3A_1552 = arith.mulf %parallel_loop3A_1551, %parallel_loop3A_1550 : vector<16xf32>
        %parallel_loop3A_1553 = arith.addf %parallel_loop3A_1552, %get3A_897 : vector<16xf32>
        %parallel_loop3A_1554 = arith.constant 0.000000e+00 : f32
        %parallel_loop3A_1555 = vector.broadcast %parallel_loop3A_1554 : f32 to vector<16xf32>
        %parallel_loop3A_1556 = arith.maximumf %parallel_loop3A_1553, %parallel_loop3A_1555 : vector<16xf32>
        %parallel_loop3A_1557 = math.exp %parallel_loop3A_1556 : vector<16xf32>
        %parallel_loop3A_1558 = arith.mulf %parallel_loop3A_1557, %parallel_loop3A_1550 : vector<16xf32>
        %parallel_loop3A_1559 = arith.index_cast %parallel_loop3A_1530 : i32 to index
        %parallel_loop3A_1560 = arith.constant 0 : index
        %parallel_loop3A_1561 = tpu.vector_load %arg11[%parallel_loop3A_1559, %parallel_loop3A_1560] {strides = array<i32>} : memref<20x32xf32, #tpu.memory_space<vmem>>, vector<16xf32>,
        tpu.vector_store %arg11[%parallel_loop3A_1559, %parallel_loop3A_1560], %parallel_loop3A_1558 {strides = array<i32>} : memref<20x32xf32, #tpu.memory_space<vmem>>, vector<16xf32>,
        %parallel_loop3A_1562 = arith.addf %parallel_loop3A_1531, %parallel_loop3A_1557 : vector<16xf32>
        %parallel_loop3A_1563 = arith.constant 1 : i32
        %parallel_loop3A_1564 = arith.index_cast %parallel_loop3A_1563 : i32 to index
        %parallel_loop3A_1565 = arith.index_cast %parallel_loop3A_1530 : i32 to index
        %parallel_loop3A_1566 = arith.constant 16 : index
        %parallel_loop3A_1567 = tpu.vector_load %arg9[%parallel_loop3A_1564, %parallel_loop3A_1565, %parallel_loop3A_1566] {strides = array<i32>} : memref<2x20x32xi32, #tpu.memory_space<vmem>>, vector<16xi32>,
        %parallel_loop3A_1568 = arith.constant 1 : i32
        %parallel_loop3A_1569 = vector.broadcast %parallel_loop3A_1568 : i32 to vector<16xi32>
        %parallel_loop3A_1570 = arith.subi %parallel_loop3A_1567, %parallel_loop3A_1569 : vector<16xi32>
        %parallel_loop3A_1571 = arith.constant 0 : i32
        %parallel_loop3A_1572 = vector.broadcast %parallel_loop3A_1571 : i32 to vector<16xi32>
        %parallel_loop3A_1573 = arith.maxsi %parallel_loop3A_1570, %parallel_loop3A_1572 : vector<16xi32>
        %parallel_loop3A_1574 = arith.index_cast %parallel_loop3A_1530 : i32 to index
        %parallel_loop3A_1575 = arith.constant 16 : index
        %parallel_loop3A_1576 = tpu.vector_load %arg10[%parallel_loop3A_1574, %parallel_loop3A_1575] {strides = array<i32>} : memref<20x32xi32, #tpu.memory_space<vmem>>, vector<16xi32>,
        tpu.vector_store %arg10[%parallel_loop3A_1574, %parallel_loop3A_1575], %parallel_loop3A_1573 {strides = array<i32>} : memref<20x32xi32, #tpu.memory_space<vmem>>, vector<16xi32>,
        %parallel_loop3A_1577 = arith.constant 1 : i32
        %parallel_loop3A_1578 = vector.broadcast %parallel_loop3A_1577 : i32 to vector<16xi32>
        %parallel_loop3A_1579 = arith.minsi %parallel_loop3A_1567, %parallel_loop3A_1578 : vector<16xi32>
        %parallel_loop3A_1580 = arith.sitofp %parallel_loop3A_1579 : vector<16xi32> to vector<16xf32>
        %parallel_loop3A_1581 = tpu.vector_load_idx %arg8[%parallel_loop3A_1573] : memref<2048xf32, #tpu.memory_space<vmem>>[vector<16xi32>], vector<16xf32>,
        %parallel_loop3A_1582 = arith.mulf %parallel_loop3A_1581, %parallel_loop3A_1580 : vector<16xf32>
        %parallel_loop3A_1583 = arith.addf %parallel_loop3A_1582, %get3A_901 : vector<16xf32>
        %parallel_loop3A_1584 = arith.constant 0.000000e+00 : f32
        %parallel_loop3A_1585 = vector.broadcast %parallel_loop3A_1584 : f32 to vector<16xf32>
        %parallel_loop3A_1586 = arith.maximumf %parallel_loop3A_1583, %parallel_loop3A_1585 : vector<16xf32>
        %parallel_loop3A_1587 = math.exp %parallel_loop3A_1586 : vector<16xf32>
        %parallel_loop3A_1588 = arith.mulf %parallel_loop3A_1587, %parallel_loop3A_1580 : vector<16xf32>
        %parallel_loop3A_1589 = arith.index_cast %parallel_loop3A_1530 : i32 to index
        %parallel_loop3A_1590 = arith.constant 16 : index
        %parallel_loop3A_1591 = tpu.vector_load %arg11[%parallel_loop3A_1589, %parallel_loop3A_1590] {strides = array<i32>} : memref<20x32xf32, #tpu.memory_space<vmem>>, vector<16xf32>,
        tpu.vector_store %arg11[%parallel_loop3A_1589, %parallel_loop3A_1590], %parallel_loop3A_1588 {strides = array<i32>} : memref<20x32xf32, #tpu.memory_space<vmem>>, vector<16xf32>,
        %parallel_loop3A_1592 = arith.addf %parallel_loop3A_1532, %parallel_loop3A_1587 : vector<16xf32>
        scf.yield %parallel_loop3A_1562, %parallel_loop3A_1592 : vector<16xf32>, vector<16xf32>
      } {sc.loop_unroll_factor = 2 : i64, sc.parallel_access}
      %div3A_908 = arith.constant 1.000000e+00 : f32
      %div3A_909 = vector.broadcast %div3A_908 : f32 to vector<16xf32>
      %div3A_910 = arith.divf %div3A_909, %parallel_loop3A_907#0 : vector<16xf32>
      %div3A_911 = arith.constant 1.000000e+00 : f32
      %div3A_912 = vector.broadcast %div3A_911 : f32 to vector<16xf32>
      %div3A_913 = arith.divf %div3A_912, %parallel_loop3A_907#1 : vector<16xf32>
      %sub3A_914 = arith.constant 2 : i32
      %sub3A_915 = arith.subi %add3A_816, %sub3A_914 : i32
      %ge3A_916 = arith.cmpi sge, %sub3A_915, %mul3A_2 : i32
      %convert_element_type3A_917 = arith.extui %ge3A_916 : i1 to i32
      %cond3A_918 = arith.constant 0 : i32
      %cond3A_919 = arith.cmpi ne, %convert_element_type3A_917, %cond3A_918 : i32
      scf.if %cond3A_919 {
        %dma_wait3A_1530 = arith.constant 1 : i32
        %dma_wait3A_1531 = arith.constant 0 : i32
        %dma_wait3A_1532 = arith.constant 0 : i32
        %dma_wait3A_1533 = arith.constant 1 : i32
        %dma_wait3A_1534 = arith.constant 0 : i32
        %dma_wait3A_1535 = arith.constant 0 : i32
        %dma_wait3A_1536 = tpu.memref_slice %arg13[%dma_wait3A_1530, %dma_wait3A_1534, %dma_wait3A_1535] : memref<2x32x32xf32, #tpu.memory_space<vmem>> -> memref<1x32x32xf32, #tpu.memory_space<vmem>>
        %dma_wait3A_1537 = tpu.memref_squeeze %dma_wait3A_1536 : memref<1x32x32xf32, #tpu.memory_space<vmem>> -> memref<32x32xf32, #tpu.memory_space<vmem>>
        %dma_wait3A_1538 = arith.constant 0 : i32
        %dma_wait3A_1539 = arith.constant 0 : i32
        %dma_wait3A_1540 = tpu.memref_slice %arg6[%dma_wait3A_1531, %dma_wait3A_1532, %dma_wait3A_1538, %dma_wait3A_1539] : memref<59x2x32x2048xf32, #tpu.memory_space<hbm>> -> memref<1x1x32x32xf32, #tpu.memory_space<hbm>>
        %dma_wait3A_1541 = tpu.memref_squeeze %dma_wait3A_1540 : memref<1x1x32x32xf32, #tpu.memory_space<hbm>> -> memref<32x32xf32, #tpu.memory_space<hbm>>
        %dma_wait3A_1542 = tpu.memref_slice %arg16[%dma_wait3A_1533] : memref<2x!tpu.dma_semaphore, #tpu.memory_space<semaphore_mem>> -> memref<1x!tpu.dma_semaphore, #tpu.memory_space<semaphore_mem>>
        %dma_wait3A_1543 = tpu.memref_squeeze %dma_wait3A_1542 : memref<1x!tpu.dma_semaphore, #tpu.memory_space<semaphore_mem>> -> memref<!tpu.dma_semaphore, #tpu.memory_space<semaphore_mem>>
        %dma_wait3A_1544 = arith.constant 0 : i32
        %dma_wait3A_1545 = arith.constant 0 : i32
        %dma_wait3A_1546 = tpu.memref_slice %arg6[%dma_wait3A_1531, %dma_wait3A_1532, %dma_wait3A_1544, %dma_wait3A_1545] : memref<59x2x32x2048xf32, #tpu.memory_space<hbm>> -> memref<1x1x32x32xf32, #tpu.memory_space<hbm>>
        %dma_wait3A_1547 = tpu.memref_squeeze %dma_wait3A_1546 : memref<1x1x32x32xf32, #tpu.memory_space<hbm>> -> memref<32x32xf32, #tpu.memory_space<hbm>>
        %dma_wait3A_1548 = arith.constant 0 : i32
        %dma_wait3A_1549 = arith.constant 0 : i32
        %dma_wait3A_1550 = tpu.memref_slice %arg13[%dma_wait3A_1530, %dma_wait3A_1548, %dma_wait3A_1549] : memref<2x32x32xf32, #tpu.memory_space<vmem>> -> memref<1x32x32xf32, #tpu.memory_space<vmem>>
        %dma_wait3A_1551 = tpu.memref_squeeze %dma_wait3A_1550 : memref<1x32x32xf32, #tpu.memory_space<vmem>> -> memref<32x32xf32, #tpu.memory_space<vmem>>
        tpu.wait_dma2 semaphore(%dma_wait3A_1543 : memref<!tpu.dma_semaphore, #tpu.memory_space<semaphore_mem>>) src(%dma_wait3A_1551 : memref<32x32xf32, #tpu.memory_space<vmem>>) dst(%dma_wait3A_1547 : memref<32x32xf32, #tpu.memory_space<hbm>>)
      } else {
      }
      %broadcast_in_dim3A_920 = arith.constant 0.000000e+00 : f32
      %broadcast_in_dim3A_921 = vector.broadcast %broadcast_in_dim3A_920 : f32 to vector<16xf32>
      %broadcast_in_dim3A_922 = arith.constant 0.000000e+00 : f32
      %broadcast_in_dim3A_923 = vector.broadcast %broadcast_in_dim3A_922 : f32 to vector<16xf32>
      %broadcast_in_dim3A_924 = arith.constant 0.000000e+00 : f32
      %broadcast_in_dim3A_925 = vector.broadcast %broadcast_in_dim3A_924 : f32 to vector<16xf32>
      %broadcast_in_dim3A_926 = arith.constant 0.000000e+00 : f32
      %broadcast_in_dim3A_927 = vector.broadcast %broadcast_in_dim3A_926 : f32 to vector<16xf32>
      %broadcast_in_dim3A_928 = arith.constant 0.000000e+00 : f32
      %broadcast_in_dim3A_929 = vector.broadcast %broadcast_in_dim3A_928 : f32 to vector<16xf32>
      %broadcast_in_dim3A_930 = arith.constant 0.000000e+00 : f32
      %broadcast_in_dim3A_931 = vector.broadcast %broadcast_in_dim3A_930 : f32 to vector<16xf32>
      %broadcast_in_dim3A_932 = arith.constant 0.000000e+00 : f32
      %broadcast_in_dim3A_933 = vector.broadcast %broadcast_in_dim3A_932 : f32 to vector<16xf32>
      %broadcast_in_dim3A_934 = arith.constant 0.000000e+00 : f32
      %broadcast_in_dim3A_935 = vector.broadcast %broadcast_in_dim3A_934 : f32 to vector<16xf32>
      %broadcast_in_dim3A_936 = arith.constant 0.000000e+00 : f32
      %broadcast_in_dim3A_937 = vector.broadcast %broadcast_in_dim3A_936 : f32 to vector<16xf32>
      %broadcast_in_dim3A_938 = arith.constant 0.000000e+00 : f32
      %broadcast_in_dim3A_939 = vector.broadcast %broadcast_in_dim3A_938 : f32 to vector<16xf32>
      %broadcast_in_dim3A_940 = arith.constant 0.000000e+00 : f32
      %broadcast_in_dim3A_941 = vector.broadcast %broadcast_in_dim3A_940 : f32 to vector<16xf32>
      %broadcast_in_dim3A_942 = arith.constant 0.000000e+00 : f32
      %broadcast_in_dim3A_943 = vector.broadcast %broadcast_in_dim3A_942 : f32 to vector<16xf32>
      %broadcast_in_dim3A_944 = arith.constant 0.000000e+00 : f32
      %broadcast_in_dim3A_945 = vector.broadcast %broadcast_in_dim3A_944 : f32 to vector<16xf32>
      %broadcast_in_dim3A_946 = arith.constant 0.000000e+00 : f32
      %broadcast_in_dim3A_947 = vector.broadcast %broadcast_in_dim3A_946 : f32 to vector<16xf32>
      %broadcast_in_dim3A_948 = arith.constant 0.000000e+00 : f32
      %broadcast_in_dim3A_949 = vector.broadcast %broadcast_in_dim3A_948 : f32 to vector<16xf32>
      %broadcast_in_dim3A_950 = arith.constant 0.000000e+00 : f32
      %broadcast_in_dim3A_951 = vector.broadcast %broadcast_in_dim3A_950 : f32 to vector<16xf32>
      %parallel_loop3A_952 = arith.constant 0 : i32
      %parallel_loop3A_953 = arith.constant 20 : i32
      %parallel_loop3A_954 = arith.constant 1 : i32
      %parallel_loop3A_955:16 = scf.for %parallel_loop3A_1530 = %parallel_loop3A_952 to %parallel_loop3A_953 step %parallel_loop3A_954 iter_args(%parallel_loop3A_1531 = %broadcast_in_dim3A_921, %parallel_loop3A_1532 = %broadcast_in_dim3A_923, %parallel_loop3A_1533 = %broadcast_in_dim3A_925, %parallel_loop3A_1534 = %broadcast_in_dim3A_927, %parallel_loop3A_1535 = %broadcast_in_dim3A_929, %parallel_loop3A_1536 = %broadcast_in_dim3A_931, %parallel_loop3A_1537 = %broadcast_in_dim3A_933, %parallel_loop3A_1538 = %broadcast_in_dim3A_935, %parallel_loop3A_1539 = %broadcast_in_dim3A_937, %parallel_loop3A_1540 = %broadcast_in_dim3A_939, %parallel_loop3A_1541 = %broadcast_in_dim3A_941, %parallel_loop3A_1542 = %broadcast_in_dim3A_943, %parallel_loop3A_1543 = %broadcast_in_dim3A_945, %parallel_loop3A_1544 = %broadcast_in_dim3A_947, %parallel_loop3A_1545 = %broadcast_in_dim3A_949, %parallel_loop3A_1546 = %broadcast_in_dim3A_951) -> (vector<16xf32>, vector<16xf32>, vector<16xf32>, vector<16xf32>, vector<16xf32>, vector<16xf32>, vector<16xf32>, vector<16xf32>, vector<16xf32>, vector<16xf32>, vector<16xf32>, vector<16xf32>, vector<16xf32>, vector<16xf32>, vector<16xf32>, vector<16xf32>)  : i32 {
        %parallel_loop3A_1547 = arith.index_cast %parallel_loop3A_1530 : i32 to index
        %parallel_loop3A_1548 = arith.constant 0 : index
        %parallel_loop3A_1549 = tpu.vector_load %arg10[%parallel_loop3A_1547, %parallel_loop3A_1548] {strides = array<i32>} : memref<20x32xi32, #tpu.memory_space<vmem>>, vector<16xi32>,
        %parallel_loop3A_1550 = arith.index_cast %parallel_loop3A_1530 : i32 to index
        %parallel_loop3A_1551 = arith.constant 0 : index
        %parallel_loop3A_1552 = tpu.vector_load %arg11[%parallel_loop3A_1550, %parallel_loop3A_1551] {strides = array<i32>} : memref<20x32xf32, #tpu.memory_space<vmem>>, vector<16xf32>,
        %parallel_loop3A_1553 = arith.constant 0 : i32
        %parallel_loop3A_1554 = vector.broadcast %parallel_loop3A_1553 : i32 to vector<16xi32>
        %parallel_loop3A_1555 = tpu.vector_load_idx %arg7[%parallel_loop3A_1554, %parallel_loop3A_1549] : memref<32x2048xf32, #tpu.memory_space<vmem>>[vector<16xi32>, vector<16xi32>], vector<16xf32>,
        %parallel_loop3A_1556 = arith.mulf %parallel_loop3A_1552, %parallel_loop3A_1555 : vector<16xf32>
        %parallel_loop3A_1557 = arith.addf %parallel_loop3A_1531, %parallel_loop3A_1556 : vector<16xf32>
        %parallel_loop3A_1558 = arith.constant 1 : i32
        %parallel_loop3A_1559 = vector.broadcast %parallel_loop3A_1558 : i32 to vector<16xi32>
        %parallel_loop3A_1560 = tpu.vector_load_idx %arg7[%parallel_loop3A_1559, %parallel_loop3A_1549] : memref<32x2048xf32, #tpu.memory_space<vmem>>[vector<16xi32>, vector<16xi32>], vector<16xf32>,
        %parallel_loop3A_1561 = arith.mulf %parallel_loop3A_1552, %parallel_loop3A_1560 : vector<16xf32>
        %parallel_loop3A_1562 = arith.addf %parallel_loop3A_1532, %parallel_loop3A_1561 : vector<16xf32>
        %parallel_loop3A_1563 = arith.constant 2 : i32
        %parallel_loop3A_1564 = vector.broadcast %parallel_loop3A_1563 : i32 to vector<16xi32>
        %parallel_loop3A_1565 = tpu.vector_load_idx %arg7[%parallel_loop3A_1564, %parallel_loop3A_1549] : memref<32x2048xf32, #tpu.memory_space<vmem>>[vector<16xi32>, vector<16xi32>], vector<16xf32>,
        %parallel_loop3A_1566 = arith.mulf %parallel_loop3A_1552, %parallel_loop3A_1565 : vector<16xf32>
        %parallel_loop3A_1567 = arith.addf %parallel_loop3A_1533, %parallel_loop3A_1566 : vector<16xf32>
        %parallel_loop3A_1568 = arith.constant 3 : i32
        %parallel_loop3A_1569 = vector.broadcast %parallel_loop3A_1568 : i32 to vector<16xi32>
        %parallel_loop3A_1570 = tpu.vector_load_idx %arg7[%parallel_loop3A_1569, %parallel_loop3A_1549] : memref<32x2048xf32, #tpu.memory_space<vmem>>[vector<16xi32>, vector<16xi32>], vector<16xf32>,
        %parallel_loop3A_1571 = arith.mulf %parallel_loop3A_1552, %parallel_loop3A_1570 : vector<16xf32>
        %parallel_loop3A_1572 = arith.addf %parallel_loop3A_1534, %parallel_loop3A_1571 : vector<16xf32>
        %parallel_loop3A_1573 = arith.constant 4 : i32
        %parallel_loop3A_1574 = vector.broadcast %parallel_loop3A_1573 : i32 to vector<16xi32>
        %parallel_loop3A_1575 = tpu.vector_load_idx %arg7[%parallel_loop3A_1574, %parallel_loop3A_1549] : memref<32x2048xf32, #tpu.memory_space<vmem>>[vector<16xi32>, vector<16xi32>], vector<16xf32>,
        %parallel_loop3A_1576 = arith.mulf %parallel_loop3A_1552, %parallel_loop3A_1575 : vector<16xf32>
        %parallel_loop3A_1577 = arith.addf %parallel_loop3A_1535, %parallel_loop3A_1576 : vector<16xf32>
        %parallel_loop3A_1578 = arith.constant 5 : i32
        %parallel_loop3A_1579 = vector.broadcast %parallel_loop3A_1578 : i32 to vector<16xi32>
        %parallel_loop3A_1580 = tpu.vector_load_idx %arg7[%parallel_loop3A_1579, %parallel_loop3A_1549] : memref<32x2048xf32, #tpu.memory_space<vmem>>[vector<16xi32>, vector<16xi32>], vector<16xf32>,
        %parallel_loop3A_1581 = arith.mulf %parallel_loop3A_1552, %parallel_loop3A_1580 : vector<16xf32>
        %parallel_loop3A_1582 = arith.addf %parallel_loop3A_1536, %parallel_loop3A_1581 : vector<16xf32>
        %parallel_loop3A_1583 = arith.constant 6 : i32
        %parallel_loop3A_1584 = vector.broadcast %parallel_loop3A_1583 : i32 to vector<16xi32>
        %parallel_loop3A_1585 = tpu.vector_load_idx %arg7[%parallel_loop3A_1584, %parallel_loop3A_1549] : memref<32x2048xf32, #tpu.memory_space<vmem>>[vector<16xi32>, vector<16xi32>], vector<16xf32>,
        %parallel_loop3A_1586 = arith.mulf %parallel_loop3A_1552, %parallel_loop3A_1585 : vector<16xf32>
        %parallel_loop3A_1587 = arith.addf %parallel_loop3A_1537, %parallel_loop3A_1586 : vector<16xf32>
        %parallel_loop3A_1588 = arith.constant 7 : i32
        %parallel_loop3A_1589 = vector.broadcast %parallel_loop3A_1588 : i32 to vector<16xi32>
        %parallel_loop3A_1590 = tpu.vector_load_idx %arg7[%parallel_loop3A_1589, %parallel_loop3A_1549] : memref<32x2048xf32, #tpu.memory_space<vmem>>[vector<16xi32>, vector<16xi32>], vector<16xf32>,
        %parallel_loop3A_1591 = arith.mulf %parallel_loop3A_1552, %parallel_loop3A_1590 : vector<16xf32>
        %parallel_loop3A_1592 = arith.addf %parallel_loop3A_1538, %parallel_loop3A_1591 : vector<16xf32>
        %parallel_loop3A_1593 = arith.constant 8 : i32
        %parallel_loop3A_1594 = vector.broadcast %parallel_loop3A_1593 : i32 to vector<16xi32>
        %parallel_loop3A_1595 = tpu.vector_load_idx %arg7[%parallel_loop3A_1594, %parallel_loop3A_1549] : memref<32x2048xf32, #tpu.memory_space<vmem>>[vector<16xi32>, vector<16xi32>], vector<16xf32>,
        %parallel_loop3A_1596 = arith.mulf %parallel_loop3A_1552, %parallel_loop3A_1595 : vector<16xf32>
        %parallel_loop3A_1597 = arith.addf %parallel_loop3A_1539, %parallel_loop3A_1596 : vector<16xf32>
        %parallel_loop3A_1598 = arith.constant 9 : i32
        %parallel_loop3A_1599 = vector.broadcast %parallel_loop3A_1598 : i32 to vector<16xi32>
        %parallel_loop3A_1600 = tpu.vector_load_idx %arg7[%parallel_loop3A_1599, %parallel_loop3A_1549] : memref<32x2048xf32, #tpu.memory_space<vmem>>[vector<16xi32>, vector<16xi32>], vector<16xf32>,
        %parallel_loop3A_1601 = arith.mulf %parallel_loop3A_1552, %parallel_loop3A_1600 : vector<16xf32>
        %parallel_loop3A_1602 = arith.addf %parallel_loop3A_1540, %parallel_loop3A_1601 : vector<16xf32>
        %parallel_loop3A_1603 = arith.constant 10 : i32
        %parallel_loop3A_1604 = vector.broadcast %parallel_loop3A_1603 : i32 to vector<16xi32>
        %parallel_loop3A_1605 = tpu.vector_load_idx %arg7[%parallel_loop3A_1604, %parallel_loop3A_1549] : memref<32x2048xf32, #tpu.memory_space<vmem>>[vector<16xi32>, vector<16xi32>], vector<16xf32>,
        %parallel_loop3A_1606 = arith.mulf %parallel_loop3A_1552, %parallel_loop3A_1605 : vector<16xf32>
        %parallel_loop3A_1607 = arith.addf %parallel_loop3A_1541, %parallel_loop3A_1606 : vector<16xf32>
        %parallel_loop3A_1608 = arith.constant 11 : i32
        %parallel_loop3A_1609 = vector.broadcast %parallel_loop3A_1608 : i32 to vector<16xi32>
        %parallel_loop3A_1610 = tpu.vector_load_idx %arg7[%parallel_loop3A_1609, %parallel_loop3A_1549] : memref<32x2048xf32, #tpu.memory_space<vmem>>[vector<16xi32>, vector<16xi32>], vector<16xf32>,
        %parallel_loop3A_1611 = arith.mulf %parallel_loop3A_1552, %parallel_loop3A_1610 : vector<16xf32>
        %parallel_loop3A_1612 = arith.addf %parallel_loop3A_1542, %parallel_loop3A_1611 : vector<16xf32>
        %parallel_loop3A_1613 = arith.constant 12 : i32
        %parallel_loop3A_1614 = vector.broadcast %parallel_loop3A_1613 : i32 to vector<16xi32>
        %parallel_loop3A_1615 = tpu.vector_load_idx %arg7[%parallel_loop3A_1614, %parallel_loop3A_1549] : memref<32x2048xf32, #tpu.memory_space<vmem>>[vector<16xi32>, vector<16xi32>], vector<16xf32>,
        %parallel_loop3A_1616 = arith.mulf %parallel_loop3A_1552, %parallel_loop3A_1615 : vector<16xf32>
        %parallel_loop3A_1617 = arith.addf %parallel_loop3A_1543, %parallel_loop3A_1616 : vector<16xf32>
        %parallel_loop3A_1618 = arith.constant 13 : i32
        %parallel_loop3A_1619 = vector.broadcast %parallel_loop3A_1618 : i32 to vector<16xi32>
        %parallel_loop3A_1620 = tpu.vector_load_idx %arg7[%parallel_loop3A_1619, %parallel_loop3A_1549] : memref<32x2048xf32, #tpu.memory_space<vmem>>[vector<16xi32>, vector<16xi32>], vector<16xf32>,
        %parallel_loop3A_1621 = arith.mulf %parallel_loop3A_1552, %parallel_loop3A_1620 : vector<16xf32>
        %parallel_loop3A_1622 = arith.addf %parallel_loop3A_1544, %parallel_loop3A_1621 : vector<16xf32>
        %parallel_loop3A_1623 = arith.constant 14 : i32
        %parallel_loop3A_1624 = vector.broadcast %parallel_loop3A_1623 : i32 to vector<16xi32>
        %parallel_loop3A_1625 = tpu.vector_load_idx %arg7[%parallel_loop3A_1624, %parallel_loop3A_1549] : memref<32x2048xf32, #tpu.memory_space<vmem>>[vector<16xi32>, vector<16xi32>], vector<16xf32>,
        %parallel_loop3A_1626 = arith.mulf %parallel_loop3A_1552, %parallel_loop3A_1625 : vector<16xf32>
        %parallel_loop3A_1627 = arith.addf %parallel_loop3A_1545, %parallel_loop3A_1626 : vector<16xf32>
        %parallel_loop3A_1628 = arith.constant 15 : i32
        %parallel_loop3A_1629 = vector.broadcast %parallel_loop3A_1628 : i32 to vector<16xi32>
        %parallel_loop3A_1630 = tpu.vector_load_idx %arg7[%parallel_loop3A_1629, %parallel_loop3A_1549] : memref<32x2048xf32, #tpu.memory_space<vmem>>[vector<16xi32>, vector<16xi32>], vector<16xf32>,
        %parallel_loop3A_1631 = arith.mulf %parallel_loop3A_1552, %parallel_loop3A_1630 : vector<16xf32>
        %parallel_loop3A_1632 = arith.addf %parallel_loop3A_1546, %parallel_loop3A_1631 : vector<16xf32>
        scf.yield %parallel_loop3A_1557, %parallel_loop3A_1562, %parallel_loop3A_1567, %parallel_loop3A_1572, %parallel_loop3A_1577, %parallel_loop3A_1582, %parallel_loop3A_1587, %parallel_loop3A_1592, %parallel_loop3A_1597, %parallel_loop3A_1602, %parallel_loop3A_1607, %parallel_loop3A_1612, %parallel_loop3A_1617, %parallel_loop3A_1622, %parallel_loop3A_1627, %parallel_loop3A_1632 : vector<16xf32>, vector<16xf32>, vector<16xf32>, vector<16xf32>, vector<16xf32>, vector<16xf32>, vector<16xf32>, vector<16xf32>, vector<16xf32>, vector<16xf32>, vector<16xf32>, vector<16xf32>, vector<16xf32>, vector<16xf32>, vector<16xf32>, vector<16xf32>
      } {sc.loop_unroll_factor = 2 : i64, sc.parallel_access}
      %mul3A_956 = arith.mulf %parallel_loop3A_955#0, %div3A_910 : vector<16xf32>
      %swap3A_957 = arith.constant 1 : i32
      %swap3A_958 = arith.constant 0 : i32
      %swap3A_959 = arith.index_cast %swap3A_957 : i32 to index
      %swap3A_960 = arith.index_cast %swap3A_958 : i32 to index
      %swap3A_961 = arith.constant 0 : index
      %swap3A_962 = tpu.vector_load %arg13[%swap3A_959, %swap3A_960, %swap3A_961] {strides = array<i32>} : memref<2x32x32xf32, #tpu.memory_space<vmem>>, vector<16xf32>,
      tpu.vector_store %arg13[%swap3A_959, %swap3A_960, %swap3A_961], %mul3A_956 {strides = array<i32>} : memref<2x32x32xf32, #tpu.memory_space<vmem>>, vector<16xf32>,
      %mul3A_963 = arith.mulf %parallel_loop3A_955#1, %div3A_910 : vector<16xf32>
      %swap3A_964 = arith.constant 1 : i32
      %swap3A_965 = arith.constant 1 : i32
      %swap3A_966 = arith.index_cast %swap3A_964 : i32 to index
      %swap3A_967 = arith.index_cast %swap3A_965 : i32 to index
      %swap3A_968 = arith.constant 0 : index
      %swap3A_969 = tpu.vector_load %arg13[%swap3A_966, %swap3A_967, %swap3A_968] {strides = array<i32>} : memref<2x32x32xf32, #tpu.memory_space<vmem>>, vector<16xf32>,
      tpu.vector_store %arg13[%swap3A_966, %swap3A_967, %swap3A_968], %mul3A_963 {strides = array<i32>} : memref<2x32x32xf32, #tpu.memory_space<vmem>>, vector<16xf32>,
      %mul3A_970 = arith.mulf %parallel_loop3A_955#2, %div3A_910 : vector<16xf32>
      %swap3A_971 = arith.constant 1 : i32
      %swap3A_972 = arith.constant 2 : i32
      %swap3A_973 = arith.index_cast %swap3A_971 : i32 to index
      %swap3A_974 = arith.index_cast %swap3A_972 : i32 to index
      %swap3A_975 = arith.constant 0 : index
      %swap3A_976 = tpu.vector_load %arg13[%swap3A_973, %swap3A_974, %swap3A_975] {strides = array<i32>} : memref<2x32x32xf32, #tpu.memory_space<vmem>>, vector<16xf32>,
      tpu.vector_store %arg13[%swap3A_973, %swap3A_974, %swap3A_975], %mul3A_970 {strides = array<i32>} : memref<2x32x32xf32, #tpu.memory_space<vmem>>, vector<16xf32>,
      %mul3A_977 = arith.mulf %parallel_loop3A_955#3, %div3A_910 : vector<16xf32>
      %swap3A_978 = arith.constant 1 : i32
      %swap3A_979 = arith.constant 3 : i32
      %swap3A_980 = arith.index_cast %swap3A_978 : i32 to index
      %swap3A_981 = arith.index_cast %swap3A_979 : i32 to index
      %swap3A_982 = arith.constant 0 : index
      %swap3A_983 = tpu.vector_load %arg13[%swap3A_980, %swap3A_981, %swap3A_982] {strides = array<i32>} : memref<2x32x32xf32, #tpu.memory_space<vmem>>, vector<16xf32>,
      tpu.vector_store %arg13[%swap3A_980, %swap3A_981, %swap3A_982], %mul3A_977 {strides = array<i32>} : memref<2x32x32xf32, #tpu.memory_space<vmem>>, vector<16xf32>,
      %mul3A_984 = arith.mulf %parallel_loop3A_955#4, %div3A_910 : vector<16xf32>
      %swap3A_985 = arith.constant 1 : i32
      %swap3A_986 = arith.constant 4 : i32
      %swap3A_987 = arith.index_cast %swap3A_985 : i32 to index
      %swap3A_988 = arith.index_cast %swap3A_986 : i32 to index
      %swap3A_989 = arith.constant 0 : index
      %swap3A_990 = tpu.vector_load %arg13[%swap3A_987, %swap3A_988, %swap3A_989] {strides = array<i32>} : memref<2x32x32xf32, #tpu.memory_space<vmem>>, vector<16xf32>,
      tpu.vector_store %arg13[%swap3A_987, %swap3A_988, %swap3A_989], %mul3A_984 {strides = array<i32>} : memref<2x32x32xf32, #tpu.memory_space<vmem>>, vector<16xf32>,
      %mul3A_991 = arith.mulf %parallel_loop3A_955#5, %div3A_910 : vector<16xf32>
      %swap3A_992 = arith.constant 1 : i32
      %swap3A_993 = arith.constant 5 : i32
      %swap3A_994 = arith.index_cast %swap3A_992 : i32 to index
      %swap3A_995 = arith.index_cast %swap3A_993 : i32 to index
      %swap3A_996 = arith.constant 0 : index
      %swap3A_997 = tpu.vector_load %arg13[%swap3A_994, %swap3A_995, %swap3A_996] {strides = array<i32>} : memref<2x32x32xf32, #tpu.memory_space<vmem>>, vector<16xf32>,
      tpu.vector_store %arg13[%swap3A_994, %swap3A_995, %swap3A_996], %mul3A_991 {strides = array<i32>} : memref<2x32x32xf32, #tpu.memory_space<vmem>>, vector<16xf32>,
      %mul3A_998 = arith.mulf %parallel_loop3A_955#6, %div3A_910 : vector<16xf32>
      %swap3A_999 = arith.constant 1 : i32
      %swap3A_1000 = arith.constant 6 : i32
      %swap3A_1001 = arith.index_cast %swap3A_999 : i32 to index
      %swap3A_1002 = arith.index_cast %swap3A_1000 : i32 to index
      %swap3A_1003 = arith.constant 0 : index
      %swap3A_1004 = tpu.vector_load %arg13[%swap3A_1001, %swap3A_1002, %swap3A_1003] {strides = array<i32>} : memref<2x32x32xf32, #tpu.memory_space<vmem>>, vector<16xf32>,
      tpu.vector_store %arg13[%swap3A_1001, %swap3A_1002, %swap3A_1003], %mul3A_998 {strides = array<i32>} : memref<2x32x32xf32, #tpu.memory_space<vmem>>, vector<16xf32>,
      %mul3A_1005 = arith.mulf %parallel_loop3A_955#7, %div3A_910 : vector<16xf32>
      %swap3A_1006 = arith.constant 1 : i32
      %swap3A_1007 = arith.constant 7 : i32
      %swap3A_1008 = arith.index_cast %swap3A_1006 : i32 to index
      %swap3A_1009 = arith.index_cast %swap3A_1007 : i32 to index
      %swap3A_1010 = arith.constant 0 : index
      %swap3A_1011 = tpu.vector_load %arg13[%swap3A_1008, %swap3A_1009, %swap3A_1010] {strides = array<i32>} : memref<2x32x32xf32, #tpu.memory_space<vmem>>, vector<16xf32>,
      tpu.vector_store %arg13[%swap3A_1008, %swap3A_1009, %swap3A_1010], %mul3A_1005 {strides = array<i32>} : memref<2x32x32xf32, #tpu.memory_space<vmem>>, vector<16xf32>,
      %mul3A_1012 = arith.mulf %parallel_loop3A_955#8, %div3A_910 : vector<16xf32>
      %swap3A_1013 = arith.constant 1 : i32
      %swap3A_1014 = arith.constant 8 : i32
      %swap3A_1015 = arith.index_cast %swap3A_1013 : i32 to index
      %swap3A_1016 = arith.index_cast %swap3A_1014 : i32 to index
      %swap3A_1017 = arith.constant 0 : index
      %swap3A_1018 = tpu.vector_load %arg13[%swap3A_1015, %swap3A_1016, %swap3A_1017] {strides = array<i32>} : memref<2x32x32xf32, #tpu.memory_space<vmem>>, vector<16xf32>,
      tpu.vector_store %arg13[%swap3A_1015, %swap3A_1016, %swap3A_1017], %mul3A_1012 {strides = array<i32>} : memref<2x32x32xf32, #tpu.memory_space<vmem>>, vector<16xf32>,
      %mul3A_1019 = arith.mulf %parallel_loop3A_955#9, %div3A_910 : vector<16xf32>
      %swap3A_1020 = arith.constant 1 : i32
      %swap3A_1021 = arith.constant 9 : i32
      %swap3A_1022 = arith.index_cast %swap3A_1020 : i32 to index
      %swap3A_1023 = arith.index_cast %swap3A_1021 : i32 to index
      %swap3A_1024 = arith.constant 0 : index
      %swap3A_1025 = tpu.vector_load %arg13[%swap3A_1022, %swap3A_1023, %swap3A_1024] {strides = array<i32>} : memref<2x32x32xf32, #tpu.memory_space<vmem>>, vector<16xf32>,
      tpu.vector_store %arg13[%swap3A_1022, %swap3A_1023, %swap3A_1024], %mul3A_1019 {strides = array<i32>} : memref<2x32x32xf32, #tpu.memory_space<vmem>>, vector<16xf32>,
      %mul3A_1026 = arith.mulf %parallel_loop3A_955#10, %div3A_910 : vector<16xf32>
      %swap3A_1027 = arith.constant 1 : i32
      %swap3A_1028 = arith.constant 10 : i32
      %swap3A_1029 = arith.index_cast %swap3A_1027 : i32 to index
      %swap3A_1030 = arith.index_cast %swap3A_1028 : i32 to index
      %swap3A_1031 = arith.constant 0 : index
      %swap3A_1032 = tpu.vector_load %arg13[%swap3A_1029, %swap3A_1030, %swap3A_1031] {strides = array<i32>} : memref<2x32x32xf32, #tpu.memory_space<vmem>>, vector<16xf32>,
      tpu.vector_store %arg13[%swap3A_1029, %swap3A_1030, %swap3A_1031], %mul3A_1026 {strides = array<i32>} : memref<2x32x32xf32, #tpu.memory_space<vmem>>, vector<16xf32>,
      %mul3A_1033 = arith.mulf %parallel_loop3A_955#11, %div3A_910 : vector<16xf32>
      %swap3A_1034 = arith.constant 1 : i32
      %swap3A_1035 = arith.constant 11 : i32
      %swap3A_1036 = arith.index_cast %swap3A_1034 : i32 to index
      %swap3A_1037 = arith.index_cast %swap3A_1035 : i32 to index
      %swap3A_1038 = arith.constant 0 : index
      %swap3A_1039 = tpu.vector_load %arg13[%swap3A_1036, %swap3A_1037, %swap3A_1038] {strides = array<i32>} : memref<2x32x32xf32, #tpu.memory_space<vmem>>, vector<16xf32>,
      tpu.vector_store %arg13[%swap3A_1036, %swap3A_1037, %swap3A_1038], %mul3A_1033 {strides = array<i32>} : memref<2x32x32xf32, #tpu.memory_space<vmem>>, vector<16xf32>,
      %mul3A_1040 = arith.mulf %parallel_loop3A_955#12, %div3A_910 : vector<16xf32>
      %swap3A_1041 = arith.constant 1 : i32
      %swap3A_1042 = arith.constant 12 : i32
      %swap3A_1043 = arith.index_cast %swap3A_1041 : i32 to index
      %swap3A_1044 = arith.index_cast %swap3A_1042 : i32 to index
      %swap3A_1045 = arith.constant 0 : index
      %swap3A_1046 = tpu.vector_load %arg13[%swap3A_1043, %swap3A_1044, %swap3A_1045] {strides = array<i32>} : memref<2x32x32xf32, #tpu.memory_space<vmem>>, vector<16xf32>,
      tpu.vector_store %arg13[%swap3A_1043, %swap3A_1044, %swap3A_1045], %mul3A_1040 {strides = array<i32>} : memref<2x32x32xf32, #tpu.memory_space<vmem>>, vector<16xf32>,
      %mul3A_1047 = arith.mulf %parallel_loop3A_955#13, %div3A_910 : vector<16xf32>
      %swap3A_1048 = arith.constant 1 : i32
      %swap3A_1049 = arith.constant 13 : i32
      %swap3A_1050 = arith.index_cast %swap3A_1048 : i32 to index
      %swap3A_1051 = arith.index_cast %swap3A_1049 : i32 to index
      %swap3A_1052 = arith.constant 0 : index
      %swap3A_1053 = tpu.vector_load %arg13[%swap3A_1050, %swap3A_1051, %swap3A_1052] {strides = array<i32>} : memref<2x32x32xf32, #tpu.memory_space<vmem>>, vector<16xf32>,
      tpu.vector_store %arg13[%swap3A_1050, %swap3A_1051, %swap3A_1052], %mul3A_1047 {strides = array<i32>} : memref<2x32x32xf32, #tpu.memory_space<vmem>>, vector<16xf32>,
      %mul3A_1054 = arith.mulf %parallel_loop3A_955#14, %div3A_910 : vector<16xf32>
      %swap3A_1055 = arith.constant 1 : i32
      %swap3A_1056 = arith.constant 14 : i32
      %swap3A_1057 = arith.index_cast %swap3A_1055 : i32 to index
      %swap3A_1058 = arith.index_cast %swap3A_1056 : i32 to index
      %swap3A_1059 = arith.constant 0 : index
      %swap3A_1060 = tpu.vector_load %arg13[%swap3A_1057, %swap3A_1058, %swap3A_1059] {strides = array<i32>} : memref<2x32x32xf32, #tpu.memory_space<vmem>>, vector<16xf32>,
      tpu.vector_store %arg13[%swap3A_1057, %swap3A_1058, %swap3A_1059], %mul3A_1054 {strides = array<i32>} : memref<2x32x32xf32, #tpu.memory_space<vmem>>, vector<16xf32>,
      %mul3A_1061 = arith.mulf %parallel_loop3A_955#15, %div3A_910 : vector<16xf32>
      %swap3A_1062 = arith.constant 1 : i32
      %swap3A_1063 = arith.constant 15 : i32
      %swap3A_1064 = arith.index_cast %swap3A_1062 : i32 to index
      %swap3A_1065 = arith.index_cast %swap3A_1063 : i32 to index
      %swap3A_1066 = arith.constant 0 : index
      %swap3A_1067 = tpu.vector_load %arg13[%swap3A_1064, %swap3A_1065, %swap3A_1066] {strides = array<i32>} : memref<2x32x32xf32, #tpu.memory_space<vmem>>, vector<16xf32>,
      tpu.vector_store %arg13[%swap3A_1064, %swap3A_1065, %swap3A_1066], %mul3A_1061 {strides = array<i32>} : memref<2x32x32xf32, #tpu.memory_space<vmem>>, vector<16xf32>,
      %broadcast_in_dim3A_1068 = arith.constant 0.000000e+00 : f32
      %broadcast_in_dim3A_1069 = vector.broadcast %broadcast_in_dim3A_1068 : f32 to vector<16xf32>
      %broadcast_in_dim3A_1070 = arith.constant 0.000000e+00 : f32
      %broadcast_in_dim3A_1071 = vector.broadcast %broadcast_in_dim3A_1070 : f32 to vector<16xf32>
      %broadcast_in_dim3A_1072 = arith.constant 0.000000e+00 : f32
      %broadcast_in_dim3A_1073 = vector.broadcast %broadcast_in_dim3A_1072 : f32 to vector<16xf32>
      %broadcast_in_dim3A_1074 = arith.constant 0.000000e+00 : f32
      %broadcast_in_dim3A_1075 = vector.broadcast %broadcast_in_dim3A_1074 : f32 to vector<16xf32>
      %broadcast_in_dim3A_1076 = arith.constant 0.000000e+00 : f32
      %broadcast_in_dim3A_1077 = vector.broadcast %broadcast_in_dim3A_1076 : f32 to vector<16xf32>
      %broadcast_in_dim3A_1078 = arith.constant 0.000000e+00 : f32
      %broadcast_in_dim3A_1079 = vector.broadcast %broadcast_in_dim3A_1078 : f32 to vector<16xf32>
      %broadcast_in_dim3A_1080 = arith.constant 0.000000e+00 : f32
      %broadcast_in_dim3A_1081 = vector.broadcast %broadcast_in_dim3A_1080 : f32 to vector<16xf32>
      %broadcast_in_dim3A_1082 = arith.constant 0.000000e+00 : f32
      %broadcast_in_dim3A_1083 = vector.broadcast %broadcast_in_dim3A_1082 : f32 to vector<16xf32>
      %broadcast_in_dim3A_1084 = arith.constant 0.000000e+00 : f32
      %broadcast_in_dim3A_1085 = vector.broadcast %broadcast_in_dim3A_1084 : f32 to vector<16xf32>
      %broadcast_in_dim3A_1086 = arith.constant 0.000000e+00 : f32
      %broadcast_in_dim3A_1087 = vector.broadcast %broadcast_in_dim3A_1086 : f32 to vector<16xf32>
      %broadcast_in_dim3A_1088 = arith.constant 0.000000e+00 : f32
      %broadcast_in_dim3A_1089 = vector.broadcast %broadcast_in_dim3A_1088 : f32 to vector<16xf32>
      %broadcast_in_dim3A_1090 = arith.constant 0.000000e+00 : f32
      %broadcast_in_dim3A_1091 = vector.broadcast %broadcast_in_dim3A_1090 : f32 to vector<16xf32>
      %broadcast_in_dim3A_1092 = arith.constant 0.000000e+00 : f32
      %broadcast_in_dim3A_1093 = vector.broadcast %broadcast_in_dim3A_1092 : f32 to vector<16xf32>
      %broadcast_in_dim3A_1094 = arith.constant 0.000000e+00 : f32
      %broadcast_in_dim3A_1095 = vector.broadcast %broadcast_in_dim3A_1094 : f32 to vector<16xf32>
      %broadcast_in_dim3A_1096 = arith.constant 0.000000e+00 : f32
      %broadcast_in_dim3A_1097 = vector.broadcast %broadcast_in_dim3A_1096 : f32 to vector<16xf32>
      %broadcast_in_dim3A_1098 = arith.constant 0.000000e+00 : f32
      %broadcast_in_dim3A_1099 = vector.broadcast %broadcast_in_dim3A_1098 : f32 to vector<16xf32>
      %parallel_loop3A_1100 = arith.constant 0 : i32
      %parallel_loop3A_1101 = arith.constant 20 : i32
      %parallel_loop3A_1102 = arith.constant 1 : i32
      %parallel_loop3A_1103:16 = scf.for %parallel_loop3A_1530 = %parallel_loop3A_1100 to %parallel_loop3A_1101 step %parallel_loop3A_1102 iter_args(%parallel_loop3A_1531 = %broadcast_in_dim3A_1069, %parallel_loop3A_1532 = %broadcast_in_dim3A_1071, %parallel_loop3A_1533 = %broadcast_in_dim3A_1073, %parallel_loop3A_1534 = %broadcast_in_dim3A_1075, %parallel_loop3A_1535 = %broadcast_in_dim3A_1077, %parallel_loop3A_1536 = %broadcast_in_dim3A_1079, %parallel_loop3A_1537 = %broadcast_in_dim3A_1081, %parallel_loop3A_1538 = %broadcast_in_dim3A_1083, %parallel_loop3A_1539 = %broadcast_in_dim3A_1085, %parallel_loop3A_1540 = %broadcast_in_dim3A_1087, %parallel_loop3A_1541 = %broadcast_in_dim3A_1089, %parallel_loop3A_1542 = %broadcast_in_dim3A_1091, %parallel_loop3A_1543 = %broadcast_in_dim3A_1093, %parallel_loop3A_1544 = %broadcast_in_dim3A_1095, %parallel_loop3A_1545 = %broadcast_in_dim3A_1097, %parallel_loop3A_1546 = %broadcast_in_dim3A_1099) -> (vector<16xf32>, vector<16xf32>, vector<16xf32>, vector<16xf32>, vector<16xf32>, vector<16xf32>, vector<16xf32>, vector<16xf32>, vector<16xf32>, vector<16xf32>, vector<16xf32>, vector<16xf32>, vector<16xf32>, vector<16xf32>, vector<16xf32>, vector<16xf32>)  : i32 {
        %parallel_loop3A_1547 = arith.index_cast %parallel_loop3A_1530 : i32 to index
        %parallel_loop3A_1548 = arith.constant 16 : index
        %parallel_loop3A_1549 = tpu.vector_load %arg10[%parallel_loop3A_1547, %parallel_loop3A_1548] {strides = array<i32>} : memref<20x32xi32, #tpu.memory_space<vmem>>, vector<16xi32>,
        %parallel_loop3A_1550 = arith.index_cast %parallel_loop3A_1530 : i32 to index
        %parallel_loop3A_1551 = arith.constant 16 : index
        %parallel_loop3A_1552 = tpu.vector_load %arg11[%parallel_loop3A_1550, %parallel_loop3A_1551] {strides = array<i32>} : memref<20x32xf32, #tpu.memory_space<vmem>>, vector<16xf32>,
        %parallel_loop3A_1553 = arith.constant 0 : i32
        %parallel_loop3A_1554 = vector.broadcast %parallel_loop3A_1553 : i32 to vector<16xi32>
        %parallel_loop3A_1555 = tpu.vector_load_idx %arg7[%parallel_loop3A_1554, %parallel_loop3A_1549] : memref<32x2048xf32, #tpu.memory_space<vmem>>[vector<16xi32>, vector<16xi32>], vector<16xf32>,
        %parallel_loop3A_1556 = arith.mulf %parallel_loop3A_1552, %parallel_loop3A_1555 : vector<16xf32>
        %parallel_loop3A_1557 = arith.addf %parallel_loop3A_1531, %parallel_loop3A_1556 : vector<16xf32>
        %parallel_loop3A_1558 = arith.constant 1 : i32
        %parallel_loop3A_1559 = vector.broadcast %parallel_loop3A_1558 : i32 to vector<16xi32>
        %parallel_loop3A_1560 = tpu.vector_load_idx %arg7[%parallel_loop3A_1559, %parallel_loop3A_1549] : memref<32x2048xf32, #tpu.memory_space<vmem>>[vector<16xi32>, vector<16xi32>], vector<16xf32>,
        %parallel_loop3A_1561 = arith.mulf %parallel_loop3A_1552, %parallel_loop3A_1560 : vector<16xf32>
        %parallel_loop3A_1562 = arith.addf %parallel_loop3A_1532, %parallel_loop3A_1561 : vector<16xf32>
        %parallel_loop3A_1563 = arith.constant 2 : i32
        %parallel_loop3A_1564 = vector.broadcast %parallel_loop3A_1563 : i32 to vector<16xi32>
        %parallel_loop3A_1565 = tpu.vector_load_idx %arg7[%parallel_loop3A_1564, %parallel_loop3A_1549] : memref<32x2048xf32, #tpu.memory_space<vmem>>[vector<16xi32>, vector<16xi32>], vector<16xf32>,
        %parallel_loop3A_1566 = arith.mulf %parallel_loop3A_1552, %parallel_loop3A_1565 : vector<16xf32>
        %parallel_loop3A_1567 = arith.addf %parallel_loop3A_1533, %parallel_loop3A_1566 : vector<16xf32>
        %parallel_loop3A_1568 = arith.constant 3 : i32
        %parallel_loop3A_1569 = vector.broadcast %parallel_loop3A_1568 : i32 to vector<16xi32>
        %parallel_loop3A_1570 = tpu.vector_load_idx %arg7[%parallel_loop3A_1569, %parallel_loop3A_1549] : memref<32x2048xf32, #tpu.memory_space<vmem>>[vector<16xi32>, vector<16xi32>], vector<16xf32>,
        %parallel_loop3A_1571 = arith.mulf %parallel_loop3A_1552, %parallel_loop3A_1570 : vector<16xf32>
        %parallel_loop3A_1572 = arith.addf %parallel_loop3A_1534, %parallel_loop3A_1571 : vector<16xf32>
        %parallel_loop3A_1573 = arith.constant 4 : i32
        %parallel_loop3A_1574 = vector.broadcast %parallel_loop3A_1573 : i32 to vector<16xi32>
        %parallel_loop3A_1575 = tpu.vector_load_idx %arg7[%parallel_loop3A_1574, %parallel_loop3A_1549] : memref<32x2048xf32, #tpu.memory_space<vmem>>[vector<16xi32>, vector<16xi32>], vector<16xf32>,
        %parallel_loop3A_1576 = arith.mulf %parallel_loop3A_1552, %parallel_loop3A_1575 : vector<16xf32>
        %parallel_loop3A_1577 = arith.addf %parallel_loop3A_1535, %parallel_loop3A_1576 : vector<16xf32>
        %parallel_loop3A_1578 = arith.constant 5 : i32
        %parallel_loop3A_1579 = vector.broadcast %parallel_loop3A_1578 : i32 to vector<16xi32>
        %parallel_loop3A_1580 = tpu.vector_load_idx %arg7[%parallel_loop3A_1579, %parallel_loop3A_1549] : memref<32x2048xf32, #tpu.memory_space<vmem>>[vector<16xi32>, vector<16xi32>], vector<16xf32>,
        %parallel_loop3A_1581 = arith.mulf %parallel_loop3A_1552, %parallel_loop3A_1580 : vector<16xf32>
        %parallel_loop3A_1582 = arith.addf %parallel_loop3A_1536, %parallel_loop3A_1581 : vector<16xf32>
        %parallel_loop3A_1583 = arith.constant 6 : i32
        %parallel_loop3A_1584 = vector.broadcast %parallel_loop3A_1583 : i32 to vector<16xi32>
        %parallel_loop3A_1585 = tpu.vector_load_idx %arg7[%parallel_loop3A_1584, %parallel_loop3A_1549] : memref<32x2048xf32, #tpu.memory_space<vmem>>[vector<16xi32>, vector<16xi32>], vector<16xf32>,
        %parallel_loop3A_1586 = arith.mulf %parallel_loop3A_1552, %parallel_loop3A_1585 : vector<16xf32>
        %parallel_loop3A_1587 = arith.addf %parallel_loop3A_1537, %parallel_loop3A_1586 : vector<16xf32>
        %parallel_loop3A_1588 = arith.constant 7 : i32
        %parallel_loop3A_1589 = vector.broadcast %parallel_loop3A_1588 : i32 to vector<16xi32>
        %parallel_loop3A_1590 = tpu.vector_load_idx %arg7[%parallel_loop3A_1589, %parallel_loop3A_1549] : memref<32x2048xf32, #tpu.memory_space<vmem>>[vector<16xi32>, vector<16xi32>], vector<16xf32>,
        %parallel_loop3A_1591 = arith.mulf %parallel_loop3A_1552, %parallel_loop3A_1590 : vector<16xf32>
        %parallel_loop3A_1592 = arith.addf %parallel_loop3A_1538, %parallel_loop3A_1591 : vector<16xf32>
        %parallel_loop3A_1593 = arith.constant 8 : i32
        %parallel_loop3A_1594 = vector.broadcast %parallel_loop3A_1593 : i32 to vector<16xi32>
        %parallel_loop3A_1595 = tpu.vector_load_idx %arg7[%parallel_loop3A_1594, %parallel_loop3A_1549] : memref<32x2048xf32, #tpu.memory_space<vmem>>[vector<16xi32>, vector<16xi32>], vector<16xf32>,
        %parallel_loop3A_1596 = arith.mulf %parallel_loop3A_1552, %parallel_loop3A_1595 : vector<16xf32>
        %parallel_loop3A_1597 = arith.addf %parallel_loop3A_1539, %parallel_loop3A_1596 : vector<16xf32>
        %parallel_loop3A_1598 = arith.constant 9 : i32
        %parallel_loop3A_1599 = vector.broadcast %parallel_loop3A_1598 : i32 to vector<16xi32>
        %parallel_loop3A_1600 = tpu.vector_load_idx %arg7[%parallel_loop3A_1599, %parallel_loop3A_1549] : memref<32x2048xf32, #tpu.memory_space<vmem>>[vector<16xi32>, vector<16xi32>], vector<16xf32>,
        %parallel_loop3A_1601 = arith.mulf %parallel_loop3A_1552, %parallel_loop3A_1600 : vector<16xf32>
        %parallel_loop3A_1602 = arith.addf %parallel_loop3A_1540, %parallel_loop3A_1601 : vector<16xf32>
        %parallel_loop3A_1603 = arith.constant 10 : i32
        %parallel_loop3A_1604 = vector.broadcast %parallel_loop3A_1603 : i32 to vector<16xi32>
        %parallel_loop3A_1605 = tpu.vector_load_idx %arg7[%parallel_loop3A_1604, %parallel_loop3A_1549] : memref<32x2048xf32, #tpu.memory_space<vmem>>[vector<16xi32>, vector<16xi32>], vector<16xf32>,
        %parallel_loop3A_1606 = arith.mulf %parallel_loop3A_1552, %parallel_loop3A_1605 : vector<16xf32>
        %parallel_loop3A_1607 = arith.addf %parallel_loop3A_1541, %parallel_loop3A_1606 : vector<16xf32>
        %parallel_loop3A_1608 = arith.constant 11 : i32
        %parallel_loop3A_1609 = vector.broadcast %parallel_loop3A_1608 : i32 to vector<16xi32>
        %parallel_loop3A_1610 = tpu.vector_load_idx %arg7[%parallel_loop3A_1609, %parallel_loop3A_1549] : memref<32x2048xf32, #tpu.memory_space<vmem>>[vector<16xi32>, vector<16xi32>], vector<16xf32>,
        %parallel_loop3A_1611 = arith.mulf %parallel_loop3A_1552, %parallel_loop3A_1610 : vector<16xf32>
        %parallel_loop3A_1612 = arith.addf %parallel_loop3A_1542, %parallel_loop3A_1611 : vector<16xf32>
        %parallel_loop3A_1613 = arith.constant 12 : i32
        %parallel_loop3A_1614 = vector.broadcast %parallel_loop3A_1613 : i32 to vector<16xi32>
        %parallel_loop3A_1615 = tpu.vector_load_idx %arg7[%parallel_loop3A_1614, %parallel_loop3A_1549] : memref<32x2048xf32, #tpu.memory_space<vmem>>[vector<16xi32>, vector<16xi32>], vector<16xf32>,
        %parallel_loop3A_1616 = arith.mulf %parallel_loop3A_1552, %parallel_loop3A_1615 : vector<16xf32>
        %parallel_loop3A_1617 = arith.addf %parallel_loop3A_1543, %parallel_loop3A_1616 : vector<16xf32>
        %parallel_loop3A_1618 = arith.constant 13 : i32
        %parallel_loop3A_1619 = vector.broadcast %parallel_loop3A_1618 : i32 to vector<16xi32>
        %parallel_loop3A_1620 = tpu.vector_load_idx %arg7[%parallel_loop3A_1619, %parallel_loop3A_1549] : memref<32x2048xf32, #tpu.memory_space<vmem>>[vector<16xi32>, vector<16xi32>], vector<16xf32>,
        %parallel_loop3A_1621 = arith.mulf %parallel_loop3A_1552, %parallel_loop3A_1620 : vector<16xf32>
        %parallel_loop3A_1622 = arith.addf %parallel_loop3A_1544, %parallel_loop3A_1621 : vector<16xf32>
        %parallel_loop3A_1623 = arith.constant 14 : i32
        %parallel_loop3A_1624 = vector.broadcast %parallel_loop3A_1623 : i32 to vector<16xi32>
        %parallel_loop3A_1625 = tpu.vector_load_idx %arg7[%parallel_loop3A_1624, %parallel_loop3A_1549] : memref<32x2048xf32, #tpu.memory_space<vmem>>[vector<16xi32>, vector<16xi32>], vector<16xf32>,
        %parallel_loop3A_1626 = arith.mulf %parallel_loop3A_1552, %parallel_loop3A_1625 : vector<16xf32>
        %parallel_loop3A_1627 = arith.addf %parallel_loop3A_1545, %parallel_loop3A_1626 : vector<16xf32>
        %parallel_loop3A_1628 = arith.constant 15 : i32
        %parallel_loop3A_1629 = vector.broadcast %parallel_loop3A_1628 : i32 to vector<16xi32>
        %parallel_loop3A_1630 = tpu.vector_load_idx %arg7[%parallel_loop3A_1629, %parallel_loop3A_1549] : memref<32x2048xf32, #tpu.memory_space<vmem>>[vector<16xi32>, vector<16xi32>], vector<16xf32>,
        %parallel_loop3A_1631 = arith.mulf %parallel_loop3A_1552, %parallel_loop3A_1630 : vector<16xf32>
        %parallel_loop3A_1632 = arith.addf %parallel_loop3A_1546, %parallel_loop3A_1631 : vector<16xf32>
        scf.yield %parallel_loop3A_1557, %parallel_loop3A_1562, %parallel_loop3A_1567, %parallel_loop3A_1572, %parallel_loop3A_1577, %parallel_loop3A_1582, %parallel_loop3A_1587, %parallel_loop3A_1592, %parallel_loop3A_1597, %parallel_loop3A_1602, %parallel_loop3A_1607, %parallel_loop3A_1612, %parallel_loop3A_1617, %parallel_loop3A_1622, %parallel_loop3A_1627, %parallel_loop3A_1632 : vector<16xf32>, vector<16xf32>, vector<16xf32>, vector<16xf32>, vector<16xf32>, vector<16xf32>, vector<16xf32>, vector<16xf32>, vector<16xf32>, vector<16xf32>, vector<16xf32>, vector<16xf32>, vector<16xf32>, vector<16xf32>, vector<16xf32>, vector<16xf32>
      } {sc.loop_unroll_factor = 2 : i64, sc.parallel_access}
      %mul3A_1104 = arith.mulf %parallel_loop3A_1103#0, %div3A_913 : vector<16xf32>
      %swap3A_1105 = arith.constant 1 : i32
      %swap3A_1106 = arith.constant 0 : i32
      %swap3A_1107 = arith.index_cast %swap3A_1105 : i32 to index
      %swap3A_1108 = arith.index_cast %swap3A_1106 : i32 to index
      %swap3A_1109 = arith.constant 16 : index
      %swap3A_1110 = tpu.vector_load %arg13[%swap3A_1107, %swap3A_1108, %swap3A_1109] {strides = array<i32>} : memref<2x32x32xf32, #tpu.memory_space<vmem>>, vector<16xf32>,
      tpu.vector_store %arg13[%swap3A_1107, %swap3A_1108, %swap3A_1109], %mul3A_1104 {strides = array<i32>} : memref<2x32x32xf32, #tpu.memory_space<vmem>>, vector<16xf32>,
      %mul3A_1111 = arith.mulf %parallel_loop3A_1103#1, %div3A_913 : vector<16xf32>
      %swap3A_1112 = arith.constant 1 : i32
      %swap3A_1113 = arith.constant 1 : i32
      %swap3A_1114 = arith.index_cast %swap3A_1112 : i32 to index
      %swap3A_1115 = arith.index_cast %swap3A_1113 : i32 to index
      %swap3A_1116 = arith.constant 16 : index
      %swap3A_1117 = tpu.vector_load %arg13[%swap3A_1114, %swap3A_1115, %swap3A_1116] {strides = array<i32>} : memref<2x32x32xf32, #tpu.memory_space<vmem>>, vector<16xf32>,
      tpu.vector_store %arg13[%swap3A_1114, %swap3A_1115, %swap3A_1116], %mul3A_1111 {strides = array<i32>} : memref<2x32x32xf32, #tpu.memory_space<vmem>>, vector<16xf32>,
      %mul3A_1118 = arith.mulf %parallel_loop3A_1103#2, %div3A_913 : vector<16xf32>
      %swap3A_1119 = arith.constant 1 : i32
      %swap3A_1120 = arith.constant 2 : i32
      %swap3A_1121 = arith.index_cast %swap3A_1119 : i32 to index
      %swap3A_1122 = arith.index_cast %swap3A_1120 : i32 to index
      %swap3A_1123 = arith.constant 16 : index
      %swap3A_1124 = tpu.vector_load %arg13[%swap3A_1121, %swap3A_1122, %swap3A_1123] {strides = array<i32>} : memref<2x32x32xf32, #tpu.memory_space<vmem>>, vector<16xf32>,
      tpu.vector_store %arg13[%swap3A_1121, %swap3A_1122, %swap3A_1123], %mul3A_1118 {strides = array<i32>} : memref<2x32x32xf32, #tpu.memory_space<vmem>>, vector<16xf32>,
      %mul3A_1125 = arith.mulf %parallel_loop3A_1103#3, %div3A_913 : vector<16xf32>
      %swap3A_1126 = arith.constant 1 : i32
      %swap3A_1127 = arith.constant 3 : i32
      %swap3A_1128 = arith.index_cast %swap3A_1126 : i32 to index
      %swap3A_1129 = arith.index_cast %swap3A_1127 : i32 to index
      %swap3A_1130 = arith.constant 16 : index
      %swap3A_1131 = tpu.vector_load %arg13[%swap3A_1128, %swap3A_1129, %swap3A_1130] {strides = array<i32>} : memref<2x32x32xf32, #tpu.memory_space<vmem>>, vector<16xf32>,
      tpu.vector_store %arg13[%swap3A_1128, %swap3A_1129, %swap3A_1130], %mul3A_1125 {strides = array<i32>} : memref<2x32x32xf32, #tpu.memory_space<vmem>>, vector<16xf32>,
      %mul3A_1132 = arith.mulf %parallel_loop3A_1103#4, %div3A_913 : vector<16xf32>
      %swap3A_1133 = arith.constant 1 : i32
      %swap3A_1134 = arith.constant 4 : i32
      %swap3A_1135 = arith.index_cast %swap3A_1133 : i32 to index
      %swap3A_1136 = arith.index_cast %swap3A_1134 : i32 to index
      %swap3A_1137 = arith.constant 16 : index
      %swap3A_1138 = tpu.vector_load %arg13[%swap3A_1135, %swap3A_1136, %swap3A_1137] {strides = array<i32>} : memref<2x32x32xf32, #tpu.memory_space<vmem>>, vector<16xf32>,
      tpu.vector_store %arg13[%swap3A_1135, %swap3A_1136, %swap3A_1137], %mul3A_1132 {strides = array<i32>} : memref<2x32x32xf32, #tpu.memory_space<vmem>>, vector<16xf32>,
      %mul3A_1139 = arith.mulf %parallel_loop3A_1103#5, %div3A_913 : vector<16xf32>
      %swap3A_1140 = arith.constant 1 : i32
      %swap3A_1141 = arith.constant 5 : i32
      %swap3A_1142 = arith.index_cast %swap3A_1140 : i32 to index
      %swap3A_1143 = arith.index_cast %swap3A_1141 : i32 to index
      %swap3A_1144 = arith.constant 16 : index
      %swap3A_1145 = tpu.vector_load %arg13[%swap3A_1142, %swap3A_1143, %swap3A_1144] {strides = array<i32>} : memref<2x32x32xf32, #tpu.memory_space<vmem>>, vector<16xf32>,
      tpu.vector_store %arg13[%swap3A_1142, %swap3A_1143, %swap3A_1144], %mul3A_1139 {strides = array<i32>} : memref<2x32x32xf32, #tpu.memory_space<vmem>>, vector<16xf32>,
      %mul3A_1146 = arith.mulf %parallel_loop3A_1103#6, %div3A_913 : vector<16xf32>
      %swap3A_1147 = arith.constant 1 : i32
      %swap3A_1148 = arith.constant 6 : i32
      %swap3A_1149 = arith.index_cast %swap3A_1147 : i32 to index
      %swap3A_1150 = arith.index_cast %swap3A_1148 : i32 to index
      %swap3A_1151 = arith.constant 16 : index
      %swap3A_1152 = tpu.vector_load %arg13[%swap3A_1149, %swap3A_1150, %swap3A_1151] {strides = array<i32>} : memref<2x32x32xf32, #tpu.memory_space<vmem>>, vector<16xf32>,
      tpu.vector_store %arg13[%swap3A_1149, %swap3A_1150, %swap3A_1151], %mul3A_1146 {strides = array<i32>} : memref<2x32x32xf32, #tpu.memory_space<vmem>>, vector<16xf32>,
      %mul3A_1153 = arith.mulf %parallel_loop3A_1103#7, %div3A_913 : vector<16xf32>
      %swap3A_1154 = arith.constant 1 : i32
      %swap3A_1155 = arith.constant 7 : i32
      %swap3A_1156 = arith.index_cast %swap3A_1154 : i32 to index
      %swap3A_1157 = arith.index_cast %swap3A_1155 : i32 to index
      %swap3A_1158 = arith.constant 16 : index
      %swap3A_1159 = tpu.vector_load %arg13[%swap3A_1156, %swap3A_1157, %swap3A_1158] {strides = array<i32>} : memref<2x32x32xf32, #tpu.memory_space<vmem>>, vector<16xf32>,
      tpu.vector_store %arg13[%swap3A_1156, %swap3A_1157, %swap3A_1158], %mul3A_1153 {strides = array<i32>} : memref<2x32x32xf32, #tpu.memory_space<vmem>>, vector<16xf32>,
      %mul3A_1160 = arith.mulf %parallel_loop3A_1103#8, %div3A_913 : vector<16xf32>
      %swap3A_1161 = arith.constant 1 : i32
      %swap3A_1162 = arith.constant 8 : i32
      %swap3A_1163 = arith.index_cast %swap3A_1161 : i32 to index
      %swap3A_1164 = arith.index_cast %swap3A_1162 : i32 to index
      %swap3A_1165 = arith.constant 16 : index
      %swap3A_1166 = tpu.vector_load %arg13[%swap3A_1163, %swap3A_1164, %swap3A_1165] {strides = array<i32>} : memref<2x32x32xf32, #tpu.memory_space<vmem>>, vector<16xf32>,
      tpu.vector_store %arg13[%swap3A_1163, %swap3A_1164, %swap3A_1165], %mul3A_1160 {strides = array<i32>} : memref<2x32x32xf32, #tpu.memory_space<vmem>>, vector<16xf32>,
      %mul3A_1167 = arith.mulf %parallel_loop3A_1103#9, %div3A_913 : vector<16xf32>
      %swap3A_1168 = arith.constant 1 : i32
      %swap3A_1169 = arith.constant 9 : i32
      %swap3A_1170 = arith.index_cast %swap3A_1168 : i32 to index
      %swap3A_1171 = arith.index_cast %swap3A_1169 : i32 to index
      %swap3A_1172 = arith.constant 16 : index
      %swap3A_1173 = tpu.vector_load %arg13[%swap3A_1170, %swap3A_1171, %swap3A_1172] {strides = array<i32>} : memref<2x32x32xf32, #tpu.memory_space<vmem>>, vector<16xf32>,
      tpu.vector_store %arg13[%swap3A_1170, %swap3A_1171, %swap3A_1172], %mul3A_1167 {strides = array<i32>} : memref<2x32x32xf32, #tpu.memory_space<vmem>>, vector<16xf32>,
      %mul3A_1174 = arith.mulf %parallel_loop3A_1103#10, %div3A_913 : vector<16xf32>
      %swap3A_1175 = arith.constant 1 : i32
      %swap3A_1176 = arith.constant 10 : i32
      %swap3A_1177 = arith.index_cast %swap3A_1175 : i32 to index
      %swap3A_1178 = arith.index_cast %swap3A_1176 : i32 to index
      %swap3A_1179 = arith.constant 16 : index
      %swap3A_1180 = tpu.vector_load %arg13[%swap3A_1177, %swap3A_1178, %swap3A_1179] {strides = array<i32>} : memref<2x32x32xf32, #tpu.memory_space<vmem>>, vector<16xf32>,
      tpu.vector_store %arg13[%swap3A_1177, %swap3A_1178, %swap3A_1179], %mul3A_1174 {strides = array<i32>} : memref<2x32x32xf32, #tpu.memory_space<vmem>>, vector<16xf32>,
      %mul3A_1181 = arith.mulf %parallel_loop3A_1103#11, %div3A_913 : vector<16xf32>
      %swap3A_1182 = arith.constant 1 : i32
      %swap3A_1183 = arith.constant 11 : i32
      %swap3A_1184 = arith.index_cast %swap3A_1182 : i32 to index
      %swap3A_1185 = arith.index_cast %swap3A_1183 : i32 to index
      %swap3A_1186 = arith.constant 16 : index
      %swap3A_1187 = tpu.vector_load %arg13[%swap3A_1184, %swap3A_1185, %swap3A_1186] {strides = array<i32>} : memref<2x32x32xf32, #tpu.memory_space<vmem>>, vector<16xf32>,
      tpu.vector_store %arg13[%swap3A_1184, %swap3A_1185, %swap3A_1186], %mul3A_1181 {strides = array<i32>} : memref<2x32x32xf32, #tpu.memory_space<vmem>>, vector<16xf32>,
      %mul3A_1188 = arith.mulf %parallel_loop3A_1103#12, %div3A_913 : vector<16xf32>
      %swap3A_1189 = arith.constant 1 : i32
      %swap3A_1190 = arith.constant 12 : i32
      %swap3A_1191 = arith.index_cast %swap3A_1189 : i32 to index
      %swap3A_1192 = arith.index_cast %swap3A_1190 : i32 to index
      %swap3A_1193 = arith.constant 16 : index
      %swap3A_1194 = tpu.vector_load %arg13[%swap3A_1191, %swap3A_1192, %swap3A_1193] {strides = array<i32>} : memref<2x32x32xf32, #tpu.memory_space<vmem>>, vector<16xf32>,
      tpu.vector_store %arg13[%swap3A_1191, %swap3A_1192, %swap3A_1193], %mul3A_1188 {strides = array<i32>} : memref<2x32x32xf32, #tpu.memory_space<vmem>>, vector<16xf32>,
      %mul3A_1195 = arith.mulf %parallel_loop3A_1103#13, %div3A_913 : vector<16xf32>
      %swap3A_1196 = arith.constant 1 : i32
      %swap3A_1197 = arith.constant 13 : i32
      %swap3A_1198 = arith.index_cast %swap3A_1196 : i32 to index
      %swap3A_1199 = arith.index_cast %swap3A_1197 : i32 to index
      %swap3A_1200 = arith.constant 16 : index
      %swap3A_1201 = tpu.vector_load %arg13[%swap3A_1198, %swap3A_1199, %swap3A_1200] {strides = array<i32>} : memref<2x32x32xf32, #tpu.memory_space<vmem>>, vector<16xf32>,
      tpu.vector_store %arg13[%swap3A_1198, %swap3A_1199, %swap3A_1200], %mul3A_1195 {strides = array<i32>} : memref<2x32x32xf32, #tpu.memory_space<vmem>>, vector<16xf32>,
      %mul3A_1202 = arith.mulf %parallel_loop3A_1103#14, %div3A_913 : vector<16xf32>
      %swap3A_1203 = arith.constant 1 : i32
      %swap3A_1204 = arith.constant 14 : i32
      %swap3A_1205 = arith.index_cast %swap3A_1203 : i32 to index
      %swap3A_1206 = arith.index_cast %swap3A_1204 : i32 to index
      %swap3A_1207 = arith.constant 16 : index
      %swap3A_1208 = tpu.vector_load %arg13[%swap3A_1205, %swap3A_1206, %swap3A_1207] {strides = array<i32>} : memref<2x32x32xf32, #tpu.memory_space<vmem>>, vector<16xf32>,
      tpu.vector_store %arg13[%swap3A_1205, %swap3A_1206, %swap3A_1207], %mul3A_1202 {strides = array<i32>} : memref<2x32x32xf32, #tpu.memory_space<vmem>>, vector<16xf32>,
      %mul3A_1209 = arith.mulf %parallel_loop3A_1103#15, %div3A_913 : vector<16xf32>
      %swap3A_1210 = arith.constant 1 : i32
      %swap3A_1211 = arith.constant 15 : i32
      %swap3A_1212 = arith.index_cast %swap3A_1210 : i32 to index
      %swap3A_1213 = arith.index_cast %swap3A_1211 : i32 to index
      %swap3A_1214 = arith.constant 16 : index
      %swap3A_1215 = tpu.vector_load %arg13[%swap3A_1212, %swap3A_1213, %swap3A_1214] {strides = array<i32>} : memref<2x32x32xf32, #tpu.memory_space<vmem>>, vector<16xf32>,
      tpu.vector_store %arg13[%swap3A_1212, %swap3A_1213, %swap3A_1214], %mul3A_1209 {strides = array<i32>} : memref<2x32x32xf32, #tpu.memory_space<vmem>>, vector<16xf32>,
      %broadcast_in_dim3A_1216 = arith.constant 0.000000e+00 : f32
      %broadcast_in_dim3A_1217 = vector.broadcast %broadcast_in_dim3A_1216 : f32 to vector<16xf32>
      %broadcast_in_dim3A_1218 = arith.constant 0.000000e+00 : f32
      %broadcast_in_dim3A_1219 = vector.broadcast %broadcast_in_dim3A_1218 : f32 to vector<16xf32>
      %broadcast_in_dim3A_1220 = arith.constant 0.000000e+00 : f32
      %broadcast_in_dim3A_1221 = vector.broadcast %broadcast_in_dim3A_1220 : f32 to vector<16xf32>
      %broadcast_in_dim3A_1222 = arith.constant 0.000000e+00 : f32
      %broadcast_in_dim3A_1223 = vector.broadcast %broadcast_in_dim3A_1222 : f32 to vector<16xf32>
      %broadcast_in_dim3A_1224 = arith.constant 0.000000e+00 : f32
      %broadcast_in_dim3A_1225 = vector.broadcast %broadcast_in_dim3A_1224 : f32 to vector<16xf32>
      %broadcast_in_dim3A_1226 = arith.constant 0.000000e+00 : f32
      %broadcast_in_dim3A_1227 = vector.broadcast %broadcast_in_dim3A_1226 : f32 to vector<16xf32>
      %broadcast_in_dim3A_1228 = arith.constant 0.000000e+00 : f32
      %broadcast_in_dim3A_1229 = vector.broadcast %broadcast_in_dim3A_1228 : f32 to vector<16xf32>
      %broadcast_in_dim3A_1230 = arith.constant 0.000000e+00 : f32
      %broadcast_in_dim3A_1231 = vector.broadcast %broadcast_in_dim3A_1230 : f32 to vector<16xf32>
      %broadcast_in_dim3A_1232 = arith.constant 0.000000e+00 : f32
      %broadcast_in_dim3A_1233 = vector.broadcast %broadcast_in_dim3A_1232 : f32 to vector<16xf32>
      %broadcast_in_dim3A_1234 = arith.constant 0.000000e+00 : f32
      %broadcast_in_dim3A_1235 = vector.broadcast %broadcast_in_dim3A_1234 : f32 to vector<16xf32>
      %broadcast_in_dim3A_1236 = arith.constant 0.000000e+00 : f32
      %broadcast_in_dim3A_1237 = vector.broadcast %broadcast_in_dim3A_1236 : f32 to vector<16xf32>
      %broadcast_in_dim3A_1238 = arith.constant 0.000000e+00 : f32
      %broadcast_in_dim3A_1239 = vector.broadcast %broadcast_in_dim3A_1238 : f32 to vector<16xf32>
      %broadcast_in_dim3A_1240 = arith.constant 0.000000e+00 : f32
      %broadcast_in_dim3A_1241 = vector.broadcast %broadcast_in_dim3A_1240 : f32 to vector<16xf32>
      %broadcast_in_dim3A_1242 = arith.constant 0.000000e+00 : f32
      %broadcast_in_dim3A_1243 = vector.broadcast %broadcast_in_dim3A_1242 : f32 to vector<16xf32>
      %broadcast_in_dim3A_1244 = arith.constant 0.000000e+00 : f32
      %broadcast_in_dim3A_1245 = vector.broadcast %broadcast_in_dim3A_1244 : f32 to vector<16xf32>
      %broadcast_in_dim3A_1246 = arith.constant 0.000000e+00 : f32
      %broadcast_in_dim3A_1247 = vector.broadcast %broadcast_in_dim3A_1246 : f32 to vector<16xf32>
      %parallel_loop3A_1248 = arith.constant 0 : i32
      %parallel_loop3A_1249 = arith.constant 20 : i32
      %parallel_loop3A_1250 = arith.constant 1 : i32
      %parallel_loop3A_1251:16 = scf.for %parallel_loop3A_1530 = %parallel_loop3A_1248 to %parallel_loop3A_1249 step %parallel_loop3A_1250 iter_args(%parallel_loop3A_1531 = %broadcast_in_dim3A_1217, %parallel_loop3A_1532 = %broadcast_in_dim3A_1219, %parallel_loop3A_1533 = %broadcast_in_dim3A_1221, %parallel_loop3A_1534 = %broadcast_in_dim3A_1223, %parallel_loop3A_1535 = %broadcast_in_dim3A_1225, %parallel_loop3A_1536 = %broadcast_in_dim3A_1227, %parallel_loop3A_1537 = %broadcast_in_dim3A_1229, %parallel_loop3A_1538 = %broadcast_in_dim3A_1231, %parallel_loop3A_1539 = %broadcast_in_dim3A_1233, %parallel_loop3A_1540 = %broadcast_in_dim3A_1235, %parallel_loop3A_1541 = %broadcast_in_dim3A_1237, %parallel_loop3A_1542 = %broadcast_in_dim3A_1239, %parallel_loop3A_1543 = %broadcast_in_dim3A_1241, %parallel_loop3A_1544 = %broadcast_in_dim3A_1243, %parallel_loop3A_1545 = %broadcast_in_dim3A_1245, %parallel_loop3A_1546 = %broadcast_in_dim3A_1247) -> (vector<16xf32>, vector<16xf32>, vector<16xf32>, vector<16xf32>, vector<16xf32>, vector<16xf32>, vector<16xf32>, vector<16xf32>, vector<16xf32>, vector<16xf32>, vector<16xf32>, vector<16xf32>, vector<16xf32>, vector<16xf32>, vector<16xf32>, vector<16xf32>)  : i32 {
        %parallel_loop3A_1547 = arith.index_cast %parallel_loop3A_1530 : i32 to index
        %parallel_loop3A_1548 = arith.constant 0 : index
        %parallel_loop3A_1549 = tpu.vector_load %arg10[%parallel_loop3A_1547, %parallel_loop3A_1548] {strides = array<i32>} : memref<20x32xi32, #tpu.memory_space<vmem>>, vector<16xi32>,
        %parallel_loop3A_1550 = arith.index_cast %parallel_loop3A_1530 : i32 to index
        %parallel_loop3A_1551 = arith.constant 0 : index
        %parallel_loop3A_1552 = tpu.vector_load %arg11[%parallel_loop3A_1550, %parallel_loop3A_1551] {strides = array<i32>} : memref<20x32xf32, #tpu.memory_space<vmem>>, vector<16xf32>,
        %parallel_loop3A_1553 = arith.constant 16 : i32
        %parallel_loop3A_1554 = vector.broadcast %parallel_loop3A_1553 : i32 to vector<16xi32>
        %parallel_loop3A_1555 = tpu.vector_load_idx %arg7[%parallel_loop3A_1554, %parallel_loop3A_1549] : memref<32x2048xf32, #tpu.memory_space<vmem>>[vector<16xi32>, vector<16xi32>], vector<16xf32>,
        %parallel_loop3A_1556 = arith.mulf %parallel_loop3A_1552, %parallel_loop3A_1555 : vector<16xf32>
        %parallel_loop3A_1557 = arith.addf %parallel_loop3A_1531, %parallel_loop3A_1556 : vector<16xf32>
        %parallel_loop3A_1558 = arith.constant 17 : i32
        %parallel_loop3A_1559 = vector.broadcast %parallel_loop3A_1558 : i32 to vector<16xi32>
        %parallel_loop3A_1560 = tpu.vector_load_idx %arg7[%parallel_loop3A_1559, %parallel_loop3A_1549] : memref<32x2048xf32, #tpu.memory_space<vmem>>[vector<16xi32>, vector<16xi32>], vector<16xf32>,
        %parallel_loop3A_1561 = arith.mulf %parallel_loop3A_1552, %parallel_loop3A_1560 : vector<16xf32>
        %parallel_loop3A_1562 = arith.addf %parallel_loop3A_1532, %parallel_loop3A_1561 : vector<16xf32>
        %parallel_loop3A_1563 = arith.constant 18 : i32
        %parallel_loop3A_1564 = vector.broadcast %parallel_loop3A_1563 : i32 to vector<16xi32>
        %parallel_loop3A_1565 = tpu.vector_load_idx %arg7[%parallel_loop3A_1564, %parallel_loop3A_1549] : memref<32x2048xf32, #tpu.memory_space<vmem>>[vector<16xi32>, vector<16xi32>], vector<16xf32>,
        %parallel_loop3A_1566 = arith.mulf %parallel_loop3A_1552, %parallel_loop3A_1565 : vector<16xf32>
        %parallel_loop3A_1567 = arith.addf %parallel_loop3A_1533, %parallel_loop3A_1566 : vector<16xf32>
        %parallel_loop3A_1568 = arith.constant 19 : i32
        %parallel_loop3A_1569 = vector.broadcast %parallel_loop3A_1568 : i32 to vector<16xi32>
        %parallel_loop3A_1570 = tpu.vector_load_idx %arg7[%parallel_loop3A_1569, %parallel_loop3A_1549] : memref<32x2048xf32, #tpu.memory_space<vmem>>[vector<16xi32>, vector<16xi32>], vector<16xf32>,
        %parallel_loop3A_1571 = arith.mulf %parallel_loop3A_1552, %parallel_loop3A_1570 : vector<16xf32>
        %parallel_loop3A_1572 = arith.addf %parallel_loop3A_1534, %parallel_loop3A_1571 : vector<16xf32>
        %parallel_loop3A_1573 = arith.constant 20 : i32
        %parallel_loop3A_1574 = vector.broadcast %parallel_loop3A_1573 : i32 to vector<16xi32>
        %parallel_loop3A_1575 = tpu.vector_load_idx %arg7[%parallel_loop3A_1574, %parallel_loop3A_1549] : memref<32x2048xf32, #tpu.memory_space<vmem>>[vector<16xi32>, vector<16xi32>], vector<16xf32>,
        %parallel_loop3A_1576 = arith.mulf %parallel_loop3A_1552, %parallel_loop3A_1575 : vector<16xf32>
        %parallel_loop3A_1577 = arith.addf %parallel_loop3A_1535, %parallel_loop3A_1576 : vector<16xf32>
        %parallel_loop3A_1578 = arith.constant 21 : i32
        %parallel_loop3A_1579 = vector.broadcast %parallel_loop3A_1578 : i32 to vector<16xi32>
        %parallel_loop3A_1580 = tpu.vector_load_idx %arg7[%parallel_loop3A_1579, %parallel_loop3A_1549] : memref<32x2048xf32, #tpu.memory_space<vmem>>[vector<16xi32>, vector<16xi32>], vector<16xf32>,
        %parallel_loop3A_1581 = arith.mulf %parallel_loop3A_1552, %parallel_loop3A_1580 : vector<16xf32>
        %parallel_loop3A_1582 = arith.addf %parallel_loop3A_1536, %parallel_loop3A_1581 : vector<16xf32>
        %parallel_loop3A_1583 = arith.constant 22 : i32
        %parallel_loop3A_1584 = vector.broadcast %parallel_loop3A_1583 : i32 to vector<16xi32>
        %parallel_loop3A_1585 = tpu.vector_load_idx %arg7[%parallel_loop3A_1584, %parallel_loop3A_1549] : memref<32x2048xf32, #tpu.memory_space<vmem>>[vector<16xi32>, vector<16xi32>], vector<16xf32>,
        %parallel_loop3A_1586 = arith.mulf %parallel_loop3A_1552, %parallel_loop3A_1585 : vector<16xf32>
        %parallel_loop3A_1587 = arith.addf %parallel_loop3A_1537, %parallel_loop3A_1586 : vector<16xf32>
        %parallel_loop3A_1588 = arith.constant 23 : i32
        %parallel_loop3A_1589 = vector.broadcast %parallel_loop3A_1588 : i32 to vector<16xi32>
        %parallel_loop3A_1590 = tpu.vector_load_idx %arg7[%parallel_loop3A_1589, %parallel_loop3A_1549] : memref<32x2048xf32, #tpu.memory_space<vmem>>[vector<16xi32>, vector<16xi32>], vector<16xf32>,
        %parallel_loop3A_1591 = arith.mulf %parallel_loop3A_1552, %parallel_loop3A_1590 : vector<16xf32>
        %parallel_loop3A_1592 = arith.addf %parallel_loop3A_1538, %parallel_loop3A_1591 : vector<16xf32>
        %parallel_loop3A_1593 = arith.constant 24 : i32
        %parallel_loop3A_1594 = vector.broadcast %parallel_loop3A_1593 : i32 to vector<16xi32>
        %parallel_loop3A_1595 = tpu.vector_load_idx %arg7[%parallel_loop3A_1594, %parallel_loop3A_1549] : memref<32x2048xf32, #tpu.memory_space<vmem>>[vector<16xi32>, vector<16xi32>], vector<16xf32>,
        %parallel_loop3A_1596 = arith.mulf %parallel_loop3A_1552, %parallel_loop3A_1595 : vector<16xf32>
        %parallel_loop3A_1597 = arith.addf %parallel_loop3A_1539, %parallel_loop3A_1596 : vector<16xf32>
        %parallel_loop3A_1598 = arith.constant 25 : i32
        %parallel_loop3A_1599 = vector.broadcast %parallel_loop3A_1598 : i32 to vector<16xi32>
        %parallel_loop3A_1600 = tpu.vector_load_idx %arg7[%parallel_loop3A_1599, %parallel_loop3A_1549] : memref<32x2048xf32, #tpu.memory_space<vmem>>[vector<16xi32>, vector<16xi32>], vector<16xf32>,
        %parallel_loop3A_1601 = arith.mulf %parallel_loop3A_1552, %parallel_loop3A_1600 : vector<16xf32>
        %parallel_loop3A_1602 = arith.addf %parallel_loop3A_1540, %parallel_loop3A_1601 : vector<16xf32>
        %parallel_loop3A_1603 = arith.constant 26 : i32
        %parallel_loop3A_1604 = vector.broadcast %parallel_loop3A_1603 : i32 to vector<16xi32>
        %parallel_loop3A_1605 = tpu.vector_load_idx %arg7[%parallel_loop3A_1604, %parallel_loop3A_1549] : memref<32x2048xf32, #tpu.memory_space<vmem>>[vector<16xi32>, vector<16xi32>], vector<16xf32>,
        %parallel_loop3A_1606 = arith.mulf %parallel_loop3A_1552, %parallel_loop3A_1605 : vector<16xf32>
        %parallel_loop3A_1607 = arith.addf %parallel_loop3A_1541, %parallel_loop3A_1606 : vector<16xf32>
        %parallel_loop3A_1608 = arith.constant 27 : i32
        %parallel_loop3A_1609 = vector.broadcast %parallel_loop3A_1608 : i32 to vector<16xi32>
        %parallel_loop3A_1610 = tpu.vector_load_idx %arg7[%parallel_loop3A_1609, %parallel_loop3A_1549] : memref<32x2048xf32, #tpu.memory_space<vmem>>[vector<16xi32>, vector<16xi32>], vector<16xf32>,
        %parallel_loop3A_1611 = arith.mulf %parallel_loop3A_1552, %parallel_loop3A_1610 : vector<16xf32>
        %parallel_loop3A_1612 = arith.addf %parallel_loop3A_1542, %parallel_loop3A_1611 : vector<16xf32>
        %parallel_loop3A_1613 = arith.constant 28 : i32
        %parallel_loop3A_1614 = vector.broadcast %parallel_loop3A_1613 : i32 to vector<16xi32>
        %parallel_loop3A_1615 = tpu.vector_load_idx %arg7[%parallel_loop3A_1614, %parallel_loop3A_1549] : memref<32x2048xf32, #tpu.memory_space<vmem>>[vector<16xi32>, vector<16xi32>], vector<16xf32>,
        %parallel_loop3A_1616 = arith.mulf %parallel_loop3A_1552, %parallel_loop3A_1615 : vector<16xf32>
        %parallel_loop3A_1617 = arith.addf %parallel_loop3A_1543, %parallel_loop3A_1616 : vector<16xf32>
        %parallel_loop3A_1618 = arith.constant 29 : i32
        %parallel_loop3A_1619 = vector.broadcast %parallel_loop3A_1618 : i32 to vector<16xi32>
        %parallel_loop3A_1620 = tpu.vector_load_idx %arg7[%parallel_loop3A_1619, %parallel_loop3A_1549] : memref<32x2048xf32, #tpu.memory_space<vmem>>[vector<16xi32>, vector<16xi32>], vector<16xf32>,
        %parallel_loop3A_1621 = arith.mulf %parallel_loop3A_1552, %parallel_loop3A_1620 : vector<16xf32>
        %parallel_loop3A_1622 = arith.addf %parallel_loop3A_1544, %parallel_loop3A_1621 : vector<16xf32>
        %parallel_loop3A_1623 = arith.constant 30 : i32
        %parallel_loop3A_1624 = vector.broadcast %parallel_loop3A_1623 : i32 to vector<16xi32>
        %parallel_loop3A_1625 = tpu.vector_load_idx %arg7[%parallel_loop3A_1624, %parallel_loop3A_1549] : memref<32x2048xf32, #tpu.memory_space<vmem>>[vector<16xi32>, vector<16xi32>], vector<16xf32>,
        %parallel_loop3A_1626 = arith.mulf %parallel_loop3A_1552, %parallel_loop3A_1625 : vector<16xf32>
        %parallel_loop3A_1627 = arith.addf %parallel_loop3A_1545, %parallel_loop3A_1626 : vector<16xf32>
        %parallel_loop3A_1628 = arith.constant 31 : i32
        %parallel_loop3A_1629 = vector.broadcast %parallel_loop3A_1628 : i32 to vector<16xi32>
        %parallel_loop3A_1630 = tpu.vector_load_idx %arg7[%parallel_loop3A_1629, %parallel_loop3A_1549] : memref<32x2048xf32, #tpu.memory_space<vmem>>[vector<16xi32>, vector<16xi32>], vector<16xf32>,
        %parallel_loop3A_1631 = arith.mulf %parallel_loop3A_1552, %parallel_loop3A_1630 : vector<16xf32>
        %parallel_loop3A_1632 = arith.addf %parallel_loop3A_1546, %parallel_loop3A_1631 : vector<16xf32>
        scf.yield %parallel_loop3A_1557, %parallel_loop3A_1562, %parallel_loop3A_1567, %parallel_loop3A_1572, %parallel_loop3A_1577, %parallel_loop3A_1582, %parallel_loop3A_1587, %parallel_loop3A_1592, %parallel_loop3A_1597, %parallel_loop3A_1602, %parallel_loop3A_1607, %parallel_loop3A_1612, %parallel_loop3A_1617, %parallel_loop3A_1622, %parallel_loop3A_1627, %parallel_loop3A_1632 : vector<16xf32>, vector<16xf32>, vector<16xf32>, vector<16xf32>, vector<16xf32>, vector<16xf32>, vector<16xf32>, vector<16xf32>, vector<16xf32>, vector<16xf32>, vector<16xf32>, vector<16xf32>, vector<16xf32>, vector<16xf32>, vector<16xf32>, vector<16xf32>
      } {sc.loop_unroll_factor = 2 : i64, sc.parallel_access}
      %mul3A_1252 = arith.mulf %parallel_loop3A_1251#0, %div3A_910 : vector<16xf32>
      %swap3A_1253 = arith.constant 1 : i32
      %swap3A_1254 = arith.constant 16 : i32
      %swap3A_1255 = arith.index_cast %swap3A_1253 : i32 to index
      %swap3A_1256 = arith.index_cast %swap3A_1254 : i32 to index
      %swap3A_1257 = arith.constant 0 : index
      %swap3A_1258 = tpu.vector_load %arg13[%swap3A_1255, %swap3A_1256, %swap3A_1257] {strides = array<i32>} : memref<2x32x32xf32, #tpu.memory_space<vmem>>, vector<16xf32>,
      tpu.vector_store %arg13[%swap3A_1255, %swap3A_1256, %swap3A_1257], %mul3A_1252 {strides = array<i32>} : memref<2x32x32xf32, #tpu.memory_space<vmem>>, vector<16xf32>,
      %mul3A_1259 = arith.mulf %parallel_loop3A_1251#1, %div3A_910 : vector<16xf32>
      %swap3A_1260 = arith.constant 1 : i32
      %swap3A_1261 = arith.constant 17 : i32
      %swap3A_1262 = arith.index_cast %swap3A_1260 : i32 to index
      %swap3A_1263 = arith.index_cast %swap3A_1261 : i32 to index
      %swap3A_1264 = arith.constant 0 : index
      %swap3A_1265 = tpu.vector_load %arg13[%swap3A_1262, %swap3A_1263, %swap3A_1264] {strides = array<i32>} : memref<2x32x32xf32, #tpu.memory_space<vmem>>, vector<16xf32>,
      tpu.vector_store %arg13[%swap3A_1262, %swap3A_1263, %swap3A_1264], %mul3A_1259 {strides = array<i32>} : memref<2x32x32xf32, #tpu.memory_space<vmem>>, vector<16xf32>,
      %mul3A_1266 = arith.mulf %parallel_loop3A_1251#2, %div3A_910 : vector<16xf32>
      %swap3A_1267 = arith.constant 1 : i32
      %swap3A_1268 = arith.constant 18 : i32
      %swap3A_1269 = arith.index_cast %swap3A_1267 : i32 to index
      %swap3A_1270 = arith.index_cast %swap3A_1268 : i32 to index
      %swap3A_1271 = arith.constant 0 : index
      %swap3A_1272 = tpu.vector_load %arg13[%swap3A_1269, %swap3A_1270, %swap3A_1271] {strides = array<i32>} : memref<2x32x32xf32, #tpu.memory_space<vmem>>, vector<16xf32>,
      tpu.vector_store %arg13[%swap3A_1269, %swap3A_1270, %swap3A_1271], %mul3A_1266 {strides = array<i32>} : memref<2x32x32xf32, #tpu.memory_space<vmem>>, vector<16xf32>,
      %mul3A_1273 = arith.mulf %parallel_loop3A_1251#3, %div3A_910 : vector<16xf32>
      %swap3A_1274 = arith.constant 1 : i32
      %swap3A_1275 = arith.constant 19 : i32
      %swap3A_1276 = arith.index_cast %swap3A_1274 : i32 to index
      %swap3A_1277 = arith.index_cast %swap3A_1275 : i32 to index
      %swap3A_1278 = arith.constant 0 : index
      %swap3A_1279 = tpu.vector_load %arg13[%swap3A_1276, %swap3A_1277, %swap3A_1278] {strides = array<i32>} : memref<2x32x32xf32, #tpu.memory_space<vmem>>, vector<16xf32>,
      tpu.vector_store %arg13[%swap3A_1276, %swap3A_1277, %swap3A_1278], %mul3A_1273 {strides = array<i32>} : memref<2x32x32xf32, #tpu.memory_space<vmem>>, vector<16xf32>,
      %mul3A_1280 = arith.mulf %parallel_loop3A_1251#4, %div3A_910 : vector<16xf32>
      %swap3A_1281 = arith.constant 1 : i32
      %swap3A_1282 = arith.constant 20 : i32
      %swap3A_1283 = arith.index_cast %swap3A_1281 : i32 to index
      %swap3A_1284 = arith.index_cast %swap3A_1282 : i32 to index
      %swap3A_1285 = arith.constant 0 : index
      %swap3A_1286 = tpu.vector_load %arg13[%swap3A_1283, %swap3A_1284, %swap3A_1285] {strides = array<i32>} : memref<2x32x32xf32, #tpu.memory_space<vmem>>, vector<16xf32>,
      tpu.vector_store %arg13[%swap3A_1283, %swap3A_1284, %swap3A_1285], %mul3A_1280 {strides = array<i32>} : memref<2x32x32xf32, #tpu.memory_space<vmem>>, vector<16xf32>,
      %mul3A_1287 = arith.mulf %parallel_loop3A_1251#5, %div3A_910 : vector<16xf32>
      %swap3A_1288 = arith.constant 1 : i32
      %swap3A_1289 = arith.constant 21 : i32
      %swap3A_1290 = arith.index_cast %swap3A_1288 : i32 to index
      %swap3A_1291 = arith.index_cast %swap3A_1289 : i32 to index
      %swap3A_1292 = arith.constant 0 : index
      %swap3A_1293 = tpu.vector_load %arg13[%swap3A_1290, %swap3A_1291, %swap3A_1292] {strides = array<i32>} : memref<2x32x32xf32, #tpu.memory_space<vmem>>, vector<16xf32>,
      tpu.vector_store %arg13[%swap3A_1290, %swap3A_1291, %swap3A_1292], %mul3A_1287 {strides = array<i32>} : memref<2x32x32xf32, #tpu.memory_space<vmem>>, vector<16xf32>,
      %mul3A_1294 = arith.mulf %parallel_loop3A_1251#6, %div3A_910 : vector<16xf32>
      %swap3A_1295 = arith.constant 1 : i32
      %swap3A_1296 = arith.constant 22 : i32
      %swap3A_1297 = arith.index_cast %swap3A_1295 : i32 to index
      %swap3A_1298 = arith.index_cast %swap3A_1296 : i32 to index
      %swap3A_1299 = arith.constant 0 : index
      %swap3A_1300 = tpu.vector_load %arg13[%swap3A_1297, %swap3A_1298, %swap3A_1299] {strides = array<i32>} : memref<2x32x32xf32, #tpu.memory_space<vmem>>, vector<16xf32>,
      tpu.vector_store %arg13[%swap3A_1297, %swap3A_1298, %swap3A_1299], %mul3A_1294 {strides = array<i32>} : memref<2x32x32xf32, #tpu.memory_space<vmem>>, vector<16xf32>,
      %mul3A_1301 = arith.mulf %parallel_loop3A_1251#7, %div3A_910 : vector<16xf32>
      %swap3A_1302 = arith.constant 1 : i32
      %swap3A_1303 = arith.constant 23 : i32
      %swap3A_1304 = arith.index_cast %swap3A_1302 : i32 to index
      %swap3A_1305 = arith.index_cast %swap3A_1303 : i32 to index
      %swap3A_1306 = arith.constant 0 : index
      %swap3A_1307 = tpu.vector_load %arg13[%swap3A_1304, %swap3A_1305, %swap3A_1306] {strides = array<i32>} : memref<2x32x32xf32, #tpu.memory_space<vmem>>, vector<16xf32>,
      tpu.vector_store %arg13[%swap3A_1304, %swap3A_1305, %swap3A_1306], %mul3A_1301 {strides = array<i32>} : memref<2x32x32xf32, #tpu.memory_space<vmem>>, vector<16xf32>,
      %mul3A_1308 = arith.mulf %parallel_loop3A_1251#8, %div3A_910 : vector<16xf32>
      %swap3A_1309 = arith.constant 1 : i32
      %swap3A_1310 = arith.constant 24 : i32
      %swap3A_1311 = arith.index_cast %swap3A_1309 : i32 to index
      %swap3A_1312 = arith.index_cast %swap3A_1310 : i32 to index
      %swap3A_1313 = arith.constant 0 : index
      %swap3A_1314 = tpu.vector_load %arg13[%swap3A_1311, %swap3A_1312, %swap3A_1313] {strides = array<i32>} : memref<2x32x32xf32, #tpu.memory_space<vmem>>, vector<16xf32>,
      tpu.vector_store %arg13[%swap3A_1311, %swap3A_1312, %swap3A_1313], %mul3A_1308 {strides = array<i32>} : memref<2x32x32xf32, #tpu.memory_space<vmem>>, vector<16xf32>,
      %mul3A_1315 = arith.mulf %parallel_loop3A_1251#9, %div3A_910 : vector<16xf32>
      %swap3A_1316 = arith.constant 1 : i32
      %swap3A_1317 = arith.constant 25 : i32
      %swap3A_1318 = arith.index_cast %swap3A_1316 : i32 to index
      %swap3A_1319 = arith.index_cast %swap3A_1317 : i32 to index
      %swap3A_1320 = arith.constant 0 : index
      %swap3A_1321 = tpu.vector_load %arg13[%swap3A_1318, %swap3A_1319, %swap3A_1320] {strides = array<i32>} : memref<2x32x32xf32, #tpu.memory_space<vmem>>, vector<16xf32>,
      tpu.vector_store %arg13[%swap3A_1318, %swap3A_1319, %swap3A_1320], %mul3A_1315 {strides = array<i32>} : memref<2x32x32xf32, #tpu.memory_space<vmem>>, vector<16xf32>,
      %mul3A_1322 = arith.mulf %parallel_loop3A_1251#10, %div3A_910 : vector<16xf32>
      %swap3A_1323 = arith.constant 1 : i32
      %swap3A_1324 = arith.constant 26 : i32
      %swap3A_1325 = arith.index_cast %swap3A_1323 : i32 to index
      %swap3A_1326 = arith.index_cast %swap3A_1324 : i32 to index
      %swap3A_1327 = arith.constant 0 : index
      %swap3A_1328 = tpu.vector_load %arg13[%swap3A_1325, %swap3A_1326, %swap3A_1327] {strides = array<i32>} : memref<2x32x32xf32, #tpu.memory_space<vmem>>, vector<16xf32>,
      tpu.vector_store %arg13[%swap3A_1325, %swap3A_1326, %swap3A_1327], %mul3A_1322 {strides = array<i32>} : memref<2x32x32xf32, #tpu.memory_space<vmem>>, vector<16xf32>,
      %mul3A_1329 = arith.mulf %parallel_loop3A_1251#11, %div3A_910 : vector<16xf32>
      %swap3A_1330 = arith.constant 1 : i32
      %swap3A_1331 = arith.constant 27 : i32
      %swap3A_1332 = arith.index_cast %swap3A_1330 : i32 to index
      %swap3A_1333 = arith.index_cast %swap3A_1331 : i32 to index
      %swap3A_1334 = arith.constant 0 : index
      %swap3A_1335 = tpu.vector_load %arg13[%swap3A_1332, %swap3A_1333, %swap3A_1334] {strides = array<i32>} : memref<2x32x32xf32, #tpu.memory_space<vmem>>, vector<16xf32>,
      tpu.vector_store %arg13[%swap3A_1332, %swap3A_1333, %swap3A_1334], %mul3A_1329 {strides = array<i32>} : memref<2x32x32xf32, #tpu.memory_space<vmem>>, vector<16xf32>,
      %mul3A_1336 = arith.mulf %parallel_loop3A_1251#12, %div3A_910 : vector<16xf32>
      %swap3A_1337 = arith.constant 1 : i32
      %swap3A_1338 = arith.constant 28 : i32
      %swap3A_1339 = arith.index_cast %swap3A_1337 : i32 to index
      %swap3A_1340 = arith.index_cast %swap3A_1338 : i32 to index
      %swap3A_1341 = arith.constant 0 : index
      %swap3A_1342 = tpu.vector_load %arg13[%swap3A_1339, %swap3A_1340, %swap3A_1341] {strides = array<i32>} : memref<2x32x32xf32, #tpu.memory_space<vmem>>, vector<16xf32>,
      tpu.vector_store %arg13[%swap3A_1339, %swap3A_1340, %swap3A_1341], %mul3A_1336 {strides = array<i32>} : memref<2x32x32xf32, #tpu.memory_space<vmem>>, vector<16xf32>,
      %mul3A_1343 = arith.mulf %parallel_loop3A_1251#13, %div3A_910 : vector<16xf32>
      %swap3A_1344 = arith.constant 1 : i32
      %swap3A_1345 = arith.constant 29 : i32
      %swap3A_1346 = arith.index_cast %swap3A_1344 : i32 to index
      %swap3A_1347 = arith.index_cast %swap3A_1345 : i32 to index
      %swap3A_1348 = arith.constant 0 : index
      %swap3A_1349 = tpu.vector_load %arg13[%swap3A_1346, %swap3A_1347, %swap3A_1348] {strides = array<i32>} : memref<2x32x32xf32, #tpu.memory_space<vmem>>, vector<16xf32>,
      tpu.vector_store %arg13[%swap3A_1346, %swap3A_1347, %swap3A_1348], %mul3A_1343 {strides = array<i32>} : memref<2x32x32xf32, #tpu.memory_space<vmem>>, vector<16xf32>,
      %mul3A_1350 = arith.mulf %parallel_loop3A_1251#14, %div3A_910 : vector<16xf32>
      %swap3A_1351 = arith.constant 1 : i32
      %swap3A_1352 = arith.constant 30 : i32
      %swap3A_1353 = arith.index_cast %swap3A_1351 : i32 to index
      %swap3A_1354 = arith.index_cast %swap3A_1352 : i32 to index
      %swap3A_1355 = arith.constant 0 : index
      %swap3A_1356 = tpu.vector_load %arg13[%swap3A_1353, %swap3A_1354, %swap3A_1355] {strides = array<i32>} : memref<2x32x32xf32, #tpu.memory_space<vmem>>, vector<16xf32>,
      tpu.vector_store %arg13[%swap3A_1353, %swap3A_1354, %swap3A_1355], %mul3A_1350 {strides = array<i32>} : memref<2x32x32xf32, #tpu.memory_space<vmem>>, vector<16xf32>,
      %mul3A_1357 = arith.mulf %parallel_loop3A_1251#15, %div3A_910 : vector<16xf32>
      %swap3A_1358 = arith.constant 1 : i32
      %swap3A_1359 = arith.constant 31 : i32
      %swap3A_1360 = arith.index_cast %swap3A_1358 : i32 to index
      %swap3A_1361 = arith.index_cast %swap3A_1359 : i32 to index
      %swap3A_1362 = arith.constant 0 : index
      %swap3A_1363 = tpu.vector_load %arg13[%swap3A_1360, %swap3A_1361, %swap3A_1362] {strides = array<i32>} : memref<2x32x32xf32, #tpu.memory_space<vmem>>, vector<16xf32>,
      tpu.vector_store %arg13[%swap3A_1360, %swap3A_1361, %swap3A_1362], %mul3A_1357 {strides = array<i32>} : memref<2x32x32xf32, #tpu.memory_space<vmem>>, vector<16xf32>,
      %broadcast_in_dim3A_1364 = arith.constant 0.000000e+00 : f32
      %broadcast_in_dim3A_1365 = vector.broadcast %broadcast_in_dim3A_1364 : f32 to vector<16xf32>
      %broadcast_in_dim3A_1366 = arith.constant 0.000000e+00 : f32
      %broadcast_in_dim3A_1367 = vector.broadcast %broadcast_in_dim3A_1366 : f32 to vector<16xf32>
      %broadcast_in_dim3A_1368 = arith.constant 0.000000e+00 : f32
      %broadcast_in_dim3A_1369 = vector.broadcast %broadcast_in_dim3A_1368 : f32 to vector<16xf32>
      %broadcast_in_dim3A_1370 = arith.constant 0.000000e+00 : f32
      %broadcast_in_dim3A_1371 = vector.broadcast %broadcast_in_dim3A_1370 : f32 to vector<16xf32>
      %broadcast_in_dim3A_1372 = arith.constant 0.000000e+00 : f32
      %broadcast_in_dim3A_1373 = vector.broadcast %broadcast_in_dim3A_1372 : f32 to vector<16xf32>
      %broadcast_in_dim3A_1374 = arith.constant 0.000000e+00 : f32
      %broadcast_in_dim3A_1375 = vector.broadcast %broadcast_in_dim3A_1374 : f32 to vector<16xf32>
      %broadcast_in_dim3A_1376 = arith.constant 0.000000e+00 : f32
      %broadcast_in_dim3A_1377 = vector.broadcast %broadcast_in_dim3A_1376 : f32 to vector<16xf32>
      %broadcast_in_dim3A_1378 = arith.constant 0.000000e+00 : f32
      %broadcast_in_dim3A_1379 = vector.broadcast %broadcast_in_dim3A_1378 : f32 to vector<16xf32>
      %broadcast_in_dim3A_1380 = arith.constant 0.000000e+00 : f32
      %broadcast_in_dim3A_1381 = vector.broadcast %broadcast_in_dim3A_1380 : f32 to vector<16xf32>
      %broadcast_in_dim3A_1382 = arith.constant 0.000000e+00 : f32
      %broadcast_in_dim3A_1383 = vector.broadcast %broadcast_in_dim3A_1382 : f32 to vector<16xf32>
      %broadcast_in_dim3A_1384 = arith.constant 0.000000e+00 : f32
      %broadcast_in_dim3A_1385 = vector.broadcast %broadcast_in_dim3A_1384 : f32 to vector<16xf32>
      %broadcast_in_dim3A_1386 = arith.constant 0.000000e+00 : f32
      %broadcast_in_dim3A_1387 = vector.broadcast %broadcast_in_dim3A_1386 : f32 to vector<16xf32>
      %broadcast_in_dim3A_1388 = arith.constant 0.000000e+00 : f32
      %broadcast_in_dim3A_1389 = vector.broadcast %broadcast_in_dim3A_1388 : f32 to vector<16xf32>
      %broadcast_in_dim3A_1390 = arith.constant 0.000000e+00 : f32
      %broadcast_in_dim3A_1391 = vector.broadcast %broadcast_in_dim3A_1390 : f32 to vector<16xf32>
      %broadcast_in_dim3A_1392 = arith.constant 0.000000e+00 : f32
      %broadcast_in_dim3A_1393 = vector.broadcast %broadcast_in_dim3A_1392 : f32 to vector<16xf32>
      %broadcast_in_dim3A_1394 = arith.constant 0.000000e+00 : f32
      %broadcast_in_dim3A_1395 = vector.broadcast %broadcast_in_dim3A_1394 : f32 to vector<16xf32>
      %parallel_loop3A_1396 = arith.constant 0 : i32
      %parallel_loop3A_1397 = arith.constant 20 : i32
      %parallel_loop3A_1398 = arith.constant 1 : i32
      %parallel_loop3A_1399:16 = scf.for %parallel_loop3A_1530 = %parallel_loop3A_1396 to %parallel_loop3A_1397 step %parallel_loop3A_1398 iter_args(%parallel_loop3A_1531 = %broadcast_in_dim3A_1365, %parallel_loop3A_1532 = %broadcast_in_dim3A_1367, %parallel_loop3A_1533 = %broadcast_in_dim3A_1369, %parallel_loop3A_1534 = %broadcast_in_dim3A_1371, %parallel_loop3A_1535 = %broadcast_in_dim3A_1373, %parallel_loop3A_1536 = %broadcast_in_dim3A_1375, %parallel_loop3A_1537 = %broadcast_in_dim3A_1377, %parallel_loop3A_1538 = %broadcast_in_dim3A_1379, %parallel_loop3A_1539 = %broadcast_in_dim3A_1381, %parallel_loop3A_1540 = %broadcast_in_dim3A_1383, %parallel_loop3A_1541 = %broadcast_in_dim3A_1385, %parallel_loop3A_1542 = %broadcast_in_dim3A_1387, %parallel_loop3A_1543 = %broadcast_in_dim3A_1389, %parallel_loop3A_1544 = %broadcast_in_dim3A_1391, %parallel_loop3A_1545 = %broadcast_in_dim3A_1393, %parallel_loop3A_1546 = %broadcast_in_dim3A_1395) -> (vector<16xf32>, vector<16xf32>, vector<16xf32>, vector<16xf32>, vector<16xf32>, vector<16xf32>, vector<16xf32>, vector<16xf32>, vector<16xf32>, vector<16xf32>, vector<16xf32>, vector<16xf32>, vector<16xf32>, vector<16xf32>, vector<16xf32>, vector<16xf32>)  : i32 {
        %parallel_loop3A_1547 = arith.index_cast %parallel_loop3A_1530 : i32 to index
        %parallel_loop3A_1548 = arith.constant 16 : index
        %parallel_loop3A_1549 = tpu.vector_load %arg10[%parallel_loop3A_1547, %parallel_loop3A_1548] {strides = array<i32>} : memref<20x32xi32, #tpu.memory_space<vmem>>, vector<16xi32>,
        %parallel_loop3A_1550 = arith.index_cast %parallel_loop3A_1530 : i32 to index
        %parallel_loop3A_1551 = arith.constant 16 : index
        %parallel_loop3A_1552 = tpu.vector_load %arg11[%parallel_loop3A_1550, %parallel_loop3A_1551] {strides = array<i32>} : memref<20x32xf32, #tpu.memory_space<vmem>>, vector<16xf32>,
        %parallel_loop3A_1553 = arith.constant 16 : i32
        %parallel_loop3A_1554 = vector.broadcast %parallel_loop3A_1553 : i32 to vector<16xi32>
        %parallel_loop3A_1555 = tpu.vector_load_idx %arg7[%parallel_loop3A_1554, %parallel_loop3A_1549] : memref<32x2048xf32, #tpu.memory_space<vmem>>[vector<16xi32>, vector<16xi32>], vector<16xf32>,
        %parallel_loop3A_1556 = arith.mulf %parallel_loop3A_1552, %parallel_loop3A_1555 : vector<16xf32>
        %parallel_loop3A_1557 = arith.addf %parallel_loop3A_1531, %parallel_loop3A_1556 : vector<16xf32>
        %parallel_loop3A_1558 = arith.constant 17 : i32
        %parallel_loop3A_1559 = vector.broadcast %parallel_loop3A_1558 : i32 to vector<16xi32>
        %parallel_loop3A_1560 = tpu.vector_load_idx %arg7[%parallel_loop3A_1559, %parallel_loop3A_1549] : memref<32x2048xf32, #tpu.memory_space<vmem>>[vector<16xi32>, vector<16xi32>], vector<16xf32>,
        %parallel_loop3A_1561 = arith.mulf %parallel_loop3A_1552, %parallel_loop3A_1560 : vector<16xf32>
        %parallel_loop3A_1562 = arith.addf %parallel_loop3A_1532, %parallel_loop3A_1561 : vector<16xf32>
        %parallel_loop3A_1563 = arith.constant 18 : i32
        %parallel_loop3A_1564 = vector.broadcast %parallel_loop3A_1563 : i32 to vector<16xi32>
        %parallel_loop3A_1565 = tpu.vector_load_idx %arg7[%parallel_loop3A_1564, %parallel_loop3A_1549] : memref<32x2048xf32, #tpu.memory_space<vmem>>[vector<16xi32>, vector<16xi32>], vector<16xf32>,
        %parallel_loop3A_1566 = arith.mulf %parallel_loop3A_1552, %parallel_loop3A_1565 : vector<16xf32>
        %parallel_loop3A_1567 = arith.addf %parallel_loop3A_1533, %parallel_loop3A_1566 : vector<16xf32>
        %parallel_loop3A_1568 = arith.constant 19 : i32
        %parallel_loop3A_1569 = vector.broadcast %parallel_loop3A_1568 : i32 to vector<16xi32>
        %parallel_loop3A_1570 = tpu.vector_load_idx %arg7[%parallel_loop3A_1569, %parallel_loop3A_1549] : memref<32x2048xf32, #tpu.memory_space<vmem>>[vector<16xi32>, vector<16xi32>], vector<16xf32>,
        %parallel_loop3A_1571 = arith.mulf %parallel_loop3A_1552, %parallel_loop3A_1570 : vector<16xf32>
        %parallel_loop3A_1572 = arith.addf %parallel_loop3A_1534, %parallel_loop3A_1571 : vector<16xf32>
        %parallel_loop3A_1573 = arith.constant 20 : i32
        %parallel_loop3A_1574 = vector.broadcast %parallel_loop3A_1573 : i32 to vector<16xi32>
        %parallel_loop3A_1575 = tpu.vector_load_idx %arg7[%parallel_loop3A_1574, %parallel_loop3A_1549] : memref<32x2048xf32, #tpu.memory_space<vmem>>[vector<16xi32>, vector<16xi32>], vector<16xf32>,
        %parallel_loop3A_1576 = arith.mulf %parallel_loop3A_1552, %parallel_loop3A_1575 : vector<16xf32>
        %parallel_loop3A_1577 = arith.addf %parallel_loop3A_1535, %parallel_loop3A_1576 : vector<16xf32>
        %parallel_loop3A_1578 = arith.constant 21 : i32
        %parallel_loop3A_1579 = vector.broadcast %parallel_loop3A_1578 : i32 to vector<16xi32>
        %parallel_loop3A_1580 = tpu.vector_load_idx %arg7[%parallel_loop3A_1579, %parallel_loop3A_1549] : memref<32x2048xf32, #tpu.memory_space<vmem>>[vector<16xi32>, vector<16xi32>], vector<16xf32>,
        %parallel_loop3A_1581 = arith.mulf %parallel_loop3A_1552, %parallel_loop3A_1580 : vector<16xf32>
        %parallel_loop3A_1582 = arith.addf %parallel_loop3A_1536, %parallel_loop3A_1581 : vector<16xf32>
        %parallel_loop3A_1583 = arith.constant 22 : i32
        %parallel_loop3A_1584 = vector.broadcast %parallel_loop3A_1583 : i32 to vector<16xi32>
        %parallel_loop3A_1585 = tpu.vector_load_idx %arg7[%parallel_loop3A_1584, %parallel_loop3A_1549] : memref<32x2048xf32, #tpu.memory_space<vmem>>[vector<16xi32>, vector<16xi32>], vector<16xf32>,
        %parallel_loop3A_1586 = arith.mulf %parallel_loop3A_1552, %parallel_loop3A_1585 : vector<16xf32>
        %parallel_loop3A_1587 = arith.addf %parallel_loop3A_1537, %parallel_loop3A_1586 : vector<16xf32>
        %parallel_loop3A_1588 = arith.constant 23 : i32
        %parallel_loop3A_1589 = vector.broadcast %parallel_loop3A_1588 : i32 to vector<16xi32>
        %parallel_loop3A_1590 = tpu.vector_load_idx %arg7[%parallel_loop3A_1589, %parallel_loop3A_1549] : memref<32x2048xf32, #tpu.memory_space<vmem>>[vector<16xi32>, vector<16xi32>], vector<16xf32>,
        %parallel_loop3A_1591 = arith.mulf %parallel_loop3A_1552, %parallel_loop3A_1590 : vector<16xf32>
        %parallel_loop3A_1592 = arith.addf %parallel_loop3A_1538, %parallel_loop3A_1591 : vector<16xf32>
        %parallel_loop3A_1593 = arith.constant 24 : i32
        %parallel_loop3A_1594 = vector.broadcast %parallel_loop3A_1593 : i32 to vector<16xi32>
        %parallel_loop3A_1595 = tpu.vector_load_idx %arg7[%parallel_loop3A_1594, %parallel_loop3A_1549] : memref<32x2048xf32, #tpu.memory_space<vmem>>[vector<16xi32>, vector<16xi32>], vector<16xf32>,
        %parallel_loop3A_1596 = arith.mulf %parallel_loop3A_1552, %parallel_loop3A_1595 : vector<16xf32>
        %parallel_loop3A_1597 = arith.addf %parallel_loop3A_1539, %parallel_loop3A_1596 : vector<16xf32>
        %parallel_loop3A_1598 = arith.constant 25 : i32
        %parallel_loop3A_1599 = vector.broadcast %parallel_loop3A_1598 : i32 to vector<16xi32>
        %parallel_loop3A_1600 = tpu.vector_load_idx %arg7[%parallel_loop3A_1599, %parallel_loop3A_1549] : memref<32x2048xf32, #tpu.memory_space<vmem>>[vector<16xi32>, vector<16xi32>], vector<16xf32>,
        %parallel_loop3A_1601 = arith.mulf %parallel_loop3A_1552, %parallel_loop3A_1600 : vector<16xf32>
        %parallel_loop3A_1602 = arith.addf %parallel_loop3A_1540, %parallel_loop3A_1601 : vector<16xf32>
        %parallel_loop3A_1603 = arith.constant 26 : i32
        %parallel_loop3A_1604 = vector.broadcast %parallel_loop3A_1603 : i32 to vector<16xi32>
        %parallel_loop3A_1605 = tpu.vector_load_idx %arg7[%parallel_loop3A_1604, %parallel_loop3A_1549] : memref<32x2048xf32, #tpu.memory_space<vmem>>[vector<16xi32>, vector<16xi32>], vector<16xf32>,
        %parallel_loop3A_1606 = arith.mulf %parallel_loop3A_1552, %parallel_loop3A_1605 : vector<16xf32>
        %parallel_loop3A_1607 = arith.addf %parallel_loop3A_1541, %parallel_loop3A_1606 : vector<16xf32>
        %parallel_loop3A_1608 = arith.constant 27 : i32
        %parallel_loop3A_1609 = vector.broadcast %parallel_loop3A_1608 : i32 to vector<16xi32>
        %parallel_loop3A_1610 = tpu.vector_load_idx %arg7[%parallel_loop3A_1609, %parallel_loop3A_1549] : memref<32x2048xf32, #tpu.memory_space<vmem>>[vector<16xi32>, vector<16xi32>], vector<16xf32>,
        %parallel_loop3A_1611 = arith.mulf %parallel_loop3A_1552, %parallel_loop3A_1610 : vector<16xf32>
        %parallel_loop3A_1612 = arith.addf %parallel_loop3A_1542, %parallel_loop3A_1611 : vector<16xf32>
        %parallel_loop3A_1613 = arith.constant 28 : i32
        %parallel_loop3A_1614 = vector.broadcast %parallel_loop3A_1613 : i32 to vector<16xi32>
        %parallel_loop3A_1615 = tpu.vector_load_idx %arg7[%parallel_loop3A_1614, %parallel_loop3A_1549] : memref<32x2048xf32, #tpu.memory_space<vmem>>[vector<16xi32>, vector<16xi32>], vector<16xf32>,
        %parallel_loop3A_1616 = arith.mulf %parallel_loop3A_1552, %parallel_loop3A_1615 : vector<16xf32>
        %parallel_loop3A_1617 = arith.addf %parallel_loop3A_1543, %parallel_loop3A_1616 : vector<16xf32>
        %parallel_loop3A_1618 = arith.constant 29 : i32
        %parallel_loop3A_1619 = vector.broadcast %parallel_loop3A_1618 : i32 to vector<16xi32>
        %parallel_loop3A_1620 = tpu.vector_load_idx %arg7[%parallel_loop3A_1619, %parallel_loop3A_1549] : memref<32x2048xf32, #tpu.memory_space<vmem>>[vector<16xi32>, vector<16xi32>], vector<16xf32>,
        %parallel_loop3A_1621 = arith.mulf %parallel_loop3A_1552, %parallel_loop3A_1620 : vector<16xf32>
        %parallel_loop3A_1622 = arith.addf %parallel_loop3A_1544, %parallel_loop3A_1621 : vector<16xf32>
        %parallel_loop3A_1623 = arith.constant 30 : i32
        %parallel_loop3A_1624 = vector.broadcast %parallel_loop3A_1623 : i32 to vector<16xi32>
        %parallel_loop3A_1625 = tpu.vector_load_idx %arg7[%parallel_loop3A_1624, %parallel_loop3A_1549] : memref<32x2048xf32, #tpu.memory_space<vmem>>[vector<16xi32>, vector<16xi32>], vector<16xf32>,
        %parallel_loop3A_1626 = arith.mulf %parallel_loop3A_1552, %parallel_loop3A_1625 : vector<16xf32>
        %parallel_loop3A_1627 = arith.addf %parallel_loop3A_1545, %parallel_loop3A_1626 : vector<16xf32>
        %parallel_loop3A_1628 = arith.constant 31 : i32
        %parallel_loop3A_1629 = vector.broadcast %parallel_loop3A_1628 : i32 to vector<16xi32>
        %parallel_loop3A_1630 = tpu.vector_load_idx %arg7[%parallel_loop3A_1629, %parallel_loop3A_1549] : memref<32x2048xf32, #tpu.memory_space<vmem>>[vector<16xi32>, vector<16xi32>], vector<16xf32>,
        %parallel_loop3A_1631 = arith.mulf %parallel_loop3A_1552, %parallel_loop3A_1630 : vector<16xf32>
        %parallel_loop3A_1632 = arith.addf %parallel_loop3A_1546, %parallel_loop3A_1631 : vector<16xf32>
        scf.yield %parallel_loop3A_1557, %parallel_loop3A_1562, %parallel_loop3A_1567, %parallel_loop3A_1572, %parallel_loop3A_1577, %parallel_loop3A_1582, %parallel_loop3A_1587, %parallel_loop3A_1592, %parallel_loop3A_1597, %parallel_loop3A_1602, %parallel_loop3A_1607, %parallel_loop3A_1612, %parallel_loop3A_1617, %parallel_loop3A_1622, %parallel_loop3A_1627, %parallel_loop3A_1632 : vector<16xf32>, vector<16xf32>, vector<16xf32>, vector<16xf32>, vector<16xf32>, vector<16xf32>, vector<16xf32>, vector<16xf32>, vector<16xf32>, vector<16xf32>, vector<16xf32>, vector<16xf32>, vector<16xf32>, vector<16xf32>, vector<16xf32>, vector<16xf32>
      } {sc.loop_unroll_factor = 2 : i64, sc.parallel_access}
      %mul3A_1400 = arith.mulf %parallel_loop3A_1399#0, %div3A_913 : vector<16xf32>
      %swap3A_1401 = arith.constant 1 : i32
      %swap3A_1402 = arith.constant 16 : i32
      %swap3A_1403 = arith.index_cast %swap3A_1401 : i32 to index
      %swap3A_1404 = arith.index_cast %swap3A_1402 : i32 to index
      %swap3A_1405 = arith.constant 16 : index
      %swap3A_1406 = tpu.vector_load %arg13[%swap3A_1403, %swap3A_1404, %swap3A_1405] {strides = array<i32>} : memref<2x32x32xf32, #tpu.memory_space<vmem>>, vector<16xf32>,
      tpu.vector_store %arg13[%swap3A_1403, %swap3A_1404, %swap3A_1405], %mul3A_1400 {strides = array<i32>} : memref<2x32x32xf32, #tpu.memory_space<vmem>>, vector<16xf32>,
      %mul3A_1407 = arith.mulf %parallel_loop3A_1399#1, %div3A_913 : vector<16xf32>
      %swap3A_1408 = arith.constant 1 : i32
      %swap3A_1409 = arith.constant 17 : i32
      %swap3A_1410 = arith.index_cast %swap3A_1408 : i32 to index
      %swap3A_1411 = arith.index_cast %swap3A_1409 : i32 to index
      %swap3A_1412 = arith.constant 16 : index
      %swap3A_1413 = tpu.vector_load %arg13[%swap3A_1410, %swap3A_1411, %swap3A_1412] {strides = array<i32>} : memref<2x32x32xf32, #tpu.memory_space<vmem>>, vector<16xf32>,
      tpu.vector_store %arg13[%swap3A_1410, %swap3A_1411, %swap3A_1412], %mul3A_1407 {strides = array<i32>} : memref<2x32x32xf32, #tpu.memory_space<vmem>>, vector<16xf32>,
      %mul3A_1414 = arith.mulf %parallel_loop3A_1399#2, %div3A_913 : vector<16xf32>
      %swap3A_1415 = arith.constant 1 : i32
      %swap3A_1416 = arith.constant 18 : i32
      %swap3A_1417 = arith.index_cast %swap3A_1415 : i32 to index
      %swap3A_1418 = arith.index_cast %swap3A_1416 : i32 to index
      %swap3A_1419 = arith.constant 16 : index
      %swap3A_1420 = tpu.vector_load %arg13[%swap3A_1417, %swap3A_1418, %swap3A_1419] {strides = array<i32>} : memref<2x32x32xf32, #tpu.memory_space<vmem>>, vector<16xf32>,
      tpu.vector_store %arg13[%swap3A_1417, %swap3A_1418, %swap3A_1419], %mul3A_1414 {strides = array<i32>} : memref<2x32x32xf32, #tpu.memory_space<vmem>>, vector<16xf32>,
      %mul3A_1421 = arith.mulf %parallel_loop3A_1399#3, %div3A_913 : vector<16xf32>
      %swap3A_1422 = arith.constant 1 : i32
      %swap3A_1423 = arith.constant 19 : i32
      %swap3A_1424 = arith.index_cast %swap3A_1422 : i32 to index
      %swap3A_1425 = arith.index_cast %swap3A_1423 : i32 to index
      %swap3A_1426 = arith.constant 16 : index
      %swap3A_1427 = tpu.vector_load %arg13[%swap3A_1424, %swap3A_1425, %swap3A_1426] {strides = array<i32>} : memref<2x32x32xf32, #tpu.memory_space<vmem>>, vector<16xf32>,
      tpu.vector_store %arg13[%swap3A_1424, %swap3A_1425, %swap3A_1426], %mul3A_1421 {strides = array<i32>} : memref<2x32x32xf32, #tpu.memory_space<vmem>>, vector<16xf32>,
      %mul3A_1428 = arith.mulf %parallel_loop3A_1399#4, %div3A_913 : vector<16xf32>
      %swap3A_1429 = arith.constant 1 : i32
      %swap3A_1430 = arith.constant 20 : i32
      %swap3A_1431 = arith.index_cast %swap3A_1429 : i32 to index
      %swap3A_1432 = arith.index_cast %swap3A_1430 : i32 to index
      %swap3A_1433 = arith.constant 16 : index
      %swap3A_1434 = tpu.vector_load %arg13[%swap3A_1431, %swap3A_1432, %swap3A_1433] {strides = array<i32>} : memref<2x32x32xf32, #tpu.memory_space<vmem>>, vector<16xf32>,
      tpu.vector_store %arg13[%swap3A_1431, %swap3A_1432, %swap3A_1433], %mul3A_1428 {strides = array<i32>} : memref<2x32x32xf32, #tpu.memory_space<vmem>>, vector<16xf32>,
      %mul3A_1435 = arith.mulf %parallel_loop3A_1399#5, %div3A_913 : vector<16xf32>
      %swap3A_1436 = arith.constant 1 : i32
      %swap3A_1437 = arith.constant 21 : i32
      %swap3A_1438 = arith.index_cast %swap3A_1436 : i32 to index
      %swap3A_1439 = arith.index_cast %swap3A_1437 : i32 to index
      %swap3A_1440 = arith.constant 16 : index
      %swap3A_1441 = tpu.vector_load %arg13[%swap3A_1438, %swap3A_1439, %swap3A_1440] {strides = array<i32>} : memref<2x32x32xf32, #tpu.memory_space<vmem>>, vector<16xf32>,
      tpu.vector_store %arg13[%swap3A_1438, %swap3A_1439, %swap3A_1440], %mul3A_1435 {strides = array<i32>} : memref<2x32x32xf32, #tpu.memory_space<vmem>>, vector<16xf32>,
      %mul3A_1442 = arith.mulf %parallel_loop3A_1399#6, %div3A_913 : vector<16xf32>
      %swap3A_1443 = arith.constant 1 : i32
      %swap3A_1444 = arith.constant 22 : i32
      %swap3A_1445 = arith.index_cast %swap3A_1443 : i32 to index
      %swap3A_1446 = arith.index_cast %swap3A_1444 : i32 to index
      %swap3A_1447 = arith.constant 16 : index
      %swap3A_1448 = tpu.vector_load %arg13[%swap3A_1445, %swap3A_1446, %swap3A_1447] {strides = array<i32>} : memref<2x32x32xf32, #tpu.memory_space<vmem>>, vector<16xf32>,
      tpu.vector_store %arg13[%swap3A_1445, %swap3A_1446, %swap3A_1447], %mul3A_1442 {strides = array<i32>} : memref<2x32x32xf32, #tpu.memory_space<vmem>>, vector<16xf32>,
      %mul3A_1449 = arith.mulf %parallel_loop3A_1399#7, %div3A_913 : vector<16xf32>
      %swap3A_1450 = arith.constant 1 : i32
      %swap3A_1451 = arith.constant 23 : i32
      %swap3A_1452 = arith.index_cast %swap3A_1450 : i32 to index
      %swap3A_1453 = arith.index_cast %swap3A_1451 : i32 to index
      %swap3A_1454 = arith.constant 16 : index
      %swap3A_1455 = tpu.vector_load %arg13[%swap3A_1452, %swap3A_1453, %swap3A_1454] {strides = array<i32>} : memref<2x32x32xf32, #tpu.memory_space<vmem>>, vector<16xf32>,
      tpu.vector_store %arg13[%swap3A_1452, %swap3A_1453, %swap3A_1454], %mul3A_1449 {strides = array<i32>} : memref<2x32x32xf32, #tpu.memory_space<vmem>>, vector<16xf32>,
      %mul3A_1456 = arith.mulf %parallel_loop3A_1399#8, %div3A_913 : vector<16xf32>
      %swap3A_1457 = arith.constant 1 : i32
      %swap3A_1458 = arith.constant 24 : i32
      %swap3A_1459 = arith.index_cast %swap3A_1457 : i32 to index
      %swap3A_1460 = arith.index_cast %swap3A_1458 : i32 to index
      %swap3A_1461 = arith.constant 16 : index
      %swap3A_1462 = tpu.vector_load %arg13[%swap3A_1459, %swap3A_1460, %swap3A_1461] {strides = array<i32>} : memref<2x32x32xf32, #tpu.memory_space<vmem>>, vector<16xf32>,
      tpu.vector_store %arg13[%swap3A_1459, %swap3A_1460, %swap3A_1461], %mul3A_1456 {strides = array<i32>} : memref<2x32x32xf32, #tpu.memory_space<vmem>>, vector<16xf32>,
      %mul3A_1463 = arith.mulf %parallel_loop3A_1399#9, %div3A_913 : vector<16xf32>
      %swap3A_1464 = arith.constant 1 : i32
      %swap3A_1465 = arith.constant 25 : i32
      %swap3A_1466 = arith.index_cast %swap3A_1464 : i32 to index
      %swap3A_1467 = arith.index_cast %swap3A_1465 : i32 to index
      %swap3A_1468 = arith.constant 16 : index
      %swap3A_1469 = tpu.vector_load %arg13[%swap3A_1466, %swap3A_1467, %swap3A_1468] {strides = array<i32>} : memref<2x32x32xf32, #tpu.memory_space<vmem>>, vector<16xf32>,
      tpu.vector_store %arg13[%swap3A_1466, %swap3A_1467, %swap3A_1468], %mul3A_1463 {strides = array<i32>} : memref<2x32x32xf32, #tpu.memory_space<vmem>>, vector<16xf32>,
      %mul3A_1470 = arith.mulf %parallel_loop3A_1399#10, %div3A_913 : vector<16xf32>
      %swap3A_1471 = arith.constant 1 : i32
      %swap3A_1472 = arith.constant 26 : i32
      %swap3A_1473 = arith.index_cast %swap3A_1471 : i32 to index
      %swap3A_1474 = arith.index_cast %swap3A_1472 : i32 to index
      %swap3A_1475 = arith.constant 16 : index
      %swap3A_1476 = tpu.vector_load %arg13[%swap3A_1473, %swap3A_1474, %swap3A_1475] {strides = array<i32>} : memref<2x32x32xf32, #tpu.memory_space<vmem>>, vector<16xf32>,
      tpu.vector_store %arg13[%swap3A_1473, %swap3A_1474, %swap3A_1475], %mul3A_1470 {strides = array<i32>} : memref<2x32x32xf32, #tpu.memory_space<vmem>>, vector<16xf32>,
      %mul3A_1477 = arith.mulf %parallel_loop3A_1399#11, %div3A_913 : vector<16xf32>
      %swap3A_1478 = arith.constant 1 : i32
      %swap3A_1479 = arith.constant 27 : i32
      %swap3A_1480 = arith.index_cast %swap3A_1478 : i32 to index
      %swap3A_1481 = arith.index_cast %swap3A_1479 : i32 to index
      %swap3A_1482 = arith.constant 16 : index
      %swap3A_1483 = tpu.vector_load %arg13[%swap3A_1480, %swap3A_1481, %swap3A_1482] {strides = array<i32>} : memref<2x32x32xf32, #tpu.memory_space<vmem>>, vector<16xf32>,
      tpu.vector_store %arg13[%swap3A_1480, %swap3A_1481, %swap3A_1482], %mul3A_1477 {strides = array<i32>} : memref<2x32x32xf32, #tpu.memory_space<vmem>>, vector<16xf32>,
      %mul3A_1484 = arith.mulf %parallel_loop3A_1399#12, %div3A_913 : vector<16xf32>
      %swap3A_1485 = arith.constant 1 : i32
      %swap3A_1486 = arith.constant 28 : i32
      %swap3A_1487 = arith.index_cast %swap3A_1485 : i32 to index
      %swap3A_1488 = arith.index_cast %swap3A_1486 : i32 to index
      %swap3A_1489 = arith.constant 16 : index
      %swap3A_1490 = tpu.vector_load %arg13[%swap3A_1487, %swap3A_1488, %swap3A_1489] {strides = array<i32>} : memref<2x32x32xf32, #tpu.memory_space<vmem>>, vector<16xf32>,
      tpu.vector_store %arg13[%swap3A_1487, %swap3A_1488, %swap3A_1489], %mul3A_1484 {strides = array<i32>} : memref<2x32x32xf32, #tpu.memory_space<vmem>>, vector<16xf32>,
      %mul3A_1491 = arith.mulf %parallel_loop3A_1399#13, %div3A_913 : vector<16xf32>
      %swap3A_1492 = arith.constant 1 : i32
      %swap3A_1493 = arith.constant 29 : i32
      %swap3A_1494 = arith.index_cast %swap3A_1492 : i32 to index
      %swap3A_1495 = arith.index_cast %swap3A_1493 : i32 to index
      %swap3A_1496 = arith.constant 16 : index
      %swap3A_1497 = tpu.vector_load %arg13[%swap3A_1494, %swap3A_1495, %swap3A_1496] {strides = array<i32>} : memref<2x32x32xf32, #tpu.memory_space<vmem>>, vector<16xf32>,
      tpu.vector_store %arg13[%swap3A_1494, %swap3A_1495, %swap3A_1496], %mul3A_1491 {strides = array<i32>} : memref<2x32x32xf32, #tpu.memory_space<vmem>>, vector<16xf32>,
      %mul3A_1498 = arith.mulf %parallel_loop3A_1399#14, %div3A_913 : vector<16xf32>
      %swap3A_1499 = arith.constant 1 : i32
      %swap3A_1500 = arith.constant 30 : i32
      %swap3A_1501 = arith.index_cast %swap3A_1499 : i32 to index
      %swap3A_1502 = arith.index_cast %swap3A_1500 : i32 to index
      %swap3A_1503 = arith.constant 16 : index
      %swap3A_1504 = tpu.vector_load %arg13[%swap3A_1501, %swap3A_1502, %swap3A_1503] {strides = array<i32>} : memref<2x32x32xf32, #tpu.memory_space<vmem>>, vector<16xf32>,
      tpu.vector_store %arg13[%swap3A_1501, %swap3A_1502, %swap3A_1503], %mul3A_1498 {strides = array<i32>} : memref<2x32x32xf32, #tpu.memory_space<vmem>>, vector<16xf32>,
      %mul3A_1505 = arith.mulf %parallel_loop3A_1399#15, %div3A_913 : vector<16xf32>
      %swap3A_1506 = arith.constant 1 : i32
      %swap3A_1507 = arith.constant 31 : i32
      %swap3A_1508 = arith.index_cast %swap3A_1506 : i32 to index
      %swap3A_1509 = arith.index_cast %swap3A_1507 : i32 to index
      %swap3A_1510 = arith.constant 16 : index
      %swap3A_1511 = tpu.vector_load %arg13[%swap3A_1508, %swap3A_1509, %swap3A_1510] {strides = array<i32>} : memref<2x32x32xf32, #tpu.memory_space<vmem>>, vector<16xf32>,
      tpu.vector_store %arg13[%swap3A_1508, %swap3A_1509, %swap3A_1510], %mul3A_1505 {strides = array<i32>} : memref<2x32x32xf32, #tpu.memory_space<vmem>>, vector<16xf32>,
      %dma_start3A_1512 = arith.constant 1 : i32
      %dma_start3A_1513 = arith.constant 1 : i32
      %dma_start3A_1514 = arith.constant 0 : i32
      %dma_start3A_1515 = arith.constant 0 : i32
      %dma_start3A_1516 = tpu.memref_slice %arg13[%dma_start3A_1512, %dma_start3A_1514, %dma_start3A_1515] : memref<2x32x32xf32, #tpu.memory_space<vmem>> -> memref<1x32x32xf32, #tpu.memory_space<vmem>>
      %dma_start3A_1517 = tpu.memref_squeeze %dma_start3A_1516 : memref<1x32x32xf32, #tpu.memory_space<vmem>> -> memref<32x32xf32, #tpu.memory_space<vmem>>
      %dma_start3A_1518 = arith.constant 0 : i32
      %dma_start3A_1519 = tpu.memref_slice %arg6[%select_n3A_840, %arg0, %dma_start3A_1518, %mul3A_845] : memref<59x2x32x2048xf32, #tpu.memory_space<hbm>> -> memref<1x1x32x32xf32, #tpu.memory_space<hbm>>
      %dma_start3A_1520 = tpu.memref_squeeze %dma_start3A_1519 : memref<1x1x32x32xf32, #tpu.memory_space<hbm>> -> memref<32x32xf32, #tpu.memory_space<hbm>>
      %dma_start3A_1521 = tpu.memref_slice %arg16[%dma_start3A_1513] : memref<2x!tpu.dma_semaphore, #tpu.memory_space<semaphore_mem>> -> memref<1x!tpu.dma_semaphore, #tpu.memory_space<semaphore_mem>>
      %dma_start3A_1522 = tpu.memref_squeeze %dma_start3A_1521 : memref<1x!tpu.dma_semaphore, #tpu.memory_space<semaphore_mem>> -> memref<!tpu.dma_semaphore, #tpu.memory_space<semaphore_mem>>
      %dma_start3A_1523 = arith.constant 0 : i32
      %dma_start3A_1524 = tpu.memref_slice %arg6[%select_n3A_840, %arg0, %dma_start3A_1523, %mul3A_845] : memref<59x2x32x2048xf32, #tpu.memory_space<hbm>> -> memref<1x1x32x32xf32, #tpu.memory_space<hbm>>
      %dma_start3A_1525 = tpu.memref_squeeze %dma_start3A_1524 : memref<1x1x32x32xf32, #tpu.memory_space<hbm>> -> memref<32x32xf32, #tpu.memory_space<hbm>>
      %dma_start3A_1526 = arith.constant 0 : i32
      %dma_start3A_1527 = arith.constant 0 : i32
      %dma_start3A_1528 = tpu.memref_slice %arg13[%dma_start3A_1512, %dma_start3A_1526, %dma_start3A_1527] : memref<2x32x32xf32, #tpu.memory_space<vmem>> -> memref<1x32x32xf32, #tpu.memory_space<vmem>>
      %dma_start3A_1529 = tpu.memref_squeeze %dma_start3A_1528 : memref<1x32x32xf32, #tpu.memory_space<vmem>> -> memref<32x32xf32, #tpu.memory_space<vmem>>
      tpu.enqueue_dma source(%dma_start3A_1529 : memref<32x32xf32, #tpu.memory_space<vmem>>) target(%dma_start3A_1525 : memref<32x32xf32, #tpu.memory_space<hbm>>) target_semaphore(%dma_start3A_1522 : memref<!tpu.dma_semaphore, #tpu.memory_space<semaphore_mem>>)
      scf.yield %select_n3A_840 : i32
    }
    %scan3A_61 = arith.constant 118 : i32
    %dma_wait3A = arith.constant 0 : i32
    %dma_wait3A_62 = arith.constant 0 : i32
    %dma_wait3A_63 = arith.constant 0 : i32
    %dma_wait3A_64 = arith.constant 0 : i32
    %dma_wait3A_65 = arith.constant 0 : i32
    %dma_wait3A_66 = arith.constant 0 : i32
    %dma_wait3A_67 = tpu.memref_slice %arg13[%dma_wait3A, %dma_wait3A_65, %dma_wait3A_66] : memref<2x32x32xf32, #tpu.memory_space<vmem>> -> memref<1x32x32xf32, #tpu.memory_space<vmem>>
    %dma_wait3A_68 = tpu.memref_squeeze %dma_wait3A_67 : memref<1x32x32xf32, #tpu.memory_space<vmem>> -> memref<32x32xf32, #tpu.memory_space<vmem>>
    %dma_wait3A_69 = arith.constant 0 : i32
    %dma_wait3A_70 = arith.constant 0 : i32
    %dma_wait3A_71 = tpu.memref_slice %arg6[%dma_wait3A_62, %dma_wait3A_63, %dma_wait3A_69, %dma_wait3A_70] : memref<59x2x32x2048xf32, #tpu.memory_space<hbm>> -> memref<1x1x32x32xf32, #tpu.memory_space<hbm>>
    %dma_wait3A_72 = tpu.memref_squeeze %dma_wait3A_71 : memref<1x1x32x32xf32, #tpu.memory_space<hbm>> -> memref<32x32xf32, #tpu.memory_space<hbm>>
    %dma_wait3A_73 = tpu.memref_slice %arg16[%dma_wait3A_64] : memref<2x!tpu.dma_semaphore, #tpu.memory_space<semaphore_mem>> -> memref<1x!tpu.dma_semaphore, #tpu.memory_space<semaphore_mem>>
    %dma_wait3A_74 = tpu.memref_squeeze %dma_wait3A_73 : memref<1x!tpu.dma_semaphore, #tpu.memory_space<semaphore_mem>> -> memref<!tpu.dma_semaphore, #tpu.memory_space<semaphore_mem>>
    %dma_wait3A_75 = arith.constant 0 : i32
    %dma_wait3A_76 = arith.constant 0 : i32
    %dma_wait3A_77 = tpu.memref_slice %arg6[%dma_wait3A_62, %dma_wait3A_63, %dma_wait3A_75, %dma_wait3A_76] : memref<59x2x32x2048xf32, #tpu.memory_space<hbm>> -> memref<1x1x32x32xf32, #tpu.memory_space<hbm>>
    %dma_wait3A_78 = tpu.memref_squeeze %dma_wait3A_77 : memref<1x1x32x32xf32, #tpu.memory_space<hbm>> -> memref<32x32xf32, #tpu.memory_space<hbm>>
    %dma_wait3A_79 = arith.constant 0 : i32
    %dma_wait3A_80 = arith.constant 0 : i32
    %dma_wait3A_81 = tpu.memref_slice %arg13[%dma_wait3A, %dma_wait3A_79, %dma_wait3A_80] : memref<2x32x32xf32, #tpu.memory_space<vmem>> -> memref<1x32x32xf32, #tpu.memory_space<vmem>>
    %dma_wait3A_82 = tpu.memref_squeeze %dma_wait3A_81 : memref<1x32x32xf32, #tpu.memory_space<vmem>> -> memref<32x32xf32, #tpu.memory_space<vmem>>
    tpu.wait_dma2 semaphore(%dma_wait3A_74 : memref<!tpu.dma_semaphore, #tpu.memory_space<semaphore_mem>>) src(%dma_wait3A_82 : memref<32x32xf32, #tpu.memory_space<vmem>>) dst(%dma_wait3A_78 : memref<32x32xf32, #tpu.memory_space<hbm>>)
    %dma_wait3A_83 = arith.constant 1 : i32
    %dma_wait3A_84 = arith.constant 0 : i32
    %dma_wait3A_85 = arith.constant 0 : i32
    %dma_wait3A_86 = arith.constant 1 : i32
    %dma_wait3A_87 = arith.constant 0 : i32
    %dma_wait3A_88 = arith.constant 0 : i32
    %dma_wait3A_89 = tpu.memref_slice %arg13[%dma_wait3A_83, %dma_wait3A_87, %dma_wait3A_88] : memref<2x32x32xf32, #tpu.memory_space<vmem>> -> memref<1x32x32xf32, #tpu.memory_space<vmem>>
    %dma_wait3A_90 = tpu.memref_squeeze %dma_wait3A_89 : memref<1x32x32xf32, #tpu.memory_space<vmem>> -> memref<32x32xf32, #tpu.memory_space<vmem>>
    %dma_wait3A_91 = arith.constant 0 : i32
    %dma_wait3A_92 = arith.constant 0 : i32
    %dma_wait3A_93 = tpu.memref_slice %arg6[%dma_wait3A_84, %dma_wait3A_85, %dma_wait3A_91, %dma_wait3A_92] : memref<59x2x32x2048xf32, #tpu.memory_space<hbm>> -> memref<1x1x32x32xf32, #tpu.memory_space<hbm>>
    %dma_wait3A_94 = tpu.memref_squeeze %dma_wait3A_93 : memref<1x1x32x32xf32, #tpu.memory_space<hbm>> -> memref<32x32xf32, #tpu.memory_space<hbm>>
    %dma_wait3A_95 = tpu.memref_slice %arg16[%dma_wait3A_86] : memref<2x!tpu.dma_semaphore, #tpu.memory_space<semaphore_mem>> -> memref<1x!tpu.dma_semaphore, #tpu.memory_space<semaphore_mem>>
    %dma_wait3A_96 = tpu.memref_squeeze %dma_wait3A_95 : memref<1x!tpu.dma_semaphore, #tpu.memory_space<semaphore_mem>> -> memref<!tpu.dma_semaphore, #tpu.memory_space<semaphore_mem>>
    %dma_wait3A_97 = arith.constant 0 : i32
    %dma_wait3A_98 = arith.constant 0 : i32
    %dma_wait3A_99 = tpu.memref_slice %arg6[%dma_wait3A_84, %dma_wait3A_85, %dma_wait3A_97, %dma_wait3A_98] : memref<59x2x32x2048xf32, #tpu.memory_space<hbm>> -> memref<1x1x32x32xf32, #tpu.memory_space<hbm>>
    %dma_wait3A_100 = tpu.memref_squeeze %dma_wait3A_99 : memref<1x1x32x32xf32, #tpu.memory_space<hbm>> -> memref<32x32xf32, #tpu.memory_space<hbm>>
    %dma_wait3A_101 = arith.constant 0 : i32
    %dma_wait3A_102 = arith.constant 0 : i32
    %dma_wait3A_103 = tpu.memref_slice %arg13[%dma_wait3A_83, %dma_wait3A_101, %dma_wait3A_102] : memref<2x32x32xf32, #tpu.memory_space<vmem>> -> memref<1x32x32xf32, #tpu.memory_space<vmem>>
    %dma_wait3A_104 = tpu.memref_squeeze %dma_wait3A_103 : memref<1x32x32xf32, #tpu.memory_space<vmem>> -> memref<32x32xf32, #tpu.memory_space<vmem>>
    tpu.wait_dma2 semaphore(%dma_wait3A_96 : memref<!tpu.dma_semaphore, #tpu.memory_space<semaphore_mem>>) src(%dma_wait3A_104 : memref<32x32xf32, #tpu.memory_space<vmem>>) dst(%dma_wait3A_100 : memref<32x32xf32, #tpu.memory_space<hbm>>)
    return
  }
}

module attributes {stable_mosaic.version = 14 : i64} {
  func.func @_lstm_prep_body(%arg0: memref<32x8x2048xf32, #tpu.memory_space<vmem>>, %arg1: memref<8x256xf32, #tpu.memory_space<vmem>>, %arg2: memref<64x256xf32, #tpu.memory_space<vmem>>, %arg3: memref<256x1xf32, #tpu.memory_space<vmem>>, %arg4: memref<64x64xf32, #tpu.memory_space<vmem>>, %arg5: memref<64x64xf32, #tpu.memory_space<vmem>>, %arg6: memref<64x1xf32, #tpu.memory_space<vmem>>, %arg7: memref<64x2048xf32, #tpu.memory_space<vmem>>, %arg8: memref<64x2048xf32, #tpu.memory_space<vmem>>, %arg9: memref<64x2048xf32, #tpu.memory_space<vmem>>, %arg10: memref<64x2048xf32, #tpu.memory_space<vmem>>, %arg11: memref<64x2048xf32, #tpu.memory_space<vmem>>) attributes {dimension_semantics = [], scalar_prefetch = 0 : i64, scratch_operands = 2 : i64, tpu.core_type = #tpu.core_type<tc>} {
    %get3A = arith.constant 0 : index
    %get3A_0 = arith.constant 0 : index
    %get3A_1 = vector.load %arg1[%get3A, %get3A_0] : memref<8x256xf32, #tpu.memory_space<vmem>>, vector<8x256xf32>
    %get3A_2 = arith.constant 0 : index
    %get3A_3 = arith.constant 0 : index
    %get3A_4 = vector.load %arg2[%get3A_2, %get3A_3] : memref<64x256xf32, #tpu.memory_space<vmem>>, vector<64x256xf32>
    %get3A_5 = arith.constant 0 : index
    %get3A_6 = arith.constant 0 : index
    %get3A_7 = vector.load %arg3[%get3A_5, %get3A_6] : memref<256x1xf32, #tpu.memory_space<vmem>>, vector<256x1xf32>
    %broadcast_in_dim3A = arith.constant 0.000000e+00 : f32
    %broadcast_in_dim3A_8 = vector.broadcast %broadcast_in_dim3A : f32 to vector<64x2048xf32>
    %swap3A = arith.constant 0 : index
    %swap3A_9 = arith.constant 0 : index
    %swap3A_10 = vector.load %arg10[%swap3A, %swap3A_9] : memref<64x2048xf32, #tpu.memory_space<vmem>>, vector<64x2048xf32>
    tpu.vector_store %arg10[%swap3A, %swap3A_9], %broadcast_in_dim3A_8 {strides = array<i32>} : memref<64x2048xf32, #tpu.memory_space<vmem>>, vector<64x2048xf32>,
    %broadcast_in_dim3A_11 = arith.constant 0.000000e+00 : f32
    %broadcast_in_dim3A_12 = vector.broadcast %broadcast_in_dim3A_11 : f32 to vector<64x2048xf32>
    %swap3A_13 = arith.constant 0 : index
    %swap3A_14 = arith.constant 0 : index
    %swap3A_15 = vector.load %arg11[%swap3A_13, %swap3A_14] : memref<64x2048xf32, #tpu.memory_space<vmem>>, vector<64x2048xf32>
    tpu.vector_store %arg11[%swap3A_13, %swap3A_14], %broadcast_in_dim3A_12 {strides = array<i32>} : memref<64x2048xf32, #tpu.memory_space<vmem>>, vector<64x2048xf32>,
    %scan3A = arith.constant 0 : i32
    %scan3A_16 = arith.constant 32 : i32
    %scan3A_17 = arith.addi %scan3A, %scan3A_16 : i32
    %scan3A_18 = arith.constant 1 : i32
    scf.for %scan3A_48 = %scan3A to %scan3A_17 step %scan3A_18  : i32 {
      %get3A_49 = arith.index_cast %scan3A_48 : i32 to index
      %get3A_50 = arith.constant 0 : index
      %get3A_51 = arith.constant 0 : index
      %get3A_52 = vector.load %arg0[%get3A_49, %get3A_50, %get3A_51] : memref<32x8x2048xf32, #tpu.memory_space<vmem>>, vector<1x8x2048xf32>
      %get3A_53 = vector.shape_cast %get3A_52 : vector<1x8x2048xf32> to vector<8x2048xf32>
      %get3A_54 = arith.constant 0 : index
      %get3A_55 = arith.constant 0 : index
      %get3A_56 = vector.load %arg10[%get3A_54, %get3A_55] : memref<64x2048xf32, #tpu.memory_space<vmem>>, vector<64x2048xf32>
      %get3A_57 = arith.constant 0 : index
      %get3A_58 = arith.constant 0 : index
      %get3A_59 = vector.load %arg11[%get3A_57, %get3A_58] : memref<64x2048xf32, #tpu.memory_space<vmem>>, vector<64x2048xf32>
      %dot_general3A_60 = arith.constant dense<0.000000e+00> : vector<256x2048xf32>
      %dot_general3A_61 = tpu.matmul %get3A_1, %get3A_53, %dot_general3A_60 {dimension_numbers = #tpu.dot_dimension_numbers<[0], [0], [1], [1], [0, 1, 1, 1], [], []>, transpose_lhs_hint = false} : vector<8x256xf32>, vector<8x2048xf32>, vector<256x2048xf32> -> vector<256x2048xf32>
      %dot_general3A_62 = arith.constant dense<0.000000e+00> : vector<256x2048xf32>
      %dot_general3A_63 = tpu.matmul %get3A_4, %get3A_56, %dot_general3A_62 {dimension_numbers = #tpu.dot_dimension_numbers<[0], [0], [1], [1], [0, 1, 1, 1], [], []>, transpose_lhs_hint = false} : vector<64x256xf32>, vector<64x2048xf32>, vector<256x2048xf32> -> vector<256x2048xf32>
      %add3A_64 = arith.addf %dot_general3A_61, %dot_general3A_63 : vector<256x2048xf32>
      %add3A_65 = vector.broadcast %get3A_7 : vector<256x1xf32> to vector<256x2048xf32>
      %add3A_66 = arith.addf %add3A_64, %add3A_65 : vector<256x2048xf32>
      %slice3A = vector.extract_strided_slice %add3A_66 {offsets = [0, 0], sizes = [64, 2048], strides = [1, 1]} : vector<256x2048xf32> to vector<64x2048xf32>
      %logistic3A = arith.negf %slice3A : vector<64x2048xf32>
      %logistic3A_67 = math.exp %logistic3A : vector<64x2048xf32>
      %logistic3A_68 = arith.constant 1.000000e+00 : f32
      %logistic3A_69 = vector.broadcast %logistic3A_68 : f32 to vector<64x2048xf32>
      %logistic3A_70 = arith.addf %logistic3A_69, %logistic3A_67 : vector<64x2048xf32>
      %logistic3A_71 = arith.divf %logistic3A_69, %logistic3A_70 : vector<64x2048xf32>
      %slice3A_72 = vector.extract_strided_slice %add3A_66 {offsets = [64, 0], sizes = [64, 2048], strides = [1, 1]} : vector<256x2048xf32> to vector<64x2048xf32>
      %logistic3A_73 = arith.negf %slice3A_72 : vector<64x2048xf32>
      %logistic3A_74 = math.exp %logistic3A_73 : vector<64x2048xf32>
      %logistic3A_75 = arith.constant 1.000000e+00 : f32
      %logistic3A_76 = vector.broadcast %logistic3A_75 : f32 to vector<64x2048xf32>
      %logistic3A_77 = arith.addf %logistic3A_76, %logistic3A_74 : vector<64x2048xf32>
      %logistic3A_78 = arith.divf %logistic3A_76, %logistic3A_77 : vector<64x2048xf32>
      %slice3A_79 = vector.extract_strided_slice %add3A_66 {offsets = [128, 0], sizes = [64, 2048], strides = [1, 1]} : vector<256x2048xf32> to vector<64x2048xf32>
      %tanh3A = math.tanh %slice3A_79 : vector<64x2048xf32>
      %slice3A_80 = vector.extract_strided_slice %add3A_66 {offsets = [192, 0], sizes = [64, 2048], strides = [1, 1]} : vector<256x2048xf32> to vector<64x2048xf32>
      %logistic3A_81 = arith.negf %slice3A_80 : vector<64x2048xf32>
      %logistic3A_82 = math.exp %logistic3A_81 : vector<64x2048xf32>
      %logistic3A_83 = arith.constant 1.000000e+00 : f32
      %logistic3A_84 = vector.broadcast %logistic3A_83 : f32 to vector<64x2048xf32>
      %logistic3A_85 = arith.addf %logistic3A_84, %logistic3A_82 : vector<64x2048xf32>
      %logistic3A_86 = arith.divf %logistic3A_84, %logistic3A_85 : vector<64x2048xf32>
      %mul3A = arith.mulf %logistic3A_78, %get3A_59 : vector<64x2048xf32>
      %mul3A_87 = arith.mulf %logistic3A_71, %tanh3A : vector<64x2048xf32>
      %add3A_88 = arith.addf %mul3A, %mul3A_87 : vector<64x2048xf32>
      %tanh3A_89 = math.tanh %add3A_88 : vector<64x2048xf32>
      %mul3A_90 = arith.mulf %logistic3A_86, %tanh3A_89 : vector<64x2048xf32>
      %swap3A_91 = arith.constant 0 : index
      %swap3A_92 = arith.constant 0 : index
      %swap3A_93 = vector.load %arg10[%swap3A_91, %swap3A_92] : memref<64x2048xf32, #tpu.memory_space<vmem>>, vector<64x2048xf32>
      tpu.vector_store %arg10[%swap3A_91, %swap3A_92], %mul3A_90 {strides = array<i32>} : memref<64x2048xf32, #tpu.memory_space<vmem>>, vector<64x2048xf32>,
      %swap3A_94 = arith.constant 0 : index
      %swap3A_95 = arith.constant 0 : index
      %swap3A_96 = vector.load %arg11[%swap3A_94, %swap3A_95] : memref<64x2048xf32, #tpu.memory_space<vmem>>, vector<64x2048xf32>
      tpu.vector_store %arg11[%swap3A_94, %swap3A_95], %add3A_88 {strides = array<i32>} : memref<64x2048xf32, #tpu.memory_space<vmem>>, vector<64x2048xf32>,
    }
    %scan3A_19 = arith.constant 32 : i32
    %iota3A = tpu.iota {dimensions = array<i32: 1>} : vector<64x2048xi32>
    %lt3A = arith.constant 2000 : i32
    %lt3A_20 = vector.broadcast %lt3A : i32 to vector<64x2048xi32>
    %lt3A_21 = arith.cmpi slt, %iota3A, %lt3A_20 : vector<64x2048xi32>
    %get3A_22 = arith.constant 0 : index
    %get3A_23 = arith.constant 0 : index
    %get3A_24 = vector.load %arg10[%get3A_22, %get3A_23] : memref<64x2048xf32, #tpu.memory_space<vmem>>, vector<64x2048xf32>
    %jit3A = arith.constant 0.000000e+00 : f32
    %broadcast_in_dim3A_25 = vector.broadcast %jit3A : f32 to vector<64x2048xf32>
    %select_n3A = arith.select %lt3A_21, %get3A_24, %broadcast_in_dim3A_25 : vector<64x2048xi1>, vector<64x2048xf32>
    %swap3A_26 = arith.constant 0 : index
    %swap3A_27 = arith.constant 0 : index
    %swap3A_28 = vector.load %arg7[%swap3A_26, %swap3A_27] : memref<64x2048xf32, #tpu.memory_space<vmem>>, vector<64x2048xf32>
    tpu.vector_store %arg7[%swap3A_26, %swap3A_27], %select_n3A {strides = array<i32>} : memref<64x2048xf32, #tpu.memory_space<vmem>>, vector<64x2048xf32>,
    %get3A_29 = arith.constant 0 : index
    %get3A_30 = arith.constant 0 : index
    %get3A_31 = vector.load %arg4[%get3A_29, %get3A_30] : memref<64x64xf32, #tpu.memory_space<vmem>>, vector<64x64xf32>
    %dot_general3A = arith.constant dense<0.000000e+00> : vector<64x2048xf32>
    %dot_general3A_32 = tpu.matmul %get3A_31, %select_n3A, %dot_general3A {dimension_numbers = #tpu.dot_dimension_numbers<[1], [0], [0], [1], [0, 0, 1, 1], [], []>, transpose_lhs_hint = false} : vector<64x64xf32>, vector<64x2048xf32>, vector<64x2048xf32> -> vector<64x2048xf32>
    %swap3A_33 = arith.constant 0 : index
    %swap3A_34 = arith.constant 0 : index
    %swap3A_35 = vector.load %arg8[%swap3A_33, %swap3A_34] : memref<64x2048xf32, #tpu.memory_space<vmem>>, vector<64x2048xf32>
    tpu.vector_store %arg8[%swap3A_33, %swap3A_34], %dot_general3A_32 {strides = array<i32>} : memref<64x2048xf32, #tpu.memory_space<vmem>>, vector<64x2048xf32>,
    %get3A_36 = arith.constant 0 : index
    %get3A_37 = arith.constant 0 : index
    %get3A_38 = vector.load %arg5[%get3A_36, %get3A_37] : memref<64x64xf32, #tpu.memory_space<vmem>>, vector<64x64xf32>
    %dot_general3A_39 = arith.constant dense<0.000000e+00> : vector<64x2048xf32>
    %dot_general3A_40 = tpu.matmul %get3A_38, %select_n3A, %dot_general3A_39 {dimension_numbers = #tpu.dot_dimension_numbers<[1], [0], [0], [1], [0, 0, 1, 1], [], []>, transpose_lhs_hint = false} : vector<64x64xf32>, vector<64x2048xf32>, vector<64x2048xf32> -> vector<64x2048xf32>
    %get3A_41 = arith.constant 0 : index
    %get3A_42 = arith.constant 0 : index
    %get3A_43 = vector.load %arg6[%get3A_41, %get3A_42] : memref<64x1xf32, #tpu.memory_space<vmem>>, vector<64x1xf32>
    %add3A = vector.broadcast %get3A_43 : vector<64x1xf32> to vector<64x2048xf32>
    %add3A_44 = arith.addf %dot_general3A_40, %add3A : vector<64x2048xf32>
    %swap3A_45 = arith.constant 0 : index
    %swap3A_46 = arith.constant 0 : index
    %swap3A_47 = vector.load %arg9[%swap3A_45, %swap3A_46] : memref<64x2048xf32, #tpu.memory_space<vmem>>, vector<64x2048xf32>
    tpu.vector_store %arg9[%swap3A_45, %swap3A_46], %add3A_44 {strides = array<i32>} : memref<64x2048xf32, #tpu.memory_space<vmem>>, vector<64x2048xf32>,
    return
  }
}

module attributes {stable_mosaic.version = 14 : i64} {
  func.func @_relattn_body(%arg0: i32, %arg1: memref<59x64x256xf32, #tpu.memory_space<vmem>>, %arg2: memref<64x256xf32, #tpu.memory_space<vmem>>, %arg3: memref<64x1xf32, #tpu.memory_space<vmem>>, %arg4: memref<64x1xf32, #tpu.memory_space<vmem>>, %arg5: memref<59x1xf32, #tpu.memory_space<vmem>>, %arg6: memref<64x64xf32, #tpu.memory_space<vmem>>, %arg7: memref<64x2xf32, #tpu.memory_space<vmem>>, %arg8: memref<1x2xf32, #tpu.memory_space<vmem>>, %arg9: memref<256x2xf32, #tpu.memory_space<vmem>>, %arg10: memref<256x2xf32, #tpu.memory_space<vmem>>, %arg11: memref<256x64xf32, #tpu.memory_space<vmem>>) attributes {dimension_semantics = [#tpu.dimension_semantics<arbitrary>], iteration_bounds = array<i64: 8>, scalar_prefetch = 0 : i64, scratch_operands = 0 : i64, tpu.core_type = #tpu.core_type<tc>, window_params = [{transform_indices = @transform_0, window_bounds = array<i64: 59, 64, 256>}, {transform_indices = @transform_1, window_bounds = array<i64: 64, 256>}, {pipeline_mode = #tpu.pipeline_mode<synchronous>, transform_indices = @transform_2, window_bounds = array<i64: 64, 1>}, {pipeline_mode = #tpu.pipeline_mode<synchronous>, transform_indices = @transform_3, window_bounds = array<i64: 64, 1>}, {pipeline_mode = #tpu.pipeline_mode<synchronous>, transform_indices = @transform_4, window_bounds = array<i64: 59, 1>}, {pipeline_mode = #tpu.pipeline_mode<synchronous>, transform_indices = @transform_5, window_bounds = array<i64: 64, 64>}, {pipeline_mode = #tpu.pipeline_mode<synchronous>, transform_indices = @transform_6, window_bounds = array<i64: 64, 2>}, {pipeline_mode = #tpu.pipeline_mode<synchronous>, transform_indices = @transform_7, window_bounds = array<i64: 1, 2>}, {transform_indices = @transform_8, window_bounds = array<i64: 256, 2>}, {transform_indices = @transform_9, window_bounds = array<i64: 256, 2>}, {transform_indices = @transform_10, window_bounds = array<i64: 256, 64>}]} {
    %get3A = arith.constant 0 : index
    %get3A_0 = arith.constant 0 : index
    %get3A_1 = arith.constant 0 : index
    %get3A_2 = vector.load %arg1[%get3A, %get3A_0, %get3A_1] : memref<59x64x256xf32, #tpu.memory_space<vmem>>, vector<59x64x256xf32>
    %get3A_3 = arith.constant 0 : index
    %get3A_4 = arith.constant 0 : index
    %get3A_5 = vector.load %arg2[%get3A_3, %get3A_4] : memref<64x256xf32, #tpu.memory_space<vmem>>, vector<64x256xf32>
    %get3A_6 = arith.constant 0 : index
    %get3A_7 = arith.constant 0 : index
    %get3A_8 = vector.load %arg3[%get3A_6, %get3A_7] : memref<64x1xf32, #tpu.memory_space<vmem>>, vector<64x1xf32>
    %broadcast_in_dim3A = vector.shape_cast %get3A_8 : vector<64x1xf32> to vector<1x64x1xf32>
    %mul3A = vector.broadcast %broadcast_in_dim3A : vector<1x64x1xf32> to vector<59x64x256xf32>
    %mul3A_9 = arith.mulf %get3A_2, %mul3A : vector<59x64x256xf32>
    %reduce_sum3A = arith.constant dense<0.000000e+00> : vector<59x256xf32>
    %reduce_sum3A_10 = vector.multi_reduction <add>, %mul3A_9, %reduce_sum3A [1] : vector<59x64x256xf32> to vector<59x256xf32>
    %get3A_11 = arith.constant 0 : index
    %get3A_12 = arith.constant 0 : index
    %get3A_13 = vector.load %arg4[%get3A_11, %get3A_12] : memref<64x1xf32, #tpu.memory_space<vmem>>, vector<64x1xf32>
    %mul3A_14 = vector.broadcast %get3A_13 : vector<64x1xf32> to vector<64x256xf32>
    %mul3A_15 = arith.mulf %get3A_5, %mul3A_14 : vector<64x256xf32>
    %reduce_sum3A_16 = arith.constant dense<0.000000e+00> : vector<256xf32>
    %reduce_sum3A_17 = vector.multi_reduction <add>, %mul3A_15, %reduce_sum3A_16 [0] : vector<64x256xf32> to vector<256xf32>
    %broadcast_in_dim3A_18 = vector.shape_cast %reduce_sum3A_17 : vector<256xf32> to vector<1x256xf32>
    %add3A = vector.broadcast %broadcast_in_dim3A_18 : vector<1x256xf32> to vector<59x256xf32>
    %add3A_19 = arith.addf %add3A, %reduce_sum3A_10 : vector<59x256xf32>
    %get3A_20 = arith.constant 0 : index
    %get3A_21 = arith.constant 0 : index
    %get3A_22 = vector.load %arg5[%get3A_20, %get3A_21] : memref<59x1xf32, #tpu.memory_space<vmem>>, vector<59x1xf32>
    %add3A_23 = vector.broadcast %get3A_22 : vector<59x1xf32> to vector<59x256xf32>
    %add3A_24 = arith.addf %add3A_19, %add3A_23 : vector<59x256xf32>
    %max3A = arith.constant 0.000000e+00 : f32
    %max3A_25 = vector.broadcast %max3A : f32 to vector<59x256xf32>
    %max3A_26 = arith.maximumf %add3A_24, %max3A_25 : vector<59x256xf32>
    %reduce_max3A = arith.constant dense<0xFF800000> : vector<256xf32>
    %reduce_max3A_27 = vector.multi_reduction <maximumf>, %max3A_26, %reduce_max3A [0] : vector<59x256xf32> to vector<256xf32>
    %broadcast_in_dim3A_28 = vector.shape_cast %reduce_max3A_27 : vector<256xf32> to vector<1x256xf32>
    %sub3A = vector.broadcast %broadcast_in_dim3A_28 : vector<1x256xf32> to vector<59x256xf32>
    %sub3A_29 = arith.subf %max3A_26, %sub3A : vector<59x256xf32>
    %exp3A = math.exp %sub3A_29 : vector<59x256xf32>
    %reduce_sum3A_30 = arith.constant dense<0.000000e+00> : vector<256xf32>
    %reduce_sum3A_31 = vector.multi_reduction <add>, %exp3A, %reduce_sum3A_30 [0] : vector<59x256xf32> to vector<256xf32>
    %broadcast_in_dim3A_32 = vector.shape_cast %reduce_sum3A_31 : vector<256xf32> to vector<1x256xf32>
    %div3A = vector.broadcast %broadcast_in_dim3A_32 : vector<1x256xf32> to vector<59x256xf32>
    %div3A_33 = arith.divf %exp3A, %div3A : vector<59x256xf32>
    %broadcast_in_dim3A_34 = vector.shape_cast %div3A_33 : vector<59x256xf32> to vector<59x1x256xf32>
    %mul3A_35 = vector.broadcast %broadcast_in_dim3A_34 : vector<59x1x256xf32> to vector<59x64x256xf32>
    %mul3A_36 = arith.mulf %get3A_2, %mul3A_35 : vector<59x64x256xf32>
    %reduce_sum3A_37 = arith.constant dense<0.000000e+00> : vector<64x256xf32>
    %reduce_sum3A_38 = vector.multi_reduction <add>, %mul3A_36, %reduce_sum3A_37 [0] : vector<59x64x256xf32> to vector<64x256xf32>
    %add3A_39 = arith.addf %get3A_5, %reduce_sum3A_38 : vector<64x256xf32>
    %get3A_40 = arith.constant 0 : index
    %get3A_41 = arith.constant 0 : index
    %get3A_42 = vector.load %arg6[%get3A_40, %get3A_41] : memref<64x64xf32, #tpu.memory_space<vmem>>, vector<64x64xf32>
    %dot_general3A = arith.constant dense<0.000000e+00> : vector<256x64xf32>
    %dot_general3A_43 = tpu.matmul %add3A_39, %get3A_42, %dot_general3A {dimension_numbers = #tpu.dot_dimension_numbers<[0], [0], [1], [1], [0, 1, 1, 1], [], []>, transpose_lhs_hint = false} : vector<64x256xf32>, vector<64x64xf32>, vector<256x64xf32> -> vector<256x64xf32>
    %swap3A = arith.constant 0 : index
    %swap3A_44 = arith.constant 0 : index
    %swap3A_45 = vector.load %arg11[%swap3A, %swap3A_44] : memref<256x64xf32, #tpu.memory_space<vmem>>, vector<256x64xf32>
    tpu.vector_store %arg11[%swap3A, %swap3A_44], %dot_general3A_43 {strides = array<i32>} : memref<256x64xf32, #tpu.memory_space<vmem>>, vector<256x64xf32>,
    %get3A_46 = arith.constant 0 : index
    %get3A_47 = arith.constant 0 : index
    %get3A_48 = vector.load %arg7[%get3A_46, %get3A_47] : memref<64x2xf32, #tpu.memory_space<vmem>>, vector<64x2xf32>
    %dot_general3A_49 = arith.constant dense<0.000000e+00> : vector<256x2xf32>
    %dot_general3A_50 = tpu.matmul %add3A_39, %get3A_48, %dot_general3A_49 {dimension_numbers = #tpu.dot_dimension_numbers<[0], [0], [1], [1], [0, 1, 1, 1], [], []>, transpose_lhs_hint = false} : vector<64x256xf32>, vector<64x2xf32>, vector<256x2xf32> -> vector<256x2xf32>
    %get3A_51 = arith.constant 0 : index
    %get3A_52 = arith.constant 0 : index
    %get3A_53 = vector.load %arg8[%get3A_51, %get3A_52] : memref<1x2xf32, #tpu.memory_space<vmem>>, vector<1x2xf32>
    %add3A_54 = vector.broadcast %get3A_53 : vector<1x2xf32> to vector<256x2xf32>
    %add3A_55 = arith.addf %dot_general3A_50, %add3A_54 : vector<256x2xf32>
    %swap3A_56 = arith.constant 0 : index
    %swap3A_57 = arith.constant 0 : index
    %swap3A_58 = vector.load %arg9[%swap3A_56, %swap3A_57] : memref<256x2xf32, #tpu.memory_space<vmem>>, vector<256x2xf32>
    tpu.vector_store %arg9[%swap3A_56, %swap3A_57], %add3A_55 {strides = array<i32>} : memref<256x2xf32, #tpu.memory_space<vmem>>, vector<256x2xf32>,
    %reduce_max3A_59 = arith.constant dense<0xFF800000> : vector<256xf32>
    %reduce_max3A_60 = vector.multi_reduction <maximumf>, %add3A_55, %reduce_max3A_59 [1] : vector<256x2xf32> to vector<256xf32>
    %broadcast_in_dim3A_61 = vector.shape_cast %reduce_max3A_60 : vector<256xf32> to vector<256x1xf32>
    %sub3A_62 = vector.broadcast %broadcast_in_dim3A_61 : vector<256x1xf32> to vector<256x2xf32>
    %sub3A_63 = arith.subf %add3A_55, %sub3A_62 : vector<256x2xf32>
    %exp3A_64 = math.exp %sub3A_63 : vector<256x2xf32>
    %reduce_sum3A_65 = arith.constant dense<0.000000e+00> : vector<256xf32>
    %reduce_sum3A_66 = vector.multi_reduction <add>, %exp3A_64, %reduce_sum3A_65 [1] : vector<256x2xf32> to vector<256xf32>
    %broadcast_in_dim3A_67 = vector.shape_cast %reduce_sum3A_66 : vector<256xf32> to vector<256x1xf32>
    %div3A_68 = vector.broadcast %broadcast_in_dim3A_67 : vector<256x1xf32> to vector<256x2xf32>
    %div3A_69 = arith.divf %exp3A_64, %div3A_68 : vector<256x2xf32>
    %swap3A_70 = arith.constant 0 : index
    %swap3A_71 = arith.constant 0 : index
    %swap3A_72 = vector.load %arg10[%swap3A_70, %swap3A_71] : memref<256x2xf32, #tpu.memory_space<vmem>>, vector<256x2xf32>
    tpu.vector_store %arg10[%swap3A_70, %swap3A_71], %div3A_69 {strides = array<i32>} : memref<256x2xf32, #tpu.memory_space<vmem>>, vector<256x2xf32>,
    return
  }
  func.func @transform_0(%arg0: i32) -> (i32, i32, i32) {
    %c0_i32 = arith.constant 0 : i32
    %c0_i32_0 = arith.constant 0 : i32
    %c0_i32_1 = arith.constant 0 : i32
    return %c0_i32, %c0_i32_0, %arg0 : i32, i32, i32
  }
  func.func @transform_1(%arg0: i32) -> (i32, i32) {
    %c0_i32 = arith.constant 0 : i32
    %c0_i32_0 = arith.constant 0 : i32
    return %c0_i32, %arg0 : i32, i32
  }
  func.func @transform_2(%arg0: i32) -> (i32, i32) {
    %c0_i32 = arith.constant 0 : i32
    %c0_i32_0 = arith.constant 0 : i32
    %c0_i32_1 = arith.constant 0 : i32
    return %c0_i32, %c0_i32_0 : i32, i32
  }
  func.func @transform_3(%arg0: i32) -> (i32, i32) {
    %c0_i32 = arith.constant 0 : i32
    %c0_i32_0 = arith.constant 0 : i32
    %c0_i32_1 = arith.constant 0 : i32
    return %c0_i32, %c0_i32_0 : i32, i32
  }
  func.func @transform_4(%arg0: i32) -> (i32, i32) {
    %c0_i32 = arith.constant 0 : i32
    %c0_i32_0 = arith.constant 0 : i32
    %c0_i32_1 = arith.constant 0 : i32
    return %c0_i32, %c0_i32_0 : i32, i32
  }
  func.func @transform_5(%arg0: i32) -> (i32, i32) {
    %c0_i32 = arith.constant 0 : i32
    %c0_i32_0 = arith.constant 0 : i32
    %c0_i32_1 = arith.constant 0 : i32
    return %c0_i32, %c0_i32_0 : i32, i32
  }
  func.func @transform_6(%arg0: i32) -> (i32, i32) {
    %c0_i32 = arith.constant 0 : i32
    %c0_i32_0 = arith.constant 0 : i32
    %c0_i32_1 = arith.constant 0 : i32
    return %c0_i32, %c0_i32_0 : i32, i32
  }
  func.func @transform_7(%arg0: i32) -> (i32, i32) {
    %c0_i32 = arith.constant 0 : i32
    %c0_i32_0 = arith.constant 0 : i32
    %c0_i32_1 = arith.constant 0 : i32
    return %c0_i32, %c0_i32_0 : i32, i32
  }
  func.func @transform_8(%arg0: i32) -> (i32, i32) {
    %c0_i32 = arith.constant 0 : i32
    %c0_i32_0 = arith.constant 0 : i32
    return %arg0, %c0_i32 : i32, i32
  }
  func.func @transform_9(%arg0: i32) -> (i32, i32) {
    %c0_i32 = arith.constant 0 : i32
    %c0_i32_0 = arith.constant 0 : i32
    return %arg0, %c0_i32 : i32, i32
  }
  func.func @transform_10(%arg0: i32) -> (i32, i32) {
    %c0_i32 = arith.constant 0 : i32
    %c0_i32_0 = arith.constant 0 : i32
    return %arg0, %c0_i32 : i32, i32
  }
}

</mosaic_0001>

<sc_bundles>
// kernel: kernel.5.cloned.1.call-start
scs
__scs_entry_jumppad:
0x0: {  	(pc) =	sbr.rel $0x88, $3  }
0x1: {  	(tag) =	ssettag $0x0;
	lr =	simm.s32 $0x1  }
0x2: {  	[smem:$0x3F96] =	sst lr;
	_ =	strace $0xD0000000  }
0x3: {  	_ = 	snop  }
0x4: {  	_ = 	snop  }
0x5: {  	_ = 	snop  }
0x6: {  	_ = 	snop  }
0x7: {  	_ = 	snop  }
__scs_overlays_trampoline_lowered:
0x8: {  	[smem:$0x3FA5] =	sst s0  }
0x9: {  	[smem:$0x3FA6] =	sst s1  }
0xa: {  	[smem:$0x3FA7] =	sst s2  }
0xb: {  	[smem:$0x3FA8] =	sst s3  }
0xc: {  	[smem:$0x3FA9] =	sst s4  }
0xd: {  	[smem:$0x3FAA] =	sst s5  }
0xe: {  	[smem:$0x3FAB] =	sst s6  }
0xf: {  	[smem:$0x3FAC] =	sst s7  }
0x10: {  	[smem:$0x3FAD] =	sst s8  }
0x11: {  	[smem:$0x3FAE] =	sst s9;
	s0 =	simm.s32 @!p0 $0x0  }
0x12: {  	s1 =	sld [smem:$0x3F94];
	s0 =	simm.s32 @p0 $0x1  }
0x13: {  	[smem:$0x3FAF] =	sst s0;
	s0 =	simm.s32 @!p1 $0x0  }
0x14: {  	s2 =	sld [smem:$0x3F93];
	s0 =	simm.s32 @p1 $0x1  }
0x15: {  	[smem:$0x3FB0] =	sst s0;
	s0 =	simm.s32 @!p2 $0x0  }
0x16: {  	s3 =	sld [smem:$0x3FDB];
	s0 =	simm.s32 @p2 $0x1  }
0x17: {  	s4 =	simm.s32 $0x1BF5;
	[smem:$0x3FB2] =	sst s0  }
0x18: {  	s0 =	sld [smem:$0x3F95];
	_ =	swait.ge [sflag:s4], $0x0  }
0x19: {  	s7 =	sld [smem:$0x3F96]  }
0x1a: {  	s8 =	sadd.s32 $0xFFFFE003, lr  }
0x1b: {  	s9 =	sadd.s32 $0xFFFFFEF7, lr;
	s5 =	simm.s32 $0xFFFFFFFF;
	p2 =	slt.u32 s8, $0xFFFFF086  }
0x1c: {  	p1 =	slt.u32 s9, $0xF7A;
	s5 =	simm.s32 @!p2 $0x0  }
0x1d: {  	s5 =	simm.s32 @p1 $0x1;
	p0 =	seq.s32 s7, s2  }
0x1e: {  	s7 =	smul.u32 @!p0 $0xF7A, s2;
	p2 =	seq.s32 @!p0 s5, $0x0  }
0x1f: {  	s9 =	smul.u32 $0xF7A, s1;
	s8 =	simm.s32 @!p0 $0x1BF5;
	p2 =	por !p2, p0  }
0x20: {  	[sflag:s8] =	ssyncset.s32 @!p0 $0xFFFFF086;
	s6 =	sadd.s32 @!p0 s3, s7;
	s7 =	simm.s32 @!p0 $0x108  }
0x21: {  	s3 =	sadd.s32 s3, s9;
	s6 =	sadd.s32 @!p0 $0x88, s6;
	s7 =	simm.s32 @p2 $0x1082  }
0x22: {  	[simem:s7], [sflag:s8] =	dma.local @!p0 [hbm:s6], $0xF7A  }
0x23: {  	s9 =	sor.u32 $0xD0000000, s2;
	s6 =	simm.s32 $0x108;
	_ =	swait.ge @!p0 [sflag:s8], $0x0  }
0x24: {  	s3 =	sadd.s32 $0x88, s3;
	s6 =	simm.s32 @!p1 $0x1082;
	[sflag:s4] =	ssyncset.s32 $0xFFFFF086  }
0x25: {  	[simem:s6], [sflag:s4] =	dma.local [hbm:s3], $0xF7A  }
0x26: {  	[smem:$0x3F96] =	sst s1;
	(tag) =	ssettag s2;
	_ =	strace s9  }
0x27: {  	s1 =	sld [smem:$0x3FA6]  }
0x28: {  	s2 =	sld [smem:$0x3FA7]  }
0x29: {  	s4 =	sld [smem:$0x3FA9]  }
0x2a: {  	p0 =	seq.s32 s5, $0x0;
	s5 =	sld [smem:$0x3FAA]  }
0x2b: {  	s6 =	sld [smem:$0x3FAB]  }
0x2c: {  	s7 =	sld [smem:$0x3FAC]  }
0x2d: {  	s3 =	simm.s32 $0x108;
	s8 =	sld [smem:$0x3FAD]  }
0x2e: {  	s3 =	simm.s32 @!p0 $0x1082;
	s9 =	sld [smem:$0x3FAE]  }
0x2f: {  	lr =	sadd.s32 s0, s3;
	s0 =	sld [smem:$0x3FA5]  }
0x30: {  	s3 =	sld [smem:$0x3FA8]  }
0x31: {  	[smem:$0x3FB1] =	sst s10  }
0x32: {  	s10 =	sld [smem:$0x3FAF];
	_ =	sdelay $0x3  }
0x33: {  	p0 =	seq.s32 s10, $0x1;
	s10 =	sld [smem:$0x3FB1];
	_ =	sdelay $0x3  }
0x34: {  	[smem:$0x3FB1] =	sst s10  }
0x35: {  	s10 =	sld [smem:$0x3FB0];
	_ =	sdelay $0x3  }
0x36: {  	p1 =	seq.s32 s10, $0x1;
	s10 =	sld [smem:$0x3FB1];
	_ =	sdelay $0x3  }
0x37: {  	[smem:$0x3FB1] =	sst s10  }
0x38: {  	s10 =	sld [smem:$0x3FB2]  }
0x39: {  	_ = 	snop;
	(pc) =	sbr.ind lr, $3  }
0x3a: {  	_ = 	snop  }
0x3b: {  	_ = 	snop  }
0x3c: {  	p2 =	seq.s32 s10, $0x1;
	s10 =	sld [smem:$0x3FB1]  }
0x3d: {  	_ =	shalt  }
0x3e: {  	_ =	shalt  }
0x3f: {  	_ =	shalt  }
0x40: {  	_ =	shalt  }
0x41: {  	_ =	shalt  }
0x42: {  	_ =	shalt  }
0x43: {  	_ =	shalt  }
0x44: {  	_ =	shalt  }
0x45: {  	_ =	shalt  }
0x46: {  	_ =	shalt  }
0x47: {  	_ =	shalt  }
0x48: {  	_ =	shalt  }
0x49: {  	_ =	shalt  }
0x4a: {  	_ =	shalt  }
0x4b: {  	_ =	shalt  }
0x4c: {  	_ =	shalt  }
0x4d: {  	_ =	shalt  }
0x4e: {  	_ =	shalt  }
0x4f: {  	_ =	shalt  }
0x50: {  	_ =	shalt  }
0x51: {  	_ =	shalt  }
0x52: {  	_ =	shalt  }
0x53: {  	_ =	shalt  }
0x54: {  	_ =	shalt  }
0x55: {  	_ =	shalt  }
0x56: {  	_ =	shalt  }
0x57: {  	_ =	shalt  }
0x58: {  	_ =	shalt  }
0x59: {  	_ =	shalt  }
0x5a: {  	_ =	shalt  }
0x5b: {  	_ =	shalt  }
0x5c: {  	_ =	shalt  }
0x5d: {  	_ =	shalt  }
0x5e: {  	_ =	shalt  }
0x5f: {  	_ =	shalt  }
0x60: {  	_ =	shalt  }
0x61: {  	_ =	shalt  }
0x62: {  	_ =	shalt  }
0x63: {  	_ =	shalt  }
0x64: {  	_ =	shalt  }
0x65: {  	_ =	shalt  }
0x66: {  	_ =	shalt  }
0x67: {  	_ =	shalt  }
0x68: {  	_ =	shalt  }
0x69: {  	_ =	shalt  }
0x6a: {  	_ =	shalt  }
0x6b: {  	_ =	shalt  }
0x6c: {  	_ =	shalt  }
0x6d: {  	_ =	shalt  }
0x6e: {  	_ =	shalt  }
0x6f: {  	_ =	shalt  }
0x70: {  	_ =	shalt  }
0x71: {  	_ =	shalt  }
0x72: {  	_ =	shalt  }
0x73: {  	_ =	shalt  }
0x74: {  	_ =	shalt  }
0x75: {  	_ =	shalt  }
0x76: {  	_ =	shalt  }
0x77: {  	_ =	shalt  }
0x78: {  	_ =	shalt  }
0x79: {  	_ =	shalt  }
0x7a: {  	_ =	shalt  }
0x7b: {  	_ =	shalt  }
0x7c: {  	_ =	shalt  }
0x7d: {  	_ =	shalt  }
0x7e: {  	_ =	shalt  }
0x7f: {  	_ =	shalt  }
0x80: {  	_ =	shalt  }
0x81: {  	_ =	shalt  }
0x82: {  	_ =	shalt  }
0x83: {  	_ =	shalt  }
0x84: {  	_ =	shalt  }
0x85: {  	_ =	shalt  }
0x86: {  	_ =	shalt  }
0x87: {  	_ =	shalt  }
.Lfunc_end0:
.L_simem_size_0:
called_computation_lowered:
.L_overlay_start_0:
0x88: {  	s2 =	sld [smem:$0x3FD9]  }
0x89: {  	s3 =	sld [smem:$0x3FFE];
	_ =	sdelay $0x1  }
0x8a: {  	s1 =	srdreg.scid  }
0x8b: {  	s0 =	sand.u32 $0x1, s1  }
0x8c: {  	s14 =	sshll.u32 s0, $0xA;
	s2 =	sadd.s32 s3, s2  }
0x8d: {  	s2 =	sadd.s32 s2, s14  }
0x8e: {  	[smem:$0x3FBD] =	sst s2  }
0x8f: {  	_ = 	snop  }
0x90: {  	s2 =	sld [smem:$0x3FD0];
	_ =	sdelay $0x2  }
0x91: {  	s15 =	simm.s32 $0xA;
	s4 =	simm.s32 $0x10  }
0x92: {  	[smem:s4], [sflag:s15] =	dma.local [hbm:s2], $0x1  }
0x93: {  	_ =	swait.eq [sflag:s15], $0x1  }
0x94: {  	[sflag:s15] =	ssyncset.done $0x0  }
0x95: {  	[sflag:s15] =	ssyncadd.s32 $0xFFFFFFFF  }
0x96: {  	s16 =	sld [smem:$0x12];
	(tm) =	ssettm $0x1  }
0x97: {  	s17 =	sld [smem:$0x3FFB];
	_ =	sdelay $0x3  }
0x98: {  	_ =	strace s17  }
0x99: {  	s3 =	sld [smem:$0x3FFC];
	_ =	sdelay $0x3  }
0x9a: {  	_ =	strace s3  }
0x9b: {  	s3 =	sld [smem:$0x3FFD];
	_ =	sdelay $0x3  }
0x9c: {  	_ =	strace s3  }
0x9d: {  	_ =	strace $0x8FFFFFFF  }
0x9e: {  	s18 =	sld [smem:$0x3FDB];
	_ =	sdelay $0x1  }
0x9f: {  	s19 =	simm.s32 $_scs_section_size  }
0xa0: {  	s5 =	simm.s32 $_size__tile_overlayer_lowered;
	s6 =	simm.s32 $_tile_overlayer_lowered  }
0xa1: {  	s22 =	simm.s32 $0x1BFF;
	s21 =	sshll.u32 s6, $0x1;
	s3 =	sadd.s32 s19, s18  }
0xa2: {  	s7 =	simm.s32 $0x0;
	s20 =	sshll.u32 s5, $0x1;
	s5 =	sadd.s32 s21, s3  }
0xa3: {  	[timem:s7], [sflag:s22] =	dma.local [hbm:s5], s20  }
0xa4: {  	_ =	swait.ge [sflag:s22], s20  }
0xa5: {  	s4 =	ssub.s32 $0x0, s20;
	[sflag:s22] =	ssyncset.done $0x0  }
0xa6: {  	[sflag:s22] =	ssyncadd.s32 s4;
	_ =	sdelay $0x1  }
0xa7: {  	s23 =	simm.s32 $0x1B8B  }
0xa8: {  	_ =	swait.ge [sflag:s23], $0x1  }
0xa9: {  	[sflag:s23] =	ssyncset.done $0x0  }
0xaa: {  	s25 =	simm.s32 $0x1B8E;
	s24 =	sld [smem:$0x3FFE];
	[sflag:s23] =	ssyncadd.s32 $0xFFFFFFFF  }
0xab: {  	s26 =	simm.s32 $execute0_lowered;
	[smem:$0x3FD2] =	sst s25  }
0xac: {  	s5 =	sshll.u32 s26, $0x1;
	_ =	strace $0x80000046;
	[dreg:$0x1] =	wrdreg $0xFFFFFFFF  }
0xad: {  	s28 =	simm.s32 $_size_execute0_lowered;
	s3 =	sadd.s32 s3, s5;
	[dreg:$0x0] =	wrdreg $0x0  }
0xae: {  	s5 =	sshll.u32 s28, $0x1;
	[dreg:$0x2] =	wrdreg s3  }
0xaf: {  	[dreg:$0x3] =	wrdreg s5  }
0xb0: {  	[dreg:$0x4] =	wrdreg $0xC0  }
0xb1: {  	_ =	task [dreg:s7], $0x5FFFF  }
0xb2: {  	[dreg:$0x1] =	wrdreg $0xFFFFFFFF  }
0xb3: {  	[dreg:$0x0] =	wrdreg $0x60  }
0xb4: {  	[dreg:$0x2] =	wrdreg s16  }
0xb5: {  	[dreg:$0x3] =	wrdreg s24  }
0xb6: {  	[dreg:$0x4] =	wrdreg $0x9  }
0xb7: {  	_ =	task.clear_ibuf [dreg:s7], $0x5FFFF;
	_ =	strace $0x90000046  }
0xb8: {  	s29 =	simm.s32 $0x9;
	_ =	strace $0x80000048  }
0xb9: {  	_ =	swait.ge [sflag:s29], $0x1  }
0xba: {  	[sflag:s29] =	ssyncadd.s32 $0xFFFFFFFF  }
0xbb: {  	_ =	strace $0x90000048  }
0xbc: {  	_ =	sfence  }
0xbd: {  	s30 =	sld [smem:$0x0];
	_ =	sdelay $0x2  }
0xbe: {  	s31 =	sshll.u32 s1, $0xD;
	s1 =	sshrl.u32 s1, $0x2  }
0xbf: {  	s3 =	sand.u32 $0x4000, s31;
	s1 =	sadd.s32 s1, s30  }
0xc0: {  	s0 =	sor.u32 s3, s0;
	s1 =	sshll.u32 s1, $0x11  }
0xc1: {  	s0 =	sor.u32 s1, s0  }
0xc2: {  	s0 =	sadd.s32 $0x8F2B, s0  }
0xc3: {  	[sflag:s0] =	ssyncadd.remote.s32 $0x1  }
0xc4: {  	_ =	sfence.sel $0xFFFF  }
0xc5: {  	[dreg:$0x0] =	wrdreg $0xFFFFFFFF;
	(pc) =	sbr.abs _section_cstart, $3  }
0xc6: {  	[dreg:$0x1] =	wrdreg $0xFFFFFFFF  }
0xc7: {  	_ =	task.clear_ibuf [dreg:s7], $0x2FFFF;
	_ =	strace $0x9FFFFFFF  }
0xc8: {  	(tm) =	ssettm $0x7FFFFFFF  }
0xc9: {  	_ =	shalt  }
tec
execute0_lowered:
.L_overlay_start_1:
0x0: {  	(tag) =	ssettag $0x1  }
0x1: {  	s0 =	rddreg [dreg:$0x0]  }
0x2: {  	s1 =	rddreg [dreg:$0x1]  }
0x3: {  	s2 =	simm.s32 $0x0;
	s9 =	stileid.u32;
	s24 =	srdreg.scid  }
0x4: {  	s15 =	simm.s32 $0x20;
	s16 =	simm.s32 $0x800;
	s21 =	simm.s32 $0x1  }
0x5: {  	s22 =	simm.s32 $0x3;
	s23 =	simm.s32 $0x10000;
	s28 =	simm.s32 $0x11640  }
0x6: {  	[smem:$0x7FF] =	sst s2;
	s3 =	sadd.s32 $0x5A00, s1;
	s4 =	sadd.s32 $0x1A00, s1  }
0x7: {  	s5 =	smul.u32 $0xEC, s9;
	s6 =	sadd.s32 $0x9A00, s1;
	s7 =	sadd.s32 $0x53600, s1  }
0x8: {  	s1 =	sand.u32 $0x1, s24;
	s10 =	smul.u32 $0x1D80, s9;
	_ =	strace $0x80000047  }
0x9: {  	s25 =	ssub.s32 $0x2, s1;
	s13 =	sshll.u32 s1, $0xD;
	s8 =	sshrl.u32 s5, $0x6  }
0xa: {  	s12 =	sshrl.u32 s25, $0x1;
	s0 =	sadd.s32 s0, s13;
	s9 =	sadd.s32 $0xEC, s5  }
0xb: {  	s29 =	sshrl.u32 s10, $0x3;
	s11 =	smul.u32 $0xA000, s8;
	s8 =	sshll.u32 s8, $0xB  }
0xc: {  	s14 =	ssub.s32 s25, s12;
	[dreg:$0x3] =	wrdreg s0;
	s8 =	ssub.s32 s10, s8  }
0xd: {  	s30 =	sadd.s32 s4, s29;
	s12 =	sshll.u32 s1, $0x10;
	s26 =	sadd.s32 s11, s8  }
0xe: {  	[dreg:$0x5] =	wrdreg s30;
	s31 =	smax.u32 s14, $0x1;
	s0 =	sshrl.u32 s26, $0x3  }
0xf: {  	s25 =	simm.s32 $0x2;
	[dreg:$0x6] =	wrdreg s31;
	s0 =	sadd.s32 s6, s0  }
0x10: {  	s8 =	simm.s32 $0x0;
	s26 =	simm.s32 $0x4;
	[dreg:$0x4] =	wrdreg s0  }
.LBB2_1:
0x11: {  	[dreg:$0x7] =	wrdreg s8  }
0x12: {  	s0 =	rddreg [dreg:$0x3];
	s24 =	simm.s32 $0x7  }
0x13: {  	[tilespmem:s2], [sflag:$0x7] =	stream.linear.gather [hbm4b:s0+s2], $0x10000, $0x38;
	[tilespmem:$0x11A40] =	vst v63  }
0x14: {  	_ =	swait.ge [sflag:s24], $0x10000  }
0x15: {  	s1 =	simm.s32 $0x10800;
	[sflag:s24] =	ssyncset.done $0x0  }
0x16: {  	s31 =	simm.s32 $0x11200;
	s29 =	rddreg [dreg:$0x4];
	[sflag:s24] =	ssyncadd.s32 $0xFFFF0000  }
0x17: {  	[tilespmem:s1], [sflag:$0x1] =	stream.strided.gather [hbm4b:s29+s15], $0x280, s16, s15, $0x38;
	[tilespmem:$0x11A40] =	vst v63  }
0x18: {  	s0 =	simm.s32 $0x0;
	s30 =	rddreg [dreg:$0x5];
	s1 =	simm.s32 $0xFFFFFFFF  }
0x19: {  	[tilespmem:s31], [sflag:$0x3] =	stream.linear.gather [hbm4b:s30+s2], $0x20, $0x38;
	[tilespmem:$0x11A40] =	vst v63  }
.LBB2_2:
0x1a: {  	s8 =	sshll.u32 s0, $0x1  }
0x1b: {  	s18 =	sadd.s32 s5, s8  }
0x1c: {  	s11 =	smov.u32 s1;
	s1 =	sshrl.u32 s18, $0x6;
	s8 =	sor.u32 $0x1, s18  }
0x1d: {  	s10 =	sshll.u32 s1, $0xB;
	s13 =	smul.u32 $0xA000, s1;
	s14 =	sshll.u32 s8, $0x5  }
0x1e: {  	s17 =	ssub.s32 s14, s10  }
0x1f: {  	s13 =	sadd.s32 s13, s17  }
0x20: {  	s13 =	sshrl.u32 s13, $0x3  }
0x21: {  	s20 =	simm.s32 $0x10A80;
	s8 =	sshll.u32 s8, $0x2;
	s13 =	sadd.s32 s6, s13  }
0x22: {  	[tilespmem:s20], [sflag:$0x2] =	stream.strided.gather [hbm4b:s13+s15], $0x280, s16, s15, $0x38;
	[tilespmem:$0x11A40] =	vst v63  }
0x23: {  	s24 =	simm.s32 $0x11220;
	p0 =	seq.s32 s1, s11;
	s8 =	sadd.s32 s4, s8  }
0x24: {  	[tilespmem:s24], [sflag:$0x4] =	stream.linear.gather [hbm4b:s8+s2], $0x20, $0x38;
	[tilespmem:$0x11A40] =	vst v63  }
0x25: {  	s8 =	sshll.u32 @!p0 s1, $0x8  }
0x26: {  	s11 =	simm.s32 @!p0 $0x0;
	s13 =	simm.s32 @!p0 $0x10000;
	s8 =	sadd.s32 @!p0 s3, s8  }
0x27: {  	[tilespmem:s13], [sflag:$0x7] =	stream.linear.gather @!p0 [hbm4b:s8+s11], $0x800, $0x38;
	[tilespmem:$0x11A40] =	vst v63  }
0x28: {  	s8 =	simm.s32 @!p0 $0x7  }
0x29: {  	_ =	swait.ge @!p0 [sflag:s8], $0x800  }
0x2a: {  	[sflag:s8] =	ssyncset.done @!p0 $0x0  }
0x2b: {  	[sflag:s8] =	ssyncadd.s32 @!p0 $0xFFFFF800  }
0x2c: {  	_ =	swait.ge [sflag:s21], $0x280  }
0x2d: {  	[sflag:s21] =	ssyncset.done $0x0  }
0x2e: {  	[sflag:s21] =	ssyncadd.s32 $0xFFFFFD80  }
0x2f: {  	_ =	swait.ge [sflag:s22], $0x20  }
0x30: {  	[sflag:s22] =	ssyncset.done $0x0  }
0x31: {  	s14 =	simm.s32 $0x10820;
	[sflag:s22] =	ssyncadd.s32 $0xFFFFFFE0  }
0x32: {  	v1 =	vld [tilespmem:s14+$0xFFFFFFE0];
	_ =	sdelay $0x1  }
0x33: {  	v3 =	vld [tilespmem:s14+$0x0];
	_ =	sdelay $0x2  }
0x34: {  	v0 =	vadd.s32 $0xFFFFFFFF, v1  }
0x35: {  	vm0 =	vgt.s32 v0, $0x0  }
0x36: {  	v2 =	vadd.s32 $0xFFFFFFFF, v3;
	v4 =	vnsel vm0, $0x0, v0  }
0x37: {  	vm5 =	vgt.s32 v2, $0x0  }
0x38: {  	v5 =	vnsel vm5, $0x0, v2  }
0x39: {  	s20 =	simm.s32 $0x10D20;
	v2 =	vld [tilespmem:$0x11200]  }
0x3a: {  	v0 =	vld [tilespmem:$0x11210];
	[tilespmem:s20+$0xFFFFFFE0] =	vst v4  }
0x3b: {  	v4 =	vld.idx.msk [tilespmem:v4+s23+$0x0], $0xffff  }
0x3c: {  	vm6 =	vlt.s32 v1, $0x1;
	[tilespmem:s20+$0x0] =	vst v5  }
0x3d: {  	v1 =	vnsel vm6, $0x1, v1;
	v5 =	vld.idx.msk [tilespmem:v5+s23+$0x0], $0xffff  }
0x3e: {  	s19 =	simm.s32 $0x10860;
	vm1 =	vlt.s32 v3, $0x1;
	v1 =	vcvt.s32.f32 v1  }
0x3f: {  	v6 =	vld [tilespmem:s19+$0xFFFFFFE0];
	v3 =	vnsel vm1, $0x1, v3  }
0x40: {  	v3 =	vcvt.s32.f32 v3;
	v4 =	vmul.f32 v1, v4  }
0x41: {  	v7 =	vld [tilespmem:s19+$0x0]  }
0x42: {  	v5 =	vmul.f32 v3, v5;
	v4 =	vadd.f32 v4, v2;
	_ =	sdelay $0x1  }
0x43: {  	v8 =	vadd.s32 $0xFFFFFFFF, v6;
	v5 =	vadd.f32 v5, v2;
	v4 =	vmax.f32 v4, $0.0e+00  }
0x44: {  	vm7 =	vgt.s32 v8, $0x0;
	v4 =	vmul.f32 $1.442695020e+00, v4  }
0x45: {  	v9 =	vadd.s32 $0xFFFFFFFF, v7;
	v8 =	vnsel vm7, $0x0, v8;
	v5 =	vmax.f32 v5, $0.0e+00  }
0x46: {  	vm8 =	vgt.s32 v9, $0x0;
	v5 =	vmul.f32 $1.442695020e+00, v5;
	(erf) = vpow2.f32 v4  }
0x47: {  	v4 =	vnsel vm8, $0x0, v9  }
0x48: {  	s24 =	simm.s32 $0x10D60;
	(erf) = vpow2.f32 v5  }
0x49: {  	[tilespmem:s24+$0xFFFFFFE0] =	vst v8  }
0x4a: {  	v5 =	vld.idx.msk [tilespmem:v8+s23+$0x0], $0xffff  }
0x4b: {  	vm9 =	vlt.s32 v6, $0x1;
	[tilespmem:s24+$0x0] =	vst v4  }
0x4c: {  	v6 =	vnsel vm9, $0x1, v6;
	v4 =	vld.idx.msk [tilespmem:v4+s23+$0x0], $0xffff  }
0x4d: {  	s31 =	simm.s32 $0x108A0;
	vm10 =	vlt.s32 v7, $0x1;
	v6 =	vcvt.s32.f32 v6  }
0x4e: {  	v10 =	vld [tilespmem:s31+$0xFFFFFFE0];
	v7 =	vnsel vm10, $0x1, v7  }
0x4f: {  	v11 =	vld [tilespmem:s31+$0x0];
	v7 =	vcvt.s32.f32 v7;
	v5 =	vmul.f32 v6, v5;
	v8 =	vpop (erf)  }
0x50: {  	v1 =	vmul.f32 v1, v8  }
0x51: {  	s8 =	simm.s32 $0x10FA0;
	v5 =	vadd.f32 v5, v2;
	v9 =	vpop (erf);
	v4 =	vmul.f32 v7, v4  }
0x52: {  	v3 =	vmul.f32 v3, v9;
	[tilespmem:s8+$0xFFFFFFE0] =	vst v1  }
0x53: {  	v5 =	vmax.f32 v5, $0.0e+00;
	v1 =	vadd.s32 $0xFFFFFFFF, v10;
	v4 =	vadd.f32 v4, v2;
	v12 =	vld [tilespmem:s14+$0xFFFFFFF0]  }
0x54: {  	v5 =	vmul.f32 $1.442695020e+00, v5;
	[tilespmem:s8+$0x0] =	vst v3;
	vm11 =	vgt.s32 v1, $0x0;
	v3 =	vadd.s32 $0xFFFFFFFF, v11  }
0x55: {  	v13 =	vld [tilespmem:s14+$0x10];
	v1 =	vnsel vm11, $0x0, v1;
	vm12 =	vgt.s32 v3, $0x0;
	v4 =	vmax.f32 v4, $0.0e+00  }
0x56: {  	v3 =	vnsel vm12, $0x0, v3;
	v4 =	vmul.f32 $1.442695020e+00, v4  }
0x57: {  	s29 =	simm.s32 $0x108E0;
	(erf) = vpow2.f32 v5  }
0x58: {  	s13 =	simm.s32 $0x10DA0;
	v15 =	vld [tilespmem:s29+$0x0];
	(erf) = vpow2.f32 v4;
	v4 =	vadd.s32 $0xFFFFFFFF, v12  }
0x59: {  	v5 =	vld [tilespmem:s29+$0xFFFFFFE0];
	[tilespmem:s13+$0xFFFFFFE0] =	vst v1;
	vm13 =	vgt.s32 v4, $0x0  }
0x5a: {  	[tilespmem:s13+$0x0] =	vst v3;
	v14 =	vadd.s32 $0xFFFFFFFF, v13;
	v1 =	vld.idx.msk [tilespmem:v1+s23+$0x0], $0xffff;
	v4 =	vnsel vm13, $0x0, v4  }
0x5b: {  	vm15 =	vlt.s32 v10, $0x1;
	vm14 =	vgt.s32 v14, $0x0;
	v3 =	vld.idx.msk [tilespmem:v3+s23+$0x0], $0xffff  }
0x5c: {  	vm4 =	vlt.s32 v11, $0x1;
	v10 =	vnsel vm15, $0x1, v10;
	v14 =	vnsel vm14, $0x0, v14  }
0x5d: {  	v10 =	vcvt.s32.f32 v10;
	v11 =	vnsel vm4, $0x1, v11  }
0x5e: {  	v23 =	vimm.f32 $0.0e+00;
	v11 =	vcvt.s32.f32 v11;
	[tilespmem:s20+$0xFFFFFFF0] =	vst v4  }
0x5f: {  	v17 =	vadd.s32 $0xFFFFFFFF, v15;
	v16 =	vadd.s32 $0xFFFFFFFF, v5;
	v1 =	vmul.f32 v10, v1;
	v18 =	vld.idx.msk [tilespmem:v4+s23+$0x0], $0xffff  }
0x60: {  	vm6 =	vlt.s32 v12, $0x1;
	vm5 =	vgt.s32 v16, $0x0;
	[tilespmem:s20+$0x10] =	vst v14;
	v4 =	vpop (erf);
	v19 =	vmul.f32 v11, v3  }
0x61: {  	v14 =	vld.idx.msk [tilespmem:v14+s23+$0x0], $0xffff;
	v6 =	vmul.f32 v6, v4;
	v20 =	vadd.f32 v1, v2;
	v3 =	vpop (erf);
	v1 =	vnsel vm6, $0x1, v12  }
0x62: {  	s11 =	simm.s32 $0x10FE0;
	vm7 =	vlt.s32 v13, $0x1;
	v7 =	vmul.f32 v7, v3;
	v25 =	vcvt.s32.f32 v1  }
0x63: {  	v1 =	vnsel vm7, $0x1, v13;
	v12 =	vadd.f32 v19, v2;
	[tilespmem:s11+$0xFFFFFFE0] =	vst v6;
	v6 =	vnsel vm5, $0x0, v16  }
0x64: {  	v1 =	vcvt.s32.f32 v1;
	v13 =	vmax.f32 v20, $0.0e+00;
	v16 =	vld [tilespmem:s19+$0xFFFFFFF0];
	[tilespmem:s11+$0x0] =	vst v7;
	v7 =	vmul.f32 v25, v18  }
0x65: {  	vm8 =	vgt.s32 v17, $0x0;
	v12 =	vmax.f32 v12, $0.0e+00;
	v13 =	vmul.f32 $1.442695020e+00, v13;
	v18 =	vld [tilespmem:s19+$0x10]  }
0x66: {  	v12 =	vmul.f32 $1.442695020e+00, v12;
	v14 =	vmul.f32 v1, v14;
	v7 =	vadd.f32 v7, v0  }
0x67: {  	vm2 =	vlt.s32 v15, $0x1;
	v17 =	vnsel vm8, $0x0, v17;
	(erf) = vpow2.f32 v13  }
0x68: {  	s30 =	simm.s32 $0x10920;
	(erf) = vpow2.f32 v12;
	v19 =	vadd.f32 v14, v0;
	v7 =	vmax.f32 v7, $0.0e+00  }
0x69: {  	vm10 =	vlt.s32 v5, $0x1;
	s19 =	simm.s32 $0x10DE0;
	v14 =	vld [tilespmem:s30+$0x0];
	v12 =	vadd.s32 $0xFFFFFFFF, v16;
	v7 =	vmul.f32 $1.442695020e+00, v7  }
0x6a: {  	v13 =	vld [tilespmem:s30+$0xFFFFFFE0];
	[tilespmem:s19+$0xFFFFFFE0] =	vst v6;
	vm9 =	vgt.s32 v12, $0x0;
	v19 =	vmax.f32 v19, $0.0e+00;
	v20 =	vadd.s32 $0xFFFFFFFF, v18  }
0x6b: {  	[tilespmem:s19+$0x0] =	vst v17;
	v6 =	vld.idx.msk [tilespmem:v6+s23+$0x0], $0xffff;
	v21 =	vnsel vm9, $0x0, v12;
	v12 =	vmul.f32 $1.442695020e+00, v19;
	(erf) = vpow2.f32 v7  }
0x6c: {  	v5 =	vnsel vm10, $0x1, v5;
	v17 =	vld.idx.msk [tilespmem:v17+s23+$0x0], $0xffff;
	vm14 =	vlt.s32 v16, $0x1;
	vm11 =	vgt.s32 v20, $0x0  }
0x6d: {  	vm15 =	vlt.s32 v18, $0x1;
	v22 =	vnsel vm11, $0x0, v20;
	(erf) = vpow2.f32 v12  }
0x6e: {  	v12 =	vcvt.s32.f32 v5;
	v5 =	vnsel vm2, $0x1, v15;
	v7 =	vadd.s32 $0xFFFFFFFF, v14  }
0x6f: {  	[tilespmem:s24+$0xFFFFFFF0] =	vst v21;
	v15 =	vcvt.s32.f32 v5;
	v5 =	vadd.s32 $0xFFFFFFFF, v13;
	vm13 =	vgt.s32 v7, $0x0  }
0x70: {  	v24 =	vmul.f32 v12, v6;
	vm12 =	vgt.s32 v5, $0x0;
	v6 =	vpop (erf);
	v20 =	vnsel vm13, $0x0, v7;
	v21 =	vld.idx.msk [tilespmem:v21+s23+$0x0], $0xffff  }
0x71: {  	[tilespmem:s24+$0x10] =	vst v22;
	v17 =	vmul.f32 v15, v17;
	v19 =	vnsel vm12, $0x0, v5;
	v7 =	vpop (erf);
	v10 =	vmul.f32 v10, v6  }
0x72: {  	v5 =	vnsel vm14, $0x1, v16;
	v24 =	vadd.f32 v24, v2;
	v22 =	vld.idx.msk [tilespmem:v22+s23+$0x0], $0xffff;
	v16 =	vmul.f32 v11, v7  }
0x73: {  	s14 =	simm.s32 $0x11020;
	v5 =	vcvt.s32.f32 v5;
	v11 =	vnsel vm15, $0x1, v18;
	v18 =	vadd.f32 v8, v23  }
0x74: {  	v17 =	vadd.f32 v17, v2;
	v8 =	vcvt.s32.f32 v11;
	[tilespmem:s14+$0xFFFFFFE0] =	vst v10;
	v24 =	vmax.f32 v24, $0.0e+00;
	v26 =	vpop (erf)  }
0x75: {  	v9 =	vadd.f32 v9, v18;
	v18 =	vld [tilespmem:s31+$0xFFFFFFF0];
	[tilespmem:s14+$0x0] =	vst v16;
	v27 =	vmul.f32 v5, v21;
	v23 =	vadd.f32 v26, v23  }
0x76: {  	s20 =	sshll.u32 s18, $0x5;
	v28 =	vmax.f32 v17, $0.0e+00;
	v17 =	vld [tilespmem:s31+$0x10];
	v21 =	vmul.f32 $1.442695020e+00, v24;
	v11 =	vpop (erf)  }
0x77: {  	s10 =	ssub.s32 s20, s10;
	v22 =	vmul.f32 v8, v22;
	v10 =	vadd.f32 v11, v23;
	v23 =	vadd.f32 v27, v0  }
0x78: {  	s20 =	simm.s32 $0x8;
	s24 =	simm.s32 $0x10960;
	s31 =	simm.s32 $0x10DE0;
	v24 =	vmul.f32 $1.442695020e+00, v28;
	v16 =	vmul.f32 v25, v26  }
.LBB2_3:
0x79: {  	v25 =	vld [tilespmem:s24+$0xFFFFFFE0];
	s19 =	sadd.s32 $0x40, s19;
	(erf) = vpow2.f32 v21;
	v21 =	vmax.f32 v23, $0.0e+00;
	v22 =	vadd.f32 v22, v0  }
0x7a: {  	v23 =	vld [tilespmem:s24+$0x0];
	[tilespmem:s19+$0xFFFFFFE0] =	vst v19;
	(erf) = vpow2.f32 v24;
	v24 =	vadd.s32 $0xFFFFFFFF, v18;
	v21 =	vmul.f32 $1.442695020e+00, v21  }
0x7b: {  	v19 =	vld.idx.msk [tilespmem:v19+s23+$0x0], $0xffff;
	[tilespmem:s19+$0x0] =	vst v20;
	vm0 =	vgt.s32 v24, $0x0;
	v26 =	vadd.s32 $0xFFFFFFFF, v17;
	v22 =	vmax.f32 v22, $0.0e+00  }
0x7c: {  	v20 =	vld.idx.msk [tilespmem:v20+s23+$0x0], $0xffff;
	v24 =	vnsel vm0, $0x0, v24;
	v22 =	vmul.f32 $1.442695020e+00, v22;
	(erf) = vpow2.f32 v21;
	[tilespmem:s8+$0xFFFFFFF0] =	vst v16  }
0x7d: {  	vm1 =	vlt.s32 v14, $0x1;
	vm0 =	vlt.s32 v13, $0x1;
	vm2 =	vgt.s32 v26, $0x0  }
0x7e: {  	v16 =	vnsel vm0, $0x1, v13;
	v21 =	vnsel vm2, $0x0, v26;
	(erf) = vpow2.f32 v22;
	v13 =	vmovc v25  }
0x7f: {  	v11 =	vmul.f32 v1, v11;
	v1 =	vmovc v8;
	v16 =	vcvt.s32.f32 v16;
	v22 =	vnsel vm1, $0x1, v14;
	v14 =	vmovc v23  }
0x80: {  	v8 =	vadd.s32 $0xFFFFFFFF, v13;
	v22 =	vcvt.s32.f32 v22;
	[tilespmem:s13+$0xFFFFFFF0] =	vst v24  }
0x81: {  	vm0 =	vgt.s32 v8, $0x0;
	v23 =	vadd.s32 $0xFFFFFFFF, v14;
	v27 =	vmul.f32 v16, v19;
	v24 =	vld.idx.msk [tilespmem:v24+s23+$0x0], $0xffff;
	[tilespmem:s8+$0x10] =	vst v11;
	s8 =	smov.u32 s11;
	s11 =	smov.u32 s14  }
0x82: {  	v19 =	vnsel vm0, $0x0, v8;
	vm0 =	vgt.s32 v23, $0x0;
	v8 =	vmul.f32 v22, v20;
	v26 =	vpop (erf);
	[tilespmem:s13+$0x10] =	vst v21;
	s13 =	smov.u32 s31;
	s31 =	smov.u32 s19  }
0x83: {  	v20 =	vnsel vm0, $0x0, v23;
	v11 =	vadd.f32 v27, v2;
	vm0 =	vlt.s32 v18, $0x1;
	v25 =	vpop (erf);
	v27 =	vld.idx.msk [tilespmem:v21+s23+$0x0], $0xffff  }
0x84: {  	s20 =	sadd.s32 $0x2, s20;
	v21 =	vadd.f32 v8, v2;
	v8 =	vmul.f32 v12, v26;
	v18 =	vnsel vm0, $0x1, v18;
	v12 =	vmovc v16  }
0x85: {  	p0 =	slt.u32 s20, $0x12;
	s14 =	sadd.s32 $0x40, s14;
	vm0 =	vlt.s32 v17, $0x1;
	v16 =	vmul.f32 v15, v25;
	v28 =	vcvt.s32.f32 v18;
	v29 =	vpop (erf)  }
.Ltmp0:
0x86: {  	v23 =	vadd.f32 v4, v9;
	v15 =	vmovc v22;
	[tilespmem:s14+$0xFFFFFFE0] =	vst v8;
	v8 =	vnsel vm0, $0x1, v17;
	v10 =	vadd.f32 v29, v10;
	(pc) =	sbr.rel @p0 .LBB2_3-.Ltmp0, $4  }
0x87: {  	v22 =	vmax.f32 v11, $0.0e+00;
	v18 =	vld [tilespmem:s29+$0xFFFFFFF0];
	[tilespmem:s14+$0x0] =	vst v16;
	v16 =	vmul.f32 v28, v24;
	v8 =	vcvt.s32.f32 v8;
	v11 =	vpop (erf)  }
0x88: {  	v4 =	vmovc v6;
	v6 =	vmovc v26;
	v9 =	vadd.f32 v3, v23;
	v24 =	vmax.f32 v21, $0.0e+00;
	v17 =	vld [tilespmem:s29+$0x10];
	v10 =	vadd.f32 v11, v10;
	s29 =	smov.u32 s30;
	s30 =	smov.u32 s24  }
0x89: {  	v3 =	vmovc v7;
	v7 =	vmovc v25;
	v21 =	vmul.f32 $1.442695020e+00, v22;
	v23 =	vadd.f32 v16, v0;
	v22 =	vmul.f32 v8, v27  }
0x8a: {  	s24 =	sadd.s32 $0x40, s24;
	v24 =	vmul.f32 $1.442695020e+00, v24;
	v16 =	vmul.f32 v5, v29;
	v5 =	vmov v28  }
0x8b: {  	_ =	sdelay $0x1  }
0x8c: {  	s20 =	sadd.s32 $0x40, s19  }
0x8d: {  	[tilespmem:s20+$0xFFFFFFE0] =	vst v19  }
0x8e: {  	v19 =	vld.idx.msk [tilespmem:v19+s23+$0x0], $0xffff  }
0x8f: {  	vm0 =	vlt.s32 v13, $0x1;
	[tilespmem:s20+$0x0] =	vst v20  }
0x90: {  	v13 =	vnsel vm0, $0x1, v13;
	v20 =	vld.idx.msk [tilespmem:v20+s23+$0x0], $0xffff  }
0x91: {  	vm4 =	vlt.s32 v14, $0x1;
	v13 =	vcvt.s32.f32 v13  }
0x92: {  	v14 =	vnsel vm4, $0x1, v14  }
0x93: {  	v14 =	vcvt.s32.f32 v14;
	v19 =	vmul.f32 v13, v19  }
0x94: {  	(erf) = vpow2.f32 v21;
	v21 =	vadd.f32 v22, v0  }
0x95: {  	v22 =	vmax.f32 v23, $0.0e+00;
	v20 =	vmul.f32 v14, v20;
	v19 =	vadd.f32 v19, v2  }
0x96: {  	(erf) = vpow2.f32 v24;
	v22 =	vmul.f32 $1.442695020e+00, v22;
	v21 =	vmax.f32 v21, $0.0e+00  }
0x97: {  	v21 =	vmul.f32 $1.442695020e+00, v21;
	v2 =	vadd.f32 v20, v2;
	v19 =	vmax.f32 v19, $0.0e+00  }
0x98: {  	(erf) = vpow2.f32 v22;
	v19 =	vmul.f32 $1.442695020e+00, v19  }
0x99: {  	(erf) = vpow2.f32 v21;
	v2 =	vmax.f32 v2, $0.0e+00  }
0x9a: {  	v2 =	vmul.f32 $1.442695020e+00, v2;
	(erf) = vpow2.f32 v19;
	_ =	sdelay $0x1  }
0x9b: {  	(erf) = vpow2.f32 v2;
	_ =	sdelay $0x2  }
0x9c: {  	v2 =	vpop (erf)  }
0x9d: {  	v12 =	vmul.f32 v12, v2;
	v19 =	vpop (erf)  }
0x9e: {  	s19 =	sadd.s32 $0x40, s14;
	v24 =	vadd.s32 $0xFFFFFFFF, v17;
	v21 =	vpop (erf)  }
0x9f: {  	vm6 =	vgt.s32 v24, $0x0;
	[tilespmem:s19+$0xFFFFFFE0] =	vst v12;
	v12 =	vmul.f32 v15, v19;
	v22 =	vpop (erf)  }
0xa0: {  	v24 =	vnsel vm6, $0x0, v24;
	v23 =	vpop (erf)  }
0xa1: {  	v20 =	vadd.s32 $0xFFFFFFFF, v18;
	v15 =	vld [tilespmem:s29+$0xFFFFFFF0];
	[tilespmem:s19+$0x0] =	vst v12;
	v12 =	vmul.f32 v13, v23  }
0xa2: {  	s24 =	sadd.s32 $0x40, s19;
	vm5 =	vgt.s32 v20, $0x0;
	v13 =	vld [tilespmem:s29+$0x10];
	v25 =	vpop (erf)  }
0xa3: {  	v20 =	vnsel vm5, $0x0, v20;
	v14 =	vmul.f32 v14, v25;
	[tilespmem:s24+$0xFFFFFFE0] =	vst v12  }
0xa4: {  	[tilespmem:s13+$0x10] =	vst v24;
	v26 =	vld [tilespmem:s30+$0xFFFFFFF0]  }
0xa5: {  	v24 =	vld.idx.msk [tilespmem:v24+s23+$0x0], $0xffff;
	[tilespmem:s24+$0x0] =	vst v14  }
0xa6: {  	vm9 =	vlt.s32 v17, $0x1;
	v12 =	vadd.s32 $0xFFFFFFFF, v15;
	v14 =	vld [tilespmem:s30+$0x10]  }
0xa7: {  	v17 =	vnsel vm9, $0x1, v17;
	[tilespmem:s13+$0xFFFFFFF0] =	vst v20;
	vm7 =	vgt.s32 v12, $0x0;
	v27 =	vadd.s32 $0xFFFFFFFF, v13  }
0xa8: {  	v17 =	vcvt.s32.f32 v17;
	v20 =	vld.idx.msk [tilespmem:v20+s23+$0x0], $0xffff;
	v12 =	vnsel vm7, $0x0, v12;
	vm8 =	vgt.s32 v27, $0x0  }
0xa9: {  	vm1 =	vlt.s32 v18, $0x1;
	v27 =	vnsel vm8, $0x0, v27;
	v28 =	vadd.s32 $0xFFFFFFFF, v26  }
0xaa: {  	v18 =	vnsel vm1, $0x1, v18;
	v24 =	vmul.f32 v17, v24;
	vm10 =	vgt.s32 v28, $0x0  }
0xab: {  	v18 =	vcvt.s32.f32 v18;
	v29 =	vadd.s32 $0xFFFFFFFF, v14;
	v28 =	vnsel vm10, $0x0, v28  }
0xac: {  	v24 =	vadd.f32 v24, v0;
	[tilespmem:s31+$0xFFFFFFF0] =	vst v12;
	vm12 =	vgt.s32 v29, $0x0  }
0xad: {  	v20 =	vmul.f32 v18, v20;
	[tilespmem:s31+$0x10] =	vst v27;
	v12 =	vld.idx.msk [tilespmem:v12+s23+$0x0], $0xffff;
	v29 =	vnsel vm12, $0x0, v29  }
0xae: {  	v24 =	vmax.f32 v24, $0.0e+00;
	vm11 =	vlt.s32 v15, $0x1;
	v27 =	vld.idx.msk [tilespmem:v27+s23+$0x0], $0xffff  }
0xaf: {  	v20 =	vadd.f32 v20, v0;
	v15 =	vnsel vm11, $0x1, v15;
	vm13 =	vlt.s32 v13, $0x1;
	[tilespmem:s20+$0xFFFFFFF0] =	vst v28  }
0xb0: {  	v24 =	vmul.f32 $1.442695020e+00, v24;
	v15 =	vcvt.s32.f32 v15;
	v13 =	vnsel vm13, $0x1, v13;
	v28 =	vld.idx.msk [tilespmem:v28+s23+$0x0], $0xffff  }
0xb1: {  	v20 =	vmax.f32 v20, $0.0e+00;
	v13 =	vcvt.s32.f32 v13;
	vm14 =	vlt.s32 v26, $0x1;
	[tilespmem:s20+$0x10] =	vst v29  }
0xb2: {  	v20 =	vmul.f32 $1.442695020e+00, v20;
	v26 =	vnsel vm14, $0x1, v26;
	v12 =	vmul.f32 v15, v12;
	v29 =	vld.idx.msk [tilespmem:v29+s23+$0x0], $0xffff  }
0xb3: {  	vm15 =	vlt.s32 v14, $0x1;
	v26 =	vcvt.s32.f32 v26;
	v27 =	vmul.f32 v13, v27  }
0xb4: {  	(erf) = vpow2.f32 v20;
	v14 =	vnsel vm15, $0x1, v14;
	v12 =	vadd.f32 v12, v0  }
0xb5: {  	v14 =	vcvt.s32.f32 v14;
	v20 =	vadd.f32 v27, v0;
	v27 =	vmul.f32 v26, v28  }
0xb6: {  	(erf) = vpow2.f32 v24;
	v12 =	vmax.f32 v12, $0.0e+00  }
0xb7: {  	v12 =	vmul.f32 $1.442695020e+00, v12;
	v24 =	vadd.f32 v27, v0;
	v27 =	vmul.f32 v14, v29  }
0xb8: {  	v4 =	vadd.f32 v4, v9;
	v20 =	vmax.f32 v20, $0.0e+00  }
0xb9: {  	(erf) = vpow2.f32 v12;
	v9 =	vmax.f32 v24, $0.0e+00;
	v0 =	vadd.f32 v27, v0  }
0xba: {  	v20 =	vmul.f32 $1.442695020e+00, v20;
	v9 =	vmul.f32 $1.442695020e+00, v9  }
0xbb: {  	v10 =	vadd.f32 v21, v10;
	v0 =	vmax.f32 v0, $0.0e+00  }
0xbc: {  	(erf) = vpow2.f32 v20;
	v0 =	vmul.f32 $1.442695020e+00, v0  }
0xbd: {  	v3 =	vadd.f32 v3, v4;
	v4 =	vadd.f32 v22, v10  }
0xbe: {  	(erf) = vpow2.f32 v9;
	v9 =	vpop (erf)  }
0xbf: {  	v3 =	vadd.f32 v6, v3;
	v4 =	vadd.f32 v9, v4  }
0xc0: {  	(erf) = vpow2.f32 v0;
	v0 =	vpop (erf)  }
0xc1: {  	v3 =	vadd.f32 v7, v3;
	v4 =	vadd.f32 v0, v4;
	_ =	sdelay $0x1  }
0xc2: {  	v2 =	vadd.f32 v2, v3;
	v6 =	vpop (erf)  }
0xc3: {  	v3 =	vadd.f32 v6, v4  }
0xc4: {  	v2 =	vadd.f32 v19, v2;
	v4 =	vpop (erf)  }
0xc5: {  	v3 =	vadd.f32 v4, v3  }
0xc6: {  	v2 =	vadd.f32 v23, v2;
	v7 =	vpop (erf)  }
0xc7: {  	v3 =	vadd.f32 v7, v3  }
0xc8: {  	v2 =	vadd.f32 v25, v2;
	v10 =	vpop (erf)  }
0xc9: {  	v1 =	vmul.f32 v1, v11;
	v3 =	vadd.f32 v10, v3  }
0xca: {  	(erf) = vrcp.f32 v2  }
0xcb: {  	[tilespmem:s8+$0x10] =	vst v1;
	v1 =	vmul.f32 v8, v22;
	(erf) = vrcp.f32 v3  }
0xcc: {  	[tilespmem:s8+$0xFFFFFFF0] =	vst v16;
	v0 =	vmul.f32 v17, v0  }
0xcd: {  	[tilespmem:s11+$0x10] =	vst v1;
	v1 =	vmul.f32 v15, v6  }
0xce: {  	[tilespmem:s14+$0x10] =	vst v0;
	v0 =	vmul.f32 v13, v4  }
0xcf: {  	[tilespmem:s19+$0xFFFFFFF0] =	vst v1;
	v2 =	vmul.f32 v5, v21;
	v1 =	vmul.f32 v26, v7  }
0xd0: {  	[tilespmem:s19+$0x10] =	vst v0;
	v0 =	vmul.f32 v14, v10  }
0xd1: {  	[tilespmem:s11+$0xFFFFFFF0] =	vst v2  }
0xd2: {  	v2 =	vmul.f32 v18, v9;
	[tilespmem:s24+$0xFFFFFFF0] =	vst v1  }
0xd3: {  	p0 =	seq.s32 s0, $0x0;
	[tilespmem:s24+$0x10] =	vst v0;
	v1 =	vpop (erf)  }
0xd4: {  	s8 =	simm.s32 @!p0 $0x5;
	[tilespmem:s14+$0xFFFFFFF0] =	vst v2;
	v0 =	vpop (erf)  }
0xd5: {  	_ =	swait.ge @!p0 [sflag:s8], $0x400  }
0xd6: {  	[sflag:s8] =	ssyncset.done @!p0 $0x0  }
0xd7: {  	s30 =	simm.s32 $0x10D20;
	[sflag:s8] =	ssyncadd.s32 @!p0 $0xFFFFFC00  }
0xd8: {  	v2 =	vld [tilespmem:s30+$0xFFFFFFE0]  }
0xd9: {  	v4 =	vld [tilespmem:s30+$0x0];
	_ =	sdelay $0x2  }
0xda: {  	s31 =	simm.s32 $0x10FA0  }
0xdb: {  	v12 =	vld [tilespmem:s31+$0x0];
	v3 =	vadd.s32 $0x800, v2  }
0xdc: {  	s8 =	simm.s32 $0x10D60;
	v8 =	vld [tilespmem:s31+$0xFFFFFFE0];
	v5 =	vadd.s32 $0x1800, v2  }
0xdd: {  	v35 =	vld [tilespmem:s8+$0xFFFFFFE0];
	v6 =	vadd.s32 $0x2000, v2  }
0xde: {  	v9 =	vadd.s32 $0x5000, v2;
	v7 =	vld.idx.msk [tilespmem:v2+s2+$0x0], $0xffff  }
0xdf: {  	v10 =	vadd.s32 $0x4000, v4;
	v13 =	vld.idx.msk [tilespmem:v4+s2+$0x0], $0xffff  }
0xe0: {  	v11 =	vadd.s32 $0x2800, v4;
	v3 =	vld.idx.msk [tilespmem:v3+s2+$0x0], $0xffff  }
0xe1: {  	v14 =	vadd.s32 $0x7800, v2;
	v5 =	vld.idx.msk [tilespmem:v5+s2+$0x0], $0xffff  }
0xe2: {  	v15 =	vadd.s32 $0x2000, v4;
	v6 =	vld.idx.msk [tilespmem:v6+s2+$0x0], $0xffff  }
0xe3: {  	v16 =	vadd.s32 $0x6000, v4;
	v9 =	vld.idx.msk [tilespmem:v9+s2+$0x0], $0xffff  }
0xe4: {  	v17 =	vadd.s32 $0x800, v4;
	v10 =	vld.idx.msk [tilespmem:v10+s2+$0x0], $0xffff  }
0xe5: {  	v20 =	vadd.s32 $0x4800, v2;
	v11 =	vld.idx.msk [tilespmem:v11+s2+$0x0], $0xffff  }
0xe6: {  	v21 =	vadd.s32 $0x5800, v2;
	v14 =	vld.idx.msk [tilespmem:v14+s2+$0x0], $0xffff  }
0xe7: {  	v22 =	vimm.f32 $0.0e+00;
	v18 =	vadd.s32 $0x6800, v2;
	v15 =	vld.idx.msk [tilespmem:v15+s2+$0x0], $0xffff  }
0xe8: {  	v19 =	vadd.s32 $0x6000, v2;
	v23 =	vadd.s32 $0x1000, v2;
	v33 =	vadd.s32 $0x7800, v4;
	v16 =	vld.idx.msk [tilespmem:v16+s2+$0x0], $0xffff  }
0xe9: {  	v24 =	vadd.s32 $0x2800, v2;
	v25 =	vadd.s32 $0x7000, v2;
	v26 =	vadd.s32 $0x3800, v2;
	v17 =	vld.idx.msk [tilespmem:v17+s2+$0x0], $0xffff  }
0xea: {  	v27 =	vadd.s32 $0x3000, v2;
	v28 =	vadd.s32 $0x1000, v4;
	v30 =	vadd.s32 $0x3800, v4;
	v20 =	vld.idx.msk [tilespmem:v20+s2+$0x0], $0xffff  }
0xeb: {  	v29 =	vadd.s32 $0x5800, v4;
	v39 =	vadd.s32 $0x2000, v35;
	v49 =	vadd.s32 $0x5000, v35;
	v21 =	vld.idx.msk [tilespmem:v21+s2+$0x0], $0xffff  }
0xec: {  	v2 =	vadd.s32 $0x4000, v2;
	v18 =	vld.idx.msk [tilespmem:v18+s2+$0x0], $0xffff;
	v7 =	vmul.f32 v7, v8;
	v13 =	vmul.f32 v13, v12  }
0xed: {  	v36 =	vadd.s32 $0x6000, v35;
	v33 =	vld.idx.msk [tilespmem:v33+s2+$0x0], $0xffff;
	v3 =	vmul.f32 v3, v8;
	v14 =	vmul.f32 v14, v8  }
0xee: {  	v53 =	vadd.s32 $0x7800, v35;
	v19 =	vld.idx.msk [tilespmem:v19+s2+$0x0], $0xffff;
	v9 =	vmul.f32 v9, v8;
	v32 =	vmul.f32 v11, v12  }
0xef: {  	v30 =	vld.idx.msk [tilespmem:v30+s2+$0x0], $0xffff;
	v7 =	vadd.f32 v7, v22;
	v5 =	vmul.f32 v5, v8;
	v20 =	vmul.f32 v20, v8  }
0xf0: {  	v11 =	vld.idx.msk [tilespmem:v26+s2+$0x0], $0xffff;
	v6 =	vmul.f32 v6, v8;
	v26 =	vadd.s32 $0x6800, v4;
	v21 =	vmul.f32 v21, v8  }
0xf1: {  	v2 =	vld.idx.msk [tilespmem:v2+s2+$0x0], $0xffff;
	v15 =	vmul.f32 v15, v12;
	v16 =	vmul.f32 v16, v12;
	v31 =	vadd.f32 v3, v22  }
0xf2: {  	v34 =	vmul.f32 v33, v12;
	v13 =	vadd.f32 v13, v7;
	v7 =	vld.idx.msk [tilespmem:v23+s2+$0x0], $0xffff;
	v3 =	vadd.f32 v14, v22  }
0xf3: {  	v14 =	vmul.f32 v17, v12;
	v23 =	vadd.s32 $0x3000, v4;
	v41 =	vadd.f32 v9, v22;
	v9 =	vld.idx.msk [tilespmem:v25+s2+$0x0], $0xffff  }
0xf4: {  	v17 =	vmul.f32 v18, v8;
	v45 =	vadd.f32 v5, v22;
	v5 =	vld.idx.msk [tilespmem:v24+s2+$0x0], $0xffff;
	v24 =	vadd.s32 $0x5000, v4  }
0xf5: {  	v25 =	vmul.f32 v10, v12;
	v10 =	vld.idx.msk [tilespmem:v27+s2+$0x0], $0xffff;
	v18 =	vadd.s32 $0x4800, v4;
	v27 =	vadd.s32 $0x1800, v4  }
0xf6: {  	v42 =	vld.idx.msk [tilespmem:v35+s2+$0x0], $0xffff;
	v14 =	vadd.f32 v14, v31;
	v31 =	vadd.s32 $0x7000, v4;
	v4 =	vadd.f32 v6, v22  }
0xf7: {  	v38 =	vadd.s32 $0x4800, v35;
	v28 =	vld.idx.msk [tilespmem:v28+s2+$0x0], $0xffff;
	v63 =	vmul.f32 v30, v12;
	v2 =	vmul.f32 v2, v8  }
0xf8: {  	v6 =	vld.idx.msk [tilespmem:v29+s2+$0x0], $0xffff;
	v29 =	vadd.f32 v17, v22;
	v11 =	vmul.f32 v11, v8;
	v4 =	vadd.f32 v15, v4  }
0xf9: {  	v15 =	vmul.f32 v19, v8;
	v19 =	vadd.f32 v20, v22;
	v7 =	vmul.f32 v7, v8;
	v24 =	vld.idx.msk [tilespmem:v24+s2+$0x0], $0xffff  }
0xfa: {  	v18 =	vld.idx.msk [tilespmem:v18+s2+$0x0], $0xffff;
	v9 =	vmul.f32 v9, v8;
	v46 =	vadd.f32 v11, v22;
	v5 =	vmul.f32 v5, v8  }
0xfb: {  	v10 =	vmul.f32 v10, v8;
	v11 =	vld.idx.msk [tilespmem:v26+s2+$0x0], $0xffff;
	v8 =	vadd.f32 v21, v22;
	v7 =	vadd.f32 v7, v22  }
0xfc: {  	v20 =	vadd.s32 $0x7000, v35;
	v43 =	vadd.f32 v9, v22;
	v44 =	vadd.f32 v5, v22;
	v9 =	vld [tilespmem:s8+$0x0]  }
0xfd: {  	v23 =	vld.idx.msk [tilespmem:v23+s2+$0x0], $0xffff;
	v5 =	vadd.f32 v15, v22;
	v15 =	vmul.f32 v28, v12;
	v6 =	vmul.f32 v6, v12  }
0xfe: {  	v31 =	vld.idx.msk [tilespmem:v31+s2+$0x0], $0xffff;
	v28 =	vadd.f32 v2, v22;
	v47 =	vmul.f32 v24, v12;
	v24 =	vadd.s32 $0x800, v35  }
0xff: {  	v21 =	vadd.s32 $0x1000, v35;
	v17 =	vadd.f32 v10, v22;
	v10 =	vadd.f32 v15, v7;
	v15 =	vld.idx.msk [tilespmem:v27+s2+$0x0], $0xffff  }
0x100: {  	s11 =	simm.s32 $0x10FE0;
	v6 =	vadd.f32 v6, v8;
	v8 =	vadd.f32 v25, v28;
	v28 =	vld.idx.msk [tilespmem:v39+s2+$0x0], $0xffff;
	v2 =	vmul.f32 v18, v12  }
0x101: {  	v26 =	vadd.s32 $0x3800, v35;
	v27 =	vadd.s32 $0x1800, v35;
	v40 =	vmul.f32 v11, v12;
	v11 =	vld [tilespmem:s11+$0xFFFFFFE0]  }
0x102: {  	v22 =	vadd.s32 $0x3000, v35;
	v7 =	vadd.f32 v2, v19;
	v2 =	vld [tilespmem:s11+$0x0];
	v50 =	vadd.s32 $0x4000, v9  }
0x103: {  	v5 =	vadd.f32 v16, v5;
	v16 =	vadd.s32 $0x2800, v35;
	v48 =	vadd.s32 $0x2800, v9;
	v25 =	vld.idx.msk [tilespmem:v24+s2+$0x0], $0xffff  }
0x104: {  	v39 =	vadd.s32 $0x5800, v35;
	v18 =	vadd.s32 $0x4000, v35;
	v52 =	vadd.s32 $0x2000, v9;
	v51 =	vld.idx.msk [tilespmem:v9+s2+$0x0], $0xffff  }
0x105: {  	v37 =	vmul.f32 v23, v12;
	v31 =	vmul.f32 v31, v12;
	v23 =	vadd.f32 v40, v29;
	v40 =	vld.idx.msk [tilespmem:v49+s2+$0x0], $0xffff  }
0x106: {  	v54 =	vadd.s32 $0x6000, v9;
	v33 =	vld.idx.msk [tilespmem:v27+s2+$0x0], $0xffff;
	v61 =	vmul.f32 v15, v12;
	v27 =	vmul.f32 v42, v11  }
0x107: {  	v15 =	vadd.f32 v32, v44;
	v44 =	vadd.s32 $0x800, v9;
	v42 =	vadd.s32 $0x6800, v35;
	v35 =	vld.idx.msk [tilespmem:v50+s2+$0x0], $0xffff  }
0x108: {  	v19 =	vadd.s32 $0x1000, v9;
	v62 =	vadd.f32 v27, v13;
	v27 =	vld.idx.msk [tilespmem:v48+s2+$0x0], $0xffff;
	v13 =	vmul.f32 v25, v11  }
0x109: {  	v29 =	vadd.f32 v47, v41;
	v32 =	vld.idx.msk [tilespmem:v52+s2+$0x0], $0xffff;
	v25 =	vadd.f32 v31, v43;
	v31 =	vmul.f32 v51, v2  }
0x10a: {  	v24 =	vadd.s32 $0x5800, v9;
	v30 =	vadd.f32 v61, v45;
	v43 =	vld.idx.msk [tilespmem:v53+s2+$0x0], $0xffff;
	v41 =	vadd.f32 v13, v14  }
0x10b: {  	s13 =	simm.s32 $0x2;
	v13 =	vadd.s32 $0x3800, v9;
	v12 =	vadd.f32 v31, v62;
	v14 =	vld.idx.msk [tilespmem:v54+s2+$0x0], $0xffff;
	v31 =	vadd.f32 v63, v46  }
.LBB2_5:
0x10c: {  	s13 =	sadd.s32 $0x2, s13;
	v44 =	vld.idx.msk [tilespmem:v44+s2+$0x0], $0xffff;
	s11 =	sadd.s32 $0x40, s11;
	s8 =	sadd.s32 $0x40, s8;
	v17 =	vadd.f32 v37, v17;
	v3 =	vadd.f32 v34, v3  }
0x10d: {  	p1 =	slt.u32 s13, $0x12;
	v34 =	vld.idx.msk [tilespmem:v42+s2+$0x0], $0xffff  }
0x10e: {  	v27 =	vmul.f32 v27, v2;
	v36 =	vld.idx.msk [tilespmem:v36+s2+$0x0], $0xffff  }
0x10f: {  	v37 =	vld.idx.msk [tilespmem:v38+s2+$0x0], $0xffff;
	v38 =	vmul.f32 v43, v11  }
0x110: {  	v39 =	vld.idx.msk [tilespmem:v39+s2+$0x0], $0xffff  }
0x111: {  	v40 =	vmul.f32 v40, v11;
	v21 =	vld.idx.msk [tilespmem:v21+s2+$0x0], $0xffff;
	v3 =	vadd.f32 v38, v3  }
0x112: {  	v33 =	vmul.f32 v33, v11;
	v42 =	vadd.s32 $0x3000, v9;
	v38 =	vmul.f32 v44, v2;
	v26 =	vld.idx.msk [tilespmem:v26+s2+$0x0], $0xffff  }
0x113: {  	v35 =	vmul.f32 v35, v2;
	v29 =	vadd.f32 v40, v29;
	v34 =	vmul.f32 v34, v11;
	v20 =	vld.idx.msk [tilespmem:v20+s2+$0x0], $0xffff  }
0x114: {  	v30 =	vadd.f32 v33, v30;
	v33 =	vadd.s32 $0x4800, v9;
	v41 =	vadd.f32 v38, v41;
	v22 =	vld.idx.msk [tilespmem:v22+s2+$0x0], $0xffff  }
0x115: {  	v40 =	vadd.s32 $0x5000, v9;
	v38 =	vadd.s32 $0x1800, v9;
	v37 =	vmul.f32 v37, v11;
	v16 =	vld.idx.msk [tilespmem:v16+s2+$0x0], $0xffff  }
0x116: {  	v28 =	vmul.f32 v28, v11;
	v43 =	vadd.s32 $0x6800, v9;
	v39 =	vmul.f32 v39, v11;
	v18 =	vld.idx.msk [tilespmem:v18+s2+$0x0], $0xffff  }
0x117: {  	v45 =	vadd.s32 $0x7800, v9;
	v44 =	vadd.s32 $0x7000, v9;
	v21 =	vmul.f32 v21, v11;
	v19 =	vld.idx.msk [tilespmem:v19+s2+$0x0], $0xffff  }
0x118: {  	v4 =	vadd.f32 v28, v4;
	v9 =	vmul.f32 v26, v11;
	v26 =	vmul.f32 v32, v2;
	v24 =	vld.idx.msk [tilespmem:v24+s2+$0x0], $0xffff  }
0x119: {  	v23 =	vadd.f32 v34, v23;
	v10 =	vadd.f32 v21, v10;
	v20 =	vmul.f32 v20, v11;
	v21 =	vld.idx.msk [tilespmem:v33+s2+$0x0], $0xffff  }
0x11a: {  	v22 =	vmul.f32 v22, v11;
	v31 =	vadd.f32 v9, v31;
	v4 =	vadd.f32 v26, v4;
	v26 =	vld.idx.msk [tilespmem:v40+s2+$0x0], $0xffff  }
0x11b: {  	v9 =	vmul.f32 v16, v11;
	v16 =	vmul.f32 v36, v11;
	v25 =	vadd.f32 v20, v25;
	v20 =	vld.idx.msk [tilespmem:v43+s2+$0x0], $0xffff  }
0x11c: {  	v7 =	vadd.f32 v37, v7;
	v6 =	vadd.f32 v39, v6;
	v11 =	vmul.f32 v18, v11;
	v32 =	vld [tilespmem:s8+$0xFFFFFFE0]  }
0x11d: {  	v15 =	vadd.f32 v9, v15;
	v5 =	vadd.f32 v16, v5;
	v16 =	vmul.f32 v19, v2;
	v18 =	vld.idx.msk [tilespmem:v44+s2+$0x0], $0xffff  }
0x11e: {  	v14 =	vmul.f32 v14, v2;
	v17 =	vadd.f32 v22, v17;
	v19 =	vmul.f32 v24, v2;
	v9 =	vld [tilespmem:s8+$0x0]  }
0x11f: {  	v8 =	vadd.f32 v11, v8;
	v10 =	vadd.f32 v16, v10;
	v11 =	vmul.f32 v21, v2;
	v24 =	vld.idx.msk [tilespmem:v45+s2+$0x0], $0xffff  }
0x120: {  	v5 =	vadd.f32 v14, v5;
	v45 =	vmul.f32 v26, v2;
	v6 =	vadd.f32 v19, v6;
	v43 =	vld.idx.msk [tilespmem:v38+s2+$0x0], $0xffff  }
0x121: {  	v7 =	vadd.f32 v11, v7;
	v14 =	vadd.s32 $0x800, v32;
	v21 =	vadd.s32 $0x1000, v32;
	v28 =	vld.idx.msk [tilespmem:v42+s2+$0x0], $0xffff  }
0x122: {  	v40 =	vmul.f32 v20, v2;
	v33 =	vadd.s32 $0x1800, v32;
	v39 =	vadd.s32 $0x2000, v32;
	v46 =	vld [tilespmem:s11+$0x0]  }
0x123: {  	v16 =	vadd.s32 $0x2800, v32;
	v20 =	vadd.s32 $0x7000, v32;
	v47 =	vadd.s32 $0x2800, v9;
	v48 =	vld.idx.msk [tilespmem:v13+s2+$0x0], $0xffff  }
0x124: {  	v22 =	vadd.s32 $0x3000, v32;
	v26 =	vadd.s32 $0x3800, v32;
	v49 =	vmul.f32 v18, v2;
	v13 =	vld.idx.msk [tilespmem:v32+s2+$0x0], $0xffff  }
0x125: {  	v8 =	vadd.f32 v35, v8;
	v42 =	vadd.s32 $0x5000, v32;
	v18 =	vadd.s32 $0x4000, v32;
	v11 =	vld [tilespmem:s11+$0xFFFFFFE0]  }
0x126: {  	v19 =	vadd.s32 $0x1000, v9;
	v35 =	vadd.s32 $0x4000, v9;
	v34 =	vmul.f32 v24, v2;
	v14 =	vld.idx.msk [tilespmem:v14+s2+$0x0], $0xffff  }
0x127: {  	v36 =	vadd.s32 $0x6000, v32;
	v51 =	vadd.s32 $0x2000, v9;
	v37 =	vmul.f32 v28, v2;
	v50 =	vld.idx.msk [tilespmem:v9+s2+$0x0], $0xffff  }
0x128: {  	v38 =	vadd.s32 $0x4800, v32;
	v52 =	vadd.s32 $0x7800, v32;
	v24 =	vadd.s32 $0x5800, v9;
	v33 =	vld.idx.msk [tilespmem:v33+s2+$0x0], $0xffff  }
0x129: {  	v23 =	vadd.f32 v40, v23;
	v53 =	vadd.s32 $0x6000, v9;
	v28 =	vld.idx.msk [tilespmem:v39+s2+$0x0], $0xffff;
	v39 =	vadd.s32 $0x5800, v32  }
0x12a: {  	v55 =	vmul.f32 v43, v2;
	v54 =	vmul.f32 v13, v11;
	v40 =	vld.idx.msk [tilespmem:v42+s2+$0x0], $0xffff;
	v42 =	vadd.s32 $0x6800, v32  }
.Ltmp1:
0x12b: {  	v15 =	vadd.f32 v27, v15;
	v44 =	vadd.s32 $0x800, v9;
	v13 =	vadd.s32 $0x3800, v9;
	v35 =	vld.idx.msk [tilespmem:v35+s2+$0x0], $0xffff;
	(pc) =	sbr.rel @p1 .LBB2_5-.Ltmp1, $4  }
0x12c: {  	v25 =	vadd.f32 v49, v25;
	v14 =	vmul.f32 v14, v11;
	v12 =	vadd.f32 v54, v12;
	v27 =	vld.idx.msk [tilespmem:v47+s2+$0x0], $0xffff  }
0x12d: {  	v29 =	vadd.f32 v45, v29;
	v48 =	vmul.f32 v48, v2;
	v47 =	vmul.f32 v50, v46;
	v43 =	vld.idx.msk [tilespmem:v52+s2+$0x0], $0xffff  }
0x12e: {  	v30 =	vadd.f32 v55, v30;
	v2 =	vmov v46;
	v41 =	vadd.f32 v14, v41;
	v32 =	vld.idx.msk [tilespmem:v51+s2+$0x0], $0xffff  }
0x12f: {  	v31 =	vadd.f32 v48, v31;
	v12 =	vadd.f32 v47, v12;
	v14 =	vld.idx.msk [tilespmem:v53+s2+$0x0], $0xffff  }
0x130: {  	_ =	sdelay $0x3  }
0x131: {  	v44 =	vld.idx.msk [tilespmem:v44+s2+$0x0], $0xffff  }
0x132: {  	v42 =	vld.idx.msk [tilespmem:v42+s2+$0x0], $0xffff  }
0x133: {  	v36 =	vld.idx.msk [tilespmem:v36+s2+$0x0], $0xffff  }
0x134: {  	v38 =	vld.idx.msk [tilespmem:v38+s2+$0x0], $0xffff  }
0x135: {  	v39 =	vld.idx.msk [tilespmem:v39+s2+$0x0], $0xffff  }
0x136: {  	v21 =	vld.idx.msk [tilespmem:v21+s2+$0x0], $0xffff  }
0x137: {  	v3 =	vadd.f32 v34, v3;
	v17 =	vadd.f32 v37, v17;
	v51 =	vmul.f32 v40, v11;
	v26 =	vld.idx.msk [tilespmem:v26+s2+$0x0], $0xffff  }
0x138: {  	v33 =	vmul.f32 v33, v11;
	v20 =	vld.idx.msk [tilespmem:v20+s2+$0x0], $0xffff;
	v53 =	vadd.s32 $0x3000, v9;
	v54 =	vadd.s32 $0x1800, v9  }
0x139: {  	v22 =	vld.idx.msk [tilespmem:v22+s2+$0x0], $0xffff;
	v55 =	vadd.s32 $0x4800, v9;
	v57 =	vadd.s32 $0x5000, v9;
	v28 =	vmul.f32 v28, v11  }
0x13a: {  	v16 =	vld.idx.msk [tilespmem:v16+s2+$0x0], $0xffff;
	v58 =	vadd.s32 $0x6800, v9;
	v59 =	vadd.s32 $0x7000, v9;
	v50 =	vmul.f32 v43, v11  }
0x13b: {  	v18 =	vld.idx.msk [tilespmem:v18+s2+$0x0], $0xffff;
	v9 =	vadd.s32 $0x7800, v9;
	v32 =	vmul.f32 v32, v2;
	v52 =	vmul.f32 v44, v2  }
0x13c: {  	v19 =	vld.idx.msk [tilespmem:v19+s2+$0x0], $0xffff;
	v29 =	vadd.f32 v51, v29;
	v42 =	vmul.f32 v42, v11;
	v56 =	vmul.f32 v38, v11  }
0x13d: {  	v24 =	vld.idx.msk [tilespmem:v24+s2+$0x0], $0xffff;
	v30 =	vadd.f32 v33, v30;
	v39 =	vmul.f32 v39, v11;
	v21 =	vmul.f32 v21, v11  }
0x13e: {  	v13 =	vld.idx.msk [tilespmem:v13+s2+$0x0], $0xffff;
	v4 =	vadd.f32 v28, v4;
	v26 =	vmul.f32 v26, v11;
	v20 =	vmul.f32 v20, v11  }
0x13f: {  	v3 =	vadd.f32 v50, v3;
	v28 =	vld.idx.msk [tilespmem:v54+s2+$0x0], $0xffff;
	v22 =	vmul.f32 v22, v11;
	v16 =	vmul.f32 v16, v11  }
0x140: {  	v4 =	vadd.f32 v32, v4;
	v60 =	vmul.f32 v36, v11;
	v61 =	vld.idx.msk [tilespmem:v53+s2+$0x0], $0xffff;
	v11 =	vmul.f32 v18, v11  }
0x141: {  	v18 =	vmul.f32 v19, v2;
	v19 =	vld.idx.msk [tilespmem:v58+s2+$0x0], $0xffff;
	v34 =	vadd.f32 v52, v41;
	v10 =	vadd.f32 v21, v10  }
0x142: {  	v35 =	vmul.f32 v35, v2;
	v9 =	vld.idx.msk [tilespmem:v9+s2+$0x0], $0xffff;
	v21 =	vadd.f32 v42, v23;
	v26 =	vadd.f32 v26, v31  }
0x143: {  	v27 =	vmul.f32 v27, v2;
	v23 =	vld.idx.msk [tilespmem:v55+s2+$0x0], $0xffff;
	v20 =	vadd.f32 v20, v25;
	v7 =	vadd.f32 v56, v7  }
0x144: {  	v12 =	vmul.f32 v12, v1;
	v31 =	vld.idx.msk [tilespmem:v57+s2+$0x0], $0xffff;
	v6 =	vadd.f32 v39, v6;
	v15 =	vadd.f32 v16, v15  }
0x145: {  	v13 =	vmul.f32 v13, v2;
	v16 =	vld.idx.msk [tilespmem:v59+s2+$0x0], $0xffff;
	v5 =	vadd.f32 v60, v5;
	v10 =	vadd.f32 v18, v10  }
0x146: {  	[tilespmem:$0x11240] =	vst v12;
	v4 =	vmul.f32 v4, v1;
	v12 =	vadd.f32 v27, v15;
	v25 =	vmul.f32 v28, v2  }
0x147: {  	v17 =	vadd.f32 v22, v17;
	v22 =	vmul.f32 v61, v2;
	v10 =	vmul.f32 v10, v1  }
0x148: {  	v8 =	vadd.f32 v11, v8;
	[tilespmem:$0x112C0] =	vst v4;
	v12 =	vmul.f32 v12, v1;
	v18 =	vadd.f32 v25, v30  }
0x149: {  	v25 =	vmul.f32 v34, v1;
	v11 =	vadd.f32 v22, v17;
	[tilespmem:$0x11280] =	vst v10;
	v10 =	vmul.f32 v23, v2  }
0x14a: {  	v13 =	vadd.f32 v13, v26;
	[tilespmem:$0x112E0] =	vst v12;
	v12 =	vmul.f32 v14, v2;
	v15 =	vmul.f32 v18, v1  }
0x14b: {  	v8 =	vadd.f32 v35, v8;
	[tilespmem:$0x11260] =	vst v25;
	v4 =	vmul.f32 v11, v1;
	v11 =	vmul.f32 v24, v2  }
0x14c: {  	v7 =	vadd.f32 v10, v7;
	v10 =	vmul.f32 v13, v1;
	[tilespmem:$0x112A0] =	vst v15;
	v15 =	vmul.f32 v31, v2  }
0x14d: {  	[tilespmem:$0x11300] =	vst v4;
	v4 =	vmul.f32 v8, v1;
	v6 =	vadd.f32 v11, v6;
	v8 =	vmul.f32 v19, v2  }
0x14e: {  	[tilespmem:$0x11320] =	vst v10;
	v7 =	vmul.f32 v7, v1;
	v10 =	vmul.f32 v16, v2;
	v13 =	vadd.f32 v15, v29  }
0x14f: {  	v2 =	vmul.f32 v9, v2;
	[tilespmem:$0x11340] =	vst v4;
	v8 =	vadd.f32 v8, v21;
	v6 =	vmul.f32 v6, v1  }
0x150: {  	v5 =	vadd.f32 v12, v5;
	[tilespmem:$0x11360] =	vst v7;
	v4 =	vmul.f32 v13, v1  }
0x151: {  	v2 =	vadd.f32 v2, v3;
	[tilespmem:$0x113A0] =	vst v6;
	v3 =	vmul.f32 v8, v1  }
0x152: {  	v7 =	vadd.f32 v10, v20;
	[tilespmem:$0x11380] =	vst v4;
	v4 =	vmul.f32 v5, v1  }
0x153: {  	v2 =	vmul.f32 v2, v1;
	[tilespmem:$0x113E0] =	vst v3  }
0x154: {  	[tilespmem:$0x113C0] =	vst v4;
	v4 =	vmul.f32 v7, v1  }
0x155: {  	[tilespmem:$0x11420] =	vst v2  }
0x156: {  	s8 =	simm.s32 $0x10D30;
	[tilespmem:$0x11400] =	vst v4  }
0x157: {  	v2 =	vld [tilespmem:s8+$0xFFFFFFE0]  }
0x158: {  	v4 =	vld [tilespmem:s8+$0x0];
	s8 =	simm.s32 $0x10D70  }
0x159: {  	v63 =	vld [tilespmem:s8+$0xFFFFFFE0];
	_ =	sdelay $0x2  }
0x15a: {  	s31 =	simm.s32 $0x10FB0  }
0x15b: {  	v12 =	vld [tilespmem:s31+$0x0];
	v3 =	vadd.s32 $0x800, v2  }
0x15c: {  	v8 =	vld [tilespmem:s31+$0xFFFFFFE0];
	v5 =	vadd.s32 $0x1800, v2  }
0x15d: {  	v6 =	vadd.s32 $0x2000, v2;
	v7 =	vld.idx.msk [tilespmem:v2+s2+$0x0], $0xffff  }
0x15e: {  	v9 =	vadd.s32 $0x5000, v2;
	v13 =	vld.idx.msk [tilespmem:v4+s2+$0x0], $0xffff  }
0x15f: {  	v10 =	vadd.s32 $0x4000, v4;
	v60 =	vld.idx.msk [tilespmem:v63+s2+$0x0], $0xffff  }
0x160: {  	v11 =	vadd.s32 $0x2800, v4;
	v3 =	vld.idx.msk [tilespmem:v3+s2+$0x0], $0xffff  }
0x161: {  	v14 =	vadd.s32 $0x7800, v2;
	v5 =	vld.idx.msk [tilespmem:v5+s2+$0x0], $0xffff  }
0x162: {  	v15 =	vadd.s32 $0x2000, v4;
	v6 =	vld.idx.msk [tilespmem:v6+s2+$0x0], $0xffff  }
0x163: {  	v16 =	vadd.s32 $0x6000, v4;
	v9 =	vld.idx.msk [tilespmem:v9+s2+$0x0], $0xffff  }
0x164: {  	v17 =	vadd.s32 $0x800, v4;
	v10 =	vld.idx.msk [tilespmem:v10+s2+$0x0], $0xffff  }
0x165: {  	v20 =	vadd.s32 $0x4800, v2;
	v11 =	vld.idx.msk [tilespmem:v11+s2+$0x0], $0xffff  }
0x166: {  	v22 =	vimm.f32 $0.0e+00;
	v18 =	vadd.s32 $0x6800, v2;
	v21 =	vadd.s32 $0x5800, v2;
	v14 =	vld.idx.msk [tilespmem:v14+s2+$0x0], $0xffff  }
0x167: {  	v19 =	vadd.s32 $0x6000, v2;
	v23 =	vadd.s32 $0x1000, v2;
	v24 =	vadd.s32 $0x2800, v2;
	v15 =	vld.idx.msk [tilespmem:v15+s2+$0x0], $0xffff  }
0x168: {  	v25 =	vadd.s32 $0x7000, v2;
	v26 =	vadd.s32 $0x3800, v2;
	v27 =	vadd.s32 $0x3000, v2;
	v16 =	vld.idx.msk [tilespmem:v16+s2+$0x0], $0xffff  }
0x169: {  	v28 =	vadd.s32 $0x1000, v4;
	v29 =	vadd.s32 $0x5800, v4;
	v62 =	vadd.s32 $0x7800, v4;
	v17 =	vld.idx.msk [tilespmem:v17+s2+$0x0], $0xffff  }
0x16a: {  	v30 =	vadd.s32 $0x3800, v4;
	v58 =	vadd.s32 $0x2000, v63;
	v2 =	vadd.s32 $0x4000, v2;
	v20 =	vld.idx.msk [tilespmem:v20+s2+$0x0], $0xffff  }
0x16b: {  	v49 =	vadd.s32 $0x5000, v63;
	v36 =	vadd.s32 $0x6000, v63;
	v53 =	vadd.s32 $0x7800, v63;
	v21 =	vld.idx.msk [tilespmem:v21+s2+$0x0], $0xffff  }
0x16c: {  	v38 =	vadd.s32 $0x4800, v63;
	v18 =	vld.idx.msk [tilespmem:v18+s2+$0x0], $0xffff;
	v7 =	vmul.f32 v7, v8;
	v13 =	vmul.f32 v13, v12  }
0x16d: {  	v39 =	vadd.s32 $0x5800, v63;
	v19 =	vld.idx.msk [tilespmem:v19+s2+$0x0], $0xffff;
	v3 =	vmul.f32 v3, v8;
	v14 =	vmul.f32 v14, v8  }
0x16e: {  	v42 =	vadd.s32 $0x6800, v63;
	v33 =	vld.idx.msk [tilespmem:v62+s2+$0x0], $0xffff;
	v9 =	vmul.f32 v9, v8;
	v32 =	vmul.f32 v11, v12  }
0x16f: {  	v2 =	vld.idx.msk [tilespmem:v2+s2+$0x0], $0xffff;
	v7 =	vadd.f32 v7, v22;
	v5 =	vmul.f32 v5, v8;
	v20 =	vmul.f32 v20, v8  }
0x170: {  	v11 =	vld.idx.msk [tilespmem:v26+s2+$0x0], $0xffff;
	v6 =	vmul.f32 v6, v8;
	v26 =	vadd.s32 $0x6800, v4;
	v21 =	vmul.f32 v21, v8  }
0x171: {  	v15 =	vmul.f32 v15, v12;
	v31 =	vadd.f32 v3, v22;
	v13 =	vadd.f32 v13, v7;
	v7 =	vld.idx.msk [tilespmem:v23+s2+$0x0], $0xffff  }
0x172: {  	v16 =	vmul.f32 v16, v12;
	v3 =	vadd.f32 v14, v22;
	v41 =	vadd.f32 v9, v22;
	v9 =	vld.idx.msk [tilespmem:v25+s2+$0x0], $0xffff  }
0x173: {  	v14 =	vmul.f32 v17, v12;
	v45 =	vadd.f32 v5, v22;
	v5 =	vld.idx.msk [tilespmem:v24+s2+$0x0], $0xffff;
	v24 =	vadd.s32 $0x5000, v4  }
0x174: {  	v17 =	vmul.f32 v18, v8;
	v25 =	vmul.f32 v10, v12;
	v10 =	vld.idx.msk [tilespmem:v27+s2+$0x0], $0xffff;
	v18 =	vadd.s32 $0x4800, v4  }
0x175: {  	v28 =	vld.idx.msk [tilespmem:v28+s2+$0x0], $0xffff;
	v34 =	vmul.f32 v33, v12;
	v23 =	vadd.s32 $0x3000, v4;
	v27 =	vadd.s32 $0x1800, v4  }
0x176: {  	v30 =	vld.idx.msk [tilespmem:v30+s2+$0x0], $0xffff;
	v14 =	vadd.f32 v14, v31;
	v31 =	vadd.s32 $0x7000, v4;
	v4 =	vadd.f32 v6, v22  }
0x177: {  	v2 =	vmul.f32 v2, v8;
	v6 =	vld.idx.msk [tilespmem:v29+s2+$0x0], $0xffff;
	v29 =	vadd.f32 v17, v22;
	v11 =	vmul.f32 v11, v8  }
0x178: {  	v4 =	vadd.f32 v15, v4;
	v15 =	vmul.f32 v19, v8;
	v7 =	vmul.f32 v7, v8;
	v24 =	vld.idx.msk [tilespmem:v24+s2+$0x0], $0xffff  }
0x179: {  	v19 =	vadd.f32 v20, v22;
	v18 =	vld.idx.msk [tilespmem:v18+s2+$0x0], $0xffff;
	v9 =	vmul.f32 v9, v8;
	v10 =	vmul.f32 v10, v8  }
0x17a: {  	v46 =	vadd.f32 v11, v22;
	v5 =	vmul.f32 v5, v8;
	v11 =	vld.idx.msk [tilespmem:v26+s2+$0x0], $0xffff;
	v8 =	vadd.f32 v21, v22  }
0x17b: {  	v20 =	vadd.s32 $0x7000, v63;
	v7 =	vadd.f32 v7, v22;
	v43 =	vadd.f32 v9, v22;
	v9 =	vld [tilespmem:s8+$0x0]  }
0x17c: {  	v40 =	vld.idx.msk [tilespmem:v49+s2+$0x0], $0xffff;
	v21 =	vadd.s32 $0x1000, v63;
	v57 =	vadd.f32 v5, v22;
	v5 =	vadd.f32 v15, v22  }
0x17d: {  	v23 =	vld.idx.msk [tilespmem:v23+s2+$0x0], $0xffff;
	v15 =	vmul.f32 v28, v12;
	v47 =	vmul.f32 v24, v12;
	v24 =	vadd.s32 $0x800, v63  }
0x17e: {  	v26 =	vadd.s32 $0x3800, v63;
	v31 =	vld.idx.msk [tilespmem:v31+s2+$0x0], $0xffff;
	v17 =	vadd.f32 v10, v22;
	v6 =	vmul.f32 v6, v12  }
0x17f: {  	s11 =	simm.s32 $0x10FF0;
	v28 =	vadd.f32 v2, v22;
	v10 =	vadd.f32 v15, v7;
	v15 =	vld.idx.msk [tilespmem:v27+s2+$0x0], $0xffff;
	v2 =	vmul.f32 v18, v12  }
0x180: {  	v22 =	vadd.s32 $0x3000, v63;
	v27 =	vadd.s32 $0x1800, v63;
	v59 =	vmul.f32 v11, v12;
	v11 =	vld [tilespmem:s11+$0xFFFFFFE0]  }
0x181: {  	v6 =	vadd.f32 v6, v8;
	v7 =	vadd.f32 v2, v19;
	v2 =	vld [tilespmem:s11+$0x0];
	v50 =	vadd.s32 $0x4000, v9  }
0x182: {  	v5 =	vadd.f32 v16, v5;
	v8 =	vadd.f32 v25, v28;
	v48 =	vadd.s32 $0x2800, v9;
	v25 =	vld.idx.msk [tilespmem:v24+s2+$0x0], $0xffff  }
0x183: {  	v16 =	vadd.s32 $0x2800, v63;
	v37 =	vmul.f32 v23, v12;
	v52 =	vadd.s32 $0x2000, v9;
	v51 =	vld.idx.msk [tilespmem:v9+s2+$0x0], $0xffff  }
0x184: {  	v28 =	vld.idx.msk [tilespmem:v58+s2+$0x0], $0xffff;
	v18 =	vadd.s32 $0x4000, v63;
	v63 =	vmul.f32 v30, v12;
	v31 =	vmul.f32 v31, v12  }
0x185: {  	v19 =	vadd.s32 $0x1000, v9;
	v54 =	vadd.s32 $0x6000, v9;
	v33 =	vld.idx.msk [tilespmem:v27+s2+$0x0], $0xffff;
	v27 =	vmul.f32 v60, v11  }
0x186: {  	v23 =	vadd.f32 v59, v29;
	v29 =	vadd.f32 v47, v41;
	v44 =	vadd.s32 $0x800, v9;
	v35 =	vld.idx.msk [tilespmem:v50+s2+$0x0], $0xffff  }
0x187: {  	v61 =	vmul.f32 v15, v12;
	v62 =	vadd.f32 v27, v13;
	v27 =	vld.idx.msk [tilespmem:v48+s2+$0x0], $0xffff;
	v13 =	vmul.f32 v25, v11  }
0x188: {  	v15 =	vadd.f32 v32, v57;
	v32 =	vld.idx.msk [tilespmem:v52+s2+$0x0], $0xffff;
	v25 =	vadd.f32 v31, v43;
	v31 =	vmul.f32 v51, v2  }
0x189: {  	v24 =	vadd.s32 $0x5800, v9;
	v30 =	vadd.f32 v61, v45;
	v43 =	vld.idx.msk [tilespmem:v53+s2+$0x0], $0xffff;
	v41 =	vadd.f32 v13, v14  }
0x18a: {  	s13 =	simm.s32 $0x2;
	v13 =	vadd.s32 $0x3800, v9;
	v12 =	vadd.f32 v31, v62;
	v14 =	vld.idx.msk [tilespmem:v54+s2+$0x0], $0xffff;
	v31 =	vadd.f32 v63, v46  }
.LBB2_7:
0x18b: {  	s13 =	sadd.s32 $0x2, s13;
	v44 =	vld.idx.msk [tilespmem:v44+s2+$0x0], $0xffff;
	s11 =	sadd.s32 $0x40, s11;
	s8 =	sadd.s32 $0x40, s8;
	v17 =	vadd.f32 v37, v17;
	v3 =	vadd.f32 v34, v3  }
0x18c: {  	p1 =	slt.u32 s13, $0x12;
	v34 =	vld.idx.msk [tilespmem:v42+s2+$0x0], $0xffff  }
0x18d: {  	v27 =	vmul.f32 v27, v2;
	v36 =	vld.idx.msk [tilespmem:v36+s2+$0x0], $0xffff  }
0x18e: {  	v37 =	vld.idx.msk [tilespmem:v38+s2+$0x0], $0xffff;
	v38 =	vmul.f32 v43, v11  }
0x18f: {  	v39 =	vld.idx.msk [tilespmem:v39+s2+$0x0], $0xffff  }
0x190: {  	v40 =	vmul.f32 v40, v11;
	v21 =	vld.idx.msk [tilespmem:v21+s2+$0x0], $0xffff;
	v3 =	vadd.f32 v38, v3  }
0x191: {  	v33 =	vmul.f32 v33, v11;
	v42 =	vadd.s32 $0x3000, v9;
	v38 =	vmul.f32 v44, v2;
	v26 =	vld.idx.msk [tilespmem:v26+s2+$0x0], $0xffff  }
0x192: {  	v35 =	vmul.f32 v35, v2;
	v29 =	vadd.f32 v40, v29;
	v34 =	vmul.f32 v34, v11;
	v20 =	vld.idx.msk [tilespmem:v20+s2+$0x0], $0xffff  }
0x193: {  	v30 =	vadd.f32 v33, v30;
	v33 =	vadd.s32 $0x4800, v9;
	v41 =	vadd.f32 v38, v41;
	v22 =	vld.idx.msk [tilespmem:v22+s2+$0x0], $0xffff  }
0x194: {  	v40 =	vadd.s32 $0x5000, v9;
	v38 =	vadd.s32 $0x1800, v9;
	v37 =	vmul.f32 v37, v11;
	v16 =	vld.idx.msk [tilespmem:v16+s2+$0x0], $0xffff  }
0x195: {  	v28 =	vmul.f32 v28, v11;
	v43 =	vadd.s32 $0x6800, v9;
	v39 =	vmul.f32 v39, v11;
	v18 =	vld.idx.msk [tilespmem:v18+s2+$0x0], $0xffff  }
0x196: {  	v45 =	vadd.s32 $0x7800, v9;
	v44 =	vadd.s32 $0x7000, v9;
	v21 =	vmul.f32 v21, v11;
	v19 =	vld.idx.msk [tilespmem:v19+s2+$0x0], $0xffff  }
0x197: {  	v4 =	vadd.f32 v28, v4;
	v9 =	vmul.f32 v26, v11;
	v26 =	vmul.f32 v32, v2;
	v24 =	vld.idx.msk [tilespmem:v24+s2+$0x0], $0xffff  }
0x198: {  	v23 =	vadd.f32 v34, v23;
	v10 =	vadd.f32 v21, v10;
	v20 =	vmul.f32 v20, v11;
	v21 =	vld.idx.msk [tilespmem:v33+s2+$0x0], $0xffff  }
0x199: {  	v22 =	vmul.f32 v22, v11;
	v31 =	vadd.f32 v9, v31;
	v4 =	vadd.f32 v26, v4;
	v26 =	vld.idx.msk [tilespmem:v40+s2+$0x0], $0xffff  }
0x19a: {  	v9 =	vmul.f32 v16, v11;
	v16 =	vmul.f32 v36, v11;
	v25 =	vadd.f32 v20, v25;
	v20 =	vld.idx.msk [tilespmem:v43+s2+$0x0], $0xffff  }
0x19b: {  	v7 =	vadd.f32 v37, v7;
	v6 =	vadd.f32 v39, v6;
	v11 =	vmul.f32 v18, v11;
	v32 =	vld [tilespmem:s8+$0xFFFFFFE0]  }
0x19c: {  	v15 =	vadd.f32 v9, v15;
	v5 =	vadd.f32 v16, v5;
	v16 =	vmul.f32 v19, v2;
	v18 =	vld.idx.msk [tilespmem:v44+s2+$0x0], $0xffff  }
0x19d: {  	v14 =	vmul.f32 v14, v2;
	v17 =	vadd.f32 v22, v17;
	v19 =	vmul.f32 v24, v2;
	v9 =	vld [tilespmem:s8+$0x0]  }
0x19e: {  	v8 =	vadd.f32 v11, v8;
	v10 =	vadd.f32 v16, v10;
	v11 =	vmul.f32 v21, v2;
	v24 =	vld.idx.msk [tilespmem:v45+s2+$0x0], $0xffff  }
0x19f: {  	v5 =	vadd.f32 v14, v5;
	v45 =	vmul.f32 v26, v2;
	v6 =	vadd.f32 v19, v6;
	v43 =	vld.idx.msk [tilespmem:v38+s2+$0x0], $0xffff  }
0x1a0: {  	v7 =	vadd.f32 v11, v7;
	v14 =	vadd.s32 $0x800, v32;
	v21 =	vadd.s32 $0x1000, v32;
	v28 =	vld.idx.msk [tilespmem:v42+s2+$0x0], $0xffff  }
0x1a1: {  	v40 =	vmul.f32 v20, v2;
	v33 =	vadd.s32 $0x1800, v32;
	v39 =	vadd.s32 $0x2000, v32;
	v46 =	vld [tilespmem:s11+$0x0]  }
0x1a2: {  	v16 =	vadd.s32 $0x2800, v32;
	v20 =	vadd.s32 $0x7000, v32;
	v47 =	vadd.s32 $0x2800, v9;
	v48 =	vld.idx.msk [tilespmem:v13+s2+$0x0], $0xffff  }
0x1a3: {  	v22 =	vadd.s32 $0x3000, v32;
	v26 =	vadd.s32 $0x3800, v32;
	v49 =	vmul.f32 v18, v2;
	v13 =	vld.idx.msk [tilespmem:v32+s2+$0x0], $0xffff  }
0x1a4: {  	v8 =	vadd.f32 v35, v8;
	v42 =	vadd.s32 $0x5000, v32;
	v18 =	vadd.s32 $0x4000, v32;
	v11 =	vld [tilespmem:s11+$0xFFFFFFE0]  }
0x1a5: {  	v19 =	vadd.s32 $0x1000, v9;
	v35 =	vadd.s32 $0x4000, v9;
	v34 =	vmul.f32 v24, v2;
	v14 =	vld.idx.msk [tilespmem:v14+s2+$0x0], $0xffff  }
0x1a6: {  	v36 =	vadd.s32 $0x6000, v32;
	v51 =	vadd.s32 $0x2000, v9;
	v37 =	vmul.f32 v28, v2;
	v50 =	vld.idx.msk [tilespmem:v9+s2+$0x0], $0xffff  }
0x1a7: {  	v38 =	vadd.s32 $0x4800, v32;
	v52 =	vadd.s32 $0x7800, v32;
	v24 =	vadd.s32 $0x5800, v9;
	v33 =	vld.idx.msk [tilespmem:v33+s2+$0x0], $0xffff  }
0x1a8: {  	v23 =	vadd.f32 v40, v23;
	v53 =	vadd.s32 $0x6000, v9;
	v28 =	vld.idx.msk [tilespmem:v39+s2+$0x0], $0xffff;
	v39 =	vadd.s32 $0x5800, v32  }
0x1a9: {  	v55 =	vmul.f32 v43, v2;
	v54 =	vmul.f32 v13, v11;
	v40 =	vld.idx.msk [tilespmem:v42+s2+$0x0], $0xffff;
	v42 =	vadd.s32 $0x6800, v32  }
.Ltmp2:
0x1aa: {  	v15 =	vadd.f32 v27, v15;
	v44 =	vadd.s32 $0x800, v9;
	v13 =	vadd.s32 $0x3800, v9;
	v35 =	vld.idx.msk [tilespmem:v35+s2+$0x0], $0xffff;
	(pc) =	sbr.rel @p1 .LBB2_7-.Ltmp2, $4  }
0x1ab: {  	v25 =	vadd.f32 v49, v25;
	v14 =	vmul.f32 v14, v11;
	v12 =	vadd.f32 v54, v12;
	v27 =	vld.idx.msk [tilespmem:v47+s2+$0x0], $0xffff  }
0x1ac: {  	v29 =	vadd.f32 v45, v29;
	v48 =	vmul.f32 v48, v2;
	v47 =	vmul.f32 v50, v46;
	v43 =	vld.idx.msk [tilespmem:v52+s2+$0x0], $0xffff  }
0x1ad: {  	v30 =	vadd.f32 v55, v30;
	v2 =	vmov v46;
	v41 =	vadd.f32 v14, v41;
	v32 =	vld.idx.msk [tilespmem:v51+s2+$0x0], $0xffff  }
0x1ae: {  	v31 =	vadd.f32 v48, v31;
	v12 =	vadd.f32 v47, v12;
	v14 =	vld.idx.msk [tilespmem:v53+s2+$0x0], $0xffff  }
0x1af: {  	_ =	sdelay $0x3  }
0x1b0: {  	v44 =	vld.idx.msk [tilespmem:v44+s2+$0x0], $0xffff  }
0x1b1: {  	v42 =	vld.idx.msk [tilespmem:v42+s2+$0x0], $0xffff  }
0x1b2: {  	v36 =	vld.idx.msk [tilespmem:v36+s2+$0x0], $0xffff  }
0x1b3: {  	v38 =	vld.idx.msk [tilespmem:v38+s2+$0x0], $0xffff  }
0x1b4: {  	v39 =	vld.idx.msk [tilespmem:v39+s2+$0x0], $0xffff  }
0x1b5: {  	v21 =	vld.idx.msk [tilespmem:v21+s2+$0x0], $0xffff  }
0x1b6: {  	v3 =	vadd.f32 v34, v3;
	v17 =	vadd.f32 v37, v17;
	v52 =	vmul.f32 v40, v11;
	v26 =	vld.idx.msk [tilespmem:v26+s2+$0x0], $0xffff  }
0x1b7: {  	v33 =	vmul.f32 v33, v11;
	v20 =	vld.idx.msk [tilespmem:v20+s2+$0x0], $0xffff;
	v54 =	vadd.s32 $0x3000, v9;
	v55 =	vadd.s32 $0x1800, v9  }
0x1b8: {  	v22 =	vld.idx.msk [tilespmem:v22+s2+$0x0], $0xffff;
	v56 =	vadd.s32 $0x4800, v9;
	v58 =	vadd.s32 $0x5000, v9;
	v28 =	vmul.f32 v28, v11  }
0x1b9: {  	v16 =	vld.idx.msk [tilespmem:v16+s2+$0x0], $0xffff;
	v59 =	vadd.s32 $0x6800, v9;
	v60 =	vadd.s32 $0x7000, v9;
	v51 =	vmul.f32 v43, v11  }
0x1ba: {  	v18 =	vld.idx.msk [tilespmem:v18+s2+$0x0], $0xffff;
	v9 =	vadd.s32 $0x7800, v9;
	v32 =	vmul.f32 v32, v2;
	v53 =	vmul.f32 v44, v2  }
0x1bb: {  	v19 =	vld.idx.msk [tilespmem:v19+s2+$0x0], $0xffff;
	v29 =	vadd.f32 v52, v29;
	v42 =	vmul.f32 v42, v11;
	v57 =	vmul.f32 v38, v11  }
0x1bc: {  	v24 =	vld.idx.msk [tilespmem:v24+s2+$0x0], $0xffff;
	v30 =	vadd.f32 v33, v30;
	v39 =	vmul.f32 v39, v11;
	v21 =	vmul.f32 v21, v11  }
0x1bd: {  	v13 =	vld.idx.msk [tilespmem:v13+s2+$0x0], $0xffff;
	v4 =	vadd.f32 v28, v4;
	v26 =	vmul.f32 v26, v11;
	v20 =	vmul.f32 v20, v11  }
0x1be: {  	v3 =	vadd.f32 v51, v3;
	v28 =	vld.idx.msk [tilespmem:v55+s2+$0x0], $0xffff;
	v22 =	vmul.f32 v22, v11;
	v16 =	vmul.f32 v16, v11  }
0x1bf: {  	v4 =	vadd.f32 v32, v4;
	v61 =	vmul.f32 v36, v11;
	v62 =	vld.idx.msk [tilespmem:v54+s2+$0x0], $0xffff;
	v11 =	vmul.f32 v18, v11  }
0x1c0: {  	v18 =	vmul.f32 v19, v2;
	v19 =	vld.idx.msk [tilespmem:v59+s2+$0x0], $0xffff;
	v34 =	vadd.f32 v53, v41;
	v10 =	vadd.f32 v21, v10  }
0x1c1: {  	v35 =	vmul.f32 v35, v2;
	v9 =	vld.idx.msk [tilespmem:v9+s2+$0x0], $0xffff;
	v21 =	vadd.f32 v42, v23;
	v26 =	vadd.f32 v26, v31  }
0x1c2: {  	v27 =	vmul.f32 v27, v2;
	v23 =	vld.idx.msk [tilespmem:v56+s2+$0x0], $0xffff;
	v20 =	vadd.f32 v20, v25;
	v7 =	vadd.f32 v57, v7  }
0x1c3: {  	v12 =	vmul.f32 v12, v0;
	v31 =	vld.idx.msk [tilespmem:v58+s2+$0x0], $0xffff;
	v6 =	vadd.f32 v39, v6;
	v15 =	vadd.f32 v16, v15  }
0x1c4: {  	v13 =	vmul.f32 v13, v2;
	v16 =	vld.idx.msk [tilespmem:v60+s2+$0x0], $0xffff;
	v5 =	vadd.f32 v61, v5;
	v10 =	vadd.f32 v18, v10  }
0x1c5: {  	[tilespmem:$0x11250] =	vst v12;
	v4 =	vmul.f32 v4, v0;
	v12 =	vadd.f32 v27, v15;
	v25 =	vmul.f32 v28, v2  }
0x1c6: {  	v17 =	vadd.f32 v22, v17;
	v22 =	vmul.f32 v62, v2;
	v10 =	vmul.f32 v10, v0  }
0x1c7: {  	v8 =	vadd.f32 v11, v8;
	[tilespmem:$0x112D0] =	vst v4;
	v12 =	vmul.f32 v12, v0;
	v18 =	vadd.f32 v25, v30  }
0x1c8: {  	v25 =	vmul.f32 v34, v0;
	v11 =	vadd.f32 v22, v17;
	[tilespmem:$0x11290] =	vst v10;
	v10 =	vmul.f32 v23, v2  }
0x1c9: {  	v13 =	vadd.f32 v13, v26;
	[tilespmem:$0x112F0] =	vst v12;
	v12 =	vmul.f32 v14, v2;
	v15 =	vmul.f32 v18, v0  }
0x1ca: {  	v8 =	vadd.f32 v35, v8;
	[tilespmem:$0x11270] =	vst v25;
	v4 =	vmul.f32 v11, v0;
	v11 =	vmul.f32 v24, v2  }
0x1cb: {  	v7 =	vadd.f32 v10, v7;
	v10 =	vmul.f32 v13, v0;
	[tilespmem:$0x112B0] =	vst v15;
	v15 =	vmul.f32 v31, v2  }
0x1cc: {  	[tilespmem:$0x11310] =	vst v4;
	v4 =	vmul.f32 v8, v0;
	v6 =	vadd.f32 v11, v6;
	v8 =	vmul.f32 v19, v2  }
0x1cd: {  	[tilespmem:$0x11330] =	vst v10;
	v7 =	vmul.f32 v7, v0;
	v10 =	vmul.f32 v16, v2;
	v13 =	vadd.f32 v15, v29  }
0x1ce: {  	v2 =	vmul.f32 v9, v2;
	[tilespmem:$0x11350] =	vst v4;
	v8 =	vadd.f32 v8, v21;
	v6 =	vmul.f32 v6, v0  }
0x1cf: {  	v5 =	vadd.f32 v12, v5;
	[tilespmem:$0x11370] =	vst v7;
	v4 =	vmul.f32 v13, v0  }
0x1d0: {  	v2 =	vadd.f32 v2, v3;
	[tilespmem:$0x113B0] =	vst v6;
	v3 =	vmul.f32 v8, v0  }
0x1d1: {  	v7 =	vadd.f32 v10, v20;
	[tilespmem:$0x11390] =	vst v4;
	v4 =	vmul.f32 v5, v0  }
0x1d2: {  	v2 =	vmul.f32 v2, v0;
	[tilespmem:$0x113F0] =	vst v3  }
0x1d3: {  	[tilespmem:$0x113D0] =	vst v4;
	v4 =	vmul.f32 v7, v0  }
0x1d4: {  	[tilespmem:$0x11430] =	vst v2  }
0x1d5: {  	s8 =	simm.s32 $0x10D20;
	[tilespmem:$0x11410] =	vst v4  }
0x1d6: {  	v3 =	vld [tilespmem:s8+$0x0];
	_ =	sdelay $0x4  }
0x1d7: {  	v2 =	vadd.s32 $0xF000, v3  }
0x1d8: {  	v4 =	vadd.s32 $0xB000, v3  }
0x1d9: {  	v5 =	vadd.s32 $0x8800, v3  }
0x1da: {  	v6 =	vadd.s32 $0xA800, v3  }
0x1db: {  	v10 =	vld [tilespmem:s8+$0xFFFFFFE0];
	v7 =	vadd.s32 $0xF800, v3  }
0x1dc: {  	v9 =	vadd.s32 $0x9000, v3;
	v8 =	vld.idx.msk [tilespmem:v2+s2+$0x0], $0xffff  }
0x1dd: {  	v11 =	vadd.s32 $0xA000, v3;
	v4 =	vld.idx.msk [tilespmem:v4+s2+$0x0], $0xffff  }
0x1de: {  	v14 =	vadd.s32 $0xD000, v3;
	v5 =	vld.idx.msk [tilespmem:v5+s2+$0x0], $0xffff  }
0x1df: {  	v2 =	vadd.s32 $0xD800, v3;
	v12 =	vld.idx.msk [tilespmem:v6+s2+$0x0], $0xffff  }
0x1e0: {  	v13 =	vld.idx.msk [tilespmem:v7+s2+$0x0], $0xffff  }
0x1e1: {  	v16 =	vadd.s32 $0x8000, v10;
	v9 =	vld.idx.msk [tilespmem:v9+s2+$0x0], $0xffff  }
0x1e2: {  	v6 =	vadd.s32 $0x8000, v3;
	v17 =	vld.idx.msk [tilespmem:v11+s2+$0x0], $0xffff  }
0x1e3: {  	v21 =	vld.idx.msk [tilespmem:v14+s2+$0x0], $0xffff  }
0x1e4: {  	s8 =	simm.s32 $0x10FA0;
	v19 =	vadd.s32 $0x8800, v10;
	v20 =	vadd.s32 $0xC800, v3;
	v15 =	vld.idx.msk [tilespmem:v2+s2+$0x0], $0xffff  }
0x1e5: {  	v22 =	vadd.s32 $0xB800, v3;
	v31 =	vadd.s32 $0x9800, v10;
	v23 =	vadd.s32 $0xD800, v10;
	v2 =	vld [tilespmem:s8+$0x0]  }
0x1e6: {  	v48 =	vadd.s32 $0xF000, v10;
	v28 =	vadd.s32 $0xA000, v10;
	v11 =	vadd.s32 $0x9000, v10;
	v24 =	vld.idx.msk [tilespmem:v16+s2+$0x0], $0xffff  }
0x1e7: {  	v26 =	vadd.s32 $0xB000, v10;
	v47 =	vadd.s32 $0xB800, v10;
	v14 =	vadd.s32 $0xC800, v10;
	v18 =	vld.idx.msk [tilespmem:v6+s2+$0x0], $0xffff  }
0x1e8: {  	v34 =	vadd.s32 $0xC000, v10;
	v29 =	vadd.s32 $0xD000, v10;
	v25 =	vadd.s32 $0xE000, v10;
	v6 =	vld [tilespmem:s8+$0xFFFFFFE0]  }
0x1e9: {  	v27 =	vadd.s32 $0xE000, v3;
	v33 =	vadd.s32 $0xC000, v3;
	v46 =	vadd.s32 $0xE800, v10;
	v19 =	vld.idx.msk [tilespmem:v19+s2+$0x0], $0xffff  }
0x1ea: {  	v40 =	vadd.s32 $0x9800, v3;
	v7 =	vimm.f32 $0.0e+00;
	v39 =	vld.idx.msk [tilespmem:v23+s2+$0x0], $0xffff;
	v36 =	vmul.f32 v9, v2  }
0x1eb: {  	v23 =	vimm.f32 $0.0e+00;
	v63 =	vld.idx.msk [tilespmem:v11+s2+$0x0], $0xffff;
	v32 =	vmul.f32 v12, v2;
	v11 =	vmul.f32 v8, v2  }
0x1ec: {  	v9 =	vadd.s32 $0xA800, v10;
	v12 =	vld.idx.msk [tilespmem:v14+s2+$0x0], $0xffff;
	v14 =	vmul.f32 v13, v2;
	v37 =	vmul.f32 v5, v2  }
0x1ed: {  	v35 =	vld.idx.msk [tilespmem:v20+s2+$0x0], $0xffff;
	v20 =	vimm.f32 $0.0e+00;
	v16 =	vmul.f32 v15, v2;
	v5 =	vmul.f32 v24, v6  }
0x1ee: {  	v8 =	vadd.s32 $0xF800, v10;
	v41 =	vmul.f32 v18, v2;
	v24 =	vmul.f32 v17, v2  }
0x1ef: {  	v44 =	vld.idx.msk [tilespmem:v26+s2+$0x0], $0xffff;
	v26 =	vimm.f32 $0.0e+00;
	v18 =	vmul.f32 v21, v2;
	v45 =	vmul.f32 v19, v6  }
0x1f0: {  	v38 =	vld.idx.msk [tilespmem:v22+s2+$0x0], $0xffff;
	v22 =	vimm.f32 $0.0e+00;
	v21 =	vmul.f32 v4, v2;
	v50 =	vmul.f32 v63, v6  }
0x1f1: {  	v17 =	vimm.f32 $0.0e+00;
	v4 =	vimm.f32 $0.0e+00;
	v13 =	vimm.f32 $0.0e+00;
	v42 =	vld.idx.msk [tilespmem:v9+s2+$0x0], $0xffff  }
0x1f2: {  	v47 =	vld.idx.msk [tilespmem:v47+s2+$0x0], $0xffff;
	v19 =	vimm.f32 $0.0e+00;
	v15 =	vimm.f32 $0.0e+00;
	v10 =	vimm.f32 $0.0e+00  }
0x1f3: {  	v30 =	vadd.f32 v5, v7;
	v5 =	vimm.f32 $0.0e+00;
	v49 =	vmul.f32 v12, v6;
	v43 =	vld.idx.msk [tilespmem:v8+s2+$0x0], $0xffff  }
0x1f4: {  	s11 =	simm.s32 $0x0;
	s13 =	simm.s32 $0x10D60;
	v48 =	vld.idx.msk [tilespmem:v48+s2+$0x0], $0xffff;
	v12 =	vimm.f32 $0.0e+00;
	v9 =	vimm.f32 $0.0e+00;
	v8 =	vimm.f32 $0.0e+00  }
.LBB2_9:
0x1f5: {  	s11 =	sadd.s32 $0x2, s11;
	v34 =	vld.idx.msk [tilespmem:v34+s2+$0x0], $0xffff;
	v38 =	vmul.f32 v38, v2;
	v35 =	vmul.f32 v35, v2;
	v51 =	vadd.s32 $0xE800, v3;
	s8 =	sadd.s32 $0x40, s8  }
0x1f6: {  	v42 =	vmul.f32 v42, v6;
	v3 =	vld [tilespmem:s13+$0x0];
	p1 =	slt.u32 s11, $0x12;
	v7 =	vadd.f32 v50, v7;
	v23 =	vadd.f32 v49, v23  }
0x1f7: {  	v20 =	vadd.f32 v45, v20;
	v30 =	vadd.f32 v41, v30;
	v44 =	vmul.f32 v44, v6;
	v45 =	vld.idx.msk [tilespmem:v46+s2+$0x0], $0xffff  }
0x1f8: {  	v17 =	vadd.f32 v42, v17;
	v41 =	vmul.f32 v43, v6;
	v31 =	vld.idx.msk [tilespmem:v31+s2+$0x0], $0xffff;
	v7 =	vadd.f32 v36, v7  }
0x1f9: {  	v39 =	vmul.f32 v39, v6;
	v20 =	vadd.f32 v37, v20;
	v36 =	vmul.f32 v47, v6;
	v28 =	vld.idx.msk [tilespmem:v28+s2+$0x0], $0xffff  }
0x1fa: {  	v37 =	vmul.f32 v48, v6;
	v5 =	vadd.f32 v41, v5;
	v17 =	vadd.f32 v32, v17;
	v29 =	vld.idx.msk [tilespmem:v29+s2+$0x0], $0xffff  }
0x1fb: {  	v23 =	vadd.f32 v35, v23;
	v32 =	vadd.s32 $0x8800, v3;
	v41 =	vadd.s32 $0xF000, v3;
	v25 =	vld.idx.msk [tilespmem:v25+s2+$0x0], $0xffff  }
0x1fc: {  	v35 =	vadd.s32 $0xA800, v3;
	v42 =	vadd.s32 $0xB000, v3;
	v43 =	vadd.s32 $0xD800, v3;
	v46 =	vld.idx.msk [tilespmem:v51+s2+$0x0], $0xffff  }
0x1fd: {  	v26 =	vadd.f32 v44, v26;
	v4 =	vadd.f32 v37, v4;
	v44 =	vmul.f32 v45, v6;
	v37 =	vld.idx.msk [tilespmem:v40+s2+$0x0], $0xffff  }
0x1fe: {  	v13 =	vadd.f32 v39, v13;
	v5 =	vadd.f32 v14, v5;
	v31 =	vmul.f32 v31, v6;
	v33 =	vld.idx.msk [tilespmem:v33+s2+$0x0], $0xffff  }
0x1ff: {  	v14 =	vadd.s32 $0xF800, v3;
	v4 =	vadd.f32 v11, v4;
	v12 =	vadd.f32 v44, v12;
	v27 =	vld.idx.msk [tilespmem:v27+s2+$0x0], $0xffff  }
0x200: {  	v13 =	vadd.f32 v16, v13;
	v28 =	vmul.f32 v28, v6;
	v29 =	vmul.f32 v29, v6;
	v11 =	vld.idx.msk [tilespmem:v41+s2+$0x0], $0xffff  }
0x201: {  	v19 =	vadd.f32 v36, v19;
	v16 =	vadd.f32 v31, v22;
	v25 =	vmul.f32 v25, v6;
	v40 =	vld.idx.msk [tilespmem:v42+s2+$0x0], $0xffff  }
0x202: {  	v22 =	vadd.s32 $0xC800, v3;
	v15 =	vadd.f32 v28, v15;
	v6 =	vmul.f32 v34, v6;
	v41 =	vld.idx.msk [tilespmem:v32+s2+$0x0], $0xffff  }
0x203: {  	v28 =	vadd.s32 $0x9000, v3;
	v9 =	vadd.f32 v29, v9;
	v29 =	vmul.f32 v37, v2;
	v32 =	vld.idx.msk [tilespmem:v35+s2+$0x0], $0xffff  }
0x204: {  	v31 =	vadd.s32 $0xB800, v3;
	v15 =	vadd.f32 v24, v15;
	v24 =	vmul.f32 v46, v2;
	v14 =	vld.idx.msk [tilespmem:v14+s2+$0x0], $0xffff  }
0x205: {  	v34 =	vadd.s32 $0xA000, v3;
	v9 =	vadd.f32 v18, v9;
	v18 =	vmul.f32 v27, v2;
	v45 =	vld [tilespmem:s13+$0xFFFFFFE0]  }
0x206: {  	v27 =	vadd.s32 $0x8000, v3;
	v2 =	vmul.f32 v33, v2;
	v12 =	vadd.f32 v24, v12;
	v43 =	vld.idx.msk [tilespmem:v43+s2+$0x0], $0xffff  }
0x207: {  	v6 =	vadd.f32 v6, v10;
	v24 =	vadd.s32 $0xD000, v3;
	v35 =	vld.idx.msk [tilespmem:v22+s2+$0x0], $0xffff;
	v22 =	vadd.f32 v29, v16  }
0x208: {  	v19 =	vadd.f32 v38, v19;
	v8 =	vadd.f32 v25, v8;
	v16 =	vld.idx.msk [tilespmem:v28+s2+$0x0], $0xffff  }
0x209: {  	v26 =	vadd.f32 v21, v26;
	v10 =	vadd.f32 v2, v6;
	v38 =	vld.idx.msk [tilespmem:v31+s2+$0x0], $0xffff  }
0x20a: {  	v8 =	vadd.f32 v18, v8;
	v21 =	vadd.s32 $0x8000, v45;
	v33 =	vadd.s32 $0x8800, v45;
	v47 =	vld.idx.msk [tilespmem:v34+s2+$0x0], $0xffff  }
0x20b: {  	v18 =	vadd.s32 $0x9000, v45;
	v31 =	vadd.s32 $0x9800, v45;
	v48 =	vadd.s32 $0xF000, v45;
	v46 =	vld.idx.msk [tilespmem:v27+s2+$0x0], $0xffff  }
0x20c: {  	v28 =	vadd.s32 $0xA000, v45;
	v44 =	vadd.s32 $0xB000, v45;
	v27 =	vadd.s32 $0xD800, v45;
	v49 =	vld.idx.msk [tilespmem:v24+s2+$0x0], $0xffff  }
0x20d: {  	v50 =	vadd.s32 $0xB800, v45;
	v34 =	vadd.s32 $0xC000, v45;
	v24 =	vadd.s32 $0xC800, v45;
	v2 =	vld [tilespmem:s8+$0x0]  }
0x20e: {  	v29 =	vadd.s32 $0xD000, v45;
	v25 =	vadd.s32 $0xE000, v45;
	v6 =	vld [tilespmem:s8+$0xFFFFFFE0]  }
0x20f: {  	v37 =	vadd.s32 $0xA800, v45;
	v21 =	vld.idx.msk [tilespmem:v21+s2+$0x0], $0xffff  }
0x210: {  	v51 =	vld.idx.msk [tilespmem:v18+s2+$0x0], $0xffff  }
0x211: {  	v18 =	vadd.s32 $0xF800, v45;
	v52 =	vld.idx.msk [tilespmem:v33+s2+$0x0], $0xffff  }
0x212: {  	v53 =	vld.idx.msk [tilespmem:v24+s2+$0x0], $0xffff;
	v36 =	vmul.f32 v16, v2;
	v32 =	vmul.f32 v32, v2  }
0x213: {  	v11 =	vmul.f32 v11, v2;
	v14 =	vmul.f32 v14, v2;
	v39 =	vld.idx.msk [tilespmem:v27+s2+$0x0], $0xffff  }
.Ltmp3:
0x214: {  	v16 =	vmul.f32 v43, v2;
	v27 =	vadd.s32 $0xE000, v3;
	v42 =	vld.idx.msk [tilespmem:v37+s2+$0x0], $0xffff;
	v37 =	vmul.f32 v41, v2;
	(pc) =	sbr.rel @p1 .LBB2_9-.Ltmp3, $4  }
0x215: {  	v33 =	vadd.s32 $0xC000, v3;
	v21 =	vmul.f32 v21, v6;
	v41 =	vmul.f32 v46, v2;
	v44 =	vld.idx.msk [tilespmem:v44+s2+$0x0], $0xffff  }
0x216: {  	v24 =	vmul.f32 v47, v2;
	v46 =	vadd.s32 $0xE800, v45;
	v43 =	vld.idx.msk [tilespmem:v18+s2+$0x0], $0xffff;
	v18 =	vmul.f32 v49, v2  }
0x217: {  	v30 =	vadd.f32 v21, v30;
	v45 =	vmul.f32 v52, v6;
	v21 =	vmul.f32 v40, v2;
	v47 =	vld.idx.msk [tilespmem:v50+s2+$0x0], $0xffff  }
0x218: {  	s13 =	sadd.s32 $0x40, s13;
	v40 =	vadd.s32 $0x9800, v3;
	v50 =	vmul.f32 v51, v6;
	v49 =	vmul.f32 v53, v6;
	v48 =	vld.idx.msk [tilespmem:v48+s2+$0x0], $0xffff  }
0x219: {  	_ =	sdelay $0x3  }
0x21a: {  	v46 =	vld.idx.msk [tilespmem:v46+s2+$0x0], $0xffff  }
0x21b: {  	v38 =	vmul.f32 v38, v2;
	v31 =	vld.idx.msk [tilespmem:v31+s2+$0x0], $0xffff  }
0x21c: {  	v35 =	vmul.f32 v35, v2;
	v3 =	vadd.s32 $0xE800, v3;
	v42 =	vmul.f32 v42, v6;
	v28 =	vld.idx.msk [tilespmem:v28+s2+$0x0], $0xffff  }
0x21d: {  	v20 =	vadd.f32 v45, v20;
	v30 =	vadd.f32 v41, v30;
	v40 =	vld.idx.msk [tilespmem:v40+s2+$0x0], $0xffff;
	v39 =	vmul.f32 v39, v6  }
0x21e: {  	v29 =	vld.idx.msk [tilespmem:v29+s2+$0x0], $0xffff;
	v7 =	vadd.f32 v50, v7;
	v23 =	vadd.f32 v49, v23;
	v44 =	vmul.f32 v44, v6  }
0x21f: {  	v34 =	vld.idx.msk [tilespmem:v34+s2+$0x0], $0xffff;
	v17 =	vadd.f32 v42, v17;
	v56 =	vmul.f32 v43, v6;
	v20 =	vadd.f32 v37, v20  }
0x220: {  	v25 =	vld.idx.msk [tilespmem:v25+s2+$0x0], $0xffff;
	v13 =	vadd.f32 v39, v13;
	v57 =	vmul.f32 v47, v6;
	v58 =	vmul.f32 v48, v6  }
0x221: {  	v27 =	vld.idx.msk [tilespmem:v27+s2+$0x0], $0xffff;
	v7 =	vadd.f32 v36, v7;
	v20 =	vmul.f32 v20, v1;
	v31 =	vmul.f32 v31, v6  }
0x222: {  	v59 =	vld.idx.msk [tilespmem:v33+s2+$0x0], $0xffff;
	v17 =	vadd.f32 v32, v17;
	v28 =	vmul.f32 v28, v6;
	v60 =	vmul.f32 v46, v6  }
0x223: {  	v23 =	vadd.f32 v35, v23;
	v3 =	vld.idx.msk [tilespmem:v3+s2+$0x0], $0xffff;
	v29 =	vmul.f32 v29, v6;
	v7 =	vmul.f32 v7, v1  }
0x224: {  	v17 =	vmul.f32 v17, v1;
	v22 =	vadd.f32 v31, v22;
	v31 =	vmul.f32 v40, v2  }
0x225: {  	v15 =	vadd.f32 v28, v15;
	v28 =	vmul.f32 v30, v1;
	v30 =	vmul.f32 v34, v6  }
0x226: {  	v26 =	vadd.f32 v44, v26;
	v6 =	vmul.f32 v25, v6;
	[tilespmem:$0x114E0] =	vst v17;
	v17 =	vmul.f32 v27, v2  }
0x227: {  	[tilespmem:$0x11460] =	vst v20;
	v22 =	vadd.f32 v31, v22;
	v15 =	vadd.f32 v24, v15;
	v24 =	vmul.f32 v59, v2  }
0x228: {  	v19 =	vadd.f32 v57, v19;
	[tilespmem:$0x11480] =	vst v7;
	v2 =	vmul.f32 v3, v2;
	v3 =	vmul.f32 v23, v1  }
0x229: {  	[tilespmem:$0x11440] =	vst v28;
	v6 =	vadd.f32 v6, v8;
	v8 =	vadd.f32 v16, v13;
	v20 =	vmul.f32 v22, v1  }
0x22a: {  	v21 =	vadd.f32 v21, v26;
	v7 =	vmul.f32 v15, v1;
	[tilespmem:$0x11560] =	vst v3  }
0x22b: {  	v12 =	vadd.f32 v60, v12;
	v15 =	vadd.f32 v38, v19;
	v3 =	vmul.f32 v8, v1;
	[tilespmem:$0x114A0] =	vst v20  }
0x22c: {  	v10 =	vadd.f32 v30, v10;
	v6 =	vadd.f32 v17, v6;
	[tilespmem:$0x114C0] =	vst v7;
	v7 =	vmul.f32 v21, v1  }
0x22d: {  	v4 =	vadd.f32 v58, v4;
	v2 =	vadd.f32 v2, v12;
	v15 =	vmul.f32 v15, v1;
	[tilespmem:$0x115A0] =	vst v3  }
0x22e: {  	v9 =	vadd.f32 v29, v9;
	v10 =	vadd.f32 v24, v10;
	v6 =	vmul.f32 v6, v1;
	[tilespmem:$0x11500] =	vst v7  }
0x22f: {  	v5 =	vadd.f32 v56, v5;
	v4 =	vadd.f32 v11, v4;
	v2 =	vmul.f32 v2, v1;
	[tilespmem:$0x11520] =	vst v15  }
0x230: {  	v9 =	vadd.f32 v18, v9;
	v7 =	vmul.f32 v10, v1;
	[tilespmem:$0x115C0] =	vst v6  }
0x231: {  	v5 =	vadd.f32 v14, v5;
	v3 =	vmul.f32 v4, v1;
	[tilespmem:$0x115E0] =	vst v2  }
0x232: {  	[tilespmem:$0x11540] =	vst v7;
	v7 =	vmul.f32 v9, v1  }
0x233: {  	[tilespmem:$0x11600] =	vst v3;
	v1 =	vmul.f32 v5, v1  }
0x234: {  	[tilespmem:$0x11580] =	vst v7  }
0x235: {  	s8 =	simm.s32 $0x10D30;
	[tilespmem:$0x11620] =	vst v1  }
0x236: {  	v2 =	vld [tilespmem:s8+$0x0];
	_ =	sdelay $0x4  }
0x237: {  	v1 =	vadd.s32 $0xF000, v2  }
0x238: {  	v3 =	vadd.s32 $0xB000, v2  }
0x239: {  	v4 =	vadd.s32 $0x8800, v2  }
0x23a: {  	v5 =	vadd.s32 $0xA800, v2  }
0x23b: {  	v9 =	vld [tilespmem:s8+$0xFFFFFFE0];
	v6 =	vadd.s32 $0xF800, v2  }
0x23c: {  	v8 =	vadd.s32 $0x9000, v2;
	v7 =	vld.idx.msk [tilespmem:v1+s2+$0x0], $0xffff  }
0x23d: {  	v10 =	vadd.s32 $0xA000, v2;
	v3 =	vld.idx.msk [tilespmem:v3+s2+$0x0], $0xffff  }
0x23e: {  	v13 =	vadd.s32 $0xD000, v2;
	v4 =	vld.idx.msk [tilespmem:v4+s2+$0x0], $0xffff  }
0x23f: {  	v1 =	vadd.s32 $0xD800, v2;
	v11 =	vld.idx.msk [tilespmem:v5+s2+$0x0], $0xffff  }
0x240: {  	v12 =	vld.idx.msk [tilespmem:v6+s2+$0x0], $0xffff  }
0x241: {  	v15 =	vadd.s32 $0x8000, v9;
	v8 =	vld.idx.msk [tilespmem:v8+s2+$0x0], $0xffff  }
0x242: {  	v5 =	vadd.s32 $0x8000, v2;
	v16 =	vld.idx.msk [tilespmem:v10+s2+$0x0], $0xffff  }
0x243: {  	v20 =	vld.idx.msk [tilespmem:v13+s2+$0x0], $0xffff  }
0x244: {  	s8 =	simm.s32 $0x10FB0;
	v18 =	vadd.s32 $0x8800, v9;
	v19 =	vadd.s32 $0xC800, v2;
	v14 =	vld.idx.msk [tilespmem:v1+s2+$0x0], $0xffff  }
0x245: {  	v21 =	vadd.s32 $0xB800, v2;
	v30 =	vadd.s32 $0x9800, v9;
	v22 =	vadd.s32 $0xD800, v9;
	v1 =	vld [tilespmem:s8+$0x0]  }
0x246: {  	v61 =	vadd.s32 $0xF000, v9;
	v27 =	vadd.s32 $0xA000, v9;
	v10 =	vadd.s32 $0x9000, v9;
	v23 =	vld.idx.msk [tilespmem:v15+s2+$0x0], $0xffff  }
0x247: {  	v25 =	vadd.s32 $0xB000, v9;
	v62 =	vadd.s32 $0xB800, v9;
	v13 =	vadd.s32 $0xC800, v9;
	v17 =	vld.idx.msk [tilespmem:v5+s2+$0x0], $0xffff  }
0x248: {  	v33 =	vadd.s32 $0xC000, v9;
	v28 =	vadd.s32 $0xD000, v9;
	v24 =	vadd.s32 $0xE000, v9;
	v5 =	vld [tilespmem:s8+$0xFFFFFFE0]  }
0x249: {  	v26 =	vadd.s32 $0xE000, v2;
	v32 =	vadd.s32 $0xC000, v2;
	v45 =	vadd.s32 $0xE800, v9;
	v18 =	vld.idx.msk [tilespmem:v18+s2+$0x0], $0xffff  }
0x24a: {  	v39 =	vadd.s32 $0x9800, v2;
	v6 =	vimm.f32 $0.0e+00;
	v38 =	vld.idx.msk [tilespmem:v22+s2+$0x0], $0xffff;
	v35 =	vmul.f32 v8, v1  }
0x24b: {  	v22 =	vimm.f32 $0.0e+00;
	v63 =	vld.idx.msk [tilespmem:v10+s2+$0x0], $0xffff;
	v31 =	vmul.f32 v11, v1;
	v10 =	vmul.f32 v7, v1  }
0x24c: {  	v8 =	vadd.s32 $0xA800, v9;
	v11 =	vld.idx.msk [tilespmem:v13+s2+$0x0], $0xffff;
	v13 =	vmul.f32 v12, v1;
	v36 =	vmul.f32 v4, v1  }
0x24d: {  	v34 =	vld.idx.msk [tilespmem:v19+s2+$0x0], $0xffff;
	v19 =	vimm.f32 $0.0e+00;
	v15 =	vmul.f32 v14, v1;
	v4 =	vmul.f32 v23, v5  }
0x24e: {  	v7 =	vadd.s32 $0xF800, v9;
	v40 =	vmul.f32 v17, v1;
	v23 =	vmul.f32 v16, v1  }
0x24f: {  	v43 =	vld.idx.msk [tilespmem:v25+s2+$0x0], $0xffff;
	v25 =	vimm.f32 $0.0e+00;
	v17 =	vmul.f32 v20, v1;
	v44 =	vmul.f32 v18, v5  }
0x250: {  	v37 =	vld.idx.msk [tilespmem:v21+s2+$0x0], $0xffff;
	v21 =	vimm.f32 $0.0e+00;
	v20 =	vmul.f32 v3, v1;
	v49 =	vmul.f32 v63, v5  }
0x251: {  	v16 =	vimm.f32 $0.0e+00;
	v3 =	vimm.f32 $0.0e+00;
	v12 =	vimm.f32 $0.0e+00;
	v41 =	vld.idx.msk [tilespmem:v8+s2+$0x0], $0xffff  }
0x252: {  	v46 =	vld.idx.msk [tilespmem:v62+s2+$0x0], $0xffff;
	v18 =	vimm.f32 $0.0e+00;
	v14 =	vimm.f32 $0.0e+00;
	v9 =	vimm.f32 $0.0e+00  }
0x253: {  	v29 =	vadd.f32 v4, v6;
	v4 =	vimm.f32 $0.0e+00;
	v48 =	vmul.f32 v11, v5;
	v42 =	vld.idx.msk [tilespmem:v7+s2+$0x0], $0xffff  }
0x254: {  	s11 =	simm.s32 $0x0;
	s13 =	simm.s32 $0x10D70;
	v47 =	vld.idx.msk [tilespmem:v61+s2+$0x0], $0xffff;
	v11 =	vimm.f32 $0.0e+00;
	v8 =	vimm.f32 $0.0e+00;
	v7 =	vimm.f32 $0.0e+00  }
.LBB2_11:
0x255: {  	s11 =	sadd.s32 $0x2, s11;
	v33 =	vld.idx.msk [tilespmem:v33+s2+$0x0], $0xffff;
	v37 =	vmul.f32 v37, v1;
	v34 =	vmul.f32 v34, v1;
	v50 =	vadd.s32 $0xE800, v2;
	s8 =	sadd.s32 $0x40, s8  }
0x256: {  	v41 =	vmul.f32 v41, v5;
	v2 =	vld [tilespmem:s13+$0x0];
	p1 =	slt.u32 s11, $0x12;
	v6 =	vadd.f32 v49, v6;
	v22 =	vadd.f32 v48, v22  }
0x257: {  	v19 =	vadd.f32 v44, v19;
	v29 =	vadd.f32 v40, v29;
	v43 =	vmul.f32 v43, v5;
	v44 =	vld.idx.msk [tilespmem:v45+s2+$0x0], $0xffff  }
0x258: {  	v16 =	vadd.f32 v41, v16;
	v40 =	vmul.f32 v42, v5;
	v30 =	vld.idx.msk [tilespmem:v30+s2+$0x0], $0xffff;
	v6 =	vadd.f32 v35, v6  }
0x259: {  	v38 =	vmul.f32 v38, v5;
	v19 =	vadd.f32 v36, v19;
	v35 =	vmul.f32 v46, v5;
	v27 =	vld.idx.msk [tilespmem:v27+s2+$0x0], $0xffff  }
0x25a: {  	v36 =	vmul.f32 v47, v5;
	v4 =	vadd.f32 v40, v4;
	v16 =	vadd.f32 v31, v16;
	v28 =	vld.idx.msk [tilespmem:v28+s2+$0x0], $0xffff  }
0x25b: {  	v22 =	vadd.f32 v34, v22;
	v31 =	vadd.s32 $0x8800, v2;
	v40 =	vadd.s32 $0xF000, v2;
	v24 =	vld.idx.msk [tilespmem:v24+s2+$0x0], $0xffff  }
0x25c: {  	v34 =	vadd.s32 $0xA800, v2;
	v41 =	vadd.s32 $0xB000, v2;
	v42 =	vadd.s32 $0xD800, v2;
	v45 =	vld.idx.msk [tilespmem:v50+s2+$0x0], $0xffff  }
0x25d: {  	v25 =	vadd.f32 v43, v25;
	v3 =	vadd.f32 v36, v3;
	v43 =	vmul.f32 v44, v5;
	v36 =	vld.idx.msk [tilespmem:v39+s2+$0x0], $0xffff  }
0x25e: {  	v12 =	vadd.f32 v38, v12;
	v4 =	vadd.f32 v13, v4;
	v30 =	vmul.f32 v30, v5;
	v32 =	vld.idx.msk [tilespmem:v32+s2+$0x0], $0xffff  }
0x25f: {  	v13 =	vadd.s32 $0xF800, v2;
	v3 =	vadd.f32 v10, v3;
	v11 =	vadd.f32 v43, v11;
	v26 =	vld.idx.msk [tilespmem:v26+s2+$0x0], $0xffff  }
0x260: {  	v12 =	vadd.f32 v15, v12;
	v27 =	vmul.f32 v27, v5;
	v28 =	vmul.f32 v28, v5;
	v10 =	vld.idx.msk [tilespmem:v40+s2+$0x0], $0xffff  }
0x261: {  	v18 =	vadd.f32 v35, v18;
	v15 =	vadd.f32 v30, v21;
	v24 =	vmul.f32 v24, v5;
	v39 =	vld.idx.msk [tilespmem:v41+s2+$0x0], $0xffff  }
0x262: {  	v21 =	vadd.s32 $0xC800, v2;
	v14 =	vadd.f32 v27, v14;
	v5 =	vmul.f32 v33, v5;
	v40 =	vld.idx.msk [tilespmem:v31+s2+$0x0], $0xffff  }
0x263: {  	v27 =	vadd.s32 $0x9000, v2;
	v8 =	vadd.f32 v28, v8;
	v28 =	vmul.f32 v36, v1;
	v31 =	vld.idx.msk [tilespmem:v34+s2+$0x0], $0xffff  }
0x264: {  	v30 =	vadd.s32 $0xB800, v2;
	v14 =	vadd.f32 v23, v14;
	v23 =	vmul.f32 v45, v1;
	v13 =	vld.idx.msk [tilespmem:v13+s2+$0x0], $0xffff  }
0x265: {  	v33 =	vadd.s32 $0xA000, v2;
	v8 =	vadd.f32 v17, v8;
	v17 =	vmul.f32 v26, v1;
	v44 =	vld [tilespmem:s13+$0xFFFFFFE0]  }
0x266: {  	v26 =	vadd.s32 $0x8000, v2;
	v1 =	vmul.f32 v32, v1;
	v11 =	vadd.f32 v23, v11;
	v42 =	vld.idx.msk [tilespmem:v42+s2+$0x0], $0xffff  }
0x267: {  	v5 =	vadd.f32 v5, v9;
	v23 =	vadd.s32 $0xD000, v2;
	v34 =	vld.idx.msk [tilespmem:v21+s2+$0x0], $0xffff;
	v21 =	vadd.f32 v28, v15  }
0x268: {  	v18 =	vadd.f32 v37, v18;
	v7 =	vadd.f32 v24, v7;
	v15 =	vld.idx.msk [tilespmem:v27+s2+$0x0], $0xffff  }
0x269: {  	v25 =	vadd.f32 v20, v25;
	v9 =	vadd.f32 v1, v5;
	v37 =	vld.idx.msk [tilespmem:v30+s2+$0x0], $0xffff  }
0x26a: {  	v7 =	vadd.f32 v17, v7;
	v20 =	vadd.s32 $0x8000, v44;
	v32 =	vadd.s32 $0x8800, v44;
	v46 =	vld.idx.msk [tilespmem:v33+s2+$0x0], $0xffff  }
0x26b: {  	v17 =	vadd.s32 $0x9000, v44;
	v30 =	vadd.s32 $0x9800, v44;
	v47 =	vadd.s32 $0xF000, v44;
	v45 =	vld.idx.msk [tilespmem:v26+s2+$0x0], $0xffff  }
0x26c: {  	v27 =	vadd.s32 $0xA000, v44;
	v43 =	vadd.s32 $0xB000, v44;
	v26 =	vadd.s32 $0xD800, v44;
	v48 =	vld.idx.msk [tilespmem:v23+s2+$0x0], $0xffff  }
0x26d: {  	v49 =	vadd.s32 $0xB800, v44;
	v33 =	vadd.s32 $0xC000, v44;
	v23 =	vadd.s32 $0xC800, v44;
	v1 =	vld [tilespmem:s8+$0x0]  }
0x26e: {  	v28 =	vadd.s32 $0xD000, v44;
	v24 =	vadd.s32 $0xE000, v44;
	v5 =	vld [tilespmem:s8+$0xFFFFFFE0]  }
0x26f: {  	v36 =	vadd.s32 $0xA800, v44;
	v20 =	vld.idx.msk [tilespmem:v20+s2+$0x0], $0xffff  }
0x270: {  	v50 =	vld.idx.msk [tilespmem:v17+s2+$0x0], $0xffff  }
0x271: {  	v17 =	vadd.s32 $0xF800, v44;
	v51 =	vld.idx.msk [tilespmem:v32+s2+$0x0], $0xffff  }
0x272: {  	v52 =	vld.idx.msk [tilespmem:v23+s2+$0x0], $0xffff;
	v35 =	vmul.f32 v15, v1;
	v31 =	vmul.f32 v31, v1  }
0x273: {  	v10 =	vmul.f32 v10, v1;
	v13 =	vmul.f32 v13, v1;
	v38 =	vld.idx.msk [tilespmem:v26+s2+$0x0], $0xffff  }
.Ltmp4:
0x274: {  	v15 =	vmul.f32 v42, v1;
	v26 =	vadd.s32 $0xE000, v2;
	v41 =	vld.idx.msk [tilespmem:v36+s2+$0x0], $0xffff;
	v36 =	vmul.f32 v40, v1;
	(pc) =	sbr.rel @p1 .LBB2_11-.Ltmp4, $4  }
0x275: {  	v32 =	vadd.s32 $0xC000, v2;
	v20 =	vmul.f32 v20, v5;
	v40 =	vmul.f32 v45, v1;
	v43 =	vld.idx.msk [tilespmem:v43+s2+$0x0], $0xffff  }
0x276: {  	v23 =	vmul.f32 v46, v1;
	v45 =	vadd.s32 $0xE800, v44;
	v42 =	vld.idx.msk [tilespmem:v17+s2+$0x0], $0xffff;
	v17 =	vmul.f32 v48, v1  }
0x277: {  	v29 =	vadd.f32 v20, v29;
	v44 =	vmul.f32 v51, v5;
	v20 =	vmul.f32 v39, v1;
	v46 =	vld.idx.msk [tilespmem:v49+s2+$0x0], $0xffff  }
0x278: {  	s13 =	sadd.s32 $0x40, s13;
	v39 =	vadd.s32 $0x9800, v2;
	v49 =	vmul.f32 v50, v5;
	v48 =	vmul.f32 v52, v5;
	v47 =	vld.idx.msk [tilespmem:v47+s2+$0x0], $0xffff  }
0x279: {  	_ =	sdelay $0x3  }
0x27a: {  	v45 =	vld.idx.msk [tilespmem:v45+s2+$0x0], $0xffff  }
0x27b: {  	v30 =	vld.idx.msk [tilespmem:v30+s2+$0x0], $0xffff  }
0x27c: {  	v27 =	vld.idx.msk [tilespmem:v27+s2+$0x0], $0xffff  }
0x27d: {  	v37 =	vmul.f32 v37, v1;
	v34 =	vmul.f32 v34, v1;
	v19 =	vadd.f32 v44, v19;
	v39 =	vld.idx.msk [tilespmem:v39+s2+$0x0], $0xffff  }
0x27e: {  	v2 =	vadd.s32 $0xE800, v2;
	v41 =	vmul.f32 v41, v5;
	v29 =	vadd.f32 v40, v29;
	v28 =	vld.idx.msk [tilespmem:v28+s2+$0x0], $0xffff  }
0x27f: {  	v38 =	vmul.f32 v38, v5;
	v33 =	vld.idx.msk [tilespmem:v33+s2+$0x0], $0xffff;
	v43 =	vmul.f32 v43, v5;
	v19 =	vadd.f32 v36, v19  }
0x280: {  	v6 =	vadd.f32 v49, v6;
	v56 =	vmul.f32 v42, v5;
	v57 =	vmul.f32 v46, v5  }
0x281: {  	v24 =	vld.idx.msk [tilespmem:v24+s2+$0x0], $0xffff;
	v16 =	vadd.f32 v41, v16;
	v58 =	vmul.f32 v47, v5;
	v19 =	vmul.f32 v19, v0  }
0x282: {  	v26 =	vld.idx.msk [tilespmem:v26+s2+$0x0], $0xffff;
	v6 =	vadd.f32 v35, v6;
	v30 =	vmul.f32 v30, v5;
	v27 =	vmul.f32 v27, v5  }
0x283: {  	v59 =	vld.idx.msk [tilespmem:v32+s2+$0x0], $0xffff;
	v16 =	vadd.f32 v31, v16;
	v60 =	vmul.f32 v45, v5;
	v61 =	vmul.f32 v39, v1  }
0x284: {  	v22 =	vadd.f32 v48, v22;
	v2 =	vld.idx.msk [tilespmem:v2+s2+$0x0], $0xffff;
	v28 =	vmul.f32 v28, v5;
	v62 =	vmul.f32 v33, v5  }
0x285: {  	v12 =	vadd.f32 v38, v12;
	v6 =	vmul.f32 v6, v0;
	v16 =	vmul.f32 v16, v0  }
0x286: {  	v5 =	vmul.f32 v24, v5;
	v21 =	vadd.f32 v30, v21;
	v14 =	vadd.f32 v27, v14  }
0x287: {  	v22 =	vadd.f32 v34, v22;
	v27 =	vmul.f32 v29, v0;
	[tilespmem:$0x114F0] =	vst v16;
	v16 =	vmul.f32 v26, v1  }
0x288: {  	[tilespmem:$0x11470] =	vst v19;
	v21 =	vadd.f32 v61, v21;
	v14 =	vadd.f32 v23, v14;
	v23 =	vmul.f32 v59, v1  }
0x289: {  	[tilespmem:$0x11490] =	vst v6;
	v5 =	vadd.f32 v5, v7;
	v1 =	vmul.f32 v2, v1;
	v2 =	vmul.f32 v22, v0  }
0x28a: {  	v25 =	vadd.f32 v43, v25;
	v7 =	vadd.f32 v15, v12;
	[tilespmem:$0x11450] =	vst v27;
	v19 =	vmul.f32 v21, v0  }
0x28b: {  	v18 =	vadd.f32 v57, v18;
	v5 =	vadd.f32 v16, v5;
	v6 =	vmul.f32 v14, v0;
	[tilespmem:$0x11570] =	vst v2  }
0x28c: {  	v20 =	vadd.f32 v20, v25;
	v11 =	vadd.f32 v60, v11;
	v2 =	vmul.f32 v7, v0;
	[tilespmem:$0x114B0] =	vst v19  }
0x28d: {  	v9 =	vadd.f32 v62, v9;
	v14 =	vadd.f32 v37, v18;
	v5 =	vmul.f32 v5, v0;
	[tilespmem:$0x114D0] =	vst v6  }
0x28e: {  	v3 =	vadd.f32 v58, v3;
	v1 =	vadd.f32 v1, v11;
	v6 =	vmul.f32 v20, v0;
	[tilespmem:$0x115B0] =	vst v2  }
0x28f: {  	v8 =	vadd.f32 v28, v8;
	v9 =	vadd.f32 v23, v9;
	v14 =	vmul.f32 v14, v0;
	[tilespmem:$0x115D0] =	vst v5  }
0x290: {  	v4 =	vadd.f32 v56, v4;
	v3 =	vadd.f32 v10, v3;
	v1 =	vmul.f32 v1, v0;
	[tilespmem:$0x11510] =	vst v6  }
0x291: {  	v8 =	vadd.f32 v17, v8;
	v6 =	vmul.f32 v9, v0;
	[tilespmem:$0x11530] =	vst v14  }
0x292: {  	s8 =	sshll.u32 s1, $0x11;
	v4 =	vadd.f32 v13, v4;
	v2 =	vmul.f32 v3, v0;
	[tilespmem:$0x115F0] =	vst v1  }
0x293: {  	s8 =	sor.u32 s12, s8;
	[tilespmem:$0x11550] =	vst v6;
	v6 =	vmul.f32 v8, v0  }
0x294: {  	s10 =	sadd.s32 s8, s10;
	[tilespmem:$0x11610] =	vst v2;
	v0 =	vmul.f32 v4, v0  }
0x295: {  	s10 =	sshrl.u32 s10, $0x3;
	[tilespmem:$0x11590] =	vst v6  }
0x296: {  	s11 =	simm.s32 $0x11240;
	s10 =	sadd.s32 s7, s10;
	[tilespmem:$0x11630] =	vst v0  }
0x297: {  	[hbm4b:s10+s15] =	stream.strided.scatter [tilespmem:s11], [sflag:$0x5], $0x400, s16, s15, $0x38;
	[tilespmem:$0x11A40] =	vst v63  }
0x298: {  	s10 =	sadd.s32 $0x2, s18  }
0x299: {  	p1 =	sge.u32 s10, s9  }
0x29a: {  	s11 =	sshrl.u32 @!p1 s10, $0x6  }
0x29b: {  	s14 =	sshll.u32 @!p1 s10, $0x5;
	s13 =	smul.u32 @!p1 $0xA000, s11;
	s11 =	sshll.u32 @!p1 s11, $0xB  }
0x29c: {  	s11 =	ssub.s32 @!p1 s14, s11  }
0x29d: {  	s11 =	sadd.s32 @!p1 s13, s11  }
0x29e: {  	s18 =	simm.s32 @!p1 $0x10800;
	s10 =	sshll.u32 @!p1 s10, $0x2;
	s11 =	sshrl.u32 @!p1 s11, $0x3  }
0x29f: {  	s14 =	simm.s32 @!p1 $0x800;
	s13 =	simm.s32 @!p1 $0x20;
	s11 =	sadd.s32 @!p1 s6, s11  }
0x2a0: {  	[tilespmem:s18], [sflag:$0x1] =	stream.strided.gather @!p1 [hbm4b:s11+s13], $0x280, s14, s13, $0x38;
	[tilespmem:$0x11A40] =	vst v63  }
0x2a1: {  	s10 =	sadd.s32 @!p1 s4, s10;
	s11 =	simm.s32 @!p1 $0x0;
	s13 =	simm.s32 @!p1 $0x11200  }
0x2a2: {  	[tilespmem:s13], [sflag:$0x3] =	stream.linear.gather @!p1 [hbm4b:s10+s11], $0x20, $0x38;
	[tilespmem:$0x11A40] =	vst v63  }
0x2a3: {  	_ =	swait.ge [sflag:s25], $0x280  }
0x2a4: {  	[sflag:s25] =	ssyncset.done $0x0  }
0x2a5: {  	[sflag:s25] =	ssyncadd.s32 $0xFFFFFD80  }
0x2a6: {  	_ =	swait.ge [sflag:s26], $0x20  }
0x2a7: {  	[sflag:s26] =	ssyncset.done $0x0  }
0x2a8: {  	s20 =	simm.s32 $0x10AB0;
	[sflag:s26] =	ssyncadd.s32 $0xFFFFFFE0  }
0x2a9: {  	v1 =	vld [tilespmem:s20+$0xFFFFFFD0];
	_ =	sdelay $0x1  }
0x2aa: {  	v3 =	vld [tilespmem:s20+$0xFFFFFFF0];
	_ =	sdelay $0x2  }
0x2ab: {  	v0 =	vadd.s32 $0xFFFFFFFF, v1  }
0x2ac: {  	vm0 =	vgt.s32 v0, $0x0  }
0x2ad: {  	v2 =	vadd.s32 $0xFFFFFFFF, v3;
	v4 =	vnsel vm0, $0x0, v0  }
0x2ae: {  	vm5 =	vgt.s32 v2, $0x0  }
0x2af: {  	v5 =	vnsel vm5, $0x0, v2  }
0x2b0: {  	s24 =	simm.s32 $0x10D20;
	v2 =	vld [tilespmem:$0x11220]  }
0x2b1: {  	v0 =	vld [tilespmem:$0x11230];
	[tilespmem:s24+$0xFFFFFFE0] =	vst v4  }
0x2b2: {  	v4 =	vld.idx.msk [tilespmem:v4+s23+$0x0], $0xffff  }
0x2b3: {  	vm6 =	vlt.s32 v1, $0x1;
	[tilespmem:s24+$0x0] =	vst v5  }
0x2b4: {  	v1 =	vnsel vm6, $0x1, v1;
	v5 =	vld.idx.msk [tilespmem:v5+s23+$0x0], $0xffff  }
0x2b5: {  	s19 =	simm.s32 $0x10AF0;
	vm1 =	vlt.s32 v3, $0x1;
	v1 =	vcvt.s32.f32 v1  }
0x2b6: {  	v6 =	vld [tilespmem:s19+$0xFFFFFFD0];
	v3 =	vnsel vm1, $0x1, v3  }
0x2b7: {  	v3 =	vcvt.s32.f32 v3;
	v4 =	vmul.f32 v1, v4  }
0x2b8: {  	v7 =	vld [tilespmem:s19+$0xFFFFFFF0]  }
0x2b9: {  	v5 =	vmul.f32 v3, v5;
	v4 =	vadd.f32 v4, v2;
	_ =	sdelay $0x1  }
0x2ba: {  	v8 =	vadd.s32 $0xFFFFFFFF, v6;
	v5 =	vadd.f32 v5, v2;
	v4 =	vmax.f32 v4, $0.0e+00  }
0x2bb: {  	vm7 =	vgt.s32 v8, $0x0;
	v4 =	vmul.f32 $1.442695020e+00, v4  }
0x2bc: {  	v9 =	vadd.s32 $0xFFFFFFFF, v7;
	v8 =	vnsel vm7, $0x0, v8;
	v5 =	vmax.f32 v5, $0.0e+00  }
0x2bd: {  	vm8 =	vgt.s32 v9, $0x0;
	v5 =	vmul.f32 $1.442695020e+00, v5;
	(erf) = vpow2.f32 v4  }
0x2be: {  	v4 =	vnsel vm8, $0x0, v9  }
0x2bf: {  	s31 =	simm.s32 $0x10D60;
	(erf) = vpow2.f32 v5  }
0x2c0: {  	[tilespmem:s31+$0xFFFFFFE0] =	vst v8  }
0x2c1: {  	v5 =	vld.idx.msk [tilespmem:v8+s23+$0x0], $0xffff  }
0x2c2: {  	vm9 =	vlt.s32 v6, $0x1;
	[tilespmem:s31+$0x0] =	vst v4  }
0x2c3: {  	v6 =	vnsel vm9, $0x1, v6;
	v4 =	vld.idx.msk [tilespmem:v4+s23+$0x0], $0xffff  }
0x2c4: {  	s30 =	simm.s32 $0x10B30;
	vm10 =	vlt.s32 v7, $0x1;
	v6 =	vcvt.s32.f32 v6  }
0x2c5: {  	v10 =	vld [tilespmem:s30+$0xFFFFFFD0];
	v7 =	vnsel vm10, $0x1, v7  }
0x2c6: {  	v11 =	vld [tilespmem:s30+$0xFFFFFFF0];
	v7 =	vcvt.s32.f32 v7;
	v5 =	vmul.f32 v6, v5;
	v8 =	vpop (erf)  }
0x2c7: {  	v1 =	vmul.f32 v1, v8  }
0x2c8: {  	s10 =	simm.s32 $0x10FA0;
	v5 =	vadd.f32 v5, v2;
	v9 =	vpop (erf);
	v4 =	vmul.f32 v7, v4  }
0x2c9: {  	v3 =	vmul.f32 v3, v9;
	[tilespmem:s10+$0xFFFFFFE0] =	vst v1  }
0x2ca: {  	v5 =	vmax.f32 v5, $0.0e+00;
	v1 =	vadd.s32 $0xFFFFFFFF, v10;
	v4 =	vadd.f32 v4, v2;
	v12 =	vld [tilespmem:s20+$0xFFFFFFE0]  }
0x2cb: {  	v5 =	vmul.f32 $1.442695020e+00, v5;
	[tilespmem:s10+$0x0] =	vst v3;
	vm11 =	vgt.s32 v1, $0x0;
	v3 =	vadd.s32 $0xFFFFFFFF, v11  }
0x2cc: {  	v13 =	vld [tilespmem:s20+$0x0];
	v1 =	vnsel vm11, $0x0, v1;
	vm12 =	vgt.s32 v3, $0x0;
	v4 =	vmax.f32 v4, $0.0e+00  }
0x2cd: {  	v3 =	vnsel vm12, $0x0, v3;
	v4 =	vmul.f32 $1.442695020e+00, v4  }
0x2ce: {  	s18 =	simm.s32 $0x10B70;
	(erf) = vpow2.f32 v5  }
0x2cf: {  	s13 =	simm.s32 $0x10DA0;
	v15 =	vld [tilespmem:s18+$0xFFFFFFF0];
	(erf) = vpow2.f32 v4;
	v4 =	vadd.s32 $0xFFFFFFFF, v12  }
0x2d0: {  	v5 =	vld [tilespmem:s18+$0xFFFFFFD0];
	[tilespmem:s13+$0xFFFFFFE0] =	vst v1;
	vm13 =	vgt.s32 v4, $0x0  }
0x2d1: {  	[tilespmem:s13+$0x0] =	vst v3;
	v14 =	vadd.s32 $0xFFFFFFFF, v13;
	v1 =	vld.idx.msk [tilespmem:v1+s23+$0x0], $0xffff;
	v4 =	vnsel vm13, $0x0, v4  }
0x2d2: {  	vm15 =	vlt.s32 v10, $0x1;
	vm14 =	vgt.s32 v14, $0x0;
	v3 =	vld.idx.msk [tilespmem:v3+s23+$0x0], $0xffff  }
0x2d3: {  	vm4 =	vlt.s32 v11, $0x1;
	v10 =	vnsel vm15, $0x1, v10;
	v14 =	vnsel vm14, $0x0, v14  }
0x2d4: {  	v10 =	vcvt.s32.f32 v10;
	v11 =	vnsel vm4, $0x1, v11  }
0x2d5: {  	v23 =	vimm.f32 $0.0e+00;
	v11 =	vcvt.s32.f32 v11;
	[tilespmem:s24+$0xFFFFFFF0] =	vst v4  }
0x2d6: {  	v17 =	vadd.s32 $0xFFFFFFFF, v15;
	v16 =	vadd.s32 $0xFFFFFFFF, v5;
	v1 =	vmul.f32 v10, v1;
	v18 =	vld.idx.msk [tilespmem:v4+s23+$0x0], $0xffff  }
0x2d7: {  	vm6 =	vlt.s32 v12, $0x1;
	vm5 =	vgt.s32 v16, $0x0;
	[tilespmem:s24+$0x10] =	vst v14;
	v4 =	vpop (erf);
	v19 =	vmul.f32 v11, v3  }
0x2d8: {  	v14 =	vld.idx.msk [tilespmem:v14+s23+$0x0], $0xffff;
	v6 =	vmul.f32 v6, v4;
	v20 =	vadd.f32 v1, v2;
	v3 =	vpop (erf);
	v1 =	vnsel vm6, $0x1, v12  }
0x2d9: {  	s11 =	simm.s32 $0x10FE0;
	vm7 =	vlt.s32 v13, $0x1;
	v7 =	vmul.f32 v7, v3;
	v25 =	vcvt.s32.f32 v1  }
0x2da: {  	v1 =	vnsel vm7, $0x1, v13;
	v12 =	vadd.f32 v19, v2;
	[tilespmem:s11+$0xFFFFFFE0] =	vst v6;
	v6 =	vnsel vm5, $0x0, v16  }
0x2db: {  	v1 =	vcvt.s32.f32 v1;
	v13 =	vmax.f32 v20, $0.0e+00;
	v16 =	vld [tilespmem:s19+$0xFFFFFFE0];
	[tilespmem:s11+$0x0] =	vst v7;
	v7 =	vmul.f32 v25, v18  }
0x2dc: {  	vm8 =	vgt.s32 v17, $0x0;
	v12 =	vmax.f32 v12, $0.0e+00;
	v13 =	vmul.f32 $1.442695020e+00, v13;
	v18 =	vld [tilespmem:s19+$0x0]  }
0x2dd: {  	v12 =	vmul.f32 $1.442695020e+00, v12;
	v14 =	vmul.f32 v1, v14;
	v7 =	vadd.f32 v7, v0  }
0x2de: {  	vm2 =	vlt.s32 v15, $0x1;
	v17 =	vnsel vm8, $0x0, v17;
	(erf) = vpow2.f32 v13  }
0x2df: {  	s29 =	simm.s32 $0x10BB0;
	(erf) = vpow2.f32 v12;
	v19 =	vadd.f32 v14, v0;
	v7 =	vmax.f32 v7, $0.0e+00  }
0x2e0: {  	vm10 =	vlt.s32 v5, $0x1;
	s19 =	simm.s32 $0x10DE0;
	v14 =	vld [tilespmem:s29+$0xFFFFFFF0];
	v12 =	vadd.s32 $0xFFFFFFFF, v16;
	v7 =	vmul.f32 $1.442695020e+00, v7  }
0x2e1: {  	v13 =	vld [tilespmem:s29+$0xFFFFFFD0];
	[tilespmem:s19+$0xFFFFFFE0] =	vst v6;
	vm9 =	vgt.s32 v12, $0x0;
	v19 =	vmax.f32 v19, $0.0e+00;
	v20 =	vadd.s32 $0xFFFFFFFF, v18  }
0x2e2: {  	[tilespmem:s19+$0x0] =	vst v17;
	v6 =	vld.idx.msk [tilespmem:v6+s23+$0x0], $0xffff;
	v21 =	vnsel vm9, $0x0, v12;
	v12 =	vmul.f32 $1.442695020e+00, v19;
	(erf) = vpow2.f32 v7  }
0x2e3: {  	v5 =	vnsel vm10, $0x1, v5;
	v17 =	vld.idx.msk [tilespmem:v17+s23+$0x0], $0xffff;
	vm14 =	vlt.s32 v16, $0x1;
	vm11 =	vgt.s32 v20, $0x0  }
0x2e4: {  	vm15 =	vlt.s32 v18, $0x1;
	v22 =	vnsel vm11, $0x0, v20;
	(erf) = vpow2.f32 v12  }
0x2e5: {  	v12 =	vcvt.s32.f32 v5;
	v5 =	vnsel vm2, $0x1, v15;
	v7 =	vadd.s32 $0xFFFFFFFF, v14  }
0x2e6: {  	[tilespmem:s31+$0xFFFFFFF0] =	vst v21;
	v15 =	vcvt.s32.f32 v5;
	v5 =	vadd.s32 $0xFFFFFFFF, v13;
	vm13 =	vgt.s32 v7, $0x0  }
0x2e7: {  	v24 =	vmul.f32 v12, v6;
	vm12 =	vgt.s32 v5, $0x0;
	v6 =	vpop (erf);
	v20 =	vnsel vm13, $0x0, v7;
	v21 =	vld.idx.msk [tilespmem:v21+s23+$0x0], $0xffff  }
0x2e8: {  	[tilespmem:s31+$0x10] =	vst v22;
	v17 =	vmul.f32 v15, v17;
	v19 =	vnsel vm12, $0x0, v5;
	v7 =	vpop (erf);
	v10 =	vmul.f32 v10, v6  }
0x2e9: {  	v5 =	vnsel vm14, $0x1, v16;
	v24 =	vadd.f32 v24, v2;
	v22 =	vld.idx.msk [tilespmem:v22+s23+$0x0], $0xffff;
	v16 =	vmul.f32 v11, v7  }
0x2ea: {  	s14 =	simm.s32 $0x11020;
	v5 =	vcvt.s32.f32 v5;
	v11 =	vnsel vm15, $0x1, v18;
	v18 =	vadd.f32 v8, v23  }
0x2eb: {  	v17 =	vadd.f32 v17, v2;
	v8 =	vcvt.s32.f32 v11;
	[tilespmem:s14+$0xFFFFFFE0] =	vst v10;
	v24 =	vmax.f32 v24, $0.0e+00;
	v26 =	vpop (erf)  }
0x2ec: {  	v9 =	vadd.f32 v9, v18;
	v18 =	vld [tilespmem:s30+$0xFFFFFFE0];
	[tilespmem:s14+$0x0] =	vst v16;
	v27 =	vmul.f32 v5, v21;
	v23 =	vadd.f32 v26, v23  }
0x2ed: {  	v63 =	vmax.f32 v17, $0.0e+00;
	v17 =	vld [tilespmem:s30+$0x0];
	v21 =	vmul.f32 $1.442695020e+00, v24;
	v11 =	vpop (erf)  }
0x2ee: {  	v22 =	vmul.f32 v8, v22;
	v10 =	vadd.f32 v11, v23;
	v23 =	vadd.f32 v27, v0  }
0x2ef: {  	s20 =	simm.s32 $0x8;
	s24 =	simm.s32 $0x10BF0;
	s30 =	simm.s32 $0x10DE0;
	v24 =	vmul.f32 $1.442695020e+00, v63;
	v16 =	vmul.f32 v25, v26  }
.LBB2_13:
0x2f0: {  	v25 =	vld [tilespmem:s24+$0xFFFFFFD0];
	s19 =	sadd.s32 $0x40, s19;
	(erf) = vpow2.f32 v21;
	v21 =	vmax.f32 v23, $0.0e+00;
	v22 =	vadd.f32 v22, v0  }
0x2f1: {  	v23 =	vld [tilespmem:s24+$0xFFFFFFF0];
	[tilespmem:s19+$0xFFFFFFE0] =	vst v19;
	(erf) = vpow2.f32 v24;
	v24 =	vadd.s32 $0xFFFFFFFF, v18;
	v21 =	vmul.f32 $1.442695020e+00, v21  }
0x2f2: {  	v19 =	vld.idx.msk [tilespmem:v19+s23+$0x0], $0xffff;
	[tilespmem:s19+$0x0] =	vst v20;
	vm0 =	vgt.s32 v24, $0x0;
	v26 =	vadd.s32 $0xFFFFFFFF, v17;
	v22 =	vmax.f32 v22, $0.0e+00  }
0x2f3: {  	v20 =	vld.idx.msk [tilespmem:v20+s23+$0x0], $0xffff;
	v24 =	vnsel vm0, $0x0, v24;
	v22 =	vmul.f32 $1.442695020e+00, v22;
	(erf) = vpow2.f32 v21;
	[tilespmem:s10+$0xFFFFFFF0] =	vst v16  }
0x2f4: {  	vm1 =	vlt.s32 v14, $0x1;
	vm0 =	vlt.s32 v13, $0x1;
	vm2 =	vgt.s32 v26, $0x0  }
0x2f5: {  	v16 =	vnsel vm0, $0x1, v13;
	v21 =	vnsel vm2, $0x0, v26;
	(erf) = vpow2.f32 v22;
	v13 =	vmovc v25  }
0x2f6: {  	v11 =	vmul.f32 v1, v11;
	v1 =	vmovc v8;
	v16 =	vcvt.s32.f32 v16;
	v22 =	vnsel vm1, $0x1, v14;
	v14 =	vmovc v23  }
0x2f7: {  	v8 =	vadd.s32 $0xFFFFFFFF, v13;
	v22 =	vcvt.s32.f32 v22;
	[tilespmem:s13+$0xFFFFFFF0] =	vst v24  }
0x2f8: {  	vm0 =	vgt.s32 v8, $0x0;
	v23 =	vadd.s32 $0xFFFFFFFF, v14;
	v27 =	vmul.f32 v16, v19;
	v24 =	vld.idx.msk [tilespmem:v24+s23+$0x0], $0xffff;
	[tilespmem:s10+$0x10] =	vst v11;
	s10 =	smov.u32 s11;
	s11 =	smov.u32 s14  }
0x2f9: {  	v19 =	vnsel vm0, $0x0, v8;
	vm0 =	vgt.s32 v23, $0x0;
	v8 =	vmul.f32 v22, v20;
	v26 =	vpop (erf);
	[tilespmem:s13+$0x10] =	vst v21;
	s13 =	smov.u32 s30;
	s30 =	smov.u32 s19  }
0x2fa: {  	v20 =	vnsel vm0, $0x0, v23;
	v11 =	vadd.f32 v27, v2;
	vm0 =	vlt.s32 v18, $0x1;
	v25 =	vpop (erf);
	v27 =	vld.idx.msk [tilespmem:v21+s23+$0x0], $0xffff  }
0x2fb: {  	s20 =	sadd.s32 $0x2, s20;
	v21 =	vadd.f32 v8, v2;
	v8 =	vmul.f32 v12, v26;
	v18 =	vnsel vm0, $0x1, v18;
	v12 =	vmovc v16  }
0x2fc: {  	p1 =	slt.u32 s20, $0x12;
	s14 =	sadd.s32 $0x40, s14;
	vm0 =	vlt.s32 v17, $0x1;
	v16 =	vmul.f32 v15, v25;
	v28 =	vcvt.s32.f32 v18;
	v29 =	vpop (erf)  }
.Ltmp5:
0x2fd: {  	v23 =	vadd.f32 v4, v9;
	v15 =	vmovc v22;
	[tilespmem:s14+$0xFFFFFFE0] =	vst v8;
	v8 =	vnsel vm0, $0x1, v17;
	v10 =	vadd.f32 v29, v10;
	(pc) =	sbr.rel @p1 .LBB2_13-.Ltmp5, $4  }
0x2fe: {  	v22 =	vmax.f32 v11, $0.0e+00;
	v18 =	vld [tilespmem:s18+$0xFFFFFFE0];
	[tilespmem:s14+$0x0] =	vst v16;
	v16 =	vmul.f32 v28, v24;
	v8 =	vcvt.s32.f32 v8;
	v11 =	vpop (erf)  }
0x2ff: {  	v4 =	vmovc v6;
	v6 =	vmovc v26;
	v9 =	vadd.f32 v3, v23;
	v24 =	vmax.f32 v21, $0.0e+00;
	v17 =	vld [tilespmem:s18+$0x0];
	v10 =	vadd.f32 v11, v10;
	s18 =	smov.u32 s29;
	s29 =	smov.u32 s24  }
0x300: {  	v3 =	vmovc v7;
	v7 =	vmovc v25;
	v21 =	vmul.f32 $1.442695020e+00, v22;
	v23 =	vadd.f32 v16, v0;
	v22 =	vmul.f32 v8, v27  }
0x301: {  	s24 =	sadd.s32 $0x40, s24;
	v24 =	vmul.f32 $1.442695020e+00, v24;
	v16 =	vmul.f32 v5, v29;
	v5 =	vmov v28  }
0x302: {  	_ =	sdelay $0x1  }
0x303: {  	s20 =	sadd.s32 $0x40, s19  }
0x304: {  	[tilespmem:s20+$0xFFFFFFE0] =	vst v19  }
0x305: {  	v19 =	vld.idx.msk [tilespmem:v19+s23+$0x0], $0xffff  }
0x306: {  	vm0 =	vlt.s32 v13, $0x1;
	[tilespmem:s20+$0x0] =	vst v20  }
0x307: {  	v13 =	vnsel vm0, $0x1, v13;
	v20 =	vld.idx.msk [tilespmem:v20+s23+$0x0], $0xffff  }
0x308: {  	vm4 =	vlt.s32 v14, $0x1;
	v13 =	vcvt.s32.f32 v13  }
0x309: {  	v14 =	vnsel vm4, $0x1, v14  }
0x30a: {  	v14 =	vcvt.s32.f32 v14;
	v19 =	vmul.f32 v13, v19  }
0x30b: {  	(erf) = vpow2.f32 v21;
	v21 =	vadd.f32 v22, v0  }
0x30c: {  	v22 =	vmax.f32 v23, $0.0e+00;
	v20 =	vmul.f32 v14, v20;
	v19 =	vadd.f32 v19, v2  }
0x30d: {  	(erf) = vpow2.f32 v24;
	v22 =	vmul.f32 $1.442695020e+00, v22;
	v21 =	vmax.f32 v21, $0.0e+00  }
0x30e: {  	v21 =	vmul.f32 $1.442695020e+00, v21;
	v2 =	vadd.f32 v20, v2;
	v19 =	vmax.f32 v19, $0.0e+00  }
0x30f: {  	(erf) = vpow2.f32 v22;
	v19 =	vmul.f32 $1.442695020e+00, v19  }
0x310: {  	(erf) = vpow2.f32 v21;
	v2 =	vmax.f32 v2, $0.0e+00  }
0x311: {  	v2 =	vmul.f32 $1.442695020e+00, v2;
	(erf) = vpow2.f32 v19;
	_ =	sdelay $0x1  }
0x312: {  	(erf) = vpow2.f32 v2;
	_ =	sdelay $0x2  }
0x313: {  	v2 =	vpop (erf)  }
0x314: {  	v12 =	vmul.f32 v12, v2;
	v19 =	vpop (erf)  }
0x315: {  	s31 =	sadd.s32 $0x40, s14;
	v24 =	vadd.s32 $0xFFFFFFFF, v17;
	v21 =	vpop (erf)  }
0x316: {  	vm6 =	vgt.s32 v24, $0x0;
	[tilespmem:s31+$0xFFFFFFE0] =	vst v12;
	v12 =	vmul.f32 v15, v19;
	v22 =	vpop (erf)  }
0x317: {  	v24 =	vnsel vm6, $0x0, v24;
	v23 =	vpop (erf)  }
0x318: {  	v20 =	vadd.s32 $0xFFFFFFFF, v18;
	v15 =	vld [tilespmem:s18+$0xFFFFFFE0];
	[tilespmem:s31+$0x0] =	vst v12;
	v12 =	vmul.f32 v13, v23  }
0x319: {  	s24 =	sadd.s32 $0x40, s31;
	vm5 =	vgt.s32 v20, $0x0;
	v13 =	vld [tilespmem:s18+$0x0];
	v25 =	vpop (erf)  }
0x31a: {  	v20 =	vnsel vm5, $0x0, v20;
	v14 =	vmul.f32 v14, v25;
	[tilespmem:s24+$0xFFFFFFE0] =	vst v12  }
0x31b: {  	[tilespmem:s13+$0x10] =	vst v24;
	v26 =	vld [tilespmem:s29+$0xFFFFFFE0]  }
0x31c: {  	v24 =	vld.idx.msk [tilespmem:v24+s23+$0x0], $0xffff;
	[tilespmem:s24+$0x0] =	vst v14  }
0x31d: {  	vm9 =	vlt.s32 v17, $0x1;
	v12 =	vadd.s32 $0xFFFFFFFF, v15;
	v14 =	vld [tilespmem:s29+$0x0]  }
0x31e: {  	v17 =	vnsel vm9, $0x1, v17;
	[tilespmem:s13+$0xFFFFFFF0] =	vst v20;
	vm7 =	vgt.s32 v12, $0x0;
	v27 =	vadd.s32 $0xFFFFFFFF, v13  }
0x31f: {  	v17 =	vcvt.s32.f32 v17;
	v20 =	vld.idx.msk [tilespmem:v20+s23+$0x0], $0xffff;
	v12 =	vnsel vm7, $0x0, v12;
	vm8 =	vgt.s32 v27, $0x0  }
0x320: {  	vm1 =	vlt.s32 v18, $0x1;
	v27 =	vnsel vm8, $0x0, v27;
	v28 =	vadd.s32 $0xFFFFFFFF, v26  }
0x321: {  	v18 =	vnsel vm1, $0x1, v18;
	v24 =	vmul.f32 v17, v24;
	vm10 =	vgt.s32 v28, $0x0  }
0x322: {  	v18 =	vcvt.s32.f32 v18;
	v29 =	vadd.s32 $0xFFFFFFFF, v14;
	v28 =	vnsel vm10, $0x0, v28  }
0x323: {  	v24 =	vadd.f32 v24, v0;
	[tilespmem:s30+$0xFFFFFFF0] =	vst v12;
	vm12 =	vgt.s32 v29, $0x0  }
0x324: {  	v20 =	vmul.f32 v18, v20;
	[tilespmem:s30+$0x10] =	vst v27;
	v12 =	vld.idx.msk [tilespmem:v12+s23+$0x0], $0xffff;
	v29 =	vnsel vm12, $0x0, v29  }
0x325: {  	v24 =	vmax.f32 v24, $0.0e+00;
	vm11 =	vlt.s32 v15, $0x1;
	v27 =	vld.idx.msk [tilespmem:v27+s23+$0x0], $0xffff  }
0x326: {  	v20 =	vadd.f32 v20, v0;
	v15 =	vnsel vm11, $0x1, v15;
	vm13 =	vlt.s32 v13, $0x1;
	[tilespmem:s20+$0xFFFFFFF0] =	vst v28  }
0x327: {  	v24 =	vmul.f32 $1.442695020e+00, v24;
	v15 =	vcvt.s32.f32 v15;
	v13 =	vnsel vm13, $0x1, v13;
	v28 =	vld.idx.msk [tilespmem:v28+s23+$0x0], $0xffff  }
0x328: {  	v20 =	vmax.f32 v20, $0.0e+00;
	v13 =	vcvt.s32.f32 v13;
	vm14 =	vlt.s32 v26, $0x1;
	[tilespmem:s20+$0x10] =	vst v29  }
0x329: {  	v20 =	vmul.f32 $1.442695020e+00, v20;
	v26 =	vnsel vm14, $0x1, v26;
	v12 =	vmul.f32 v15, v12;
	v29 =	vld.idx.msk [tilespmem:v29+s23+$0x0], $0xffff  }
0x32a: {  	vm15 =	vlt.s32 v14, $0x1;
	v26 =	vcvt.s32.f32 v26;
	v27 =	vmul.f32 v13, v27  }
0x32b: {  	(erf) = vpow2.f32 v20;
	v14 =	vnsel vm15, $0x1, v14;
	v12 =	vadd.f32 v12, v0  }
0x32c: {  	v14 =	vcvt.s32.f32 v14;
	v20 =	vadd.f32 v27, v0;
	v27 =	vmul.f32 v26, v28  }
0x32d: {  	(erf) = vpow2.f32 v24;
	v12 =	vmax.f32 v12, $0.0e+00  }
0x32e: {  	v12 =	vmul.f32 $1.442695020e+00, v12;
	v24 =	vadd.f32 v27, v0;
	v27 =	vmul.f32 v14, v29  }
0x32f: {  	v4 =	vadd.f32 v4, v9;
	v20 =	vmax.f32 v20, $0.0e+00  }
0x330: {  	(erf) = vpow2.f32 v12;
	v9 =	vmax.f32 v24, $0.0e+00;
	v0 =	vadd.f32 v27, v0  }
0x331: {  	v20 =	vmul.f32 $1.442695020e+00, v20;
	v9 =	vmul.f32 $1.442695020e+00, v9  }
0x332: {  	v10 =	vadd.f32 v21, v10;
	v0 =	vmax.f32 v0, $0.0e+00  }
0x333: {  	(erf) = vpow2.f32 v20;
	v0 =	vmul.f32 $1.442695020e+00, v0  }
0x334: {  	v3 =	vadd.f32 v3, v4;
	v4 =	vadd.f32 v22, v10  }
0x335: {  	(erf) = vpow2.f32 v9;
	v9 =	vpop (erf)  }
0x336: {  	v3 =	vadd.f32 v6, v3;
	v4 =	vadd.f32 v9, v4  }
0x337: {  	(erf) = vpow2.f32 v0;
	v0 =	vpop (erf)  }
0x338: {  	v3 =	vadd.f32 v7, v3;
	v4 =	vadd.f32 v0, v4;
	_ =	sdelay $0x1  }
0x339: {  	v2 =	vadd.f32 v2, v3;
	v6 =	vpop (erf)  }
0x33a: {  	v3 =	vadd.f32 v6, v4  }
0x33b: {  	v2 =	vadd.f32 v19, v2;
	v4 =	vpop (erf)  }
0x33c: {  	v3 =	vadd.f32 v4, v3  }
0x33d: {  	v2 =	vadd.f32 v23, v2;
	v7 =	vpop (erf)  }
0x33e: {  	v3 =	vadd.f32 v7, v3  }
0x33f: {  	v2 =	vadd.f32 v25, v2;
	v10 =	vpop (erf)  }
0x340: {  	v1 =	vmul.f32 v1, v11;
	v3 =	vadd.f32 v10, v3  }
0x341: {  	(erf) = vrcp.f32 v2  }
0x342: {  	[tilespmem:s10+$0x10] =	vst v1;
	v1 =	vmul.f32 v8, v22;
	(erf) = vrcp.f32 v3  }
0x343: {  	[tilespmem:s10+$0xFFFFFFF0] =	vst v16;
	v0 =	vmul.f32 v17, v0  }
0x344: {  	[tilespmem:s11+$0x10] =	vst v1;
	v1 =	vmul.f32 v15, v6  }
0x345: {  	[tilespmem:s14+$0x10] =	vst v0;
	v0 =	vmul.f32 v13, v4  }
0x346: {  	[tilespmem:s31+$0xFFFFFFF0] =	vst v1;
	v2 =	vmul.f32 v5, v21;
	v1 =	vmul.f32 v26, v7  }
0x347: {  	[tilespmem:s31+$0x10] =	vst v0;
	v0 =	vmul.f32 v14, v10  }
0x348: {  	[tilespmem:s11+$0xFFFFFFF0] =	vst v2  }
0x349: {  	v2 =	vmul.f32 v18, v9;
	[tilespmem:s24+$0xFFFFFFF0] =	vst v1  }
0x34a: {  	[tilespmem:s24+$0x10] =	vst v0;
	v1 =	vpop (erf)  }
0x34b: {  	s10 =	simm.s32 @!p0 $0x6;
	[tilespmem:s14+$0xFFFFFFF0] =	vst v2;
	v0 =	vpop (erf)  }
0x34c: {  	_ =	swait.ge @!p0 [sflag:s10], $0x400  }
0x34d: {  	[sflag:s10] =	ssyncset.done @!p0 $0x0  }
0x34e: {  	s30 =	simm.s32 $0x10D20;
	[sflag:s10] =	ssyncadd.s32 @!p0 $0xFFFFFC00  }
0x34f: {  	v2 =	vld [tilespmem:s30+$0xFFFFFFE0]  }
0x350: {  	v4 =	vld [tilespmem:s30+$0x0];
	_ =	sdelay $0x2  }
0x351: {  	s31 =	simm.s32 $0x10FA0  }
0x352: {  	v12 =	vld [tilespmem:s31+$0x0];
	v3 =	vadd.s32 $0x800, v2  }
0x353: {  	s10 =	simm.s32 $0x10D60;
	v8 =	vld [tilespmem:s31+$0xFFFFFFE0];
	v5 =	vadd.s32 $0x1800, v2  }
0x354: {  	v35 =	vld [tilespmem:s10+$0xFFFFFFE0];
	v6 =	vadd.s32 $0x2000, v2  }
0x355: {  	v9 =	vadd.s32 $0x5000, v2;
	v7 =	vld.idx.msk [tilespmem:v2+s2+$0x0], $0xffff  }
0x356: {  	v10 =	vadd.s32 $0x4000, v4;
	v13 =	vld.idx.msk [tilespmem:v4+s2+$0x0], $0xffff  }
0x357: {  	v11 =	vadd.s32 $0x2800, v4;
	v3 =	vld.idx.msk [tilespmem:v3+s2+$0x0], $0xffff  }
0x358: {  	v14 =	vadd.s32 $0x7800, v2;
	v5 =	vld.idx.msk [tilespmem:v5+s2+$0x0], $0xffff  }
0x359: {  	v15 =	vadd.s32 $0x2000, v4;
	v6 =	vld.idx.msk [tilespmem:v6+s2+$0x0], $0xffff  }
0x35a: {  	v16 =	vadd.s32 $0x6000, v4;
	v9 =	vld.idx.msk [tilespmem:v9+s2+$0x0], $0xffff  }
0x35b: {  	v17 =	vadd.s32 $0x800, v4;
	v10 =	vld.idx.msk [tilespmem:v10+s2+$0x0], $0xffff  }
0x35c: {  	v20 =	vadd.s32 $0x4800, v2;
	v11 =	vld.idx.msk [tilespmem:v11+s2+$0x0], $0xffff  }
0x35d: {  	v21 =	vadd.s32 $0x5800, v2;
	v14 =	vld.idx.msk [tilespmem:v14+s2+$0x0], $0xffff  }
0x35e: {  	v22 =	vimm.f32 $0.0e+00;
	v18 =	vadd.s32 $0x6800, v2;
	v15 =	vld.idx.msk [tilespmem:v15+s2+$0x0], $0xffff  }
0x35f: {  	v19 =	vadd.s32 $0x6000, v2;
	v23 =	vadd.s32 $0x1000, v2;
	v33 =	vadd.s32 $0x7800, v4;
	v16 =	vld.idx.msk [tilespmem:v16+s2+$0x0], $0xffff  }
0x360: {  	v24 =	vadd.s32 $0x2800, v2;
	v25 =	vadd.s32 $0x7000, v2;
	v26 =	vadd.s32 $0x3800, v2;
	v17 =	vld.idx.msk [tilespmem:v17+s2+$0x0], $0xffff  }
0x361: {  	v27 =	vadd.s32 $0x3000, v2;
	v28 =	vadd.s32 $0x1000, v4;
	v30 =	vadd.s32 $0x3800, v4;
	v20 =	vld.idx.msk [tilespmem:v20+s2+$0x0], $0xffff  }
0x362: {  	v29 =	vadd.s32 $0x5800, v4;
	v39 =	vadd.s32 $0x2000, v35;
	v49 =	vadd.s32 $0x5000, v35;
	v21 =	vld.idx.msk [tilespmem:v21+s2+$0x0], $0xffff  }
0x363: {  	v2 =	vadd.s32 $0x4000, v2;
	v18 =	vld.idx.msk [tilespmem:v18+s2+$0x0], $0xffff;
	v7 =	vmul.f32 v7, v8;
	v13 =	vmul.f32 v13, v12  }
0x364: {  	v36 =	vadd.s32 $0x6000, v35;
	v33 =	vld.idx.msk [tilespmem:v33+s2+$0x0], $0xffff;
	v3 =	vmul.f32 v3, v8;
	v14 =	vmul.f32 v14, v8  }
0x365: {  	v53 =	vadd.s32 $0x7800, v35;
	v19 =	vld.idx.msk [tilespmem:v19+s2+$0x0], $0xffff;
	v9 =	vmul.f32 v9, v8;
	v32 =	vmul.f32 v11, v12  }
0x366: {  	v30 =	vld.idx.msk [tilespmem:v30+s2+$0x0], $0xffff;
	v7 =	vadd.f32 v7, v22;
	v5 =	vmul.f32 v5, v8;
	v20 =	vmul.f32 v20, v8  }
0x367: {  	v11 =	vld.idx.msk [tilespmem:v26+s2+$0x0], $0xffff;
	v6 =	vmul.f32 v6, v8;
	v26 =	vadd.s32 $0x6800, v4;
	v21 =	vmul.f32 v21, v8  }
0x368: {  	v2 =	vld.idx.msk [tilespmem:v2+s2+$0x0], $0xffff;
	v15 =	vmul.f32 v15, v12;
	v16 =	vmul.f32 v16, v12;
	v31 =	vadd.f32 v3, v22  }
0x369: {  	v34 =	vmul.f32 v33, v12;
	v13 =	vadd.f32 v13, v7;
	v7 =	vld.idx.msk [tilespmem:v23+s2+$0x0], $0xffff;
	v3 =	vadd.f32 v14, v22  }
0x36a: {  	v14 =	vmul.f32 v17, v12;
	v23 =	vadd.s32 $0x3000, v4;
	v41 =	vadd.f32 v9, v22;
	v9 =	vld.idx.msk [tilespmem:v25+s2+$0x0], $0xffff  }
0x36b: {  	v17 =	vmul.f32 v18, v8;
	v45 =	vadd.f32 v5, v22;
	v5 =	vld.idx.msk [tilespmem:v24+s2+$0x0], $0xffff;
	v24 =	vadd.s32 $0x5000, v4  }
0x36c: {  	v25 =	vmul.f32 v10, v12;
	v10 =	vld.idx.msk [tilespmem:v27+s2+$0x0], $0xffff;
	v18 =	vadd.s32 $0x4800, v4;
	v27 =	vadd.s32 $0x1800, v4  }
0x36d: {  	v42 =	vld.idx.msk [tilespmem:v35+s2+$0x0], $0xffff;
	v14 =	vadd.f32 v14, v31;
	v31 =	vadd.s32 $0x7000, v4;
	v4 =	vadd.f32 v6, v22  }
0x36e: {  	v38 =	vadd.s32 $0x4800, v35;
	v28 =	vld.idx.msk [tilespmem:v28+s2+$0x0], $0xffff;
	v63 =	vmul.f32 v30, v12;
	v2 =	vmul.f32 v2, v8  }
0x36f: {  	v6 =	vld.idx.msk [tilespmem:v29+s2+$0x0], $0xffff;
	v29 =	vadd.f32 v17, v22;
	v11 =	vmul.f32 v11, v8;
	v4 =	vadd.f32 v15, v4  }
0x370: {  	v15 =	vmul.f32 v19, v8;
	v19 =	vadd.f32 v20, v22;
	v7 =	vmul.f32 v7, v8;
	v24 =	vld.idx.msk [tilespmem:v24+s2+$0x0], $0xffff  }
0x371: {  	v18 =	vld.idx.msk [tilespmem:v18+s2+$0x0], $0xffff;
	v9 =	vmul.f32 v9, v8;
	v46 =	vadd.f32 v11, v22;
	v5 =	vmul.f32 v5, v8  }
0x372: {  	v10 =	vmul.f32 v10, v8;
	v11 =	vld.idx.msk [tilespmem:v26+s2+$0x0], $0xffff;
	v8 =	vadd.f32 v21, v22;
	v7 =	vadd.f32 v7, v22  }
0x373: {  	v20 =	vadd.s32 $0x7000, v35;
	v43 =	vadd.f32 v9, v22;
	v44 =	vadd.f32 v5, v22;
	v9 =	vld [tilespmem:s10+$0x0]  }
0x374: {  	v23 =	vld.idx.msk [tilespmem:v23+s2+$0x0], $0xffff;
	v5 =	vadd.f32 v15, v22;
	v15 =	vmul.f32 v28, v12;
	v6 =	vmul.f32 v6, v12  }
0x375: {  	v31 =	vld.idx.msk [tilespmem:v31+s2+$0x0], $0xffff;
	v28 =	vadd.f32 v2, v22;
	v47 =	vmul.f32 v24, v12;
	v24 =	vadd.s32 $0x800, v35  }
0x376: {  	v21 =	vadd.s32 $0x1000, v35;
	v17 =	vadd.f32 v10, v22;
	v10 =	vadd.f32 v15, v7;
	v15 =	vld.idx.msk [tilespmem:v27+s2+$0x0], $0xffff  }
0x377: {  	s11 =	simm.s32 $0x10FE0;
	v6 =	vadd.f32 v6, v8;
	v8 =	vadd.f32 v25, v28;
	v28 =	vld.idx.msk [tilespmem:v39+s2+$0x0], $0xffff;
	v2 =	vmul.f32 v18, v12  }
0x378: {  	v26 =	vadd.s32 $0x3800, v35;
	v27 =	vadd.s32 $0x1800, v35;
	v40 =	vmul.f32 v11, v12;
	v11 =	vld [tilespmem:s11+$0xFFFFFFE0]  }
0x379: {  	v22 =	vadd.s32 $0x3000, v35;
	v7 =	vadd.f32 v2, v19;
	v2 =	vld [tilespmem:s11+$0x0];
	v50 =	vadd.s32 $0x4000, v9  }
0x37a: {  	v5 =	vadd.f32 v16, v5;
	v16 =	vadd.s32 $0x2800, v35;
	v48 =	vadd.s32 $0x2800, v9;
	v25 =	vld.idx.msk [tilespmem:v24+s2+$0x0], $0xffff  }
0x37b: {  	v39 =	vadd.s32 $0x5800, v35;
	v18 =	vadd.s32 $0x4000, v35;
	v52 =	vadd.s32 $0x2000, v9;
	v51 =	vld.idx.msk [tilespmem:v9+s2+$0x0], $0xffff  }
0x37c: {  	v37 =	vmul.f32 v23, v12;
	v31 =	vmul.f32 v31, v12;
	v23 =	vadd.f32 v40, v29;
	v40 =	vld.idx.msk [tilespmem:v49+s2+$0x0], $0xffff  }
0x37d: {  	v54 =	vadd.s32 $0x6000, v9;
	v33 =	vld.idx.msk [tilespmem:v27+s2+$0x0], $0xffff;
	v61 =	vmul.f32 v15, v12;
	v27 =	vmul.f32 v42, v11  }
0x37e: {  	v15 =	vadd.f32 v32, v44;
	v44 =	vadd.s32 $0x800, v9;
	v42 =	vadd.s32 $0x6800, v35;
	v35 =	vld.idx.msk [tilespmem:v50+s2+$0x0], $0xffff  }
0x37f: {  	v19 =	vadd.s32 $0x1000, v9;
	v62 =	vadd.f32 v27, v13;
	v27 =	vld.idx.msk [tilespmem:v48+s2+$0x0], $0xffff;
	v13 =	vmul.f32 v25, v11  }
0x380: {  	v29 =	vadd.f32 v47, v41;
	v32 =	vld.idx.msk [tilespmem:v52+s2+$0x0], $0xffff;
	v25 =	vadd.f32 v31, v43;
	v31 =	vmul.f32 v51, v2  }
0x381: {  	v24 =	vadd.s32 $0x5800, v9;
	v30 =	vadd.f32 v61, v45;
	v43 =	vld.idx.msk [tilespmem:v53+s2+$0x0], $0xffff;
	v41 =	vadd.f32 v13, v14  }
0x382: {  	s13 =	simm.s32 $0x2;
	v13 =	vadd.s32 $0x3800, v9;
	v12 =	vadd.f32 v31, v62;
	v14 =	vld.idx.msk [tilespmem:v54+s2+$0x0], $0xffff;
	v31 =	vadd.f32 v63, v46  }
.LBB2_15:
0x383: {  	s13 =	sadd.s32 $0x2, s13;
	v44 =	vld.idx.msk [tilespmem:v44+s2+$0x0], $0xffff;
	s11 =	sadd.s32 $0x40, s11;
	s10 =	sadd.s32 $0x40, s10;
	v17 =	vadd.f32 v37, v17;
	v3 =	vadd.f32 v34, v3  }
0x384: {  	p0 =	slt.u32 s13, $0x12;
	v34 =	vld.idx.msk [tilespmem:v42+s2+$0x0], $0xffff  }
0x385: {  	v27 =	vmul.f32 v27, v2;
	v36 =	vld.idx.msk [tilespmem:v36+s2+$0x0], $0xffff  }
0x386: {  	v37 =	vld.idx.msk [tilespmem:v38+s2+$0x0], $0xffff;
	v38 =	vmul.f32 v43, v11  }
0x387: {  	v39 =	vld.idx.msk [tilespmem:v39+s2+$0x0], $0xffff  }
0x388: {  	v40 =	vmul.f32 v40, v11;
	v21 =	vld.idx.msk [tilespmem:v21+s2+$0x0], $0xffff;
	v3 =	vadd.f32 v38, v3  }
0x389: {  	v33 =	vmul.f32 v33, v11;
	v42 =	vadd.s32 $0x3000, v9;
	v38 =	vmul.f32 v44, v2;
	v26 =	vld.idx.msk [tilespmem:v26+s2+$0x0], $0xffff  }
0x38a: {  	v35 =	vmul.f32 v35, v2;
	v29 =	vadd.f32 v40, v29;
	v34 =	vmul.f32 v34, v11;
	v20 =	vld.idx.msk [tilespmem:v20+s2+$0x0], $0xffff  }
0x38b: {  	v30 =	vadd.f32 v33, v30;
	v33 =	vadd.s32 $0x4800, v9;
	v41 =	vadd.f32 v38, v41;
	v22 =	vld.idx.msk [tilespmem:v22+s2+$0x0], $0xffff  }
0x38c: {  	v40 =	vadd.s32 $0x5000, v9;
	v38 =	vadd.s32 $0x1800, v9;
	v37 =	vmul.f32 v37, v11;
	v16 =	vld.idx.msk [tilespmem:v16+s2+$0x0], $0xffff  }
0x38d: {  	v28 =	vmul.f32 v28, v11;
	v43 =	vadd.s32 $0x6800, v9;
	v39 =	vmul.f32 v39, v11;
	v18 =	vld.idx.msk [tilespmem:v18+s2+$0x0], $0xffff  }
0x38e: {  	v45 =	vadd.s32 $0x7800, v9;
	v44 =	vadd.s32 $0x7000, v9;
	v21 =	vmul.f32 v21, v11;
	v19 =	vld.idx.msk [tilespmem:v19+s2+$0x0], $0xffff  }
0x38f: {  	v4 =	vadd.f32 v28, v4;
	v9 =	vmul.f32 v26, v11;
	v26 =	vmul.f32 v32, v2;
	v24 =	vld.idx.msk [tilespmem:v24+s2+$0x0], $0xffff  }
0x390: {  	v23 =	vadd.f32 v34, v23;
	v10 =	vadd.f32 v21, v10;
	v20 =	vmul.f32 v20, v11;
	v21 =	vld.idx.msk [tilespmem:v33+s2+$0x0], $0xffff  }
0x391: {  	v22 =	vmul.f32 v22, v11;
	v31 =	vadd.f32 v9, v31;
	v4 =	vadd.f32 v26, v4;
	v26 =	vld.idx.msk [tilespmem:v40+s2+$0x0], $0xffff  }
0x392: {  	v9 =	vmul.f32 v16, v11;
	v16 =	vmul.f32 v36, v11;
	v25 =	vadd.f32 v20, v25;
	v20 =	vld.idx.msk [tilespmem:v43+s2+$0x0], $0xffff  }
0x393: {  	v7 =	vadd.f32 v37, v7;
	v6 =	vadd.f32 v39, v6;
	v11 =	vmul.f32 v18, v11;
	v32 =	vld [tilespmem:s10+$0xFFFFFFE0]  }
0x394: {  	v15 =	vadd.f32 v9, v15;
	v5 =	vadd.f32 v16, v5;
	v16 =	vmul.f32 v19, v2;
	v18 =	vld.idx.msk [tilespmem:v44+s2+$0x0], $0xffff  }
0x395: {  	v14 =	vmul.f32 v14, v2;
	v17 =	vadd.f32 v22, v17;
	v19 =	vmul.f32 v24, v2;
	v9 =	vld [tilespmem:s10+$0x0]  }
0x396: {  	v8 =	vadd.f32 v11, v8;
	v10 =	vadd.f32 v16, v10;
	v11 =	vmul.f32 v21, v2;
	v24 =	vld.idx.msk [tilespmem:v45+s2+$0x0], $0xffff  }
0x397: {  	v5 =	vadd.f32 v14, v5;
	v45 =	vmul.f32 v26, v2;
	v6 =	vadd.f32 v19, v6;
	v43 =	vld.idx.msk [tilespmem:v38+s2+$0x0], $0xffff  }
0x398: {  	v7 =	vadd.f32 v11, v7;
	v14 =	vadd.s32 $0x800, v32;
	v21 =	vadd.s32 $0x1000, v32;
	v28 =	vld.idx.msk [tilespmem:v42+s2+$0x0], $0xffff  }
0x399: {  	v40 =	vmul.f32 v20, v2;
	v33 =	vadd.s32 $0x1800, v32;
	v39 =	vadd.s32 $0x2000, v32;
	v46 =	vld [tilespmem:s11+$0x0]  }
0x39a: {  	v16 =	vadd.s32 $0x2800, v32;
	v20 =	vadd.s32 $0x7000, v32;
	v47 =	vadd.s32 $0x2800, v9;
	v48 =	vld.idx.msk [tilespmem:v13+s2+$0x0], $0xffff  }
0x39b: {  	v22 =	vadd.s32 $0x3000, v32;
	v26 =	vadd.s32 $0x3800, v32;
	v49 =	vmul.f32 v18, v2;
	v13 =	vld.idx.msk [tilespmem:v32+s2+$0x0], $0xffff  }
0x39c: {  	v8 =	vadd.f32 v35, v8;
	v42 =	vadd.s32 $0x5000, v32;
	v18 =	vadd.s32 $0x4000, v32;
	v11 =	vld [tilespmem:s11+$0xFFFFFFE0]  }
0x39d: {  	v19 =	vadd.s32 $0x1000, v9;
	v35 =	vadd.s32 $0x4000, v9;
	v34 =	vmul.f32 v24, v2;
	v14 =	vld.idx.msk [tilespmem:v14+s2+$0x0], $0xffff  }
0x39e: {  	v36 =	vadd.s32 $0x6000, v32;
	v51 =	vadd.s32 $0x2000, v9;
	v37 =	vmul.f32 v28, v2;
	v50 =	vld.idx.msk [tilespmem:v9+s2+$0x0], $0xffff  }
0x39f: {  	v38 =	vadd.s32 $0x4800, v32;
	v52 =	vadd.s32 $0x7800, v32;
	v24 =	vadd.s32 $0x5800, v9;
	v33 =	vld.idx.msk [tilespmem:v33+s2+$0x0], $0xffff  }
0x3a0: {  	v23 =	vadd.f32 v40, v23;
	v53 =	vadd.s32 $0x6000, v9;
	v28 =	vld.idx.msk [tilespmem:v39+s2+$0x0], $0xffff;
	v39 =	vadd.s32 $0x5800, v32  }
0x3a1: {  	v55 =	vmul.f32 v43, v2;
	v54 =	vmul.f32 v13, v11;
	v40 =	vld.idx.msk [tilespmem:v42+s2+$0x0], $0xffff;
	v42 =	vadd.s32 $0x6800, v32  }
.Ltmp6:
0x3a2: {  	v15 =	vadd.f32 v27, v15;
	v44 =	vadd.s32 $0x800, v9;
	v13 =	vadd.s32 $0x3800, v9;
	v35 =	vld.idx.msk [tilespmem:v35+s2+$0x0], $0xffff;
	(pc) =	sbr.rel @p0 .LBB2_15-.Ltmp6, $4  }
0x3a3: {  	v25 =	vadd.f32 v49, v25;
	v14 =	vmul.f32 v14, v11;
	v12 =	vadd.f32 v54, v12;
	v27 =	vld.idx.msk [tilespmem:v47+s2+$0x0], $0xffff  }
0x3a4: {  	v29 =	vadd.f32 v45, v29;
	v48 =	vmul.f32 v48, v2;
	v47 =	vmul.f32 v50, v46;
	v43 =	vld.idx.msk [tilespmem:v52+s2+$0x0], $0xffff  }
0x3a5: {  	v30 =	vadd.f32 v55, v30;
	v2 =	vmov v46;
	v41 =	vadd.f32 v14, v41;
	v32 =	vld.idx.msk [tilespmem:v51+s2+$0x0], $0xffff  }
0x3a6: {  	v31 =	vadd.f32 v48, v31;
	v12 =	vadd.f32 v47, v12;
	v14 =	vld.idx.msk [tilespmem:v53+s2+$0x0], $0xffff  }
0x3a7: {  	_ =	sdelay $0x3  }
0x3a8: {  	v44 =	vld.idx.msk [tilespmem:v44+s2+$0x0], $0xffff  }
0x3a9: {  	v42 =	vld.idx.msk [tilespmem:v42+s2+$0x0], $0xffff  }
0x3aa: {  	v36 =	vld.idx.msk [tilespmem:v36+s2+$0x0], $0xffff  }
0x3ab: {  	v38 =	vld.idx.msk [tilespmem:v38+s2+$0x0], $0xffff  }
0x3ac: {  	v39 =	vld.idx.msk [tilespmem:v39+s2+$0x0], $0xffff  }
0x3ad: {  	v21 =	vld.idx.msk [tilespmem:v21+s2+$0x0], $0xffff  }
0x3ae: {  	v3 =	vadd.f32 v34, v3;
	v17 =	vadd.f32 v37, v17;
	v51 =	vmul.f32 v40, v11;
	v26 =	vld.idx.msk [tilespmem:v26+s2+$0x0], $0xffff  }
0x3af: {  	v33 =	vmul.f32 v33, v11;
	v20 =	vld.idx.msk [tilespmem:v20+s2+$0x0], $0xffff;
	v53 =	vadd.s32 $0x3000, v9;
	v54 =	vadd.s32 $0x1800, v9  }
0x3b0: {  	v22 =	vld.idx.msk [tilespmem:v22+s2+$0x0], $0xffff;
	v55 =	vadd.s32 $0x4800, v9;
	v57 =	vadd.s32 $0x5000, v9;
	v28 =	vmul.f32 v28, v11  }
0x3b1: {  	v16 =	vld.idx.msk [tilespmem:v16+s2+$0x0], $0xffff;
	v58 =	vadd.s32 $0x6800, v9;
	v59 =	vadd.s32 $0x7000, v9;
	v50 =	vmul.f32 v43, v11  }
0x3b2: {  	v18 =	vld.idx.msk [tilespmem:v18+s2+$0x0], $0xffff;
	v9 =	vadd.s32 $0x7800, v9;
	v32 =	vmul.f32 v32, v2;
	v52 =	vmul.f32 v44, v2  }
0x3b3: {  	v19 =	vld.idx.msk [tilespmem:v19+s2+$0x0], $0xffff;
	v29 =	vadd.f32 v51, v29;
	v42 =	vmul.f32 v42, v11;
	v56 =	vmul.f32 v38, v11  }
0x3b4: {  	v24 =	vld.idx.msk [tilespmem:v24+s2+$0x0], $0xffff;
	v30 =	vadd.f32 v33, v30;
	v39 =	vmul.f32 v39, v11;
	v21 =	vmul.f32 v21, v11  }
0x3b5: {  	v13 =	vld.idx.msk [tilespmem:v13+s2+$0x0], $0xffff;
	v4 =	vadd.f32 v28, v4;
	v26 =	vmul.f32 v26, v11;
	v20 =	vmul.f32 v20, v11  }
0x3b6: {  	v3 =	vadd.f32 v50, v3;
	v28 =	vld.idx.msk [tilespmem:v54+s2+$0x0], $0xffff;
	v22 =	vmul.f32 v22, v11;
	v16 =	vmul.f32 v16, v11  }
0x3b7: {  	v4 =	vadd.f32 v32, v4;
	v60 =	vmul.f32 v36, v11;
	v61 =	vld.idx.msk [tilespmem:v53+s2+$0x0], $0xffff;
	v11 =	vmul.f32 v18, v11  }
0x3b8: {  	v18 =	vmul.f32 v19, v2;
	v19 =	vld.idx.msk [tilespmem:v58+s2+$0x0], $0xffff;
	v34 =	vadd.f32 v52, v41;
	v10 =	vadd.f32 v21, v10  }
0x3b9: {  	v35 =	vmul.f32 v35, v2;
	v9 =	vld.idx.msk [tilespmem:v9+s2+$0x0], $0xffff;
	v21 =	vadd.f32 v42, v23;
	v26 =	vadd.f32 v26, v31  }
0x3ba: {  	v27 =	vmul.f32 v27, v2;
	v23 =	vld.idx.msk [tilespmem:v55+s2+$0x0], $0xffff;
	v20 =	vadd.f32 v20, v25;
	v7 =	vadd.f32 v56, v7  }
0x3bb: {  	v12 =	vmul.f32 v12, v1;
	v31 =	vld.idx.msk [tilespmem:v57+s2+$0x0], $0xffff;
	v6 =	vadd.f32 v39, v6;
	v15 =	vadd.f32 v16, v15  }
0x3bc: {  	v13 =	vmul.f32 v13, v2;
	v16 =	vld.idx.msk [tilespmem:v59+s2+$0x0], $0xffff;
	v5 =	vadd.f32 v60, v5;
	v10 =	vadd.f32 v18, v10  }
0x3bd: {  	[tilespmem:$0x11640] =	vst v12;
	v4 =	vmul.f32 v4, v1;
	v12 =	vadd.f32 v27, v15;
	v25 =	vmul.f32 v28, v2  }
0x3be: {  	v17 =	vadd.f32 v22, v17;
	v22 =	vmul.f32 v61, v2;
	v10 =	vmul.f32 v10, v1  }
0x3bf: {  	v8 =	vadd.f32 v11, v8;
	[tilespmem:$0x116C0] =	vst v4;
	v12 =	vmul.f32 v12, v1;
	v18 =	vadd.f32 v25, v30  }
0x3c0: {  	v25 =	vmul.f32 v34, v1;
	v11 =	vadd.f32 v22, v17;
	[tilespmem:$0x11680] =	vst v10;
	v10 =	vmul.f32 v23, v2  }
0x3c1: {  	v13 =	vadd.f32 v13, v26;
	[tilespmem:$0x116E0] =	vst v12;
	v12 =	vmul.f32 v14, v2;
	v15 =	vmul.f32 v18, v1  }
0x3c2: {  	v8 =	vadd.f32 v35, v8;
	[tilespmem:$0x11660] =	vst v25;
	v4 =	vmul.f32 v11, v1;
	v11 =	vmul.f32 v24, v2  }
0x3c3: {  	v7 =	vadd.f32 v10, v7;
	v10 =	vmul.f32 v13, v1;
	[tilespmem:$0x116A0] =	vst v15;
	v15 =	vmul.f32 v31, v2  }
0x3c4: {  	[tilespmem:$0x11700] =	vst v4;
	v4 =	vmul.f32 v8, v1;
	v6 =	vadd.f32 v11, v6;
	v8 =	vmul.f32 v19, v2  }
0x3c5: {  	[tilespmem:$0x11720] =	vst v10;
	v7 =	vmul.f32 v7, v1;
	v10 =	vmul.f32 v16, v2;
	v13 =	vadd.f32 v15, v29  }
0x3c6: {  	v2 =	vmul.f32 v9, v2;
	[tilespmem:$0x11740] =	vst v4;
	v8 =	vadd.f32 v8, v21;
	v6 =	vmul.f32 v6, v1  }
0x3c7: {  	v5 =	vadd.f32 v12, v5;
	[tilespmem:$0x11760] =	vst v7;
	v4 =	vmul.f32 v13, v1  }
0x3c8: {  	v2 =	vadd.f32 v2, v3;
	[tilespmem:$0x117A0] =	vst v6;
	v3 =	vmul.f32 v8, v1  }
0x3c9: {  	v7 =	vadd.f32 v10, v20;
	[tilespmem:$0x11780] =	vst v4;
	v4 =	vmul.f32 v5, v1  }
0x3ca: {  	v2 =	vmul.f32 v2, v1;
	[tilespmem:$0x117E0] =	vst v3  }
0x3cb: {  	[tilespmem:$0x117C0] =	vst v4;
	v4 =	vmul.f32 v7, v1  }
0x3cc: {  	[tilespmem:$0x11820] =	vst v2  }
0x3cd: {  	s10 =	simm.s32 $0x10D30;
	[tilespmem:$0x11800] =	vst v4  }
0x3ce: {  	v2 =	vld [tilespmem:s10+$0xFFFFFFE0]  }
0x3cf: {  	v4 =	vld [tilespmem:s10+$0x0];
	s10 =	simm.s32 $0x10D70  }
0x3d0: {  	v63 =	vld [tilespmem:s10+$0xFFFFFFE0];
	_ =	sdelay $0x2  }
0x3d1: {  	s31 =	simm.s32 $0x10FB0  }
0x3d2: {  	v12 =	vld [tilespmem:s31+$0x0];
	v3 =	vadd.s32 $0x800, v2  }
0x3d3: {  	v8 =	vld [tilespmem:s31+$0xFFFFFFE0];
	v5 =	vadd.s32 $0x1800, v2  }
0x3d4: {  	v6 =	vadd.s32 $0x2000, v2;
	v7 =	vld.idx.msk [tilespmem:v2+s2+$0x0], $0xffff  }
0x3d5: {  	v9 =	vadd.s32 $0x5000, v2;
	v13 =	vld.idx.msk [tilespmem:v4+s2+$0x0], $0xffff  }
0x3d6: {  	v10 =	vadd.s32 $0x4000, v4;
	v60 =	vld.idx.msk [tilespmem:v63+s2+$0x0], $0xffff  }
0x3d7: {  	v11 =	vadd.s32 $0x2800, v4;
	v3 =	vld.idx.msk [tilespmem:v3+s2+$0x0], $0xffff  }
0x3d8: {  	v14 =	vadd.s32 $0x7800, v2;
	v5 =	vld.idx.msk [tilespmem:v5+s2+$0x0], $0xffff  }
0x3d9: {  	v15 =	vadd.s32 $0x2000, v4;
	v6 =	vld.idx.msk [tilespmem:v6+s2+$0x0], $0xffff  }
0x3da: {  	v16 =	vadd.s32 $0x6000, v4;
	v9 =	vld.idx.msk [tilespmem:v9+s2+$0x0], $0xffff  }
0x3db: {  	v17 =	vadd.s32 $0x800, v4;
	v10 =	vld.idx.msk [tilespmem:v10+s2+$0x0], $0xffff  }
0x3dc: {  	v20 =	vadd.s32 $0x4800, v2;
	v11 =	vld.idx.msk [tilespmem:v11+s2+$0x0], $0xffff  }
0x3dd: {  	v22 =	vimm.f32 $0.0e+00;
	v18 =	vadd.s32 $0x6800, v2;
	v21 =	vadd.s32 $0x5800, v2;
	v14 =	vld.idx.msk [tilespmem:v14+s2+$0x0], $0xffff  }
0x3de: {  	v19 =	vadd.s32 $0x6000, v2;
	v23 =	vadd.s32 $0x1000, v2;
	v24 =	vadd.s32 $0x2800, v2;
	v15 =	vld.idx.msk [tilespmem:v15+s2+$0x0], $0xffff  }
0x3df: {  	v25 =	vadd.s32 $0x7000, v2;
	v26 =	vadd.s32 $0x3800, v2;
	v27 =	vadd.s32 $0x3000, v2;
	v16 =	vld.idx.msk [tilespmem:v16+s2+$0x0], $0xffff  }
0x3e0: {  	v28 =	vadd.s32 $0x1000, v4;
	v29 =	vadd.s32 $0x5800, v4;
	v62 =	vadd.s32 $0x7800, v4;
	v17 =	vld.idx.msk [tilespmem:v17+s2+$0x0], $0xffff  }
0x3e1: {  	v30 =	vadd.s32 $0x3800, v4;
	v58 =	vadd.s32 $0x2000, v63;
	v2 =	vadd.s32 $0x4000, v2;
	v20 =	vld.idx.msk [tilespmem:v20+s2+$0x0], $0xffff  }
0x3e2: {  	v49 =	vadd.s32 $0x5000, v63;
	v36 =	vadd.s32 $0x6000, v63;
	v53 =	vadd.s32 $0x7800, v63;
	v21 =	vld.idx.msk [tilespmem:v21+s2+$0x0], $0xffff  }
0x3e3: {  	v38 =	vadd.s32 $0x4800, v63;
	v18 =	vld.idx.msk [tilespmem:v18+s2+$0x0], $0xffff;
	v7 =	vmul.f32 v7, v8;
	v13 =	vmul.f32 v13, v12  }
0x3e4: {  	v39 =	vadd.s32 $0x5800, v63;
	v19 =	vld.idx.msk [tilespmem:v19+s2+$0x0], $0xffff;
	v3 =	vmul.f32 v3, v8;
	v14 =	vmul.f32 v14, v8  }
0x3e5: {  	v42 =	vadd.s32 $0x6800, v63;
	v33 =	vld.idx.msk [tilespmem:v62+s2+$0x0], $0xffff;
	v9 =	vmul.f32 v9, v8;
	v32 =	vmul.f32 v11, v12  }
0x3e6: {  	v2 =	vld.idx.msk [tilespmem:v2+s2+$0x0], $0xffff;
	v7 =	vadd.f32 v7, v22;
	v5 =	vmul.f32 v5, v8;
	v20 =	vmul.f32 v20, v8  }
0x3e7: {  	v11 =	vld.idx.msk [tilespmem:v26+s2+$0x0], $0xffff;
	v6 =	vmul.f32 v6, v8;
	v26 =	vadd.s32 $0x6800, v4;
	v21 =	vmul.f32 v21, v8  }
0x3e8: {  	v15 =	vmul.f32 v15, v12;
	v31 =	vadd.f32 v3, v22;
	v13 =	vadd.f32 v13, v7;
	v7 =	vld.idx.msk [tilespmem:v23+s2+$0x0], $0xffff  }
0x3e9: {  	v16 =	vmul.f32 v16, v12;
	v3 =	vadd.f32 v14, v22;
	v41 =	vadd.f32 v9, v22;
	v9 =	vld.idx.msk [tilespmem:v25+s2+$0x0], $0xffff  }
0x3ea: {  	v14 =	vmul.f32 v17, v12;
	v45 =	vadd.f32 v5, v22;
	v5 =	vld.idx.msk [tilespmem:v24+s2+$0x0], $0xffff;
	v24 =	vadd.s32 $0x5000, v4  }
0x3eb: {  	v17 =	vmul.f32 v18, v8;
	v25 =	vmul.f32 v10, v12;
	v10 =	vld.idx.msk [tilespmem:v27+s2+$0x0], $0xffff;
	v18 =	vadd.s32 $0x4800, v4  }
0x3ec: {  	v28 =	vld.idx.msk [tilespmem:v28+s2+$0x0], $0xffff;
	v34 =	vmul.f32 v33, v12;
	v23 =	vadd.s32 $0x3000, v4;
	v27 =	vadd.s32 $0x1800, v4  }
0x3ed: {  	v30 =	vld.idx.msk [tilespmem:v30+s2+$0x0], $0xffff;
	v14 =	vadd.f32 v14, v31;
	v31 =	vadd.s32 $0x7000, v4;
	v4 =	vadd.f32 v6, v22  }
0x3ee: {  	v2 =	vmul.f32 v2, v8;
	v6 =	vld.idx.msk [tilespmem:v29+s2+$0x0], $0xffff;
	v29 =	vadd.f32 v17, v22;
	v11 =	vmul.f32 v11, v8  }
0x3ef: {  	v4 =	vadd.f32 v15, v4;
	v15 =	vmul.f32 v19, v8;
	v7 =	vmul.f32 v7, v8;
	v24 =	vld.idx.msk [tilespmem:v24+s2+$0x0], $0xffff  }
0x3f0: {  	v19 =	vadd.f32 v20, v22;
	v18 =	vld.idx.msk [tilespmem:v18+s2+$0x0], $0xffff;
	v9 =	vmul.f32 v9, v8;
	v10 =	vmul.f32 v10, v8  }
0x3f1: {  	v46 =	vadd.f32 v11, v22;
	v5 =	vmul.f32 v5, v8;
	v11 =	vld.idx.msk [tilespmem:v26+s2+$0x0], $0xffff;
	v8 =	vadd.f32 v21, v22  }
0x3f2: {  	v20 =	vadd.s32 $0x7000, v63;
	v7 =	vadd.f32 v7, v22;
	v43 =	vadd.f32 v9, v22;
	v9 =	vld [tilespmem:s10+$0x0]  }
0x3f3: {  	v40 =	vld.idx.msk [tilespmem:v49+s2+$0x0], $0xffff;
	v21 =	vadd.s32 $0x1000, v63;
	v57 =	vadd.f32 v5, v22;
	v5 =	vadd.f32 v15, v22  }
0x3f4: {  	v23 =	vld.idx.msk [tilespmem:v23+s2+$0x0], $0xffff;
	v15 =	vmul.f32 v28, v12;
	v47 =	vmul.f32 v24, v12;
	v24 =	vadd.s32 $0x800, v63  }
0x3f5: {  	v26 =	vadd.s32 $0x3800, v63;
	v31 =	vld.idx.msk [tilespmem:v31+s2+$0x0], $0xffff;
	v17 =	vadd.f32 v10, v22;
	v6 =	vmul.f32 v6, v12  }
0x3f6: {  	s11 =	simm.s32 $0x10FF0;
	v28 =	vadd.f32 v2, v22;
	v10 =	vadd.f32 v15, v7;
	v15 =	vld.idx.msk [tilespmem:v27+s2+$0x0], $0xffff;
	v2 =	vmul.f32 v18, v12  }
0x3f7: {  	v22 =	vadd.s32 $0x3000, v63;
	v27 =	vadd.s32 $0x1800, v63;
	v59 =	vmul.f32 v11, v12;
	v11 =	vld [tilespmem:s11+$0xFFFFFFE0]  }
0x3f8: {  	v6 =	vadd.f32 v6, v8;
	v7 =	vadd.f32 v2, v19;
	v2 =	vld [tilespmem:s11+$0x0];
	v50 =	vadd.s32 $0x4000, v9  }
0x3f9: {  	v5 =	vadd.f32 v16, v5;
	v8 =	vadd.f32 v25, v28;
	v48 =	vadd.s32 $0x2800, v9;
	v25 =	vld.idx.msk [tilespmem:v24+s2+$0x0], $0xffff  }
0x3fa: {  	v16 =	vadd.s32 $0x2800, v63;
	v37 =	vmul.f32 v23, v12;
	v52 =	vadd.s32 $0x2000, v9;
	v51 =	vld.idx.msk [tilespmem:v9+s2+$0x0], $0xffff  }
0x3fb: {  	v28 =	vld.idx.msk [tilespmem:v58+s2+$0x0], $0xffff;
	v18 =	vadd.s32 $0x4000, v63;
	v63 =	vmul.f32 v30, v12;
	v31 =	vmul.f32 v31, v12  }
0x3fc: {  	v19 =	vadd.s32 $0x1000, v9;
	v54 =	vadd.s32 $0x6000, v9;
	v33 =	vld.idx.msk [tilespmem:v27+s2+$0x0], $0xffff;
	v27 =	vmul.f32 v60, v11  }
0x3fd: {  	v23 =	vadd.f32 v59, v29;
	v29 =	vadd.f32 v47, v41;
	v44 =	vadd.s32 $0x800, v9;
	v35 =	vld.idx.msk [tilespmem:v50+s2+$0x0], $0xffff  }
0x3fe: {  	v61 =	vmul.f32 v15, v12;
	v62 =	vadd.f32 v27, v13;
	v27 =	vld.idx.msk [tilespmem:v48+s2+$0x0], $0xffff;
	v13 =	vmul.f32 v25, v11  }
0x3ff: {  	v15 =	vadd.f32 v32, v57;
	v32 =	vld.idx.msk [tilespmem:v52+s2+$0x0], $0xffff;
	v25 =	vadd.f32 v31, v43;
	v31 =	vmul.f32 v51, v2  }
0x400: {  	v24 =	vadd.s32 $0x5800, v9;
	v30 =	vadd.f32 v61, v45;
	v43 =	vld.idx.msk [tilespmem:v53+s2+$0x0], $0xffff;
	v41 =	vadd.f32 v13, v14  }
0x401: {  	s13 =	simm.s32 $0x2;
	v13 =	vadd.s32 $0x3800, v9;
	v12 =	vadd.f32 v31, v62;
	v14 =	vld.idx.msk [tilespmem:v54+s2+$0x0], $0xffff;
	v31 =	vadd.f32 v63, v46  }
.LBB2_17:
0x402: {  	s13 =	sadd.s32 $0x2, s13;
	v44 =	vld.idx.msk [tilespmem:v44+s2+$0x0], $0xffff;
	s11 =	sadd.s32 $0x40, s11;
	s10 =	sadd.s32 $0x40, s10;
	v17 =	vadd.f32 v37, v17;
	v3 =	vadd.f32 v34, v3  }
0x403: {  	p0 =	slt.u32 s13, $0x12;
	v34 =	vld.idx.msk [tilespmem:v42+s2+$0x0], $0xffff  }
0x404: {  	v27 =	vmul.f32 v27, v2;
	v36 =	vld.idx.msk [tilespmem:v36+s2+$0x0], $0xffff  }
0x405: {  	v37 =	vld.idx.msk [tilespmem:v38+s2+$0x0], $0xffff;
	v38 =	vmul.f32 v43, v11  }
0x406: {  	v39 =	vld.idx.msk [tilespmem:v39+s2+$0x0], $0xffff  }
0x407: {  	v40 =	vmul.f32 v40, v11;
	v21 =	vld.idx.msk [tilespmem:v21+s2+$0x0], $0xffff;
	v3 =	vadd.f32 v38, v3  }
0x408: {  	v33 =	vmul.f32 v33, v11;
	v42 =	vadd.s32 $0x3000, v9;
	v38 =	vmul.f32 v44, v2;
	v26 =	vld.idx.msk [tilespmem:v26+s2+$0x0], $0xffff  }
0x409: {  	v35 =	vmul.f32 v35, v2;
	v29 =	vadd.f32 v40, v29;
	v34 =	vmul.f32 v34, v11;
	v20 =	vld.idx.msk [tilespmem:v20+s2+$0x0], $0xffff  }
0x40a: {  	v30 =	vadd.f32 v33, v30;
	v33 =	vadd.s32 $0x4800, v9;
	v41 =	vadd.f32 v38, v41;
	v22 =	vld.idx.msk [tilespmem:v22+s2+$0x0], $0xffff  }
0x40b: {  	v40 =	vadd.s32 $0x5000, v9;
	v38 =	vadd.s32 $0x1800, v9;
	v37 =	vmul.f32 v37, v11;
	v16 =	vld.idx.msk [tilespmem:v16+s2+$0x0], $0xffff  }
0x40c: {  	v28 =	vmul.f32 v28, v11;
	v43 =	vadd.s32 $0x6800, v9;
	v39 =	vmul.f32 v39, v11;
	v18 =	vld.idx.msk [tilespmem:v18+s2+$0x0], $0xffff  }
0x40d: {  	v45 =	vadd.s32 $0x7800, v9;
	v44 =	vadd.s32 $0x7000, v9;
	v21 =	vmul.f32 v21, v11;
	v19 =	vld.idx.msk [tilespmem:v19+s2+$0x0], $0xffff  }
0x40e: {  	v4 =	vadd.f32 v28, v4;
	v9 =	vmul.f32 v26, v11;
	v26 =	vmul.f32 v32, v2;
	v24 =	vld.idx.msk [tilespmem:v24+s2+$0x0], $0xffff  }
0x40f: {  	v23 =	vadd.f32 v34, v23;
	v10 =	vadd.f32 v21, v10;
	v20 =	vmul.f32 v20, v11;
	v21 =	vld.idx.msk [tilespmem:v33+s2+$0x0], $0xffff  }
0x410: {  	v22 =	vmul.f32 v22, v11;
	v31 =	vadd.f32 v9, v31;
	v4 =	vadd.f32 v26, v4;
	v26 =	vld.idx.msk [tilespmem:v40+s2+$0x0], $0xffff  }
0x411: {  	v9 =	vmul.f32 v16, v11;
	v16 =	vmul.f32 v36, v11;
	v25 =	vadd.f32 v20, v25;
	v20 =	vld.idx.msk [tilespmem:v43+s2+$0x0], $0xffff  }
0x412: {  	v7 =	vadd.f32 v37, v7;
	v6 =	vadd.f32 v39, v6;
	v11 =	vmul.f32 v18, v11;
	v32 =	vld [tilespmem:s10+$0xFFFFFFE0]  }
0x413: {  	v15 =	vadd.f32 v9, v15;
	v5 =	vadd.f32 v16, v5;
	v16 =	vmul.f32 v19, v2;
	v18 =	vld.idx.msk [tilespmem:v44+s2+$0x0], $0xffff  }
0x414: {  	v14 =	vmul.f32 v14, v2;
	v17 =	vadd.f32 v22, v17;
	v19 =	vmul.f32 v24, v2;
	v9 =	vld [tilespmem:s10+$0x0]  }
0x415: {  	v8 =	vadd.f32 v11, v8;
	v10 =	vadd.f32 v16, v10;
	v11 =	vmul.f32 v21, v2;
	v24 =	vld.idx.msk [tilespmem:v45+s2+$0x0], $0xffff  }
0x416: {  	v5 =	vadd.f32 v14, v5;
	v45 =	vmul.f32 v26, v2;
	v6 =	vadd.f32 v19, v6;
	v43 =	vld.idx.msk [tilespmem:v38+s2+$0x0], $0xffff  }
0x417: {  	v7 =	vadd.f32 v11, v7;
	v14 =	vadd.s32 $0x800, v32;
	v21 =	vadd.s32 $0x1000, v32;
	v28 =	vld.idx.msk [tilespmem:v42+s2+$0x0], $0xffff  }
0x418: {  	v40 =	vmul.f32 v20, v2;
	v33 =	vadd.s32 $0x1800, v32;
	v39 =	vadd.s32 $0x2000, v32;
	v46 =	vld [tilespmem:s11+$0x0]  }
0x419: {  	v16 =	vadd.s32 $0x2800, v32;
	v20 =	vadd.s32 $0x7000, v32;
	v47 =	vadd.s32 $0x2800, v9;
	v48 =	vld.idx.msk [tilespmem:v13+s2+$0x0], $0xffff  }
0x41a: {  	v22 =	vadd.s32 $0x3000, v32;
	v26 =	vadd.s32 $0x3800, v32;
	v49 =	vmul.f32 v18, v2;
	v13 =	vld.idx.msk [tilespmem:v32+s2+$0x0], $0xffff  }
0x41b: {  	v8 =	vadd.f32 v35, v8;
	v42 =	vadd.s32 $0x5000, v32;
	v18 =	vadd.s32 $0x4000, v32;
	v11 =	vld [tilespmem:s11+$0xFFFFFFE0]  }
0x41c: {  	v19 =	vadd.s32 $0x1000, v9;
	v35 =	vadd.s32 $0x4000, v9;
	v34 =	vmul.f32 v24, v2;
	v14 =	vld.idx.msk [tilespmem:v14+s2+$0x0], $0xffff  }
0x41d: {  	v36 =	vadd.s32 $0x6000, v32;
	v51 =	vadd.s32 $0x2000, v9;
	v37 =	vmul.f32 v28, v2;
	v50 =	vld.idx.msk [tilespmem:v9+s2+$0x0], $0xffff  }
0x41e: {  	v38 =	vadd.s32 $0x4800, v32;
	v52 =	vadd.s32 $0x7800, v32;
	v24 =	vadd.s32 $0x5800, v9;
	v33 =	vld.idx.msk [tilespmem:v33+s2+$0x0], $0xffff  }
0x41f: {  	v23 =	vadd.f32 v40, v23;
	v53 =	vadd.s32 $0x6000, v9;
	v28 =	vld.idx.msk [tilespmem:v39+s2+$0x0], $0xffff;
	v39 =	vadd.s32 $0x5800, v32  }
0x420: {  	v55 =	vmul.f32 v43, v2;
	v54 =	vmul.f32 v13, v11;
	v40 =	vld.idx.msk [tilespmem:v42+s2+$0x0], $0xffff;
	v42 =	vadd.s32 $0x6800, v32  }
.Ltmp7:
0x421: {  	v15 =	vadd.f32 v27, v15;
	v44 =	vadd.s32 $0x800, v9;
	v13 =	vadd.s32 $0x3800, v9;
	v35 =	vld.idx.msk [tilespmem:v35+s2+$0x0], $0xffff;
	(pc) =	sbr.rel @p0 .LBB2_17-.Ltmp7, $4  }
0x422: {  	v25 =	vadd.f32 v49, v25;
	v14 =	vmul.f32 v14, v11;
	v12 =	vadd.f32 v54, v12;
	v27 =	vld.idx.msk [tilespmem:v47+s2+$0x0], $0xffff  }
0x423: {  	v29 =	vadd.f32 v45, v29;
	v48 =	vmul.f32 v48, v2;
	v47 =	vmul.f32 v50, v46;
	v43 =	vld.idx.msk [tilespmem:v52+s2+$0x0], $0xffff  }
0x424: {  	v30 =	vadd.f32 v55, v30;
	v2 =	vmov v46;
	v41 =	vadd.f32 v14, v41;
	v32 =	vld.idx.msk [tilespmem:v51+s2+$0x0], $0xffff  }
0x425: {  	v31 =	vadd.f32 v48, v31;
	v12 =	vadd.f32 v47, v12;
	v14 =	vld.idx.msk [tilespmem:v53+s2+$0x0], $0xffff  }
0x426: {  	_ =	sdelay $0x3  }
0x427: {  	v44 =	vld.idx.msk [tilespmem:v44+s2+$0x0], $0xffff  }
0x428: {  	v42 =	vld.idx.msk [tilespmem:v42+s2+$0x0], $0xffff  }
0x429: {  	v36 =	vld.idx.msk [tilespmem:v36+s2+$0x0], $0xffff  }
0x42a: {  	v38 =	vld.idx.msk [tilespmem:v38+s2+$0x0], $0xffff  }
0x42b: {  	v39 =	vld.idx.msk [tilespmem:v39+s2+$0x0], $0xffff  }
0x42c: {  	v21 =	vld.idx.msk [tilespmem:v21+s2+$0x0], $0xffff  }
0x42d: {  	v3 =	vadd.f32 v34, v3;
	v17 =	vadd.f32 v37, v17;
	v52 =	vmul.f32 v40, v11;
	v26 =	vld.idx.msk [tilespmem:v26+s2+$0x0], $0xffff  }
0x42e: {  	v33 =	vmul.f32 v33, v11;
	v20 =	vld.idx.msk [tilespmem:v20+s2+$0x0], $0xffff;
	v54 =	vadd.s32 $0x3000, v9;
	v55 =	vadd.s32 $0x1800, v9  }
0x42f: {  	v22 =	vld.idx.msk [tilespmem:v22+s2+$0x0], $0xffff;
	v56 =	vadd.s32 $0x4800, v9;
	v58 =	vadd.s32 $0x5000, v9;
	v28 =	vmul.f32 v28, v11  }
0x430: {  	v16 =	vld.idx.msk [tilespmem:v16+s2+$0x0], $0xffff;
	v59 =	vadd.s32 $0x6800, v9;
	v60 =	vadd.s32 $0x7000, v9;
	v51 =	vmul.f32 v43, v11  }
0x431: {  	v18 =	vld.idx.msk [tilespmem:v18+s2+$0x0], $0xffff;
	v9 =	vadd.s32 $0x7800, v9;
	v32 =	vmul.f32 v32, v2;
	v53 =	vmul.f32 v44, v2  }
0x432: {  	v19 =	vld.idx.msk [tilespmem:v19+s2+$0x0], $0xffff;
	v29 =	vadd.f32 v52, v29;
	v42 =	vmul.f32 v42, v11;
	v57 =	vmul.f32 v38, v11  }
0x433: {  	v24 =	vld.idx.msk [tilespmem:v24+s2+$0x0], $0xffff;
	v30 =	vadd.f32 v33, v30;
	v39 =	vmul.f32 v39, v11;
	v21 =	vmul.f32 v21, v11  }
0x434: {  	v13 =	vld.idx.msk [tilespmem:v13+s2+$0x0], $0xffff;
	v4 =	vadd.f32 v28, v4;
	v26 =	vmul.f32 v26, v11;
	v20 =	vmul.f32 v20, v11  }
0x435: {  	v3 =	vadd.f32 v51, v3;
	v28 =	vld.idx.msk [tilespmem:v55+s2+$0x0], $0xffff;
	v22 =	vmul.f32 v22, v11;
	v16 =	vmul.f32 v16, v11  }
0x436: {  	v4 =	vadd.f32 v32, v4;
	v61 =	vmul.f32 v36, v11;
	v62 =	vld.idx.msk [tilespmem:v54+s2+$0x0], $0xffff;
	v11 =	vmul.f32 v18, v11  }
0x437: {  	v18 =	vmul.f32 v19, v2;
	v19 =	vld.idx.msk [tilespmem:v59+s2+$0x0], $0xffff;
	v34 =	vadd.f32 v53, v41;
	v10 =	vadd.f32 v21, v10  }
0x438: {  	v35 =	vmul.f32 v35, v2;
	v9 =	vld.idx.msk [tilespmem:v9+s2+$0x0], $0xffff;
	v21 =	vadd.f32 v42, v23;
	v26 =	vadd.f32 v26, v31  }
0x439: {  	v27 =	vmul.f32 v27, v2;
	v23 =	vld.idx.msk [tilespmem:v56+s2+$0x0], $0xffff;
	v20 =	vadd.f32 v20, v25;
	v7 =	vadd.f32 v57, v7  }
0x43a: {  	v12 =	vmul.f32 v12, v0;
	v31 =	vld.idx.msk [tilespmem:v58+s2+$0x0], $0xffff;
	v6 =	vadd.f32 v39, v6;
	v15 =	vadd.f32 v16, v15  }
0x43b: {  	v13 =	vmul.f32 v13, v2;
	v16 =	vld.idx.msk [tilespmem:v60+s2+$0x0], $0xffff;
	v5 =	vadd.f32 v61, v5;
	v10 =	vadd.f32 v18, v10  }
0x43c: {  	[tilespmem:$0x11650] =	vst v12;
	v4 =	vmul.f32 v4, v0;
	v12 =	vadd.f32 v27, v15;
	v25 =	vmul.f32 v28, v2  }
0x43d: {  	v17 =	vadd.f32 v22, v17;
	v22 =	vmul.f32 v62, v2;
	v10 =	vmul.f32 v10, v0  }
0x43e: {  	v8 =	vadd.f32 v11, v8;
	[tilespmem:$0x116D0] =	vst v4;
	v12 =	vmul.f32 v12, v0;
	v18 =	vadd.f32 v25, v30  }
0x43f: {  	v25 =	vmul.f32 v34, v0;
	v11 =	vadd.f32 v22, v17;
	[tilespmem:$0x11690] =	vst v10;
	v10 =	vmul.f32 v23, v2  }
0x440: {  	v13 =	vadd.f32 v13, v26;
	[tilespmem:$0x116F0] =	vst v12;
	v12 =	vmul.f32 v14, v2;
	v15 =	vmul.f32 v18, v0  }
0x441: {  	v8 =	vadd.f32 v35, v8;
	[tilespmem:$0x11670] =	vst v25;
	v4 =	vmul.f32 v11, v0;
	v11 =	vmul.f32 v24, v2  }
0x442: {  	v7 =	vadd.f32 v10, v7;
	v10 =	vmul.f32 v13, v0;
	[tilespmem:$0x116B0] =	vst v15;
	v15 =	vmul.f32 v31, v2  }
0x443: {  	[tilespmem:$0x11710] =	vst v4;
	v4 =	vmul.f32 v8, v0;
	v6 =	vadd.f32 v11, v6;
	v8 =	vmul.f32 v19, v2  }
0x444: {  	[tilespmem:$0x11730] =	vst v10;
	v7 =	vmul.f32 v7, v0;
	v10 =	vmul.f32 v16, v2;
	v13 =	vadd.f32 v15, v29  }
0x445: {  	v2 =	vmul.f32 v9, v2;
	[tilespmem:$0x11750] =	vst v4;
	v8 =	vadd.f32 v8, v21;
	v6 =	vmul.f32 v6, v0  }
0x446: {  	v5 =	vadd.f32 v12, v5;
	[tilespmem:$0x11770] =	vst v7;
	v4 =	vmul.f32 v13, v0  }
0x447: {  	v2 =	vadd.f32 v2, v3;
	[tilespmem:$0x117B0] =	vst v6;
	v3 =	vmul.f32 v8, v0  }
0x448: {  	v7 =	vadd.f32 v10, v20;
	[tilespmem:$0x11790] =	vst v4;
	v4 =	vmul.f32 v5, v0  }
0x449: {  	v2 =	vmul.f32 v2, v0;
	[tilespmem:$0x117F0] =	vst v3  }
0x44a: {  	[tilespmem:$0x117D0] =	vst v4;
	v4 =	vmul.f32 v7, v0  }
0x44b: {  	[tilespmem:$0x11830] =	vst v2  }
0x44c: {  	s10 =	simm.s32 $0x10D20;
	[tilespmem:$0x11810] =	vst v4  }
0x44d: {  	v3 =	vld [tilespmem:s10+$0x0];
	_ =	sdelay $0x4  }
0x44e: {  	v2 =	vadd.s32 $0xF000, v3  }
0x44f: {  	v4 =	vadd.s32 $0xB000, v3  }
0x450: {  	v5 =	vadd.s32 $0x8800, v3  }
0x451: {  	v6 =	vadd.s32 $0xA800, v3  }
0x452: {  	v10 =	vld [tilespmem:s10+$0xFFFFFFE0];
	v7 =	vadd.s32 $0xF800, v3  }
0x453: {  	v9 =	vadd.s32 $0x9000, v3;
	v8 =	vld.idx.msk [tilespmem:v2+s2+$0x0], $0xffff  }
0x454: {  	v11 =	vadd.s32 $0xA000, v3;
	v4 =	vld.idx.msk [tilespmem:v4+s2+$0x0], $0xffff  }
0x455: {  	v14 =	vadd.s32 $0xD000, v3;
	v5 =	vld.idx.msk [tilespmem:v5+s2+$0x0], $0xffff  }
0x456: {  	v2 =	vadd.s32 $0xD800, v3;
	v12 =	vld.idx.msk [tilespmem:v6+s2+$0x0], $0xffff  }
0x457: {  	v13 =	vld.idx.msk [tilespmem:v7+s2+$0x0], $0xffff  }
0x458: {  	v16 =	vadd.s32 $0x8000, v10;
	v9 =	vld.idx.msk [tilespmem:v9+s2+$0x0], $0xffff  }
0x459: {  	v6 =	vadd.s32 $0x8000, v3;
	v17 =	vld.idx.msk [tilespmem:v11+s2+$0x0], $0xffff  }
0x45a: {  	v21 =	vld.idx.msk [tilespmem:v14+s2+$0x0], $0xffff  }
0x45b: {  	s10 =	simm.s32 $0x10FA0;
	v19 =	vadd.s32 $0x8800, v10;
	v20 =	vadd.s32 $0xC800, v3;
	v15 =	vld.idx.msk [tilespmem:v2+s2+$0x0], $0xffff  }
0x45c: {  	v22 =	vadd.s32 $0xB800, v3;
	v31 =	vadd.s32 $0x9800, v10;
	v23 =	vadd.s32 $0xD800, v10;
	v2 =	vld [tilespmem:s10+$0x0]  }
0x45d: {  	v48 =	vadd.s32 $0xF000, v10;
	v28 =	vadd.s32 $0xA000, v10;
	v11 =	vadd.s32 $0x9000, v10;
	v24 =	vld.idx.msk [tilespmem:v16+s2+$0x0], $0xffff  }
0x45e: {  	v26 =	vadd.s32 $0xB000, v10;
	v47 =	vadd.s32 $0xB800, v10;
	v14 =	vadd.s32 $0xC800, v10;
	v18 =	vld.idx.msk [tilespmem:v6+s2+$0x0], $0xffff  }
0x45f: {  	v34 =	vadd.s32 $0xC000, v10;
	v29 =	vadd.s32 $0xD000, v10;
	v25 =	vadd.s32 $0xE000, v10;
	v6 =	vld [tilespmem:s10+$0xFFFFFFE0]  }
0x460: {  	v27 =	vadd.s32 $0xE000, v3;
	v33 =	vadd.s32 $0xC000, v3;
	v46 =	vadd.s32 $0xE800, v10;
	v19 =	vld.idx.msk [tilespmem:v19+s2+$0x0], $0xffff  }
0x461: {  	v40 =	vadd.s32 $0x9800, v3;
	v7 =	vimm.f32 $0.0e+00;
	v39 =	vld.idx.msk [tilespmem:v23+s2+$0x0], $0xffff;
	v36 =	vmul.f32 v9, v2  }
0x462: {  	v23 =	vimm.f32 $0.0e+00;
	v63 =	vld.idx.msk [tilespmem:v11+s2+$0x0], $0xffff;
	v32 =	vmul.f32 v12, v2;
	v11 =	vmul.f32 v8, v2  }
0x463: {  	v9 =	vadd.s32 $0xA800, v10;
	v12 =	vld.idx.msk [tilespmem:v14+s2+$0x0], $0xffff;
	v14 =	vmul.f32 v13, v2;
	v37 =	vmul.f32 v5, v2  }
0x464: {  	v35 =	vld.idx.msk [tilespmem:v20+s2+$0x0], $0xffff;
	v20 =	vimm.f32 $0.0e+00;
	v16 =	vmul.f32 v15, v2;
	v5 =	vmul.f32 v24, v6  }
0x465: {  	v8 =	vadd.s32 $0xF800, v10;
	v41 =	vmul.f32 v18, v2;
	v24 =	vmul.f32 v17, v2  }
0x466: {  	v44 =	vld.idx.msk [tilespmem:v26+s2+$0x0], $0xffff;
	v26 =	vimm.f32 $0.0e+00;
	v18 =	vmul.f32 v21, v2;
	v45 =	vmul.f32 v19, v6  }
0x467: {  	v38 =	vld.idx.msk [tilespmem:v22+s2+$0x0], $0xffff;
	v22 =	vimm.f32 $0.0e+00;
	v21 =	vmul.f32 v4, v2;
	v50 =	vmul.f32 v63, v6  }
0x468: {  	v17 =	vimm.f32 $0.0e+00;
	v4 =	vimm.f32 $0.0e+00;
	v13 =	vimm.f32 $0.0e+00;
	v42 =	vld.idx.msk [tilespmem:v9+s2+$0x0], $0xffff  }
0x469: {  	v47 =	vld.idx.msk [tilespmem:v47+s2+$0x0], $0xffff;
	v19 =	vimm.f32 $0.0e+00;
	v15 =	vimm.f32 $0.0e+00;
	v10 =	vimm.f32 $0.0e+00  }
0x46a: {  	v30 =	vadd.f32 v5, v7;
	v5 =	vimm.f32 $0.0e+00;
	v49 =	vmul.f32 v12, v6;
	v43 =	vld.idx.msk [tilespmem:v8+s2+$0x0], $0xffff  }
0x46b: {  	s11 =	simm.s32 $0x0;
	s13 =	simm.s32 $0x10D60;
	v48 =	vld.idx.msk [tilespmem:v48+s2+$0x0], $0xffff;
	v12 =	vimm.f32 $0.0e+00;
	v9 =	vimm.f32 $0.0e+00;
	v8 =	vimm.f32 $0.0e+00  }
.LBB2_19:
0x46c: {  	s11 =	sadd.s32 $0x2, s11;
	v34 =	vld.idx.msk [tilespmem:v34+s2+$0x0], $0xffff;
	v38 =	vmul.f32 v38, v2;
	v35 =	vmul.f32 v35, v2;
	v51 =	vadd.s32 $0xE800, v3;
	s10 =	sadd.s32 $0x40, s10  }
0x46d: {  	v42 =	vmul.f32 v42, v6;
	v3 =	vld [tilespmem:s13+$0x0];
	p0 =	slt.u32 s11, $0x12;
	v7 =	vadd.f32 v50, v7;
	v23 =	vadd.f32 v49, v23  }
0x46e: {  	v20 =	vadd.f32 v45, v20;
	v30 =	vadd.f32 v41, v30;
	v44 =	vmul.f32 v44, v6;
	v45 =	vld.idx.msk [tilespmem:v46+s2+$0x0], $0xffff  }
0x46f: {  	v17 =	vadd.f32 v42, v17;
	v41 =	vmul.f32 v43, v6;
	v31 =	vld.idx.msk [tilespmem:v31+s2+$0x0], $0xffff;
	v7 =	vadd.f32 v36, v7  }
0x470: {  	v39 =	vmul.f32 v39, v6;
	v20 =	vadd.f32 v37, v20;
	v36 =	vmul.f32 v47, v6;
	v28 =	vld.idx.msk [tilespmem:v28+s2+$0x0], $0xffff  }
0x471: {  	v37 =	vmul.f32 v48, v6;
	v5 =	vadd.f32 v41, v5;
	v17 =	vadd.f32 v32, v17;
	v29 =	vld.idx.msk [tilespmem:v29+s2+$0x0], $0xffff  }
0x472: {  	v23 =	vadd.f32 v35, v23;
	v32 =	vadd.s32 $0x8800, v3;
	v41 =	vadd.s32 $0xF000, v3;
	v25 =	vld.idx.msk [tilespmem:v25+s2+$0x0], $0xffff  }
0x473: {  	v35 =	vadd.s32 $0xA800, v3;
	v42 =	vadd.s32 $0xB000, v3;
	v43 =	vadd.s32 $0xD800, v3;
	v46 =	vld.idx.msk [tilespmem:v51+s2+$0x0], $0xffff  }
0x474: {  	v26 =	vadd.f32 v44, v26;
	v4 =	vadd.f32 v37, v4;
	v44 =	vmul.f32 v45, v6;
	v37 =	vld.idx.msk [tilespmem:v40+s2+$0x0], $0xffff  }
0x475: {  	v13 =	vadd.f32 v39, v13;
	v5 =	vadd.f32 v14, v5;
	v31 =	vmul.f32 v31, v6;
	v33 =	vld.idx.msk [tilespmem:v33+s2+$0x0], $0xffff  }
0x476: {  	v14 =	vadd.s32 $0xF800, v3;
	v4 =	vadd.f32 v11, v4;
	v12 =	vadd.f32 v44, v12;
	v27 =	vld.idx.msk [tilespmem:v27+s2+$0x0], $0xffff  }
0x477: {  	v13 =	vadd.f32 v16, v13;
	v28 =	vmul.f32 v28, v6;
	v29 =	vmul.f32 v29, v6;
	v11 =	vld.idx.msk [tilespmem:v41+s2+$0x0], $0xffff  }
0x478: {  	v19 =	vadd.f32 v36, v19;
	v16 =	vadd.f32 v31, v22;
	v25 =	vmul.f32 v25, v6;
	v40 =	vld.idx.msk [tilespmem:v42+s2+$0x0], $0xffff  }
0x479: {  	v22 =	vadd.s32 $0xC800, v3;
	v15 =	vadd.f32 v28, v15;
	v6 =	vmul.f32 v34, v6;
	v41 =	vld.idx.msk [tilespmem:v32+s2+$0x0], $0xffff  }
0x47a: {  	v28 =	vadd.s32 $0x9000, v3;
	v9 =	vadd.f32 v29, v9;
	v29 =	vmul.f32 v37, v2;
	v32 =	vld.idx.msk [tilespmem:v35+s2+$0x0], $0xffff  }
0x47b: {  	v31 =	vadd.s32 $0xB800, v3;
	v15 =	vadd.f32 v24, v15;
	v24 =	vmul.f32 v46, v2;
	v14 =	vld.idx.msk [tilespmem:v14+s2+$0x0], $0xffff  }
0x47c: {  	v34 =	vadd.s32 $0xA000, v3;
	v9 =	vadd.f32 v18, v9;
	v18 =	vmul.f32 v27, v2;
	v45 =	vld [tilespmem:s13+$0xFFFFFFE0]  }
0x47d: {  	v27 =	vadd.s32 $0x8000, v3;
	v2 =	vmul.f32 v33, v2;
	v12 =	vadd.f32 v24, v12;
	v43 =	vld.idx.msk [tilespmem:v43+s2+$0x0], $0xffff  }
0x47e: {  	v6 =	vadd.f32 v6, v10;
	v24 =	vadd.s32 $0xD000, v3;
	v35 =	vld.idx.msk [tilespmem:v22+s2+$0x0], $0xffff;
	v22 =	vadd.f32 v29, v16  }
0x47f: {  	v19 =	vadd.f32 v38, v19;
	v8 =	vadd.f32 v25, v8;
	v16 =	vld.idx.msk [tilespmem:v28+s2+$0x0], $0xffff  }
0x480: {  	v26 =	vadd.f32 v21, v26;
	v10 =	vadd.f32 v2, v6;
	v38 =	vld.idx.msk [tilespmem:v31+s2+$0x0], $0xffff  }
0x481: {  	v8 =	vadd.f32 v18, v8;
	v21 =	vadd.s32 $0x8000, v45;
	v33 =	vadd.s32 $0x8800, v45;
	v47 =	vld.idx.msk [tilespmem:v34+s2+$0x0], $0xffff  }
0x482: {  	v18 =	vadd.s32 $0x9000, v45;
	v31 =	vadd.s32 $0x9800, v45;
	v48 =	vadd.s32 $0xF000, v45;
	v46 =	vld.idx.msk [tilespmem:v27+s2+$0x0], $0xffff  }
0x483: {  	v28 =	vadd.s32 $0xA000, v45;
	v44 =	vadd.s32 $0xB000, v45;
	v27 =	vadd.s32 $0xD800, v45;
	v49 =	vld.idx.msk [tilespmem:v24+s2+$0x0], $0xffff  }
0x484: {  	v50 =	vadd.s32 $0xB800, v45;
	v34 =	vadd.s32 $0xC000, v45;
	v24 =	vadd.s32 $0xC800, v45;
	v2 =	vld [tilespmem:s10+$0x0]  }
0x485: {  	v29 =	vadd.s32 $0xD000, v45;
	v25 =	vadd.s32 $0xE000, v45;
	v6 =	vld [tilespmem:s10+$0xFFFFFFE0]  }
0x486: {  	v37 =	vadd.s32 $0xA800, v45;
	v21 =	vld.idx.msk [tilespmem:v21+s2+$0x0], $0xffff  }
0x487: {  	v51 =	vld.idx.msk [tilespmem:v18+s2+$0x0], $0xffff  }
0x488: {  	v18 =	vadd.s32 $0xF800, v45;
	v52 =	vld.idx.msk [tilespmem:v33+s2+$0x0], $0xffff  }
0x489: {  	v53 =	vld.idx.msk [tilespmem:v24+s2+$0x0], $0xffff;
	v36 =	vmul.f32 v16, v2;
	v32 =	vmul.f32 v32, v2  }
0x48a: {  	v11 =	vmul.f32 v11, v2;
	v14 =	vmul.f32 v14, v2;
	v39 =	vld.idx.msk [tilespmem:v27+s2+$0x0], $0xffff  }
.Ltmp8:
0x48b: {  	v16 =	vmul.f32 v43, v2;
	v27 =	vadd.s32 $0xE000, v3;
	v42 =	vld.idx.msk [tilespmem:v37+s2+$0x0], $0xffff;
	v37 =	vmul.f32 v41, v2;
	(pc) =	sbr.rel @p0 .LBB2_19-.Ltmp8, $4  }
0x48c: {  	v33 =	vadd.s32 $0xC000, v3;
	v21 =	vmul.f32 v21, v6;
	v41 =	vmul.f32 v46, v2;
	v44 =	vld.idx.msk [tilespmem:v44+s2+$0x0], $0xffff  }
0x48d: {  	v24 =	vmul.f32 v47, v2;
	v46 =	vadd.s32 $0xE800, v45;
	v43 =	vld.idx.msk [tilespmem:v18+s2+$0x0], $0xffff;
	v18 =	vmul.f32 v49, v2  }
0x48e: {  	v30 =	vadd.f32 v21, v30;
	v45 =	vmul.f32 v52, v6;
	v21 =	vmul.f32 v40, v2;
	v47 =	vld.idx.msk [tilespmem:v50+s2+$0x0], $0xffff  }
0x48f: {  	s13 =	sadd.s32 $0x40, s13;
	v40 =	vadd.s32 $0x9800, v3;
	v50 =	vmul.f32 v51, v6;
	v49 =	vmul.f32 v53, v6;
	v48 =	vld.idx.msk [tilespmem:v48+s2+$0x0], $0xffff  }
0x490: {  	_ =	sdelay $0x3  }
0x491: {  	v46 =	vld.idx.msk [tilespmem:v46+s2+$0x0], $0xffff  }
0x492: {  	v38 =	vmul.f32 v38, v2;
	v31 =	vld.idx.msk [tilespmem:v31+s2+$0x0], $0xffff  }
0x493: {  	v35 =	vmul.f32 v35, v2;
	v3 =	vadd.s32 $0xE800, v3;
	v42 =	vmul.f32 v42, v6;
	v28 =	vld.idx.msk [tilespmem:v28+s2+$0x0], $0xffff  }
0x494: {  	v20 =	vadd.f32 v45, v20;
	v30 =	vadd.f32 v41, v30;
	v40 =	vld.idx.msk [tilespmem:v40+s2+$0x0], $0xffff;
	v39 =	vmul.f32 v39, v6  }
0x495: {  	v29 =	vld.idx.msk [tilespmem:v29+s2+$0x0], $0xffff;
	v7 =	vadd.f32 v50, v7;
	v23 =	vadd.f32 v49, v23;
	v44 =	vmul.f32 v44, v6  }
0x496: {  	v34 =	vld.idx.msk [tilespmem:v34+s2+$0x0], $0xffff;
	v17 =	vadd.f32 v42, v17;
	v56 =	vmul.f32 v43, v6;
	v20 =	vadd.f32 v37, v20  }
0x497: {  	v25 =	vld.idx.msk [tilespmem:v25+s2+$0x0], $0xffff;
	v13 =	vadd.f32 v39, v13;
	v57 =	vmul.f32 v47, v6;
	v58 =	vmul.f32 v48, v6  }
0x498: {  	v27 =	vld.idx.msk [tilespmem:v27+s2+$0x0], $0xffff;
	v7 =	vadd.f32 v36, v7;
	v20 =	vmul.f32 v20, v1;
	v31 =	vmul.f32 v31, v6  }
0x499: {  	v59 =	vld.idx.msk [tilespmem:v33+s2+$0x0], $0xffff;
	v17 =	vadd.f32 v32, v17;
	v28 =	vmul.f32 v28, v6;
	v60 =	vmul.f32 v46, v6  }
0x49a: {  	v23 =	vadd.f32 v35, v23;
	v3 =	vld.idx.msk [tilespmem:v3+s2+$0x0], $0xffff;
	v29 =	vmul.f32 v29, v6;
	v7 =	vmul.f32 v7, v1  }
0x49b: {  	v17 =	vmul.f32 v17, v1;
	v22 =	vadd.f32 v31, v22;
	v31 =	vmul.f32 v40, v2  }
0x49c: {  	v15 =	vadd.f32 v28, v15;
	v28 =	vmul.f32 v30, v1;
	v30 =	vmul.f32 v34, v6  }
0x49d: {  	v26 =	vadd.f32 v44, v26;
	v6 =	vmul.f32 v25, v6;
	[tilespmem:$0x118E0] =	vst v17;
	v17 =	vmul.f32 v27, v2  }
0x49e: {  	[tilespmem:$0x11860] =	vst v20;
	v22 =	vadd.f32 v31, v22;
	v15 =	vadd.f32 v24, v15;
	v24 =	vmul.f32 v59, v2  }
0x49f: {  	v19 =	vadd.f32 v57, v19;
	[tilespmem:$0x11880] =	vst v7;
	v2 =	vmul.f32 v3, v2;
	v3 =	vmul.f32 v23, v1  }
0x4a0: {  	[tilespmem:$0x11840] =	vst v28;
	v6 =	vadd.f32 v6, v8;
	v8 =	vadd.f32 v16, v13;
	v20 =	vmul.f32 v22, v1  }
0x4a1: {  	v21 =	vadd.f32 v21, v26;
	v7 =	vmul.f32 v15, v1;
	[tilespmem:$0x11960] =	vst v3  }
0x4a2: {  	v12 =	vadd.f32 v60, v12;
	v15 =	vadd.f32 v38, v19;
	v3 =	vmul.f32 v8, v1;
	[tilespmem:$0x118A0] =	vst v20  }
0x4a3: {  	v10 =	vadd.f32 v30, v10;
	v6 =	vadd.f32 v17, v6;
	[tilespmem:$0x118C0] =	vst v7;
	v7 =	vmul.f32 v21, v1  }
0x4a4: {  	v4 =	vadd.f32 v58, v4;
	v2 =	vadd.f32 v2, v12;
	v15 =	vmul.f32 v15, v1;
	[tilespmem:$0x119A0] =	vst v3  }
0x4a5: {  	v9 =	vadd.f32 v29, v9;
	v10 =	vadd.f32 v24, v10;
	v6 =	vmul.f32 v6, v1;
	[tilespmem:$0x11900] =	vst v7  }
0x4a6: {  	v5 =	vadd.f32 v56, v5;
	v4 =	vadd.f32 v11, v4;
	v2 =	vmul.f32 v2, v1;
	[tilespmem:$0x11920] =	vst v15  }
0x4a7: {  	v9 =	vadd.f32 v18, v9;
	v7 =	vmul.f32 v10, v1;
	[tilespmem:$0x119C0] =	vst v6  }
0x4a8: {  	v5 =	vadd.f32 v14, v5;
	v3 =	vmul.f32 v4, v1;
	[tilespmem:$0x119E0] =	vst v2  }
0x4a9: {  	[tilespmem:$0x11940] =	vst v7;
	v7 =	vmul.f32 v9, v1  }
0x4aa: {  	[tilespmem:$0x11A00] =	vst v3;
	v1 =	vmul.f32 v5, v1  }
0x4ab: {  	[tilespmem:$0x11980] =	vst v7  }
0x4ac: {  	s10 =	simm.s32 $0x10D30;
	[tilespmem:$0x11A20] =	vst v1  }
0x4ad: {  	v2 =	vld [tilespmem:s10+$0x0];
	_ =	sdelay $0x4  }
0x4ae: {  	v1 =	vadd.s32 $0xF000, v2  }
0x4af: {  	v3 =	vadd.s32 $0xB000, v2  }
0x4b0: {  	v4 =	vadd.s32 $0x8800, v2  }
0x4b1: {  	v5 =	vadd.s32 $0xA800, v2  }
0x4b2: {  	v9 =	vld [tilespmem:s10+$0xFFFFFFE0];
	v6 =	vadd.s32 $0xF800, v2  }
0x4b3: {  	v8 =	vadd.s32 $0x9000, v2;
	v7 =	vld.idx.msk [tilespmem:v1+s2+$0x0], $0xffff  }
0x4b4: {  	v10 =	vadd.s32 $0xA000, v2;
	v3 =	vld.idx.msk [tilespmem:v3+s2+$0x0], $0xffff  }
0x4b5: {  	v13 =	vadd.s32 $0xD000, v2;
	v4 =	vld.idx.msk [tilespmem:v4+s2+$0x0], $0xffff  }
0x4b6: {  	v1 =	vadd.s32 $0xD800, v2;
	v11 =	vld.idx.msk [tilespmem:v5+s2+$0x0], $0xffff  }
0x4b7: {  	v12 =	vld.idx.msk [tilespmem:v6+s2+$0x0], $0xffff  }
0x4b8: {  	v15 =	vadd.s32 $0x8000, v9;
	v8 =	vld.idx.msk [tilespmem:v8+s2+$0x0], $0xffff  }
0x4b9: {  	v5 =	vadd.s32 $0x8000, v2;
	v16 =	vld.idx.msk [tilespmem:v10+s2+$0x0], $0xffff  }
0x4ba: {  	v20 =	vld.idx.msk [tilespmem:v13+s2+$0x0], $0xffff  }
0x4bb: {  	s10 =	simm.s32 $0x10FB0;
	v18 =	vadd.s32 $0x8800, v9;
	v19 =	vadd.s32 $0xC800, v2;
	v14 =	vld.idx.msk [tilespmem:v1+s2+$0x0], $0xffff  }
0x4bc: {  	v21 =	vadd.s32 $0xB800, v2;
	v30 =	vadd.s32 $0x9800, v9;
	v22 =	vadd.s32 $0xD800, v9;
	v1 =	vld [tilespmem:s10+$0x0]  }
0x4bd: {  	v61 =	vadd.s32 $0xF000, v9;
	v27 =	vadd.s32 $0xA000, v9;
	v10 =	vadd.s32 $0x9000, v9;
	v23 =	vld.idx.msk [tilespmem:v15+s2+$0x0], $0xffff  }
0x4be: {  	v25 =	vadd.s32 $0xB000, v9;
	v62 =	vadd.s32 $0xB800, v9;
	v13 =	vadd.s32 $0xC800, v9;
	v17 =	vld.idx.msk [tilespmem:v5+s2+$0x0], $0xffff  }
0x4bf: {  	v33 =	vadd.s32 $0xC000, v9;
	v28 =	vadd.s32 $0xD000, v9;
	v24 =	vadd.s32 $0xE000, v9;
	v5 =	vld [tilespmem:s10+$0xFFFFFFE0]  }
0x4c0: {  	v26 =	vadd.s32 $0xE000, v2;
	v32 =	vadd.s32 $0xC000, v2;
	v45 =	vadd.s32 $0xE800, v9;
	v18 =	vld.idx.msk [tilespmem:v18+s2+$0x0], $0xffff  }
0x4c1: {  	v39 =	vadd.s32 $0x9800, v2;
	v6 =	vimm.f32 $0.0e+00;
	v38 =	vld.idx.msk [tilespmem:v22+s2+$0x0], $0xffff;
	v35 =	vmul.f32 v8, v1  }
0x4c2: {  	v22 =	vimm.f32 $0.0e+00;
	v63 =	vld.idx.msk [tilespmem:v10+s2+$0x0], $0xffff;
	v31 =	vmul.f32 v11, v1;
	v10 =	vmul.f32 v7, v1  }
0x4c3: {  	v8 =	vadd.s32 $0xA800, v9;
	v11 =	vld.idx.msk [tilespmem:v13+s2+$0x0], $0xffff;
	v13 =	vmul.f32 v12, v1;
	v36 =	vmul.f32 v4, v1  }
0x4c4: {  	v34 =	vld.idx.msk [tilespmem:v19+s2+$0x0], $0xffff;
	v19 =	vimm.f32 $0.0e+00;
	v15 =	vmul.f32 v14, v1;
	v4 =	vmul.f32 v23, v5  }
0x4c5: {  	v7 =	vadd.s32 $0xF800, v9;
	v40 =	vmul.f32 v17, v1;
	v23 =	vmul.f32 v16, v1  }
0x4c6: {  	v43 =	vld.idx.msk [tilespmem:v25+s2+$0x0], $0xffff;
	v25 =	vimm.f32 $0.0e+00;
	v17 =	vmul.f32 v20, v1;
	v44 =	vmul.f32 v18, v5  }
0x4c7: {  	v37 =	vld.idx.msk [tilespmem:v21+s2+$0x0], $0xffff;
	v21 =	vimm.f32 $0.0e+00;
	v20 =	vmul.f32 v3, v1;
	v49 =	vmul.f32 v63, v5  }
0x4c8: {  	v16 =	vimm.f32 $0.0e+00;
	v3 =	vimm.f32 $0.0e+00;
	v12 =	vimm.f32 $0.0e+00;
	v41 =	vld.idx.msk [tilespmem:v8+s2+$0x0], $0xffff  }
0x4c9: {  	v46 =	vld.idx.msk [tilespmem:v62+s2+$0x0], $0xffff;
	v18 =	vimm.f32 $0.0e+00;
	v14 =	vimm.f32 $0.0e+00;
	v9 =	vimm.f32 $0.0e+00  }
0x4ca: {  	v29 =	vadd.f32 v4, v6;
	v4 =	vimm.f32 $0.0e+00;
	v48 =	vmul.f32 v11, v5;
	v42 =	vld.idx.msk [tilespmem:v7+s2+$0x0], $0xffff  }
0x4cb: {  	s11 =	simm.s32 $0x0;
	s13 =	simm.s32 $0x10D70;
	v47 =	vld.idx.msk [tilespmem:v61+s2+$0x0], $0xffff;
	v11 =	vimm.f32 $0.0e+00;
	v8 =	vimm.f32 $0.0e+00;
	v7 =	vimm.f32 $0.0e+00  }
.LBB2_21:
0x4cc: {  	s11 =	sadd.s32 $0x2, s11;
	v33 =	vld.idx.msk [tilespmem:v33+s2+$0x0], $0xffff;
	v37 =	vmul.f32 v37, v1;
	v34 =	vmul.f32 v34, v1;
	v50 =	vadd.s32 $0xE800, v2;
	s10 =	sadd.s32 $0x40, s10  }
0x4cd: {  	v41 =	vmul.f32 v41, v5;
	v2 =	vld [tilespmem:s13+$0x0];
	p0 =	slt.u32 s11, $0x12;
	v6 =	vadd.f32 v49, v6;
	v22 =	vadd.f32 v48, v22  }
0x4ce: {  	v19 =	vadd.f32 v44, v19;
	v29 =	vadd.f32 v40, v29;
	v43 =	vmul.f32 v43, v5;
	v44 =	vld.idx.msk [tilespmem:v45+s2+$0x0], $0xffff  }
0x4cf: {  	v16 =	vadd.f32 v41, v16;
	v40 =	vmul.f32 v42, v5;
	v30 =	vld.idx.msk [tilespmem:v30+s2+$0x0], $0xffff;
	v6 =	vadd.f32 v35, v6  }
0x4d0: {  	v38 =	vmul.f32 v38, v5;
	v19 =	vadd.f32 v36, v19;
	v35 =	vmul.f32 v46, v5;
	v27 =	vld.idx.msk [tilespmem:v27+s2+$0x0], $0xffff  }
0x4d1: {  	v36 =	vmul.f32 v47, v5;
	v4 =	vadd.f32 v40, v4;
	v16 =	vadd.f32 v31, v16;
	v28 =	vld.idx.msk [tilespmem:v28+s2+$0x0], $0xffff  }
0x4d2: {  	v22 =	vadd.f32 v34, v22;
	v31 =	vadd.s32 $0x8800, v2;
	v40 =	vadd.s32 $0xF000, v2;
	v24 =	vld.idx.msk [tilespmem:v24+s2+$0x0], $0xffff  }
0x4d3: {  	v34 =	vadd.s32 $0xA800, v2;
	v41 =	vadd.s32 $0xB000, v2;
	v42 =	vadd.s32 $0xD800, v2;
	v45 =	vld.idx.msk [tilespmem:v50+s2+$0x0], $0xffff  }
0x4d4: {  	v25 =	vadd.f32 v43, v25;
	v3 =	vadd.f32 v36, v3;
	v43 =	vmul.f32 v44, v5;
	v36 =	vld.idx.msk [tilespmem:v39+s2+$0x0], $0xffff  }
0x4d5: {  	v12 =	vadd.f32 v38, v12;
	v4 =	vadd.f32 v13, v4;
	v30 =	vmul.f32 v30, v5;
	v32 =	vld.idx.msk [tilespmem:v32+s2+$0x0], $0xffff  }
0x4d6: {  	v13 =	vadd.s32 $0xF800, v2;
	v3 =	vadd.f32 v10, v3;
	v11 =	vadd.f32 v43, v11;
	v26 =	vld.idx.msk [tilespmem:v26+s2+$0x0], $0xffff  }
0x4d7: {  	v12 =	vadd.f32 v15, v12;
	v27 =	vmul.f32 v27, v5;
	v28 =	vmul.f32 v28, v5;
	v10 =	vld.idx.msk [tilespmem:v40+s2+$0x0], $0xffff  }
0x4d8: {  	v18 =	vadd.f32 v35, v18;
	v15 =	vadd.f32 v30, v21;
	v24 =	vmul.f32 v24, v5;
	v39 =	vld.idx.msk [tilespmem:v41+s2+$0x0], $0xffff  }
0x4d9: {  	v21 =	vadd.s32 $0xC800, v2;
	v14 =	vadd.f32 v27, v14;
	v5 =	vmul.f32 v33, v5;
	v40 =	vld.idx.msk [tilespmem:v31+s2+$0x0], $0xffff  }
0x4da: {  	v27 =	vadd.s32 $0x9000, v2;
	v8 =	vadd.f32 v28, v8;
	v28 =	vmul.f32 v36, v1;
	v31 =	vld.idx.msk [tilespmem:v34+s2+$0x0], $0xffff  }
0x4db: {  	v30 =	vadd.s32 $0xB800, v2;
	v14 =	vadd.f32 v23, v14;
	v23 =	vmul.f32 v45, v1;
	v13 =	vld.idx.msk [tilespmem:v13+s2+$0x0], $0xffff  }
0x4dc: {  	v33 =	vadd.s32 $0xA000, v2;
	v8 =	vadd.f32 v17, v8;
	v17 =	vmul.f32 v26, v1;
	v44 =	vld [tilespmem:s13+$0xFFFFFFE0]  }
0x4dd: {  	v26 =	vadd.s32 $0x8000, v2;
	v1 =	vmul.f32 v32, v1;
	v11 =	vadd.f32 v23, v11;
	v42 =	vld.idx.msk [tilespmem:v42+s2+$0x0], $0xffff  }
0x4de: {  	v5 =	vadd.f32 v5, v9;
	v23 =	vadd.s32 $0xD000, v2;
	v34 =	vld.idx.msk [tilespmem:v21+s2+$0x0], $0xffff;
	v21 =	vadd.f32 v28, v15  }
0x4df: {  	v18 =	vadd.f32 v37, v18;
	v7 =	vadd.f32 v24, v7;
	v15 =	vld.idx.msk [tilespmem:v27+s2+$0x0], $0xffff  }
0x4e0: {  	v25 =	vadd.f32 v20, v25;
	v9 =	vadd.f32 v1, v5;
	v37 =	vld.idx.msk [tilespmem:v30+s2+$0x0], $0xffff  }
0x4e1: {  	v7 =	vadd.f32 v17, v7;
	v20 =	vadd.s32 $0x8000, v44;
	v32 =	vadd.s32 $0x8800, v44;
	v46 =	vld.idx.msk [tilespmem:v33+s2+$0x0], $0xffff  }
0x4e2: {  	v17 =	vadd.s32 $0x9000, v44;
	v30 =	vadd.s32 $0x9800, v44;
	v47 =	vadd.s32 $0xF000, v44;
	v45 =	vld.idx.msk [tilespmem:v26+s2+$0x0], $0xffff  }
0x4e3: {  	v27 =	vadd.s32 $0xA000, v44;
	v43 =	vadd.s32 $0xB000, v44;
	v26 =	vadd.s32 $0xD800, v44;
	v48 =	vld.idx.msk [tilespmem:v23+s2+$0x0], $0xffff  }
0x4e4: {  	v49 =	vadd.s32 $0xB800, v44;
	v33 =	vadd.s32 $0xC000, v44;
	v23 =	vadd.s32 $0xC800, v44;
	v1 =	vld [tilespmem:s10+$0x0]  }
0x4e5: {  	v28 =	vadd.s32 $0xD000, v44;
	v24 =	vadd.s32 $0xE000, v44;
	v5 =	vld [tilespmem:s10+$0xFFFFFFE0]  }
0x4e6: {  	v36 =	vadd.s32 $0xA800, v44;
	v20 =	vld.idx.msk [tilespmem:v20+s2+$0x0], $0xffff  }
0x4e7: {  	v50 =	vld.idx.msk [tilespmem:v17+s2+$0x0], $0xffff  }
0x4e8: {  	v17 =	vadd.s32 $0xF800, v44;
	v51 =	vld.idx.msk [tilespmem:v32+s2+$0x0], $0xffff  }
0x4e9: {  	v52 =	vld.idx.msk [tilespmem:v23+s2+$0x0], $0xffff;
	v35 =	vmul.f32 v15, v1;
	v31 =	vmul.f32 v31, v1  }
0x4ea: {  	v10 =	vmul.f32 v10, v1;
	v13 =	vmul.f32 v13, v1;
	v38 =	vld.idx.msk [tilespmem:v26+s2+$0x0], $0xffff  }
.Ltmp9:
0x4eb: {  	v15 =	vmul.f32 v42, v1;
	v26 =	vadd.s32 $0xE000, v2;
	v41 =	vld.idx.msk [tilespmem:v36+s2+$0x0], $0xffff;
	v36 =	vmul.f32 v40, v1;
	(pc) =	sbr.rel @p0 .LBB2_21-.Ltmp9, $4  }
0x4ec: {  	v32 =	vadd.s32 $0xC000, v2;
	v20 =	vmul.f32 v20, v5;
	v40 =	vmul.f32 v45, v1;
	v43 =	vld.idx.msk [tilespmem:v43+s2+$0x0], $0xffff  }
0x4ed: {  	v23 =	vmul.f32 v46, v1;
	v45 =	vadd.s32 $0xE800, v44;
	v42 =	vld.idx.msk [tilespmem:v17+s2+$0x0], $0xffff;
	v17 =	vmul.f32 v48, v1  }
0x4ee: {  	v29 =	vadd.f32 v20, v29;
	v44 =	vmul.f32 v51, v5;
	v20 =	vmul.f32 v39, v1;
	v46 =	vld.idx.msk [tilespmem:v49+s2+$0x0], $0xffff  }
0x4ef: {  	s13 =	sadd.s32 $0x40, s13;
	v39 =	vadd.s32 $0x9800, v2;
	v49 =	vmul.f32 v50, v5;
	v48 =	vmul.f32 v52, v5;
	v47 =	vld.idx.msk [tilespmem:v47+s2+$0x0], $0xffff  }
0x4f0: {  	_ =	sdelay $0x3  }
0x4f1: {  	v45 =	vld.idx.msk [tilespmem:v45+s2+$0x0], $0xffff  }
0x4f2: {  	v37 =	vmul.f32 v37, v1;
	v34 =	vmul.f32 v34, v1;
	v2 =	vadd.s32 $0xE800, v2;
	v30 =	vld.idx.msk [tilespmem:v30+s2+$0x0], $0xffff  }
0x4f3: {  	v41 =	vmul.f32 v41, v5;
	v27 =	vld.idx.msk [tilespmem:v27+s2+$0x0], $0xffff;
	v19 =	vadd.f32 v44, v19;
	v29 =	vadd.f32 v40, v29  }
0x4f4: {  	v39 =	vld.idx.msk [tilespmem:v39+s2+$0x0], $0xffff;
	v38 =	vmul.f32 v38, v5;
	v6 =	vadd.f32 v49, v6;
	v22 =	vadd.f32 v48, v22  }
0x4f5: {  	v28 =	vld.idx.msk [tilespmem:v28+s2+$0x0], $0xffff;
	v43 =	vmul.f32 v43, v5;
	v16 =	vadd.f32 v41, v16;
	v19 =	vadd.f32 v36, v19  }
0x4f6: {  	v33 =	vld.idx.msk [tilespmem:v33+s2+$0x0], $0xffff;
	v63 =	vmul.f32 v42, v5;
	v12 =	vadd.f32 v38, v12;
	v6 =	vadd.f32 v35, v6  }
0x4f7: {  	v44 =	vld.idx.msk [tilespmem:v32+s2+$0x0], $0xffff;
	v41 =	vmul.f32 v46, v5;
	v22 =	vadd.f32 v34, v22;
	v42 =	vmul.f32 v47, v5  }
0x4f8: {  	v24 =	vld.idx.msk [tilespmem:v24+s2+$0x0], $0xffff;
	v25 =	vadd.f32 v43, v25;
	v47 =	vmul.f32 v29, v0;
	v19 =	vmul.f32 v19, v0  }
0x4f9: {  	v26 =	vld.idx.msk [tilespmem:v26+s2+$0x0], $0xffff;
	v16 =	vadd.f32 v31, v16;
	v30 =	vmul.f32 v30, v5;
	v27 =	vmul.f32 v27, v5  }
0x4fa: {  	v57 =	vadd.f32 v15, v12;
	v45 =	vmul.f32 v45, v5;
	v46 =	vmul.f32 v39, v1  }
0x4fb: {  	v4 =	vadd.f32 v63, v4;
	v2 =	vld.idx.msk [tilespmem:v2+s2+$0x0], $0xffff;
	v28 =	vmul.f32 v28, v5;
	v48 =	vmul.f32 v33, v5  }
0x4fc: {  	v6 =	vmul.f32 v6, v0;
	v18 =	vadd.f32 v41, v18;
	v49 =	vmul.f32 v44, v1;
	[tilespmem:$0x11850] =	vst v47  }
0x4fd: {  	v20 =	vadd.f32 v20, v25;
	v53 =	vmul.f32 v24, v5;
	v59 =	vmul.f32 v22, v0;
	[tilespmem:$0x11870] =	vst v19  }
0x4fe: {  	v55 =	vmul.f32 v26, v1;
	v16 =	vmul.f32 v16, v0;
	v3 =	vadd.f32 v42, v3;
	[tilespmem:$0x11890] =	vst v6  }
0x4ff: {  	v61 =	vmul.f32 v57, v0;
	v4 =	vadd.f32 v13, v4;
	v21 =	vadd.f32 v30, v21;
	[tilespmem:$0x11970] =	vst v59  }
0x500: {  	v14 =	vadd.f32 v27, v14;
	v54 =	vmul.f32 v20, v0;
	[tilespmem:$0x118F0] =	vst v16;
	v3 =	vadd.f32 v10, v3  }
0x501: {  	v9 =	vadd.f32 v48, v9;
	[tilespmem:$0x119B0] =	vst v61;
	v63 =	vmul.f32 v4, v0;
	v21 =	vadd.f32 v46, v21  }
0x502: {  	v8 =	vadd.f32 v28, v8;
	v14 =	vadd.f32 v23, v14;
	[tilespmem:$0x11910] =	vst v54;
	v62 =	vmul.f32 v3, v0  }
0x503: {  	v52 =	vadd.f32 v37, v18;
	v11 =	vadd.f32 v45, v11;
	[tilespmem:$0x11A30] =	vst v63;
	v50 =	vmul.f32 v21, v0  }
0x504: {  	v5 =	vadd.f32 v53, v7;
	v9 =	vadd.f32 v49, v9;
	v51 =	vmul.f32 v14, v0;
	[tilespmem:$0x11A10] =	vst v62  }
0x505: {  	v8 =	vadd.f32 v17, v8;
	v58 =	vmul.f32 v2, v1;
	v14 =	vmul.f32 v52, v0;
	[tilespmem:$0x118B0] =	vst v50  }
0x506: {  	s0 =	sadd.s32 $0x1, s0;
	v5 =	vadd.f32 v55, v5;
	v56 =	vmul.f32 v9, v0;
	[tilespmem:$0x118D0] =	vst v51  }
0x507: {  	p0 =	sne.s32 s0, $0x76;
	v60 =	vmul.f32 v8, v0;
	v1 =	vadd.f32 v58, v11;
	[tilespmem:$0x11930] =	vst v14  }
.Ltmp10:
0x508: {  	v5 =	vmul.f32 v5, v0;
	[tilespmem:$0x11950] =	vst v56;
	(pc) =	sbr.rel @p0 .LBB2_2-.Ltmp10, $4  }
0x509: {  	s8 =	sadd.s32 s8, s17;
	[tilespmem:$0x11990] =	vst v60;
	v1 =	vmul.f32 v1, v0  }
0x50a: {  	s8 =	sshrl.u32 s8, $0x3;
	[tilespmem:$0x119D0] =	vst v5  }
0x50b: {  	s8 =	sadd.s32 s7, s8;
	[tilespmem:$0x119F0] =	vst v1  }
0x50c: {  	[hbm4b:s8+s15] =	stream.strided.scatter [tilespmem:s28], [sflag:$0x6], $0x400, s16, s15, $0x38;
	[tilespmem:$0x11A40] =	vst v63  }
0x50d: {  	s0 =	simm.s32 $0x5  }
0x50e: {  	_ =	swait.ge [sflag:s0], $0x400  }
0x50f: {  	[sflag:s0] =	ssyncset.done $0x0  }
0x510: {  	s1 =	simm.s32 $0x6;
	[sflag:s0] =	ssyncadd.s32 $0xFFFFFC00  }
0x511: {  	_ =	swait.ge [sflag:s1], $0x400  }
0x512: {  	s8 =	rddreg [dreg:$0x7]  }
0x513: {  	s31 =	rddreg [dreg:$0x6];
	s8 =	sadd.s32 $0x1, s8  }
0x514: {  	p0 =	sne.s32 s8, s31  }
.Ltmp11:
0x515: {  	_ = 	snop;
	(pc) =	sbr.rel @p0 .LBB2_1-.Ltmp11, $3  }
0x516: {  	_ =	sdelay $0x1  }
0x517: {  	[sflag:s1] =	ssyncset.done $0x0  }
0x518: {  	[sflag:s1] =	ssyncadd.s32 $0xFFFFFC00  }
0x519: {  	_ =	sfence.sel $0x180000  }
0x51a: {  	[bflag:$0x0] =	sbarrier.arrive $0xFFFF  }
0x51b: {  	_ =	strace $0x90000047  }
0x51c: {  	s0 =	stileid.u32;
	[bflag:$0x2] =	sbarrier.arrive $0xFFFF  }
0x51d: {  	p0 =	sne.s32 s0, $0x0;
	s0 =	rddreg [dreg:$0x2]  }
0x51e: {  	s0 =	sadd.s32 @!p0 $0x100000, s0  }
0x51f: {  	[sflag:s0] =	ssyncadd.tile.s32 @!p0 $0x1;
	_ =	shalt  }
.Lfunc_end2:
_tile_overlayer_lowered:
.L_overlay_start_2:
0x520: {  	(tag) =	ssettag $0x2  }
0x521: {  	s0 =	rddreg [dreg:$0x0];
	s2 =	stileid.u32  }
0x522: {  	s1 =	rddreg [dreg:$0x1];
	p0 =	sne.s32 s2, $0x0  }
0x523: {  	s3 =	rddreg [dreg:$0x2];
	[bflag:$0x3] =	sbarrier.arrive $0xFFFF;
	s2 =	simm.s32 @!p0 $0x1C07  }
0x524: {  	[timem:s3], [sflag:s2] =	dma.local @!p0 [hbm:s0], s1  }
0x525: {  	s0 =	simm.s32 @!p0 $0x7  }
0x526: {  	_ =	swait.ge @!p0 [sflag:s0], s1  }
0x527: {  	s1 =	ssub.s32 @!p0 $0x0, s1;
	[sflag:s0] =	ssyncset.done @!p0 $0x0  }
0x528: {  	[sflag:s0] =	ssyncadd.s32 @!p0 s1  }
0x529: {  	[bflag:$0x3] =	sbarrier.arrive $0xFFFF  }
0x52a: {  	_ =	shalt  }

</sc_bundles>
